<compile_context>
chip_gen: v7x
topology: tpu7x:2x2x1
jax: 0.10.2.dev20260603
libtpu: 0.0.44.dev20260713+nightly
codegen_flags: <defaults>
</compile_context>

<pallas_src>
import functools

import jax
import jax.numpy as jnp
from jax import lax
from jax.experimental import pallas as pl
from jax.experimental.pallas import tpu as pltpu
from jax.experimental.pallas import tpu_sc as plsc

N = 10000
D = 128
DE = 16
NC, NS = 2, 16
NW = NC * NS
CH = 128
NACC = 10240
NBLK = 1000
NP = 10112
DW = D // 2
EBLK = 2048

_SC_MESH = plsc.VectorSubcoreMesh(
    core_axis_name="c", subcore_axis_name="s", num_cores=NC, num_subcores=NS)


def _node_proj_body(h_ref, w1a_ref, w1b_ref, p_ref, q_ref):
  hb = h_ref[...]
  p_ref[...] = jnp.dot(hb, w1a_ref[...], preferred_element_type=jnp.float32)
  q_ref[...] = jnp.dot(hb, w1b_ref[...], preferred_element_type=jnp.float32)


def _node_proj(h_p, w1a, w1b):
  blk = 632
  return pl.pallas_call(
      _node_proj_body,
      grid=(NP // blk,),
      in_specs=[
          pl.BlockSpec((blk, D), lambda i: (i, 0)),
          pl.BlockSpec((D, D), lambda i: (0, 0)),
          pl.BlockSpec((D, D), lambda i: (0, 0)),
      ],
      out_specs=(
          pl.BlockSpec((blk, D), lambda i: (i, 0)),
          pl.BlockSpec((blk, D), lambda i: (i, 0)),
      ),
      out_shape=(
          jax.ShapeDtypeStruct((NP, D), jnp.float32),
          jax.ShapeDtypeStruct((NP, D), jnp.float32),
      ),
  )(h_p, w1a, w1b)


def _gather_body(p_hbm, q_hbm, ridx_hbm, cidx_hbm, out_hbm,
                 tspm, idx_b, buf0, buf1, buf2,
                 g0, g1, g2, w0, w1, w2, i0, i1, i2):
  nchunk = ridx_hbm.shape[1]
  ew = nchunk * CH
  cid = lax.axis_index("c")
  sid = lax.axis_index("s")
  base = sid * ew
  buf = (buf0, buf1, buf2)
  g = (g0, g1, g2)
  w = (w0, w1, w2)
  isem = (i0, i1, i2)
  nrows = p_hbm.shape[0]
  share = nrows // NS
  rbase = sid * share

  def pipeline(tab_hbm, ih, ci):
    pltpu.sync_copy(tab_hbm.at[pl.ds(rbase, share)],
                    tspm.at[pl.ds(rbase, share)])
    plsc.subcore_barrier()

    def start_idx(j, s):
      pltpu.async_copy(ih.at[sid, j], idx_b.at[s], isem[s])

    def wait_idx(j, s):
      pltpu.make_async_copy(ih.at[sid, j], idx_b.at[s], isem[s]).wait()

    def start_gather(s):
      pltpu.async_copy(tspm.at[idx_b.at[s]], buf[s], g[s])

    def wait_gather(s):
      pltpu.make_async_copy(tspm.at[idx_b.at[s]], buf[s], g[s]).wait()

    def start_wb(j, s):
      pltpu.async_copy(buf[s], out_hbm.at[ci, pl.ds(base + j * CH, CH)], w[s])

    def wait_wb(j, s):
      pltpu.make_async_copy(buf[s], out_hbm.at[ci, pl.ds(base + j * CH, CH)],
                            w[s]).wait()

    def full_body(j, s, s1, s2):
      wait_gather(s)
      start_wb(j, s)
      wait_idx(j + 1, s1)
      wait_wb(j - 2, s1)
      start_gather(s1)
      start_idx(j + 2, s2)

    start_idx(0, 0)
    start_idx(1, 1)
    wait_idx(0, 0)
    start_gather(0)
    wait_gather(0)
    start_wb(0, 0)
    wait_idx(1, 1)
    start_gather(1)
    start_idx(2, 2)
    wait_gather(1)
    start_wb(1, 1)
    wait_idx(2, 2)
    start_gather(2)
    start_idx(3, 0)

    ngroup = (nchunk - 4) // 3

    def steady(gr, carry):
      for b in range(3):
        j = 2 + gr * 3 + b
        full_body(j, (2 + b) % 3, (3 + b) % 3, (4 + b) % 3)
      return carry

    lax.fori_loop(0, ngroup, steady, 0)

    for j in range(2 + 3 * ngroup, nchunk - 2):
      full_body(j, j % 3, (j + 1) % 3, (j + 2) % 3)
    j = nchunk - 2
    s = j % 3
    wait_gather(s)
    start_wb(j, s)
    wait_idx(j + 1, (j + 1) % 3)
    wait_wb(j - 2, (j + 1) % 3)
    start_gather((j + 1) % 3)
    j = nchunk - 1
    s = j % 3
    wait_gather(s)
    start_wb(j, s)
    for jd in range(nchunk - 3, nchunk):
      wait_wb(jd, jd % 3)

  @pl.when(cid == 0)
  def _():
    pipeline(p_hbm, ridx_hbm, 0)

  @pl.when(cid == 1)
  def _():
    pipeline(q_hbm, cidx_hbm, 1)


def _gather_pq(p, q, ridx3, cidx3, e_pad):
  nchunk = ridx3.shape[1]
  nrows = p.shape[0]
  return pl.kernel(
      _gather_body,
      out_type=jax.ShapeDtypeStruct((2, e_pad, D), jnp.float32),
      mesh=_SC_MESH,
      scratch_types=(
          [pltpu.VMEM_SHARED((nrows, D), jnp.float32),
           pltpu.VMEM((3, CH), jnp.int32)]
          + [pltpu.VMEM((CH, D), jnp.float32)] * 3
          + [pltpu.SemaphoreType.DMA] * 9
      ),
  )(p, q, ridx3, cidx3)


def _edge_mlp_body(x0_ref, x1_ref, ea_ref, w1c_ref, b1_ref, w2_ref, b2_ref,
                   m_ref):
  t = (x0_ref[0] + x1_ref[0]
       + jnp.dot(ea_ref[...], w1c_ref[...], preferred_element_type=jnp.float32)
       + b1_ref[...])
  t = jnp.maximum(t, 0.0).astype(jnp.bfloat16)
  t = jnp.dot(t, w2_ref[...], preferred_element_type=jnp.float32) + b2_ref[...]
  m_ref[...] = jnp.maximum(t, 0.0)


def _edge_mlp(pq, ea, w1c, b1r, w2, b2r, e_pad):
  return pl.pallas_call(
      _edge_mlp_body,
      grid=(e_pad // EBLK,),
      in_specs=[
          pl.BlockSpec((1, EBLK, D), lambda i: (0, i, 0)),
          pl.BlockSpec((1, EBLK, D), lambda i: (1, i, 0)),
          pl.BlockSpec((EBLK, DE), lambda i: (i, 0)),
          pl.BlockSpec((DE, D), lambda i: (0, 0)),
          pl.BlockSpec((1, D), lambda i: (0, 0)),
          pl.BlockSpec((D, D), lambda i: (0, 0)),
          pl.BlockSpec((1, D), lambda i: (0, 0)),
      ],
      out_specs=pl.BlockSpec((EBLK, D), lambda i: (i, 0)),
      out_shape=jax.ShapeDtypeStruct((e_pad, D), jnp.float32),
  )(pq, pq, ea, w1c, b1r, w2, b2r)


def _scatter_body(m_hbm, sidx_hbm, part_hbm, sidx_v,
                  bm0, bm1, acc, lm0, lm1, ss0, ss1):
  nchunk = sidx_v.shape[0]
  ew = nchunk * CH
  cid = lax.axis_index("c")
  sid = lax.axis_index("s")
  wid = sid * NC + cid
  base = wid * ew
  rows_per_tile = NACC // NS
  bufm = (bm0, bm1)
  lm = (lm0, lm1)
  ss = (ss0, ss1)

  def zrow(i, c2):
    for k in range(D // 16):
      bm0[i, pl.ds(k * 16, 16)] = jnp.zeros((16,), jnp.float32)
    return c2

  lax.fori_loop(0, CH, zrow, 0)
  for t in range(rows_per_tile // CH):
    pltpu.sync_copy(bm0, acc.at[pl.ds(sid * rows_per_tile + t * CH, CH)])
  plsc.subcore_barrier()

  pltpu.sync_copy(sidx_hbm.at[wid], sidx_v)

  def start_load(j, s):
    pltpu.async_copy(m_hbm.at[pl.ds(base + j * CH, CH)], bufm[s], lm[s])

  def wait_load(j, s):
    pltpu.make_async_copy(m_hbm.at[pl.ds(base + j * CH, CH)], bufm[s],
                          lm[s]).wait()

  def start_scatter(j, s):
    pltpu.async_copy(bufm[s], acc.at[sidx_v.at[j]], ss[s], add=True)

  def wait_scatter(j, s):
    pltpu.make_async_copy(bufm[s], acc.at[sidx_v.at[j]], ss[s]).wait()

  start_load(0, 0)
  wait_load(0, 0)
  start_load(1, 1)
  start_scatter(0, 0)

  def steady(g, carry):
    for b in range(2):
      j = 1 + g * 2 + b
      s = (1 + b) % 2
      wait_load(j, s)
      wait_scatter(j - 1, 1 - s)
      start_load(j + 1, 1 - s)
      start_scatter(j, s)
    return carry

  lax.fori_loop(0, (nchunk - 2) // 2, steady, 0)

  jl = nchunk - 1
  wait_load(jl, jl % 2)
  start_scatter(jl, jl % 2)
  wait_scatter(jl - 1, (jl - 1) % 2)
  wait_scatter(jl, jl % 2)

  plsc.subcore_barrier()
  pltpu.sync_copy(acc.at[pl.ds(sid * rows_per_tile, rows_per_tile)],
                  part_hbm.at[cid, pl.ds(sid * rows_per_tile, rows_per_tile)])


def _segment_sum(m, sidx3):
  nchunk = sidx3.shape[1]
  return pl.kernel(
      _scatter_body,
      out_type=jax.ShapeDtypeStruct((NC, NACC, D), jnp.float32),
      mesh=_SC_MESH,
      scratch_types=(
          [pltpu.VMEM((nchunk, CH), jnp.int32)]
          + [pltpu.VMEM((CH, D), jnp.float32)] * 2
          + [pltpu.VMEM_SHARED((NACC, D), jnp.float32)]
          + [pltpu.SemaphoreType.DMA] * 4
      ),
  )(m, sidx3)


def _node_update_body(h_ref, *rest):
  m_refs = rest[:-5]
  w3_ref, b3_ref, w4_ref, b4_ref, o_ref = rest[-5:]
  hb = h_ref[...]
  m = m_refs[0][0]
  for mr in m_refs[1:]:
    m = m + mr[0]
  agg = jnp.concatenate([hb, m], axis=1)
  t = jnp.maximum(
      jnp.dot(agg, w3_ref[...], preferred_element_type=jnp.float32)
      + b3_ref[...], 0.0)
  o_ref[...] = (hb
                + jnp.dot(t, w4_ref[...], preferred_element_type=jnp.float32)
                + b4_ref[...])


def _node_update(h, partials_list, w3, b3r, w4, b4r):
  m_args = []
  m_specs = []
  for pa in partials_list:
    for cplane in range(NC):
      m_args.append(pa)
      m_specs.append(
          pl.BlockSpec((1, NBLK, D), lambda i, _c=cplane: (_c, i, 0)))
  return pl.pallas_call(
      _node_update_body,
      grid=(N // NBLK,),
      in_specs=([pl.BlockSpec((NBLK, D), lambda i: (i, 0))]
                + m_specs
                + [
                    pl.BlockSpec((2 * D, D), lambda i: (0, 0)),
                    pl.BlockSpec((1, D), lambda i: (0, 0)),
                    pl.BlockSpec((D, D), lambda i: (0, 0)),
                    pl.BlockSpec((1, D), lambda i: (0, 0)),
                ]),
      out_specs=pl.BlockSpec((NBLK, D), lambda i: (i, 0)),
      out_shape=jax.ShapeDtypeStruct((N, D), jnp.float32),
  )(h, *m_args, w3, b3r, w4, b4r)


NSLICE = 2


def kernel(h, edge_index, edge_attr, W1, b1, W2, b2, W3, b3, W4, b4):
  e = edge_attr.shape[0]
  align = NW * CH * NSLICE
  e_pad = -(-e // align) * align
  es = e_pad // NSLICE
  assert es % (NS * CH) == 0 and es % (NW * CH) == 0
  nch_g = es // (NS * CH)
  nch_s = es // (NW * CH)
  assert nch_g % 2 == 0 and nch_g >= 4 and nch_s % 2 == 0 and nch_s >= 2
  pad = e_pad - e

  r = edge_index[0].astype(jnp.int32)
  c = edge_index[1].astype(jnp.int32)
  r_pad = jnp.pad(r, (0, pad))
  c_pad = jnp.pad(c, (0, pad))
  s_pad = jnp.pad(r, (0, pad), constant_values=N)
  ea_pad = jnp.pad(edge_attr, ((0, pad), (0, 0)))

  w1a = W1[:D]
  w1b = W1[D:2 * D]
  w1c = W1[2 * D:]
  w2b = W2.astype(jnp.bfloat16)
  b1r = b1.reshape(1, D)
  b2r = b2.reshape(1, D)
  b3r = b3.reshape(1, D)
  b4r = b4.reshape(1, D)

  h_p = jnp.pad(h, ((0, NP - N), (0, 0)))
  p, q = _node_proj(h_p, w1a, w1b)

  partials_list = []
  for k in range(NSLICE):
    sl = slice(k * es, (k + 1) * es)
    ridx3 = r_pad[sl].reshape(NS, nch_g, CH)
    cidx3 = c_pad[sl].reshape(NS, nch_g, CH)
    sidx3 = s_pad[sl].reshape(NW, nch_s, CH)
    pq = _gather_pq(p, q, ridx3, cidx3, es)
    m = _edge_mlp(pq, ea_pad[sl], w1c, b1r, w2b, b2r, es)
    partials_list.append(_segment_sum(m, sidx3))
  return _node_update(h, partials_list, W3, b3r, W4, b4r)

# --- scband reference (transcript-rebuilt; emitter-appended) ---
"""Pipeline reference for scband-gcl-68195490726191 (READ-ONLY COPY).

The authoritative reference and input builder live on the scoring server;
editing this copy changes nothing except your own understanding.
"""

import jax, jax.numpy as jnp
import numpy as np

N_NODES = 10000
N_EDGES = 320000
D_FEAT = 128
D_EDGE = 16
HIDDEN = 128
OUT = 128


def setup_inputs(seed: int = 0) -> dict:
    key = jax.random.key(seed)
    ks = jax.random.split(key, 12)
    h = jax.random.normal(ks[0], (N_NODES, D_FEAT), dtype=jnp.float32)
    edge_index = jax.random.randint(ks[1], (2, N_EDGES), 0, N_NODES, dtype=jnp.int64)
    edge_attr = jax.random.normal(ks[2], (N_EDGES, D_EDGE), dtype=jnp.float32)
    edge_in_dim = 2 * D_FEAT + D_EDGE
    node_in_dim = D_FEAT + OUT
    W1 = jax.random.normal(ks[3], (edge_in_dim, HIDDEN), dtype=jnp.float32) / np.sqrt(edge_in_dim)
    b1 = jnp.zeros((HIDDEN,), dtype=jnp.float32)
    W2 = jax.random.normal(ks[4], (HIDDEN, OUT), dtype=jnp.float32) / np.sqrt(HIDDEN)
    b2 = jnp.zeros((OUT,), dtype=jnp.float32)
    W3 = jax.random.normal(ks[5], (node_in_dim, HIDDEN), dtype=jnp.float32) / np.sqrt(node_in_dim)
    b3 = jnp.zeros((HIDDEN,), dtype=jnp.float32)
    W4 = jax.random.normal(ks[6], (HIDDEN, OUT), dtype=jnp.float32) / np.sqrt(HIDDEN)
    b4 = jnp.zeros((OUT,), dtype=jnp.float32)
    return {"h": h, "edge_index": edge_index, "edge_attr": edge_attr,
            "W1": W1, "b1": b1, "W2": W2, "b2": b2,
            "W3": W3, "b3": b3, "W4": W4, "b4": b4}


def reference(h, edge_index, edge_attr, W1, b1, W2, b2, W3, b3, W4, b4):
    r = edge_index[0]
    c = edge_index[1]
    # edge_op: concat(h[r], h[c], edge_attr) -> Linear -> relu -> Linear -> relu
    edge_input = jnp.concatenate([h[r], h[c], edge_attr], axis=1)
    m_ij = jax.nn.relu(edge_input @ W1 + b1)
    m_ij = jax.nn.relu(m_ij @ W2 + b2)
    # aggregate messages per source node r
    m_i = jax.ops.segment_sum(m_ij, r, num_segments=h.shape[0])
    # node_op: concat(h, m_i) -> Linear -> relu -> Linear
    agg = jnp.concatenate([h, m_i], axis=1)
    upd = jax.nn.relu(agg @ W3 + b3) @ W4 + b4
    h_out = h + upd
    return h_out

if __name__ == "__main__":
    import jax
    _d = setup_inputs()
    print(jax.jit(kernel)(*tuple(_d.values())))

</pallas_src>

<mosaic_0001>
#map = affine_map<(d0, d1) -> (0, 0)>
#map1 = affine_map<(d0, d1) -> (0, 0, 0)>
module attributes {stable_mosaic.version = 14 : i64} {
  func.func @_scatter_body(%arg0: i32, %arg1: i32, %arg2: memref<163840x128xf32, #tpu.memory_space<hbm>>, %arg3: memref<32x40x128xi32, #tpu.memory_space<hbm>>, %arg4: memref<2x10240x128xf32, #tpu.memory_space<hbm>>, %arg5: memref<40x128xi32, #tpu.memory_space<vmem>>, %arg6: memref<128x128xf32, #tpu.memory_space<vmem>>, %arg7: memref<128x128xf32, #tpu.memory_space<vmem>>, %arg8: memref<10240x128xf32, #tpu.memory_space<vmem_shared>>, %arg9: memref<!tpu.dma_semaphore, #tpu.memory_space<semaphore_mem>>, %arg10: memref<!tpu.dma_semaphore, #tpu.memory_space<semaphore_mem>>, %arg11: memref<!tpu.dma_semaphore, #tpu.memory_space<semaphore_mem>>, %arg12: memref<!tpu.dma_semaphore, #tpu.memory_space<semaphore_mem>>) attributes {dimension_semantics = [#tpu.dimension_semantics<core_parallel>, #tpu.dimension_semantics<subcore_parallel>], iteration_bounds = array<i64: 2, 16>, scalar_prefetch = 0 : i64, scratch_operands = 8 : i64, tpu.core_type = #tpu.core_type<sc_vector_subcore>, window_params = [{transform_indices = #map}, {transform_indices = #map1}, {transform_indices = #map1}]} {
    %mul3A = arith.constant 2 : i32
    %mul3A_0 = arith.muli %arg1, %mul3A : i32
    %add3A = arith.addi %mul3A_0, %arg0 : i32
    %mul3A_1 = arith.constant 5120 : i32
    %mul3A_2 = arith.muli %add3A, %mul3A_1 : i32
    %scan3A = arith.constant 0 : i32
    %scan3A_3 = arith.constant 0 : i32
    %scan3A_4 = arith.constant 128 : i32
    %scan3A_5 = arith.addi %scan3A_3, %scan3A_4 : i32
    %scan3A_6 = arith.constant 1 : i32
    scf.for %scan3A_89 = %scan3A_3 to %scan3A_5 step %scan3A_6  : i32 {
      %broadcast_in_dim3A = arith.constant 0.000000e+00 : f32
      %broadcast_in_dim3A_90 = vector.broadcast %broadcast_in_dim3A : f32 to vector<16xf32>
      %swap3A = arith.index_cast %scan3A_89 : i32 to index
      %swap3A_91 = arith.constant 0 : index
      %swap3A_92 = tpu.vector_load %arg6[%swap3A, %swap3A_91] {strides = array<i32>} : memref<128x128xf32, #tpu.memory_space<vmem>>, vector<1x16xf32>,
      %swap3A_93 = vector.shape_cast %swap3A_92 : vector<1x16xf32> to vector<16xf32>
      %swap3A_94 = vector.shape_cast %broadcast_in_dim3A_90 : vector<16xf32> to vector<1x16xf32>
      tpu.vector_store %arg6[%swap3A, %swap3A_91], %swap3A_94 {strides = array<i32>} : memref<128x128xf32, #tpu.memory_space<vmem>>, vector<1x16xf32>,
      %broadcast_in_dim3A_95 = arith.constant 0.000000e+00 : f32
      %broadcast_in_dim3A_96 = vector.broadcast %broadcast_in_dim3A_95 : f32 to vector<16xf32>
      %swap3A_97 = arith.index_cast %scan3A_89 : i32 to index
      %swap3A_98 = arith.constant 16 : index
      %swap3A_99 = tpu.vector_load %arg6[%swap3A_97, %swap3A_98] {strides = array<i32>} : memref<128x128xf32, #tpu.memory_space<vmem>>, vector<1x16xf32>,
      %swap3A_100 = vector.shape_cast %swap3A_99 : vector<1x16xf32> to vector<16xf32>
      %swap3A_101 = vector.shape_cast %broadcast_in_dim3A_96 : vector<16xf32> to vector<1x16xf32>
      tpu.vector_store %arg6[%swap3A_97, %swap3A_98], %swap3A_101 {strides = array<i32>} : memref<128x128xf32, #tpu.memory_space<vmem>>, vector<1x16xf32>,
      %broadcast_in_dim3A_102 = arith.constant 0.000000e+00 : f32
      %broadcast_in_dim3A_103 = vector.broadcast %broadcast_in_dim3A_102 : f32 to vector<16xf32>
      %swap3A_104 = arith.index_cast %scan3A_89 : i32 to index
      %swap3A_105 = arith.constant 32 : index
      %swap3A_106 = tpu.vector_load %arg6[%swap3A_104, %swap3A_105] {strides = array<i32>} : memref<128x128xf32, #tpu.memory_space<vmem>>, vector<1x16xf32>,
      %swap3A_107 = vector.shape_cast %swap3A_106 : vector<1x16xf32> to vector<16xf32>
      %swap3A_108 = vector.shape_cast %broadcast_in_dim3A_103 : vector<16xf32> to vector<1x16xf32>
      tpu.vector_store %arg6[%swap3A_104, %swap3A_105], %swap3A_108 {strides = array<i32>} : memref<128x128xf32, #tpu.memory_space<vmem>>, vector<1x16xf32>,
      %broadcast_in_dim3A_109 = arith.constant 0.000000e+00 : f32
      %broadcast_in_dim3A_110 = vector.broadcast %broadcast_in_dim3A_109 : f32 to vector<16xf32>
      %swap3A_111 = arith.index_cast %scan3A_89 : i32 to index
      %swap3A_112 = arith.constant 48 : index
      %swap3A_113 = tpu.vector_load %arg6[%swap3A_111, %swap3A_112] {strides = array<i32>} : memref<128x128xf32, #tpu.memory_space<vmem>>, vector<1x16xf32>,
      %swap3A_114 = vector.shape_cast %swap3A_113 : vector<1x16xf32> to vector<16xf32>
      %swap3A_115 = vector.shape_cast %broadcast_in_dim3A_110 : vector<16xf32> to vector<1x16xf32>
      tpu.vector_store %arg6[%swap3A_111, %swap3A_112], %swap3A_115 {strides = array<i32>} : memref<128x128xf32, #tpu.memory_space<vmem>>, vector<1x16xf32>,
      %broadcast_in_dim3A_116 = arith.constant 0.000000e+00 : f32
      %broadcast_in_dim3A_117 = vector.broadcast %broadcast_in_dim3A_116 : f32 to vector<16xf32>
      %swap3A_118 = arith.index_cast %scan3A_89 : i32 to index
      %swap3A_119 = arith.constant 64 : index
      %swap3A_120 = tpu.vector_load %arg6[%swap3A_118, %swap3A_119] {strides = array<i32>} : memref<128x128xf32, #tpu.memory_space<vmem>>, vector<1x16xf32>,
      %swap3A_121 = vector.shape_cast %swap3A_120 : vector<1x16xf32> to vector<16xf32>
      %swap3A_122 = vector.shape_cast %broadcast_in_dim3A_117 : vector<16xf32> to vector<1x16xf32>
      tpu.vector_store %arg6[%swap3A_118, %swap3A_119], %swap3A_122 {strides = array<i32>} : memref<128x128xf32, #tpu.memory_space<vmem>>, vector<1x16xf32>,
      %broadcast_in_dim3A_123 = arith.constant 0.000000e+00 : f32
      %broadcast_in_dim3A_124 = vector.broadcast %broadcast_in_dim3A_123 : f32 to vector<16xf32>
      %swap3A_125 = arith.index_cast %scan3A_89 : i32 to index
      %swap3A_126 = arith.constant 80 : index
      %swap3A_127 = tpu.vector_load %arg6[%swap3A_125, %swap3A_126] {strides = array<i32>} : memref<128x128xf32, #tpu.memory_space<vmem>>, vector<1x16xf32>,
      %swap3A_128 = vector.shape_cast %swap3A_127 : vector<1x16xf32> to vector<16xf32>
      %swap3A_129 = vector.shape_cast %broadcast_in_dim3A_124 : vector<16xf32> to vector<1x16xf32>
      tpu.vector_store %arg6[%swap3A_125, %swap3A_126], %swap3A_129 {strides = array<i32>} : memref<128x128xf32, #tpu.memory_space<vmem>>, vector<1x16xf32>,
      %broadcast_in_dim3A_130 = arith.constant 0.000000e+00 : f32
      %broadcast_in_dim3A_131 = vector.broadcast %broadcast_in_dim3A_130 : f32 to vector<16xf32>
      %swap3A_132 = arith.index_cast %scan3A_89 : i32 to index
      %swap3A_133 = arith.constant 96 : index
      %swap3A_134 = tpu.vector_load %arg6[%swap3A_132, %swap3A_133] {strides = array<i32>} : memref<128x128xf32, #tpu.memory_space<vmem>>, vector<1x16xf32>,
      %swap3A_135 = vector.shape_cast %swap3A_134 : vector<1x16xf32> to vector<16xf32>
      %swap3A_136 = vector.shape_cast %broadcast_in_dim3A_131 : vector<16xf32> to vector<1x16xf32>
      tpu.vector_store %arg6[%swap3A_132, %swap3A_133], %swap3A_136 {strides = array<i32>} : memref<128x128xf32, #tpu.memory_space<vmem>>, vector<1x16xf32>,
      %broadcast_in_dim3A_137 = arith.constant 0.000000e+00 : f32
      %broadcast_in_dim3A_138 = vector.broadcast %broadcast_in_dim3A_137 : f32 to vector<16xf32>
      %swap3A_139 = arith.index_cast %scan3A_89 : i32 to index
      %swap3A_140 = arith.constant 112 : index
      %swap3A_141 = tpu.vector_load %arg6[%swap3A_139, %swap3A_140] {strides = array<i32>} : memref<128x128xf32, #tpu.memory_space<vmem>>, vector<1x16xf32>,
      %swap3A_142 = vector.shape_cast %swap3A_141 : vector<1x16xf32> to vector<16xf32>
      %swap3A_143 = vector.shape_cast %broadcast_in_dim3A_138 : vector<16xf32> to vector<1x16xf32>
      tpu.vector_store %arg6[%swap3A_139, %swap3A_140], %swap3A_143 {strides = array<i32>} : memref<128x128xf32, #tpu.memory_space<vmem>>, vector<1x16xf32>,
    }
    %scan3A_7 = arith.constant 128 : i32
    %mul3A_8 = arith.constant 640 : i32
    %mul3A_9 = arith.muli %arg1, %mul3A_8 : i32
    %add3A_10 = arith.constant 0 : i32
    %add3A_11 = arith.addi %mul3A_9, %add3A_10 : i32
    "tpu.region"() ({
      %run_scoped3A = tpu.sem_alloc : memref<!tpu.dma_semaphore, #tpu.memory_space<semaphore_mem>>
      %dma_start3A_89 = arith.constant 0 : i32
      %dma_start3A_90 = tpu.memref_slice %arg8[%add3A_11, %dma_start3A_89] : memref<10240x128xf32, #tpu.memory_space<vmem_shared>> -> memref<128x128xf32, #tpu.memory_space<vmem_shared>>
      %dma_start3A_91 = arith.constant 0 : i32
      %dma_start3A_92 = tpu.memref_slice %arg8[%add3A_11, %dma_start3A_91] : memref<10240x128xf32, #tpu.memory_space<vmem_shared>> -> memref<128x128xf32, #tpu.memory_space<vmem_shared>>
      tpu.enqueue_dma source(%arg6 : memref<128x128xf32, #tpu.memory_space<vmem>>) target(%dma_start3A_92 : memref<128x128xf32, #tpu.memory_space<vmem_shared>>) target_semaphore(%run_scoped3A : memref<!tpu.dma_semaphore, #tpu.memory_space<semaphore_mem>>)
      %dma_wait3A_93 = arith.constant 0 : i32
      %dma_wait3A_94 = tpu.memref_slice %arg8[%add3A_11, %dma_wait3A_93] : memref<10240x128xf32, #tpu.memory_space<vmem_shared>> -> memref<128x128xf32, #tpu.memory_space<vmem_shared>>
      %dma_wait3A_95 = arith.constant 0 : i32
      %dma_wait3A_96 = tpu.memref_slice %arg8[%add3A_11, %dma_wait3A_95] : memref<10240x128xf32, #tpu.memory_space<vmem_shared>> -> memref<128x128xf32, #tpu.memory_space<vmem_shared>>
      tpu.wait_dma2 semaphore(%run_scoped3A : memref<!tpu.dma_semaphore, #tpu.memory_space<semaphore_mem>>) src(%arg6 : memref<128x128xf32, #tpu.memory_space<vmem>>) dst(%dma_wait3A_96 : memref<128x128xf32, #tpu.memory_space<vmem_shared>>)
      tpu.yield
    }) : () -> ()
    %mul3A_12 = arith.constant 640 : i32
    %mul3A_13 = arith.muli %arg1, %mul3A_12 : i32
    %add3A_14 = arith.constant 128 : i32
    %add3A_15 = arith.addi %mul3A_13, %add3A_14 : i32
    "tpu.region"() ({
      %run_scoped3A = tpu.sem_alloc : memref<!tpu.dma_semaphore, #tpu.memory_space<semaphore_mem>>
      %dma_start3A_89 = arith.constant 0 : i32
      %dma_start3A_90 = tpu.memref_slice %arg8[%add3A_15, %dma_start3A_89] : memref<10240x128xf32, #tpu.memory_space<vmem_shared>> -> memref<128x128xf32, #tpu.memory_space<vmem_shared>>
      %dma_start3A_91 = arith.constant 0 : i32
      %dma_start3A_92 = tpu.memref_slice %arg8[%add3A_15, %dma_start3A_91] : memref<10240x128xf32, #tpu.memory_space<vmem_shared>> -> memref<128x128xf32, #tpu.memory_space<vmem_shared>>
      tpu.enqueue_dma source(%arg6 : memref<128x128xf32, #tpu.memory_space<vmem>>) target(%dma_start3A_92 : memref<128x128xf32, #tpu.memory_space<vmem_shared>>) target_semaphore(%run_scoped3A : memref<!tpu.dma_semaphore, #tpu.memory_space<semaphore_mem>>)
      %dma_wait3A_93 = arith.constant 0 : i32
      %dma_wait3A_94 = tpu.memref_slice %arg8[%add3A_15, %dma_wait3A_93] : memref<10240x128xf32, #tpu.memory_space<vmem_shared>> -> memref<128x128xf32, #tpu.memory_space<vmem_shared>>
      %dma_wait3A_95 = arith.constant 0 : i32
      %dma_wait3A_96 = tpu.memref_slice %arg8[%add3A_15, %dma_wait3A_95] : memref<10240x128xf32, #tpu.memory_space<vmem_shared>> -> memref<128x128xf32, #tpu.memory_space<vmem_shared>>
      tpu.wait_dma2 semaphore(%run_scoped3A : memref<!tpu.dma_semaphore, #tpu.memory_space<semaphore_mem>>) src(%arg6 : memref<128x128xf32, #tpu.memory_space<vmem>>) dst(%dma_wait3A_96 : memref<128x128xf32, #tpu.memory_space<vmem_shared>>)
      tpu.yield
    }) : () -> ()
    %mul3A_16 = arith.constant 640 : i32
    %mul3A_17 = arith.muli %arg1, %mul3A_16 : i32
    %add3A_18 = arith.constant 256 : i32
    %add3A_19 = arith.addi %mul3A_17, %add3A_18 : i32
    "tpu.region"() ({
      %run_scoped3A = tpu.sem_alloc : memref<!tpu.dma_semaphore, #tpu.memory_space<semaphore_mem>>
      %dma_start3A_89 = arith.constant 0 : i32
      %dma_start3A_90 = tpu.memref_slice %arg8[%add3A_19, %dma_start3A_89] : memref<10240x128xf32, #tpu.memory_space<vmem_shared>> -> memref<128x128xf32, #tpu.memory_space<vmem_shared>>
      %dma_start3A_91 = arith.constant 0 : i32
      %dma_start3A_92 = tpu.memref_slice %arg8[%add3A_19, %dma_start3A_91] : memref<10240x128xf32, #tpu.memory_space<vmem_shared>> -> memref<128x128xf32, #tpu.memory_space<vmem_shared>>
      tpu.enqueue_dma source(%arg6 : memref<128x128xf32, #tpu.memory_space<vmem>>) target(%dma_start3A_92 : memref<128x128xf32, #tpu.memory_space<vmem_shared>>) target_semaphore(%run_scoped3A : memref<!tpu.dma_semaphore, #tpu.memory_space<semaphore_mem>>)
      %dma_wait3A_93 = arith.constant 0 : i32
      %dma_wait3A_94 = tpu.memref_slice %arg8[%add3A_19, %dma_wait3A_93] : memref<10240x128xf32, #tpu.memory_space<vmem_shared>> -> memref<128x128xf32, #tpu.memory_space<vmem_shared>>
      %dma_wait3A_95 = arith.constant 0 : i32
      %dma_wait3A_96 = tpu.memref_slice %arg8[%add3A_19, %dma_wait3A_95] : memref<10240x128xf32, #tpu.memory_space<vmem_shared>> -> memref<128x128xf32, #tpu.memory_space<vmem_shared>>
      tpu.wait_dma2 semaphore(%run_scoped3A : memref<!tpu.dma_semaphore, #tpu.memory_space<semaphore_mem>>) src(%arg6 : memref<128x128xf32, #tpu.memory_space<vmem>>) dst(%dma_wait3A_96 : memref<128x128xf32, #tpu.memory_space<vmem_shared>>)
      tpu.yield
    }) : () -> ()
    %mul3A_20 = arith.constant 640 : i32
    %mul3A_21 = arith.muli %arg1, %mul3A_20 : i32
    %add3A_22 = arith.constant 384 : i32
    %add3A_23 = arith.addi %mul3A_21, %add3A_22 : i32
    "tpu.region"() ({
      %run_scoped3A = tpu.sem_alloc : memref<!tpu.dma_semaphore, #tpu.memory_space<semaphore_mem>>
      %dma_start3A_89 = arith.constant 0 : i32
      %dma_start3A_90 = tpu.memref_slice %arg8[%add3A_23, %dma_start3A_89] : memref<10240x128xf32, #tpu.memory_space<vmem_shared>> -> memref<128x128xf32, #tpu.memory_space<vmem_shared>>
      %dma_start3A_91 = arith.constant 0 : i32
      %dma_start3A_92 = tpu.memref_slice %arg8[%add3A_23, %dma_start3A_91] : memref<10240x128xf32, #tpu.memory_space<vmem_shared>> -> memref<128x128xf32, #tpu.memory_space<vmem_shared>>
      tpu.enqueue_dma source(%arg6 : memref<128x128xf32, #tpu.memory_space<vmem>>) target(%dma_start3A_92 : memref<128x128xf32, #tpu.memory_space<vmem_shared>>) target_semaphore(%run_scoped3A : memref<!tpu.dma_semaphore, #tpu.memory_space<semaphore_mem>>)
      %dma_wait3A_93 = arith.constant 0 : i32
      %dma_wait3A_94 = tpu.memref_slice %arg8[%add3A_23, %dma_wait3A_93] : memref<10240x128xf32, #tpu.memory_space<vmem_shared>> -> memref<128x128xf32, #tpu.memory_space<vmem_shared>>
      %dma_wait3A_95 = arith.constant 0 : i32
      %dma_wait3A_96 = tpu.memref_slice %arg8[%add3A_23, %dma_wait3A_95] : memref<10240x128xf32, #tpu.memory_space<vmem_shared>> -> memref<128x128xf32, #tpu.memory_space<vmem_shared>>
      tpu.wait_dma2 semaphore(%run_scoped3A : memref<!tpu.dma_semaphore, #tpu.memory_space<semaphore_mem>>) src(%arg6 : memref<128x128xf32, #tpu.memory_space<vmem>>) dst(%dma_wait3A_96 : memref<128x128xf32, #tpu.memory_space<vmem_shared>>)
      tpu.yield
    }) : () -> ()
    %mul3A_24 = arith.constant 640 : i32
    %mul3A_25 = arith.muli %arg1, %mul3A_24 : i32
    %add3A_26 = arith.constant 512 : i32
    %add3A_27 = arith.addi %mul3A_25, %add3A_26 : i32
    "tpu.region"() ({
      %run_scoped3A = tpu.sem_alloc : memref<!tpu.dma_semaphore, #tpu.memory_space<semaphore_mem>>
      %dma_start3A_89 = arith.constant 0 : i32
      %dma_start3A_90 = tpu.memref_slice %arg8[%add3A_27, %dma_start3A_89] : memref<10240x128xf32, #tpu.memory_space<vmem_shared>> -> memref<128x128xf32, #tpu.memory_space<vmem_shared>>
      %dma_start3A_91 = arith.constant 0 : i32
      %dma_start3A_92 = tpu.memref_slice %arg8[%add3A_27, %dma_start3A_91] : memref<10240x128xf32, #tpu.memory_space<vmem_shared>> -> memref<128x128xf32, #tpu.memory_space<vmem_shared>>
      tpu.enqueue_dma source(%arg6 : memref<128x128xf32, #tpu.memory_space<vmem>>) target(%dma_start3A_92 : memref<128x128xf32, #tpu.memory_space<vmem_shared>>) target_semaphore(%run_scoped3A : memref<!tpu.dma_semaphore, #tpu.memory_space<semaphore_mem>>)
      %dma_wait3A_93 = arith.constant 0 : i32
      %dma_wait3A_94 = tpu.memref_slice %arg8[%add3A_27, %dma_wait3A_93] : memref<10240x128xf32, #tpu.memory_space<vmem_shared>> -> memref<128x128xf32, #tpu.memory_space<vmem_shared>>
      %dma_wait3A_95 = arith.constant 0 : i32
      %dma_wait3A_96 = tpu.memref_slice %arg8[%add3A_27, %dma_wait3A_95] : memref<10240x128xf32, #tpu.memory_space<vmem_shared>> -> memref<128x128xf32, #tpu.memory_space<vmem_shared>>
      tpu.wait_dma2 semaphore(%run_scoped3A : memref<!tpu.dma_semaphore, #tpu.memory_space<semaphore_mem>>) src(%arg6 : memref<128x128xf32, #tpu.memory_space<vmem>>) dst(%dma_wait3A_96 : memref<128x128xf32, #tpu.memory_space<vmem_shared>>)
      tpu.yield
    }) : () -> ()
    %barrier3A = arith.constant 0 : index
    tpu.barrier barrier_id(%barrier3A)
    "tpu.region"() ({
      %run_scoped3A = tpu.sem_alloc : memref<!tpu.dma_semaphore, #tpu.memory_space<semaphore_mem>>
      %dma_start3A_89 = arith.constant 0 : i32
      %dma_start3A_90 = arith.constant 0 : i32
      %dma_start3A_91 = tpu.memref_slice %arg3[%add3A, %dma_start3A_89, %dma_start3A_90] : memref<32x40x128xi32, #tpu.memory_space<hbm>> -> memref<1x40x128xi32, #tpu.memory_space<hbm>>
      %dma_start3A_92 = tpu.memref_squeeze %dma_start3A_91 : memref<1x40x128xi32, #tpu.memory_space<hbm>> -> memref<40x128xi32, #tpu.memory_space<hbm>>
      %dma_start3A_93 = arith.constant 0 : i32
      %dma_start3A_94 = arith.constant 0 : i32
      %dma_start3A_95 = tpu.memref_slice %arg3[%add3A, %dma_start3A_93, %dma_start3A_94] : memref<32x40x128xi32, #tpu.memory_space<hbm>> -> memref<1x40x128xi32, #tpu.memory_space<hbm>>
      %dma_start3A_96 = tpu.memref_squeeze %dma_start3A_95 : memref<1x40x128xi32, #tpu.memory_space<hbm>> -> memref<40x128xi32, #tpu.memory_space<hbm>>
      tpu.enqueue_dma source(%dma_start3A_96 : memref<40x128xi32, #tpu.memory_space<hbm>>) target(%arg5 : memref<40x128xi32, #tpu.memory_space<vmem>>) target_semaphore(%run_scoped3A : memref<!tpu.dma_semaphore, #tpu.memory_space<semaphore_mem>>)
      %dma_wait3A_97 = arith.constant 0 : i32
      %dma_wait3A_98 = arith.constant 0 : i32
      %dma_wait3A_99 = tpu.memref_slice %arg3[%add3A, %dma_wait3A_97, %dma_wait3A_98] : memref<32x40x128xi32, #tpu.memory_space<hbm>> -> memref<1x40x128xi32, #tpu.memory_space<hbm>>
      %dma_wait3A_100 = tpu.memref_squeeze %dma_wait3A_99 : memref<1x40x128xi32, #tpu.memory_space<hbm>> -> memref<40x128xi32, #tpu.memory_space<hbm>>
      %dma_wait3A_101 = arith.constant 0 : i32
      %dma_wait3A_102 = arith.constant 0 : i32
      %dma_wait3A_103 = tpu.memref_slice %arg3[%add3A, %dma_wait3A_101, %dma_wait3A_102] : memref<32x40x128xi32, #tpu.memory_space<hbm>> -> memref<1x40x128xi32, #tpu.memory_space<hbm>>
      %dma_wait3A_104 = tpu.memref_squeeze %dma_wait3A_103 : memref<1x40x128xi32, #tpu.memory_space<hbm>> -> memref<40x128xi32, #tpu.memory_space<hbm>>
      tpu.wait_dma2 semaphore(%run_scoped3A : memref<!tpu.dma_semaphore, #tpu.memory_space<semaphore_mem>>) src(%dma_wait3A_104 : memref<40x128xi32, #tpu.memory_space<hbm>>) dst(%arg5 : memref<40x128xi32, #tpu.memory_space<vmem>>)
      tpu.yield
    }) : () -> ()
    %add3A_28 = arith.constant 0 : i32
    %add3A_29 = arith.addi %mul3A_2, %add3A_28 : i32
    %dma_start3A = arith.constant 0 : i32
    %dma_start3A_30 = tpu.memref_slice %arg2[%add3A_29, %dma_start3A] : memref<163840x128xf32, #tpu.memory_space<hbm>> -> memref<128x128xf32, #tpu.memory_space<hbm>>
    %dma_start3A_31 = arith.constant 0 : i32
    %dma_start3A_32 = tpu.memref_slice %arg2[%add3A_29, %dma_start3A_31] : memref<163840x128xf32, #tpu.memory_space<hbm>> -> memref<128x128xf32, #tpu.memory_space<hbm>>
    tpu.enqueue_dma source(%dma_start3A_32 : memref<128x128xf32, #tpu.memory_space<hbm>>) target(%arg6 : memref<128x128xf32, #tpu.memory_space<vmem>>) target_semaphore(%arg9 : memref<!tpu.dma_semaphore, #tpu.memory_space<semaphore_mem>>)
    %add3A_33 = arith.constant 0 : i32
    %add3A_34 = arith.addi %mul3A_2, %add3A_33 : i32
    %dma_wait3A = arith.constant 0 : i32
    %dma_wait3A_35 = tpu.memref_slice %arg2[%add3A_34, %dma_wait3A] : memref<163840x128xf32, #tpu.memory_space<hbm>> -> memref<128x128xf32, #tpu.memory_space<hbm>>
    %dma_wait3A_36 = arith.constant 0 : i32
    %dma_wait3A_37 = tpu.memref_slice %arg2[%add3A_34, %dma_wait3A_36] : memref<163840x128xf32, #tpu.memory_space<hbm>> -> memref<128x128xf32, #tpu.memory_space<hbm>>
    tpu.wait_dma2 semaphore(%arg9 : memref<!tpu.dma_semaphore, #tpu.memory_space<semaphore_mem>>) src(%dma_wait3A_37 : memref<128x128xf32, #tpu.memory_space<hbm>>) dst(%arg6 : memref<128x128xf32, #tpu.memory_space<vmem>>)
    %add3A_38 = arith.constant 128 : i32
    %add3A_39 = arith.addi %mul3A_2, %add3A_38 : i32
    %dma_start3A_40 = arith.constant 0 : i32
    %dma_start3A_41 = tpu.memref_slice %arg2[%add3A_39, %dma_start3A_40] : memref<163840x128xf32, #tpu.memory_space<hbm>> -> memref<128x128xf32, #tpu.memory_space<hbm>>
    %dma_start3A_42 = arith.constant 0 : i32
    %dma_start3A_43 = tpu.memref_slice %arg2[%add3A_39, %dma_start3A_42] : memref<163840x128xf32, #tpu.memory_space<hbm>> -> memref<128x128xf32, #tpu.memory_space<hbm>>
    tpu.enqueue_dma source(%dma_start3A_43 : memref<128x128xf32, #tpu.memory_space<hbm>>) target(%arg7 : memref<128x128xf32, #tpu.memory_space<vmem>>) target_semaphore(%arg10 : memref<!tpu.dma_semaphore, #tpu.memory_space<semaphore_mem>>)
    %dma_start3A_44 = arith.constant 0 : i32
    %dma_start3A_45 = arith.constant 0 : i32
    %dma_start3A_46 = tpu.memref_slice %arg5[%dma_start3A_44, %dma_start3A_45] : memref<40x128xi32, #tpu.memory_space<vmem>> -> memref<1x128xi32, #tpu.memory_space<vmem>>
    %dma_start3A_47 = tpu.memref_squeeze %dma_start3A_46 : memref<1x128xi32, #tpu.memory_space<vmem>> -> memref<128xi32, #tpu.memory_space<vmem>>
    %dma_start3A_48 = arith.constant 0 : i32
    %dma_start3A_49 = arith.constant 0 : i32
    %dma_start3A_50 = tpu.memref_slice %arg8[%dma_start3A_48, %dma_start3A_49] : memref<10240x128xf32, #tpu.memory_space<vmem_shared>> -> memref<10240x128xf32, #tpu.memory_space<vmem_shared>>
    tpu.enqueue_indirect_dma source(%arg6 : memref<128x128xf32, #tpu.memory_space<vmem>>) target(%dma_start3A_50 : memref<10240x128xf32, #tpu.memory_space<vmem_shared>>) offsets(%dma_start3A_47 : memref<128xi32, #tpu.memory_space<vmem>>) semaphore(%arg11 : memref<!tpu.dma_semaphore, #tpu.memory_space<semaphore_mem>>) {add = true}
    %scan3A_51 = arith.constant 0 : i32
    %scan3A_52 = arith.constant 0 : i32
    %scan3A_53 = arith.constant 19 : i32
    %scan3A_54 = arith.addi %scan3A_52, %scan3A_53 : i32
    %scan3A_55 = arith.constant 1 : i32
    scf.for %scan3A_89 = %scan3A_52 to %scan3A_54 step %scan3A_55  : i32 {
      %mul3A_90 = arith.constant 2 : i32
      %mul3A_91 = arith.muli %scan3A_89, %mul3A_90 : i32
      %add3A_92 = arith.constant 1 : i32
      %add3A_93 = arith.addi %add3A_92, %mul3A_91 : i32
      %add3A_94 = arith.constant 0 : i32
      %add3A_95 = arith.addi %add3A_93, %add3A_94 : i32
      %mul3A_96 = arith.constant 128 : i32
      %mul3A_97 = arith.muli %add3A_95, %mul3A_96 : i32
      %add3A_98 = arith.addi %mul3A_2, %mul3A_97 : i32
      %dma_wait3A_99 = arith.constant 0 : i32
      %dma_wait3A_100 = tpu.memref_slice %arg2[%add3A_98, %dma_wait3A_99] : memref<163840x128xf32, #tpu.memory_space<hbm>> -> memref<128x128xf32, #tpu.memory_space<hbm>>
      %dma_wait3A_101 = arith.constant 0 : i32
      %dma_wait3A_102 = tpu.memref_slice %arg2[%add3A_98, %dma_wait3A_101] : memref<163840x128xf32, #tpu.memory_space<hbm>> -> memref<128x128xf32, #tpu.memory_space<hbm>>
      tpu.wait_dma2 semaphore(%arg10 : memref<!tpu.dma_semaphore, #tpu.memory_space<semaphore_mem>>) src(%dma_wait3A_102 : memref<128x128xf32, #tpu.memory_space<hbm>>) dst(%arg7 : memref<128x128xf32, #tpu.memory_space<vmem>>)
      %sub3A = arith.constant 1 : i32
      %sub3A_103 = arith.subi %add3A_95, %sub3A : i32
      %dma_wait3A_104 = arith.constant 0 : i32
      %dma_wait3A_105 = tpu.memref_slice %arg5[%sub3A_103, %dma_wait3A_104] : memref<40x128xi32, #tpu.memory_space<vmem>> -> memref<1x128xi32, #tpu.memory_space<vmem>>
      %dma_wait3A_106 = tpu.memref_squeeze %dma_wait3A_105 : memref<1x128xi32, #tpu.memory_space<vmem>> -> memref<128xi32, #tpu.memory_space<vmem>>
      %dma_wait3A_107 = arith.constant 0 : i32
      %dma_wait3A_108 = arith.constant 0 : i32
      %dma_wait3A_109 = tpu.memref_slice %arg8[%dma_wait3A_107, %dma_wait3A_108] : memref<10240x128xf32, #tpu.memory_space<vmem_shared>> -> memref<10240x128xf32, #tpu.memory_space<vmem_shared>>
      tpu.wait_indirect_dma semaphore(%arg11 : memref<!tpu.dma_semaphore, #tpu.memory_space<semaphore_mem>>) src(%arg6 : memref<128x128xf32, #tpu.memory_space<vmem>>) dst(%dma_wait3A_109 : memref<10240x128xf32, #tpu.memory_space<vmem_shared>>)
      %add3A_110 = arith.constant 1 : i32
      %add3A_111 = arith.addi %add3A_95, %add3A_110 : i32
      %mul3A_112 = arith.constant 128 : i32
      %mul3A_113 = arith.muli %add3A_111, %mul3A_112 : i32
      %add3A_114 = arith.addi %mul3A_2, %mul3A_113 : i32
      %dma_start3A_115 = arith.constant 0 : i32
      %dma_start3A_116 = tpu.memref_slice %arg2[%add3A_114, %dma_start3A_115] : memref<163840x128xf32, #tpu.memory_space<hbm>> -> memref<128x128xf32, #tpu.memory_space<hbm>>
      %dma_start3A_117 = arith.constant 0 : i32
      %dma_start3A_118 = tpu.memref_slice %arg2[%add3A_114, %dma_start3A_117] : memref<163840x128xf32, #tpu.memory_space<hbm>> -> memref<128x128xf32, #tpu.memory_space<hbm>>
      tpu.enqueue_dma source(%dma_start3A_118 : memref<128x128xf32, #tpu.memory_space<hbm>>) target(%arg6 : memref<128x128xf32, #tpu.memory_space<vmem>>) target_semaphore(%arg9 : memref<!tpu.dma_semaphore, #tpu.memory_space<semaphore_mem>>)
      %dma_start3A_119 = arith.constant 0 : i32
      %dma_start3A_120 = tpu.memref_slice %arg5[%add3A_95, %dma_start3A_119] : memref<40x128xi32, #tpu.memory_space<vmem>> -> memref<1x128xi32, #tpu.memory_space<vmem>>
      %dma_start3A_121 = tpu.memref_squeeze %dma_start3A_120 : memref<1x128xi32, #tpu.memory_space<vmem>> -> memref<128xi32, #tpu.memory_space<vmem>>
      %dma_start3A_122 = arith.constant 0 : i32
      %dma_start3A_123 = arith.constant 0 : i32
      %dma_start3A_124 = tpu.memref_slice %arg8[%dma_start3A_122, %dma_start3A_123] : memref<10240x128xf32, #tpu.memory_space<vmem_shared>> -> memref<10240x128xf32, #tpu.memory_space<vmem_shared>>
      tpu.enqueue_indirect_dma source(%arg7 : memref<128x128xf32, #tpu.memory_space<vmem>>) target(%dma_start3A_124 : memref<10240x128xf32, #tpu.memory_space<vmem_shared>>) offsets(%dma_start3A_121 : memref<128xi32, #tpu.memory_space<vmem>>) semaphore(%arg12 : memref<!tpu.dma_semaphore, #tpu.memory_space<semaphore_mem>>) {add = true}
      %mul3A_125 = arith.constant 2 : i32
      %mul3A_126 = arith.muli %scan3A_89, %mul3A_125 : i32
      %add3A_127 = arith.constant 1 : i32
      %add3A_128 = arith.addi %add3A_127, %mul3A_126 : i32
      %add3A_129 = arith.constant 1 : i32
      %add3A_130 = arith.addi %add3A_128, %add3A_129 : i32
      %mul3A_131 = arith.constant 128 : i32
      %mul3A_132 = arith.muli %add3A_130, %mul3A_131 : i32
      %add3A_133 = arith.addi %mul3A_2, %mul3A_132 : i32
      %dma_wait3A_134 = arith.constant 0 : i32
      %dma_wait3A_135 = tpu.memref_slice %arg2[%add3A_133, %dma_wait3A_134] : memref<163840x128xf32, #tpu.memory_space<hbm>> -> memref<128x128xf32, #tpu.memory_space<hbm>>
      %dma_wait3A_136 = arith.constant 0 : i32
      %dma_wait3A_137 = tpu.memref_slice %arg2[%add3A_133, %dma_wait3A_136] : memref<163840x128xf32, #tpu.memory_space<hbm>> -> memref<128x128xf32, #tpu.memory_space<hbm>>
      tpu.wait_dma2 semaphore(%arg9 : memref<!tpu.dma_semaphore, #tpu.memory_space<semaphore_mem>>) src(%dma_wait3A_137 : memref<128x128xf32, #tpu.memory_space<hbm>>) dst(%arg6 : memref<128x128xf32, #tpu.memory_space<vmem>>)
      %sub3A_138 = arith.constant 1 : i32
      %sub3A_139 = arith.subi %add3A_130, %sub3A_138 : i32
      %dma_wait3A_140 = arith.constant 0 : i32
      %dma_wait3A_141 = tpu.memref_slice %arg5[%sub3A_139, %dma_wait3A_140] : memref<40x128xi32, #tpu.memory_space<vmem>> -> memref<1x128xi32, #tpu.memory_space<vmem>>
      %dma_wait3A_142 = tpu.memref_squeeze %dma_wait3A_141 : memref<1x128xi32, #tpu.memory_space<vmem>> -> memref<128xi32, #tpu.memory_space<vmem>>
      %dma_wait3A_143 = arith.constant 0 : i32
      %dma_wait3A_144 = arith.constant 0 : i32
      %dma_wait3A_145 = tpu.memref_slice %arg8[%dma_wait3A_143, %dma_wait3A_144] : memref<10240x128xf32, #tpu.memory_space<vmem_shared>> -> memref<10240x128xf32, #tpu.memory_space<vmem_shared>>
      tpu.wait_indirect_dma semaphore(%arg12 : memref<!tpu.dma_semaphore, #tpu.memory_space<semaphore_mem>>) src(%arg7 : memref<128x128xf32, #tpu.memory_space<vmem>>) dst(%dma_wait3A_145 : memref<10240x128xf32, #tpu.memory_space<vmem_shared>>)
      %add3A_146 = arith.constant 1 : i32
      %add3A_147 = arith.addi %add3A_130, %add3A_146 : i32
      %mul3A_148 = arith.constant 128 : i32
      %mul3A_149 = arith.muli %add3A_147, %mul3A_148 : i32
      %add3A_150 = arith.addi %mul3A_2, %mul3A_149 : i32
      %dma_start3A_151 = arith.constant 0 : i32
      %dma_start3A_152 = tpu.memref_slice %arg2[%add3A_150, %dma_start3A_151] : memref<163840x128xf32, #tpu.memory_space<hbm>> -> memref<128x128xf32, #tpu.memory_space<hbm>>
      %dma_start3A_153 = arith.constant 0 : i32
      %dma_start3A_154 = tpu.memref_slice %arg2[%add3A_150, %dma_start3A_153] : memref<163840x128xf32, #tpu.memory_space<hbm>> -> memref<128x128xf32, #tpu.memory_space<hbm>>
      tpu.enqueue_dma source(%dma_start3A_154 : memref<128x128xf32, #tpu.memory_space<hbm>>) target(%arg7 : memref<128x128xf32, #tpu.memory_space<vmem>>) target_semaphore(%arg10 : memref<!tpu.dma_semaphore, #tpu.memory_space<semaphore_mem>>)
      %dma_start3A_155 = arith.constant 0 : i32
      %dma_start3A_156 = tpu.memref_slice %arg5[%add3A_130, %dma_start3A_155] : memref<40x128xi32, #tpu.memory_space<vmem>> -> memref<1x128xi32, #tpu.memory_space<vmem>>
      %dma_start3A_157 = tpu.memref_squeeze %dma_start3A_156 : memref<1x128xi32, #tpu.memory_space<vmem>> -> memref<128xi32, #tpu.memory_space<vmem>>
      %dma_start3A_158 = arith.constant 0 : i32
      %dma_start3A_159 = arith.constant 0 : i32
      %dma_start3A_160 = tpu.memref_slice %arg8[%dma_start3A_158, %dma_start3A_159] : memref<10240x128xf32, #tpu.memory_space<vmem_shared>> -> memref<10240x128xf32, #tpu.memory_space<vmem_shared>>
      tpu.enqueue_indirect_dma source(%arg6 : memref<128x128xf32, #tpu.memory_space<vmem>>) target(%dma_start3A_160 : memref<10240x128xf32, #tpu.memory_space<vmem_shared>>) offsets(%dma_start3A_157 : memref<128xi32, #tpu.memory_space<vmem>>) semaphore(%arg11 : memref<!tpu.dma_semaphore, #tpu.memory_space<semaphore_mem>>) {add = true}
    }
    %scan3A_56 = arith.constant 19 : i32
    %add3A_57 = arith.constant 4992 : i32
    %add3A_58 = arith.addi %mul3A_2, %add3A_57 : i32
    %dma_wait3A_59 = arith.constant 0 : i32
    %dma_wait3A_60 = tpu.memref_slice %arg2[%add3A_58, %dma_wait3A_59] : memref<163840x128xf32, #tpu.memory_space<hbm>> -> memref<128x128xf32, #tpu.memory_space<hbm>>
    %dma_wait3A_61 = arith.constant 0 : i32
    %dma_wait3A_62 = tpu.memref_slice %arg2[%add3A_58, %dma_wait3A_61] : memref<163840x128xf32, #tpu.memory_space<hbm>> -> memref<128x128xf32, #tpu.memory_space<hbm>>
    tpu.wait_dma2 semaphore(%arg10 : memref<!tpu.dma_semaphore, #tpu.memory_space<semaphore_mem>>) src(%dma_wait3A_62 : memref<128x128xf32, #tpu.memory_space<hbm>>) dst(%arg7 : memref<128x128xf32, #tpu.memory_space<vmem>>)
    %dma_start3A_63 = arith.constant 39 : i32
    %dma_start3A_64 = arith.constant 0 : i32
    %dma_start3A_65 = tpu.memref_slice %arg5[%dma_start3A_63, %dma_start3A_64] : memref<40x128xi32, #tpu.memory_space<vmem>> -> memref<1x128xi32, #tpu.memory_space<vmem>>
    %dma_start3A_66 = tpu.memref_squeeze %dma_start3A_65 : memref<1x128xi32, #tpu.memory_space<vmem>> -> memref<128xi32, #tpu.memory_space<vmem>>
    %dma_start3A_67 = arith.constant 0 : i32
    %dma_start3A_68 = arith.constant 0 : i32
    %dma_start3A_69 = tpu.memref_slice %arg8[%dma_start3A_67, %dma_start3A_68] : memref<10240x128xf32, #tpu.memory_space<vmem_shared>> -> memref<10240x128xf32, #tpu.memory_space<vmem_shared>>
    tpu.enqueue_indirect_dma source(%arg7 : memref<128x128xf32, #tpu.memory_space<vmem>>) target(%dma_start3A_69 : memref<10240x128xf32, #tpu.memory_space<vmem_shared>>) offsets(%dma_start3A_66 : memref<128xi32, #tpu.memory_space<vmem>>) semaphore(%arg12 : memref<!tpu.dma_semaphore, #tpu.memory_space<semaphore_mem>>) {add = true}
    %dma_wait3A_70 = arith.constant 38 : i32
    %dma_wait3A_71 = arith.constant 0 : i32
    %dma_wait3A_72 = tpu.memref_slice %arg5[%dma_wait3A_70, %dma_wait3A_71] : memref<40x128xi32, #tpu.memory_space<vmem>> -> memref<1x128xi32, #tpu.memory_space<vmem>>
    %dma_wait3A_73 = tpu.memref_squeeze %dma_wait3A_72 : memref<1x128xi32, #tpu.memory_space<vmem>> -> memref<128xi32, #tpu.memory_space<vmem>>
    %dma_wait3A_74 = arith.constant 0 : i32
    %dma_wait3A_75 = arith.constant 0 : i32
    %dma_wait3A_76 = tpu.memref_slice %arg8[%dma_wait3A_74, %dma_wait3A_75] : memref<10240x128xf32, #tpu.memory_space<vmem_shared>> -> memref<10240x128xf32, #tpu.memory_space<vmem_shared>>
    tpu.wait_indirect_dma semaphore(%arg11 : memref<!tpu.dma_semaphore, #tpu.memory_space<semaphore_mem>>) src(%arg6 : memref<128x128xf32, #tpu.memory_space<vmem>>) dst(%dma_wait3A_76 : memref<10240x128xf32, #tpu.memory_space<vmem_shared>>)
    %dma_wait3A_77 = arith.constant 39 : i32
    %dma_wait3A_78 = arith.constant 0 : i32
    %dma_wait3A_79 = tpu.memref_slice %arg5[%dma_wait3A_77, %dma_wait3A_78] : memref<40x128xi32, #tpu.memory_space<vmem>> -> memref<1x128xi32, #tpu.memory_space<vmem>>
    %dma_wait3A_80 = tpu.memref_squeeze %dma_wait3A_79 : memref<1x128xi32, #tpu.memory_space<vmem>> -> memref<128xi32, #tpu.memory_space<vmem>>
    %dma_wait3A_81 = arith.constant 0 : i32
    %dma_wait3A_82 = arith.constant 0 : i32
    %dma_wait3A_83 = tpu.memref_slice %arg8[%dma_wait3A_81, %dma_wait3A_82] : memref<10240x128xf32, #tpu.memory_space<vmem_shared>> -> memref<10240x128xf32, #tpu.memory_space<vmem_shared>>
    tpu.wait_indirect_dma semaphore(%arg12 : memref<!tpu.dma_semaphore, #tpu.memory_space<semaphore_mem>>) src(%arg7 : memref<128x128xf32, #tpu.memory_space<vmem>>) dst(%dma_wait3A_83 : memref<10240x128xf32, #tpu.memory_space<vmem_shared>>)
    %barrier3A_84 = arith.constant 0 : index
    tpu.barrier barrier_id(%barrier3A_84)
    %mul3A_85 = arith.constant 640 : i32
    %mul3A_86 = arith.muli %arg1, %mul3A_85 : i32
    %mul3A_87 = arith.constant 640 : i32
    %mul3A_88 = arith.muli %arg1, %mul3A_87 : i32
    "tpu.region"() ({
      %run_scoped3A = tpu.sem_alloc : memref<!tpu.dma_semaphore, #tpu.memory_space<semaphore_mem>>
      %dma_start3A_89 = arith.constant 0 : i32
      %dma_start3A_90 = tpu.memref_slice %arg4[%arg0, %mul3A_88, %dma_start3A_89] : memref<2x10240x128xf32, #tpu.memory_space<hbm>> -> memref<1x640x128xf32, #tpu.memory_space<hbm>>
      %dma_start3A_91 = tpu.memref_squeeze %dma_start3A_90 : memref<1x640x128xf32, #tpu.memory_space<hbm>> -> memref<640x128xf32, #tpu.memory_space<hbm>>
      %dma_start3A_92 = arith.constant 0 : i32
      %dma_start3A_93 = tpu.memref_slice %arg8[%mul3A_86, %dma_start3A_92] : memref<10240x128xf32, #tpu.memory_space<vmem_shared>> -> memref<640x128xf32, #tpu.memory_space<vmem_shared>>
      tpu.enqueue_dma source(%dma_start3A_93 : memref<640x128xf32, #tpu.memory_space<vmem_shared>>) target(%dma_start3A_91 : memref<640x128xf32, #tpu.memory_space<hbm>>) target_semaphore(%run_scoped3A : memref<!tpu.dma_semaphore, #tpu.memory_space<semaphore_mem>>)
      %dma_wait3A_94 = arith.constant 0 : i32
      %dma_wait3A_95 = tpu.memref_slice %arg4[%arg0, %mul3A_88, %dma_wait3A_94] : memref<2x10240x128xf32, #tpu.memory_space<hbm>> -> memref<1x640x128xf32, #tpu.memory_space<hbm>>
      %dma_wait3A_96 = tpu.memref_squeeze %dma_wait3A_95 : memref<1x640x128xf32, #tpu.memory_space<hbm>> -> memref<640x128xf32, #tpu.memory_space<hbm>>
      %dma_wait3A_97 = arith.constant 0 : i32
      %dma_wait3A_98 = tpu.memref_slice %arg8[%mul3A_86, %dma_wait3A_97] : memref<10240x128xf32, #tpu.memory_space<vmem_shared>> -> memref<640x128xf32, #tpu.memory_space<vmem_shared>>
      tpu.wait_dma2 semaphore(%run_scoped3A : memref<!tpu.dma_semaphore, #tpu.memory_space<semaphore_mem>>) src(%dma_wait3A_98 : memref<640x128xf32, #tpu.memory_space<vmem_shared>>) dst(%dma_wait3A_96 : memref<640x128xf32, #tpu.memory_space<hbm>>)
      tpu.yield
    }) : () -> ()
    return
  }
}

#map = affine_map<(d0, d1) -> (0, 0)>
#map1 = affine_map<(d0, d1) -> (0, 0, 0)>
module attributes {stable_mosaic.version = 14 : i64} {
  func.func @_gather_body(%arg0: i32, %arg1: i32, %arg2: memref<10112x128xf32, #tpu.memory_space<hbm>>, %arg3: memref<10112x128xf32, #tpu.memory_space<hbm>>, %arg4: memref<16x80x128xi32, #tpu.memory_space<hbm>>, %arg5: memref<16x80x128xi32, #tpu.memory_space<hbm>>, %arg6: memref<2x163840x128xf32, #tpu.memory_space<hbm>>, %arg7: memref<10112x128xf32, #tpu.memory_space<vmem_shared>>, %arg8: memref<3x128xi32, #tpu.memory_space<vmem>>, %arg9: memref<128x128xf32, #tpu.memory_space<vmem>>, %arg10: memref<128x128xf32, #tpu.memory_space<vmem>>, %arg11: memref<128x128xf32, #tpu.memory_space<vmem>>, %arg12: memref<!tpu.dma_semaphore, #tpu.memory_space<semaphore_mem>>, %arg13: memref<!tpu.dma_semaphore, #tpu.memory_space<semaphore_mem>>, %arg14: memref<!tpu.dma_semaphore, #tpu.memory_space<semaphore_mem>>, %arg15: memref<!tpu.dma_semaphore, #tpu.memory_space<semaphore_mem>>, %arg16: memref<!tpu.dma_semaphore, #tpu.memory_space<semaphore_mem>>, %arg17: memref<!tpu.dma_semaphore, #tpu.memory_space<semaphore_mem>>, %arg18: memref<!tpu.dma_semaphore, #tpu.memory_space<semaphore_mem>>, %arg19: memref<!tpu.dma_semaphore, #tpu.memory_space<semaphore_mem>>, %arg20: memref<!tpu.dma_semaphore, #tpu.memory_space<semaphore_mem>>) attributes {dimension_semantics = [#tpu.dimension_semantics<core_parallel>, #tpu.dimension_semantics<subcore_parallel>], iteration_bounds = array<i64: 2, 16>, scalar_prefetch = 0 : i64, scratch_operands = 14 : i64, tpu.core_type = #tpu.core_type<sc_vector_subcore>, window_params = [{transform_indices = #map}, {transform_indices = #map}, {transform_indices = #map1}, {transform_indices = #map1}, {transform_indices = #map1}]} {
    %mul3A = arith.constant 10240 : i32
    %mul3A_0 = arith.muli %arg1, %mul3A : i32
    %mul3A_1 = arith.constant 632 : i32
    %mul3A_2 = arith.muli %arg1, %mul3A_1 : i32
    %eq3A = arith.constant 0 : i32
    %eq3A_3 = arith.cmpi eq, %arg0, %eq3A : i32
    %convert_element_type3A = arith.extui %eq3A_3 : i1 to i32
    %cond3A = arith.constant 0 : i32
    %cond3A_4 = arith.cmpi ne, %convert_element_type3A, %cond3A : i32
    scf.if %cond3A_4 {
      "tpu.region"() ({
        %run_scoped3A = tpu.sem_alloc : memref<!tpu.dma_semaphore, #tpu.memory_space<semaphore_mem>>
        %dma_start3A_312 = arith.constant 0 : i32
        %dma_start3A_313 = tpu.memref_slice %arg7[%mul3A_2, %dma_start3A_312] : memref<10112x128xf32, #tpu.memory_space<vmem_shared>> -> memref<632x128xf32, #tpu.memory_space<vmem_shared>>
        %dma_start3A_314 = arith.constant 0 : i32
        %dma_start3A_315 = tpu.memref_slice %arg2[%mul3A_2, %dma_start3A_314] : memref<10112x128xf32, #tpu.memory_space<hbm>> -> memref<632x128xf32, #tpu.memory_space<hbm>>
        tpu.enqueue_dma source(%dma_start3A_315 : memref<632x128xf32, #tpu.memory_space<hbm>>) target(%dma_start3A_313 : memref<632x128xf32, #tpu.memory_space<vmem_shared>>) target_semaphore(%run_scoped3A : memref<!tpu.dma_semaphore, #tpu.memory_space<semaphore_mem>>)
        %dma_wait3A_316 = arith.constant 0 : i32
        %dma_wait3A_317 = tpu.memref_slice %arg7[%mul3A_2, %dma_wait3A_316] : memref<10112x128xf32, #tpu.memory_space<vmem_shared>> -> memref<632x128xf32, #tpu.memory_space<vmem_shared>>
        %dma_wait3A_318 = arith.constant 0 : i32
        %dma_wait3A_319 = tpu.memref_slice %arg2[%mul3A_2, %dma_wait3A_318] : memref<10112x128xf32, #tpu.memory_space<hbm>> -> memref<632x128xf32, #tpu.memory_space<hbm>>
        tpu.wait_dma2 semaphore(%run_scoped3A : memref<!tpu.dma_semaphore, #tpu.memory_space<semaphore_mem>>) src(%dma_wait3A_319 : memref<632x128xf32, #tpu.memory_space<hbm>>) dst(%dma_wait3A_317 : memref<632x128xf32, #tpu.memory_space<vmem_shared>>)
        tpu.yield
      }) : () -> ()
      %barrier3A = arith.constant 0 : index
      tpu.barrier barrier_id(%barrier3A)
      %dma_start3A = arith.constant 0 : i32
      %dma_start3A_10 = arith.constant 0 : i32
      %dma_start3A_11 = arith.constant 0 : i32
      %dma_start3A_12 = tpu.memref_slice %arg8[%dma_start3A_10, %dma_start3A_11] : memref<3x128xi32, #tpu.memory_space<vmem>> -> memref<1x128xi32, #tpu.memory_space<vmem>>
      %dma_start3A_13 = tpu.memref_squeeze %dma_start3A_12 : memref<1x128xi32, #tpu.memory_space<vmem>> -> memref<128xi32, #tpu.memory_space<vmem>>
      %dma_start3A_14 = arith.constant 0 : i32
      %dma_start3A_15 = tpu.memref_slice %arg4[%arg1, %dma_start3A, %dma_start3A_14] : memref<16x80x128xi32, #tpu.memory_space<hbm>> -> memref<1x1x128xi32, #tpu.memory_space<hbm>>
      %dma_start3A_16 = tpu.memref_squeeze %dma_start3A_15 : memref<1x1x128xi32, #tpu.memory_space<hbm>> -> memref<128xi32, #tpu.memory_space<hbm>>
      %dma_start3A_17 = arith.constant 0 : i32
      %dma_start3A_18 = tpu.memref_slice %arg8[%dma_start3A_10, %dma_start3A_17] : memref<3x128xi32, #tpu.memory_space<vmem>> -> memref<1x128xi32, #tpu.memory_space<vmem>>
      %dma_start3A_19 = tpu.memref_squeeze %dma_start3A_18 : memref<1x128xi32, #tpu.memory_space<vmem>> -> memref<128xi32, #tpu.memory_space<vmem>>
      %dma_start3A_20 = arith.constant 0 : i32
      %dma_start3A_21 = tpu.memref_slice %arg4[%arg1, %dma_start3A, %dma_start3A_20] : memref<16x80x128xi32, #tpu.memory_space<hbm>> -> memref<1x1x128xi32, #tpu.memory_space<hbm>>
      %dma_start3A_22 = tpu.memref_squeeze %dma_start3A_21 : memref<1x1x128xi32, #tpu.memory_space<hbm>> -> memref<128xi32, #tpu.memory_space<hbm>>
      tpu.enqueue_dma source(%dma_start3A_22 : memref<128xi32, #tpu.memory_space<hbm>>) target(%dma_start3A_19 : memref<128xi32, #tpu.memory_space<vmem>>) target_semaphore(%arg18 : memref<!tpu.dma_semaphore, #tpu.memory_space<semaphore_mem>>)
      %dma_start3A_23 = arith.constant 1 : i32
      %dma_start3A_24 = arith.constant 1 : i32
      %dma_start3A_25 = arith.constant 0 : i32
      %dma_start3A_26 = tpu.memref_slice %arg8[%dma_start3A_24, %dma_start3A_25] : memref<3x128xi32, #tpu.memory_space<vmem>> -> memref<1x128xi32, #tpu.memory_space<vmem>>
      %dma_start3A_27 = tpu.memref_squeeze %dma_start3A_26 : memref<1x128xi32, #tpu.memory_space<vmem>> -> memref<128xi32, #tpu.memory_space<vmem>>
      %dma_start3A_28 = arith.constant 0 : i32
      %dma_start3A_29 = tpu.memref_slice %arg4[%arg1, %dma_start3A_23, %dma_start3A_28] : memref<16x80x128xi32, #tpu.memory_space<hbm>> -> memref<1x1x128xi32, #tpu.memory_space<hbm>>
      %dma_start3A_30 = tpu.memref_squeeze %dma_start3A_29 : memref<1x1x128xi32, #tpu.memory_space<hbm>> -> memref<128xi32, #tpu.memory_space<hbm>>
      %dma_start3A_31 = arith.constant 0 : i32
      %dma_start3A_32 = tpu.memref_slice %arg8[%dma_start3A_24, %dma_start3A_31] : memref<3x128xi32, #tpu.memory_space<vmem>> -> memref<1x128xi32, #tpu.memory_space<vmem>>
      %dma_start3A_33 = tpu.memref_squeeze %dma_start3A_32 : memref<1x128xi32, #tpu.memory_space<vmem>> -> memref<128xi32, #tpu.memory_space<vmem>>
      %dma_start3A_34 = arith.constant 0 : i32
      %dma_start3A_35 = tpu.memref_slice %arg4[%arg1, %dma_start3A_23, %dma_start3A_34] : memref<16x80x128xi32, #tpu.memory_space<hbm>> -> memref<1x1x128xi32, #tpu.memory_space<hbm>>
      %dma_start3A_36 = tpu.memref_squeeze %dma_start3A_35 : memref<1x1x128xi32, #tpu.memory_space<hbm>> -> memref<128xi32, #tpu.memory_space<hbm>>
      tpu.enqueue_dma source(%dma_start3A_36 : memref<128xi32, #tpu.memory_space<hbm>>) target(%dma_start3A_33 : memref<128xi32, #tpu.memory_space<vmem>>) target_semaphore(%arg19 : memref<!tpu.dma_semaphore, #tpu.memory_space<semaphore_mem>>)
      %dma_wait3A = arith.constant 0 : i32
      %dma_wait3A_37 = arith.constant 0 : i32
      %dma_wait3A_38 = arith.constant 0 : i32
      %dma_wait3A_39 = tpu.memref_slice %arg8[%dma_wait3A_37, %dma_wait3A_38] : memref<3x128xi32, #tpu.memory_space<vmem>> -> memref<1x128xi32, #tpu.memory_space<vmem>>
      %dma_wait3A_40 = tpu.memref_squeeze %dma_wait3A_39 : memref<1x128xi32, #tpu.memory_space<vmem>> -> memref<128xi32, #tpu.memory_space<vmem>>
      %dma_wait3A_41 = arith.constant 0 : i32
      %dma_wait3A_42 = tpu.memref_slice %arg4[%arg1, %dma_wait3A, %dma_wait3A_41] : memref<16x80x128xi32, #tpu.memory_space<hbm>> -> memref<1x1x128xi32, #tpu.memory_space<hbm>>
      %dma_wait3A_43 = tpu.memref_squeeze %dma_wait3A_42 : memref<1x1x128xi32, #tpu.memory_space<hbm>> -> memref<128xi32, #tpu.memory_space<hbm>>
      %dma_wait3A_44 = arith.constant 0 : i32
      %dma_wait3A_45 = tpu.memref_slice %arg8[%dma_wait3A_37, %dma_wait3A_44] : memref<3x128xi32, #tpu.memory_space<vmem>> -> memref<1x128xi32, #tpu.memory_space<vmem>>
      %dma_wait3A_46 = tpu.memref_squeeze %dma_wait3A_45 : memref<1x128xi32, #tpu.memory_space<vmem>> -> memref<128xi32, #tpu.memory_space<vmem>>
      %dma_wait3A_47 = arith.constant 0 : i32
      %dma_wait3A_48 = tpu.memref_slice %arg4[%arg1, %dma_wait3A, %dma_wait3A_47] : memref<16x80x128xi32, #tpu.memory_space<hbm>> -> memref<1x1x128xi32, #tpu.memory_space<hbm>>
      %dma_wait3A_49 = tpu.memref_squeeze %dma_wait3A_48 : memref<1x1x128xi32, #tpu.memory_space<hbm>> -> memref<128xi32, #tpu.memory_space<hbm>>
      tpu.wait_dma2 semaphore(%arg18 : memref<!tpu.dma_semaphore, #tpu.memory_space<semaphore_mem>>) src(%dma_wait3A_49 : memref<128xi32, #tpu.memory_space<hbm>>) dst(%dma_wait3A_46 : memref<128xi32, #tpu.memory_space<vmem>>)
      %dma_start3A_50 = arith.constant 0 : i32
      %dma_start3A_51 = arith.constant 0 : i32
      %dma_start3A_52 = tpu.memref_slice %arg8[%dma_start3A_50, %dma_start3A_51] : memref<3x128xi32, #tpu.memory_space<vmem>> -> memref<1x128xi32, #tpu.memory_space<vmem>>
      %dma_start3A_53 = tpu.memref_squeeze %dma_start3A_52 : memref<1x128xi32, #tpu.memory_space<vmem>> -> memref<128xi32, #tpu.memory_space<vmem>>
      %dma_start3A_54 = arith.constant 0 : i32
      %dma_start3A_55 = arith.constant 0 : i32
      %dma_start3A_56 = tpu.memref_slice %arg7[%dma_start3A_54, %dma_start3A_55] : memref<10112x128xf32, #tpu.memory_space<vmem_shared>> -> memref<10112x128xf32, #tpu.memory_space<vmem_shared>>
      tpu.enqueue_indirect_dma source(%dma_start3A_56 : memref<10112x128xf32, #tpu.memory_space<vmem_shared>>) target(%arg9 : memref<128x128xf32, #tpu.memory_space<vmem>>) offsets(%dma_start3A_53 : memref<128xi32, #tpu.memory_space<vmem>>) semaphore(%arg12 : memref<!tpu.dma_semaphore, #tpu.memory_space<semaphore_mem>>)
      %dma_wait3A_57 = arith.constant 0 : i32
      %dma_wait3A_58 = arith.constant 0 : i32
      %dma_wait3A_59 = tpu.memref_slice %arg8[%dma_wait3A_57, %dma_wait3A_58] : memref<3x128xi32, #tpu.memory_space<vmem>> -> memref<1x128xi32, #tpu.memory_space<vmem>>
      %dma_wait3A_60 = tpu.memref_squeeze %dma_wait3A_59 : memref<1x128xi32, #tpu.memory_space<vmem>> -> memref<128xi32, #tpu.memory_space<vmem>>
      %dma_wait3A_61 = arith.constant 0 : i32
      %dma_wait3A_62 = arith.constant 0 : i32
      %dma_wait3A_63 = tpu.memref_slice %arg7[%dma_wait3A_61, %dma_wait3A_62] : memref<10112x128xf32, #tpu.memory_space<vmem_shared>> -> memref<10112x128xf32, #tpu.memory_space<vmem_shared>>
      tpu.wait_indirect_dma semaphore(%arg12 : memref<!tpu.dma_semaphore, #tpu.memory_space<semaphore_mem>>) src(%dma_wait3A_63 : memref<10112x128xf32, #tpu.memory_space<vmem_shared>>) dst(%arg9 : memref<128x128xf32, #tpu.memory_space<vmem>>)
      %add3A = arith.constant 0 : i32
      %add3A_64 = arith.addi %mul3A_0, %add3A : i32
      %dma_start3A_65 = arith.constant 0 : i32
      %dma_start3A_66 = arith.constant 0 : i32
      %dma_start3A_67 = tpu.memref_slice %arg6[%dma_start3A_65, %add3A_64, %dma_start3A_66] : memref<2x163840x128xf32, #tpu.memory_space<hbm>> -> memref<1x128x128xf32, #tpu.memory_space<hbm>>
      %dma_start3A_68 = tpu.memref_squeeze %dma_start3A_67 : memref<1x128x128xf32, #tpu.memory_space<hbm>> -> memref<128x128xf32, #tpu.memory_space<hbm>>
      %dma_start3A_69 = arith.constant 0 : i32
      %dma_start3A_70 = tpu.memref_slice %arg6[%dma_start3A_65, %add3A_64, %dma_start3A_69] : memref<2x163840x128xf32, #tpu.memory_space<hbm>> -> memref<1x128x128xf32, #tpu.memory_space<hbm>>
      %dma_start3A_71 = tpu.memref_squeeze %dma_start3A_70 : memref<1x128x128xf32, #tpu.memory_space<hbm>> -> memref<128x128xf32, #tpu.memory_space<hbm>>
      tpu.enqueue_dma source(%arg9 : memref<128x128xf32, #tpu.memory_space<vmem>>) target(%dma_start3A_71 : memref<128x128xf32, #tpu.memory_space<hbm>>) target_semaphore(%arg15 : memref<!tpu.dma_semaphore, #tpu.memory_space<semaphore_mem>>)
      %dma_wait3A_72 = arith.constant 1 : i32
      %dma_wait3A_73 = arith.constant 1 : i32
      %dma_wait3A_74 = arith.constant 0 : i32
      %dma_wait3A_75 = tpu.memref_slice %arg8[%dma_wait3A_73, %dma_wait3A_74] : memref<3x128xi32, #tpu.memory_space<vmem>> -> memref<1x128xi32, #tpu.memory_space<vmem>>
      %dma_wait3A_76 = tpu.memref_squeeze %dma_wait3A_75 : memref<1x128xi32, #tpu.memory_space<vmem>> -> memref<128xi32, #tpu.memory_space<vmem>>
      %dma_wait3A_77 = arith.constant 0 : i32
      %dma_wait3A_78 = tpu.memref_slice %arg4[%arg1, %dma_wait3A_72, %dma_wait3A_77] : memref<16x80x128xi32, #tpu.memory_space<hbm>> -> memref<1x1x128xi32, #tpu.memory_space<hbm>>
      %dma_wait3A_79 = tpu.memref_squeeze %dma_wait3A_78 : memref<1x1x128xi32, #tpu.memory_space<hbm>> -> memref<128xi32, #tpu.memory_space<hbm>>
      %dma_wait3A_80 = arith.constant 0 : i32
      %dma_wait3A_81 = tpu.memref_slice %arg8[%dma_wait3A_73, %dma_wait3A_80] : memref<3x128xi32, #tpu.memory_space<vmem>> -> memref<1x128xi32, #tpu.memory_space<vmem>>
      %dma_wait3A_82 = tpu.memref_squeeze %dma_wait3A_81 : memref<1x128xi32, #tpu.memory_space<vmem>> -> memref<128xi32, #tpu.memory_space<vmem>>
      %dma_wait3A_83 = arith.constant 0 : i32
      %dma_wait3A_84 = tpu.memref_slice %arg4[%arg1, %dma_wait3A_72, %dma_wait3A_83] : memref<16x80x128xi32, #tpu.memory_space<hbm>> -> memref<1x1x128xi32, #tpu.memory_space<hbm>>
      %dma_wait3A_85 = tpu.memref_squeeze %dma_wait3A_84 : memref<1x1x128xi32, #tpu.memory_space<hbm>> -> memref<128xi32, #tpu.memory_space<hbm>>
      tpu.wait_dma2 semaphore(%arg19 : memref<!tpu.dma_semaphore, #tpu.memory_space<semaphore_mem>>) src(%dma_wait3A_85 : memref<128xi32, #tpu.memory_space<hbm>>) dst(%dma_wait3A_82 : memref<128xi32, #tpu.memory_space<vmem>>)
      %dma_start3A_86 = arith.constant 1 : i32
      %dma_start3A_87 = arith.constant 0 : i32
      %dma_start3A_88 = tpu.memref_slice %arg8[%dma_start3A_86, %dma_start3A_87] : memref<3x128xi32, #tpu.memory_space<vmem>> -> memref<1x128xi32, #tpu.memory_space<vmem>>
      %dma_start3A_89 = tpu.memref_squeeze %dma_start3A_88 : memref<1x128xi32, #tpu.memory_space<vmem>> -> memref<128xi32, #tpu.memory_space<vmem>>
      %dma_start3A_90 = arith.constant 0 : i32
      %dma_start3A_91 = arith.constant 0 : i32
      %dma_start3A_92 = tpu.memref_slice %arg7[%dma_start3A_90, %dma_start3A_91] : memref<10112x128xf32, #tpu.memory_space<vmem_shared>> -> memref<10112x128xf32, #tpu.memory_space<vmem_shared>>
      tpu.enqueue_indirect_dma source(%dma_start3A_92 : memref<10112x128xf32, #tpu.memory_space<vmem_shared>>) target(%arg10 : memref<128x128xf32, #tpu.memory_space<vmem>>) offsets(%dma_start3A_89 : memref<128xi32, #tpu.memory_space<vmem>>) semaphore(%arg13 : memref<!tpu.dma_semaphore, #tpu.memory_space<semaphore_mem>>)
      %dma_start3A_93 = arith.constant 2 : i32
      %dma_start3A_94 = arith.constant 2 : i32
      %dma_start3A_95 = arith.constant 0 : i32
      %dma_start3A_96 = tpu.memref_slice %arg8[%dma_start3A_94, %dma_start3A_95] : memref<3x128xi32, #tpu.memory_space<vmem>> -> memref<1x128xi32, #tpu.memory_space<vmem>>
      %dma_start3A_97 = tpu.memref_squeeze %dma_start3A_96 : memref<1x128xi32, #tpu.memory_space<vmem>> -> memref<128xi32, #tpu.memory_space<vmem>>
      %dma_start3A_98 = arith.constant 0 : i32
      %dma_start3A_99 = tpu.memref_slice %arg4[%arg1, %dma_start3A_93, %dma_start3A_98] : memref<16x80x128xi32, #tpu.memory_space<hbm>> -> memref<1x1x128xi32, #tpu.memory_space<hbm>>
      %dma_start3A_100 = tpu.memref_squeeze %dma_start3A_99 : memref<1x1x128xi32, #tpu.memory_space<hbm>> -> memref<128xi32, #tpu.memory_space<hbm>>
      %dma_start3A_101 = arith.constant 0 : i32
      %dma_start3A_102 = tpu.memref_slice %arg8[%dma_start3A_94, %dma_start3A_101] : memref<3x128xi32, #tpu.memory_space<vmem>> -> memref<1x128xi32, #tpu.memory_space<vmem>>
      %dma_start3A_103 = tpu.memref_squeeze %dma_start3A_102 : memref<1x128xi32, #tpu.memory_space<vmem>> -> memref<128xi32, #tpu.memory_space<vmem>>
      %dma_start3A_104 = arith.constant 0 : i32
      %dma_start3A_105 = tpu.memref_slice %arg4[%arg1, %dma_start3A_93, %dma_start3A_104] : memref<16x80x128xi32, #tpu.memory_space<hbm>> -> memref<1x1x128xi32, #tpu.memory_space<hbm>>
      %dma_start3A_106 = tpu.memref_squeeze %dma_start3A_105 : memref<1x1x128xi32, #tpu.memory_space<hbm>> -> memref<128xi32, #tpu.memory_space<hbm>>
      tpu.enqueue_dma source(%dma_start3A_106 : memref<128xi32, #tpu.memory_space<hbm>>) target(%dma_start3A_103 : memref<128xi32, #tpu.memory_space<vmem>>) target_semaphore(%arg20 : memref<!tpu.dma_semaphore, #tpu.memory_space<semaphore_mem>>)
      %dma_wait3A_107 = arith.constant 1 : i32
      %dma_wait3A_108 = arith.constant 0 : i32
      %dma_wait3A_109 = tpu.memref_slice %arg8[%dma_wait3A_107, %dma_wait3A_108] : memref<3x128xi32, #tpu.memory_space<vmem>> -> memref<1x128xi32, #tpu.memory_space<vmem>>
      %dma_wait3A_110 = tpu.memref_squeeze %dma_wait3A_109 : memref<1x128xi32, #tpu.memory_space<vmem>> -> memref<128xi32, #tpu.memory_space<vmem>>
      %dma_wait3A_111 = arith.constant 0 : i32
      %dma_wait3A_112 = arith.constant 0 : i32
      %dma_wait3A_113 = tpu.memref_slice %arg7[%dma_wait3A_111, %dma_wait3A_112] : memref<10112x128xf32, #tpu.memory_space<vmem_shared>> -> memref<10112x128xf32, #tpu.memory_space<vmem_shared>>
      tpu.wait_indirect_dma semaphore(%arg13 : memref<!tpu.dma_semaphore, #tpu.memory_space<semaphore_mem>>) src(%dma_wait3A_113 : memref<10112x128xf32, #tpu.memory_space<vmem_shared>>) dst(%arg10 : memref<128x128xf32, #tpu.memory_space<vmem>>)
      %add3A_114 = arith.constant 128 : i32
      %add3A_115 = arith.addi %mul3A_0, %add3A_114 : i32
      %dma_start3A_116 = arith.constant 0 : i32
      %dma_start3A_117 = arith.constant 0 : i32
      %dma_start3A_118 = tpu.memref_slice %arg6[%dma_start3A_116, %add3A_115, %dma_start3A_117] : memref<2x163840x128xf32, #tpu.memory_space<hbm>> -> memref<1x128x128xf32, #tpu.memory_space<hbm>>
      %dma_start3A_119 = tpu.memref_squeeze %dma_start3A_118 : memref<1x128x128xf32, #tpu.memory_space<hbm>> -> memref<128x128xf32, #tpu.memory_space<hbm>>
      %dma_start3A_120 = arith.constant 0 : i32
      %dma_start3A_121 = tpu.memref_slice %arg6[%dma_start3A_116, %add3A_115, %dma_start3A_120] : memref<2x163840x128xf32, #tpu.memory_space<hbm>> -> memref<1x128x128xf32, #tpu.memory_space<hbm>>
      %dma_start3A_122 = tpu.memref_squeeze %dma_start3A_121 : memref<1x128x128xf32, #tpu.memory_space<hbm>> -> memref<128x128xf32, #tpu.memory_space<hbm>>
      tpu.enqueue_dma source(%arg10 : memref<128x128xf32, #tpu.memory_space<vmem>>) target(%dma_start3A_122 : memref<128x128xf32, #tpu.memory_space<hbm>>) target_semaphore(%arg16 : memref<!tpu.dma_semaphore, #tpu.memory_space<semaphore_mem>>)
      %dma_wait3A_123 = arith.constant 2 : i32
      %dma_wait3A_124 = arith.constant 2 : i32
      %dma_wait3A_125 = arith.constant 0 : i32
      %dma_wait3A_126 = tpu.memref_slice %arg8[%dma_wait3A_124, %dma_wait3A_125] : memref<3x128xi32, #tpu.memory_space<vmem>> -> memref<1x128xi32, #tpu.memory_space<vmem>>
      %dma_wait3A_127 = tpu.memref_squeeze %dma_wait3A_126 : memref<1x128xi32, #tpu.memory_space<vmem>> -> memref<128xi32, #tpu.memory_space<vmem>>
      %dma_wait3A_128 = arith.constant 0 : i32
      %dma_wait3A_129 = tpu.memref_slice %arg4[%arg1, %dma_wait3A_123, %dma_wait3A_128] : memref<16x80x128xi32, #tpu.memory_space<hbm>> -> memref<1x1x128xi32, #tpu.memory_space<hbm>>
      %dma_wait3A_130 = tpu.memref_squeeze %dma_wait3A_129 : memref<1x1x128xi32, #tpu.memory_space<hbm>> -> memref<128xi32, #tpu.memory_space<hbm>>
      %dma_wait3A_131 = arith.constant 0 : i32
      %dma_wait3A_132 = tpu.memref_slice %arg8[%dma_wait3A_124, %dma_wait3A_131] : memref<3x128xi32, #tpu.memory_space<vmem>> -> memref<1x128xi32, #tpu.memory_space<vmem>>
      %dma_wait3A_133 = tpu.memref_squeeze %dma_wait3A_132 : memref<1x128xi32, #tpu.memory_space<vmem>> -> memref<128xi32, #tpu.memory_space<vmem>>
      %dma_wait3A_134 = arith.constant 0 : i32
      %dma_wait3A_135 = tpu.memref_slice %arg4[%arg1, %dma_wait3A_123, %dma_wait3A_134] : memref<16x80x128xi32, #tpu.memory_space<hbm>> -> memref<1x1x128xi32, #tpu.memory_space<hbm>>
      %dma_wait3A_136 = tpu.memref_squeeze %dma_wait3A_135 : memref<1x1x128xi32, #tpu.memory_space<hbm>> -> memref<128xi32, #tpu.memory_space<hbm>>
      tpu.wait_dma2 semaphore(%arg20 : memref<!tpu.dma_semaphore, #tpu.memory_space<semaphore_mem>>) src(%dma_wait3A_136 : memref<128xi32, #tpu.memory_space<hbm>>) dst(%dma_wait3A_133 : memref<128xi32, #tpu.memory_space<vmem>>)
      %dma_start3A_137 = arith.constant 2 : i32
      %dma_start3A_138 = arith.constant 0 : i32
      %dma_start3A_139 = tpu.memref_slice %arg8[%dma_start3A_137, %dma_start3A_138] : memref<3x128xi32, #tpu.memory_space<vmem>> -> memref<1x128xi32, #tpu.memory_space<vmem>>
      %dma_start3A_140 = tpu.memref_squeeze %dma_start3A_139 : memref<1x128xi32, #tpu.memory_space<vmem>> -> memref<128xi32, #tpu.memory_space<vmem>>
      %dma_start3A_141 = arith.constant 0 : i32
      %dma_start3A_142 = arith.constant 0 : i32
      %dma_start3A_143 = tpu.memref_slice %arg7[%dma_start3A_141, %dma_start3A_142] : memref<10112x128xf32, #tpu.memory_space<vmem_shared>> -> memref<10112x128xf32, #tpu.memory_space<vmem_shared>>
      tpu.enqueue_indirect_dma source(%dma_start3A_143 : memref<10112x128xf32, #tpu.memory_space<vmem_shared>>) target(%arg11 : memref<128x128xf32, #tpu.memory_space<vmem>>) offsets(%dma_start3A_140 : memref<128xi32, #tpu.memory_space<vmem>>) semaphore(%arg14 : memref<!tpu.dma_semaphore, #tpu.memory_space<semaphore_mem>>)
      %dma_start3A_144 = arith.constant 3 : i32
      %dma_start3A_145 = arith.constant 0 : i32
      %dma_start3A_146 = arith.constant 0 : i32
      %dma_start3A_147 = tpu.memref_slice %arg8[%dma_start3A_145, %dma_start3A_146] : memref<3x128xi32, #tpu.memory_space<vmem>> -> memref<1x128xi32, #tpu.memory_space<vmem>>
      %dma_start3A_148 = tpu.memref_squeeze %dma_start3A_147 : memref<1x128xi32, #tpu.memory_space<vmem>> -> memref<128xi32, #tpu.memory_space<vmem>>
      %dma_start3A_149 = arith.constant 0 : i32
      %dma_start3A_150 = tpu.memref_slice %arg4[%arg1, %dma_start3A_144, %dma_start3A_149] : memref<16x80x128xi32, #tpu.memory_space<hbm>> -> memref<1x1x128xi32, #tpu.memory_space<hbm>>
      %dma_start3A_151 = tpu.memref_squeeze %dma_start3A_150 : memref<1x1x128xi32, #tpu.memory_space<hbm>> -> memref<128xi32, #tpu.memory_space<hbm>>
      %dma_start3A_152 = arith.constant 0 : i32
      %dma_start3A_153 = tpu.memref_slice %arg8[%dma_start3A_145, %dma_start3A_152] : memref<3x128xi32, #tpu.memory_space<vmem>> -> memref<1x128xi32, #tpu.memory_space<vmem>>
      %dma_start3A_154 = tpu.memref_squeeze %dma_start3A_153 : memref<1x128xi32, #tpu.memory_space<vmem>> -> memref<128xi32, #tpu.memory_space<vmem>>
      %dma_start3A_155 = arith.constant 0 : i32
      %dma_start3A_156 = tpu.memref_slice %arg4[%arg1, %dma_start3A_144, %dma_start3A_155] : memref<16x80x128xi32, #tpu.memory_space<hbm>> -> memref<1x1x128xi32, #tpu.memory_space<hbm>>
      %dma_start3A_157 = tpu.memref_squeeze %dma_start3A_156 : memref<1x1x128xi32, #tpu.memory_space<hbm>> -> memref<128xi32, #tpu.memory_space<hbm>>
      tpu.enqueue_dma source(%dma_start3A_157 : memref<128xi32, #tpu.memory_space<hbm>>) target(%dma_start3A_154 : memref<128xi32, #tpu.memory_space<vmem>>) target_semaphore(%arg18 : memref<!tpu.dma_semaphore, #tpu.memory_space<semaphore_mem>>)
      %scan3A = arith.constant 0 : i32
      %scan3A_158 = arith.constant 0 : i32
      %scan3A_159 = arith.constant 25 : i32
      %scan3A_160 = arith.addi %scan3A_158, %scan3A_159 : i32
      %scan3A_161 = arith.constant 1 : i32
      scf.for %scan3A_312 = %scan3A_158 to %scan3A_160 step %scan3A_161  : i32 {
        %mul3A_313 = arith.constant 3 : i32
        %mul3A_314 = arith.muli %scan3A_312, %mul3A_313 : i32
        %add3A_315 = arith.constant 2 : i32
        %add3A_316 = arith.addi %add3A_315, %mul3A_314 : i32
        %add3A_317 = arith.constant 0 : i32
        %add3A_318 = arith.addi %add3A_316, %add3A_317 : i32
        %dma_wait3A_319 = arith.constant 2 : i32
        %dma_wait3A_320 = arith.constant 0 : i32
        %dma_wait3A_321 = tpu.memref_slice %arg8[%dma_wait3A_319, %dma_wait3A_320] : memref<3x128xi32, #tpu.memory_space<vmem>> -> memref<1x128xi32, #tpu.memory_space<vmem>>
        %dma_wait3A_322 = tpu.memref_squeeze %dma_wait3A_321 : memref<1x128xi32, #tpu.memory_space<vmem>> -> memref<128xi32, #tpu.memory_space<vmem>>
        %dma_wait3A_323 = arith.constant 0 : i32
        %dma_wait3A_324 = arith.constant 0 : i32
        %dma_wait3A_325 = tpu.memref_slice %arg7[%dma_wait3A_323, %dma_wait3A_324] : memref<10112x128xf32, #tpu.memory_space<vmem_shared>> -> memref<10112x128xf32, #tpu.memory_space<vmem_shared>>
        tpu.wait_indirect_dma semaphore(%arg14 : memref<!tpu.dma_semaphore, #tpu.memory_space<semaphore_mem>>) src(%dma_wait3A_325 : memref<10112x128xf32, #tpu.memory_space<vmem_shared>>) dst(%arg11 : memref<128x128xf32, #tpu.memory_space<vmem>>)
        %mul3A_326 = arith.constant 128 : i32
        %mul3A_327 = arith.muli %add3A_318, %mul3A_326 : i32
        %add3A_328 = arith.addi %mul3A_0, %mul3A_327 : i32
        %dma_start3A_329 = arith.constant 0 : i32
        %dma_start3A_330 = arith.constant 0 : i32
        %dma_start3A_331 = tpu.memref_slice %arg6[%dma_start3A_329, %add3A_328, %dma_start3A_330] : memref<2x163840x128xf32, #tpu.memory_space<hbm>> -> memref<1x128x128xf32, #tpu.memory_space<hbm>>
        %dma_start3A_332 = tpu.memref_squeeze %dma_start3A_331 : memref<1x128x128xf32, #tpu.memory_space<hbm>> -> memref<128x128xf32, #tpu.memory_space<hbm>>
        %dma_start3A_333 = arith.constant 0 : i32
        %dma_start3A_334 = tpu.memref_slice %arg6[%dma_start3A_329, %add3A_328, %dma_start3A_333] : memref<2x163840x128xf32, #tpu.memory_space<hbm>> -> memref<1x128x128xf32, #tpu.memory_space<hbm>>
        %dma_start3A_335 = tpu.memref_squeeze %dma_start3A_334 : memref<1x128x128xf32, #tpu.memory_space<hbm>> -> memref<128x128xf32, #tpu.memory_space<hbm>>
        tpu.enqueue_dma source(%arg11 : memref<128x128xf32, #tpu.memory_space<vmem>>) target(%dma_start3A_335 : memref<128x128xf32, #tpu.memory_space<hbm>>) target_semaphore(%arg17 : memref<!tpu.dma_semaphore, #tpu.memory_space<semaphore_mem>>)
        %add3A_336 = arith.constant 1 : i32
        %add3A_337 = arith.addi %add3A_318, %add3A_336 : i32
        %dma_wait3A_338 = arith.constant 0 : i32
        %dma_wait3A_339 = arith.constant 0 : i32
        %dma_wait3A_340 = tpu.memref_slice %arg8[%dma_wait3A_338, %dma_wait3A_339] : memref<3x128xi32, #tpu.memory_space<vmem>> -> memref<1x128xi32, #tpu.memory_space<vmem>>
        %dma_wait3A_341 = tpu.memref_squeeze %dma_wait3A_340 : memref<1x128xi32, #tpu.memory_space<vmem>> -> memref<128xi32, #tpu.memory_space<vmem>>
        %dma_wait3A_342 = arith.constant 0 : i32
        %dma_wait3A_343 = tpu.memref_slice %arg4[%arg1, %add3A_337, %dma_wait3A_342] : memref<16x80x128xi32, #tpu.memory_space<hbm>> -> memref<1x1x128xi32, #tpu.memory_space<hbm>>
        %dma_wait3A_344 = tpu.memref_squeeze %dma_wait3A_343 : memref<1x1x128xi32, #tpu.memory_space<hbm>> -> memref<128xi32, #tpu.memory_space<hbm>>
        %dma_wait3A_345 = arith.constant 0 : i32
        %dma_wait3A_346 = tpu.memref_slice %arg8[%dma_wait3A_338, %dma_wait3A_345] : memref<3x128xi32, #tpu.memory_space<vmem>> -> memref<1x128xi32, #tpu.memory_space<vmem>>
        %dma_wait3A_347 = tpu.memref_squeeze %dma_wait3A_346 : memref<1x128xi32, #tpu.memory_space<vmem>> -> memref<128xi32, #tpu.memory_space<vmem>>
        %dma_wait3A_348 = arith.constant 0 : i32
        %dma_wait3A_349 = tpu.memref_slice %arg4[%arg1, %add3A_337, %dma_wait3A_348] : memref<16x80x128xi32, #tpu.memory_space<hbm>> -> memref<1x1x128xi32, #tpu.memory_space<hbm>>
        %dma_wait3A_350 = tpu.memref_squeeze %dma_wait3A_349 : memref<1x1x128xi32, #tpu.memory_space<hbm>> -> memref<128xi32, #tpu.memory_space<hbm>>
        tpu.wait_dma2 semaphore(%arg18 : memref<!tpu.dma_semaphore, #tpu.memory_space<semaphore_mem>>) src(%dma_wait3A_350 : memref<128xi32, #tpu.memory_space<hbm>>) dst(%dma_wait3A_347 : memref<128xi32, #tpu.memory_space<vmem>>)
        %sub3A = arith.constant 2 : i32
        %sub3A_351 = arith.subi %add3A_318, %sub3A : i32
        %mul3A_352 = arith.constant 128 : i32
        %mul3A_353 = arith.muli %sub3A_351, %mul3A_352 : i32
        %add3A_354 = arith.addi %mul3A_0, %mul3A_353 : i32
        %dma_wait3A_355 = arith.constant 0 : i32
        %dma_wait3A_356 = arith.constant 0 : i32
        %dma_wait3A_357 = tpu.memref_slice %arg6[%dma_wait3A_355, %add3A_354, %dma_wait3A_356] : memref<2x163840x128xf32, #tpu.memory_space<hbm>> -> memref<1x128x128xf32, #tpu.memory_space<hbm>>
        %dma_wait3A_358 = tpu.memref_squeeze %dma_wait3A_357 : memref<1x128x128xf32, #tpu.memory_space<hbm>> -> memref<128x128xf32, #tpu.memory_space<hbm>>
        %dma_wait3A_359 = arith.constant 0 : i32
        %dma_wait3A_360 = tpu.memref_slice %arg6[%dma_wait3A_355, %add3A_354, %dma_wait3A_359] : memref<2x163840x128xf32, #tpu.memory_space<hbm>> -> memref<1x128x128xf32, #tpu.memory_space<hbm>>
        %dma_wait3A_361 = tpu.memref_squeeze %dma_wait3A_360 : memref<1x128x128xf32, #tpu.memory_space<hbm>> -> memref<128x128xf32, #tpu.memory_space<hbm>>
        tpu.wait_dma2 semaphore(%arg15 : memref<!tpu.dma_semaphore, #tpu.memory_space<semaphore_mem>>) src(%arg9 : memref<128x128xf32, #tpu.memory_space<vmem>>) dst(%dma_wait3A_361 : memref<128x128xf32, #tpu.memory_space<hbm>>)
        %dma_start3A_362 = arith.constant 0 : i32
        %dma_start3A_363 = arith.constant 0 : i32
        %dma_start3A_364 = tpu.memref_slice %arg8[%dma_start3A_362, %dma_start3A_363] : memref<3x128xi32, #tpu.memory_space<vmem>> -> memref<1x128xi32, #tpu.memory_space<vmem>>
        %dma_start3A_365 = tpu.memref_squeeze %dma_start3A_364 : memref<1x128xi32, #tpu.memory_space<vmem>> -> memref<128xi32, #tpu.memory_space<vmem>>
        %dma_start3A_366 = arith.constant 0 : i32
        %dma_start3A_367 = arith.constant 0 : i32
        %dma_start3A_368 = tpu.memref_slice %arg7[%dma_start3A_366, %dma_start3A_367] : memref<10112x128xf32, #tpu.memory_space<vmem_shared>> -> memref<10112x128xf32, #tpu.memory_space<vmem_shared>>
        tpu.enqueue_indirect_dma source(%dma_start3A_368 : memref<10112x128xf32, #tpu.memory_space<vmem_shared>>) target(%arg9 : memref<128x128xf32, #tpu.memory_space<vmem>>) offsets(%dma_start3A_365 : memref<128xi32, #tpu.memory_space<vmem>>) semaphore(%arg12 : memref<!tpu.dma_semaphore, #tpu.memory_space<semaphore_mem>>)
        %add3A_369 = arith.constant 2 : i32
        %add3A_370 = arith.addi %add3A_318, %add3A_369 : i32
        %dma_start3A_371 = arith.constant 1 : i32
        %dma_start3A_372 = arith.constant 0 : i32
        %dma_start3A_373 = tpu.memref_slice %arg8[%dma_start3A_371, %dma_start3A_372] : memref<3x128xi32, #tpu.memory_space<vmem>> -> memref<1x128xi32, #tpu.memory_space<vmem>>
        %dma_start3A_374 = tpu.memref_squeeze %dma_start3A_373 : memref<1x128xi32, #tpu.memory_space<vmem>> -> memref<128xi32, #tpu.memory_space<vmem>>
        %dma_start3A_375 = arith.constant 0 : i32
        %dma_start3A_376 = tpu.memref_slice %arg4[%arg1, %add3A_370, %dma_start3A_375] : memref<16x80x128xi32, #tpu.memory_space<hbm>> -> memref<1x1x128xi32, #tpu.memory_space<hbm>>
        %dma_start3A_377 = tpu.memref_squeeze %dma_start3A_376 : memref<1x1x128xi32, #tpu.memory_space<hbm>> -> memref<128xi32, #tpu.memory_space<hbm>>
        %dma_start3A_378 = arith.constant 0 : i32
        %dma_start3A_379 = tpu.memref_slice %arg8[%dma_start3A_371, %dma_start3A_378] : memref<3x128xi32, #tpu.memory_space<vmem>> -> memref<1x128xi32, #tpu.memory_space<vmem>>
        %dma_start3A_380 = tpu.memref_squeeze %dma_start3A_379 : memref<1x128xi32, #tpu.memory_space<vmem>> -> memref<128xi32, #tpu.memory_space<vmem>>
        %dma_start3A_381 = arith.constant 0 : i32
        %dma_start3A_382 = tpu.memref_slice %arg4[%arg1, %add3A_370, %dma_start3A_381] : memref<16x80x128xi32, #tpu.memory_space<hbm>> -> memref<1x1x128xi32, #tpu.memory_space<hbm>>
        %dma_start3A_383 = tpu.memref_squeeze %dma_start3A_382 : memref<1x1x128xi32, #tpu.memory_space<hbm>> -> memref<128xi32, #tpu.memory_space<hbm>>
        tpu.enqueue_dma source(%dma_start3A_383 : memref<128xi32, #tpu.memory_space<hbm>>) target(%dma_start3A_380 : memref<128xi32, #tpu.memory_space<vmem>>) target_semaphore(%arg19 : memref<!tpu.dma_semaphore, #tpu.memory_space<semaphore_mem>>)
        %mul3A_384 = arith.constant 3 : i32
        %mul3A_385 = arith.muli %scan3A_312, %mul3A_384 : i32
        %add3A_386 = arith.constant 2 : i32
        %add3A_387 = arith.addi %add3A_386, %mul3A_385 : i32
        %add3A_388 = arith.constant 1 : i32
        %add3A_389 = arith.addi %add3A_387, %add3A_388 : i32
        %dma_wait3A_390 = arith.constant 0 : i32
        %dma_wait3A_391 = arith.constant 0 : i32
        %dma_wait3A_392 = tpu.memref_slice %arg8[%dma_wait3A_390, %dma_wait3A_391] : memref<3x128xi32, #tpu.memory_space<vmem>> -> memref<1x128xi32, #tpu.memory_space<vmem>>
        %dma_wait3A_393 = tpu.memref_squeeze %dma_wait3A_392 : memref<1x128xi32, #tpu.memory_space<vmem>> -> memref<128xi32, #tpu.memory_space<vmem>>
        %dma_wait3A_394 = arith.constant 0 : i32
        %dma_wait3A_395 = arith.constant 0 : i32
        %dma_wait3A_396 = tpu.memref_slice %arg7[%dma_wait3A_394, %dma_wait3A_395] : memref<10112x128xf32, #tpu.memory_space<vmem_shared>> -> memref<10112x128xf32, #tpu.memory_space<vmem_shared>>
        tpu.wait_indirect_dma semaphore(%arg12 : memref<!tpu.dma_semaphore, #tpu.memory_space<semaphore_mem>>) src(%dma_wait3A_396 : memref<10112x128xf32, #tpu.memory_space<vmem_shared>>) dst(%arg9 : memref<128x128xf32, #tpu.memory_space<vmem>>)
        %mul3A_397 = arith.constant 128 : i32
        %mul3A_398 = arith.muli %add3A_389, %mul3A_397 : i32
        %add3A_399 = arith.addi %mul3A_0, %mul3A_398 : i32
        %dma_start3A_400 = arith.constant 0 : i32
        %dma_start3A_401 = arith.constant 0 : i32
        %dma_start3A_402 = tpu.memref_slice %arg6[%dma_start3A_400, %add3A_399, %dma_start3A_401] : memref<2x163840x128xf32, #tpu.memory_space<hbm>> -> memref<1x128x128xf32, #tpu.memory_space<hbm>>
        %dma_start3A_403 = tpu.memref_squeeze %dma_start3A_402 : memref<1x128x128xf32, #tpu.memory_space<hbm>> -> memref<128x128xf32, #tpu.memory_space<hbm>>
        %dma_start3A_404 = arith.constant 0 : i32
        %dma_start3A_405 = tpu.memref_slice %arg6[%dma_start3A_400, %add3A_399, %dma_start3A_404] : memref<2x163840x128xf32, #tpu.memory_space<hbm>> -> memref<1x128x128xf32, #tpu.memory_space<hbm>>
        %dma_start3A_406 = tpu.memref_squeeze %dma_start3A_405 : memref<1x128x128xf32, #tpu.memory_space<hbm>> -> memref<128x128xf32, #tpu.memory_space<hbm>>
        tpu.enqueue_dma source(%arg9 : memref<128x128xf32, #tpu.memory_space<vmem>>) target(%dma_start3A_406 : memref<128x128xf32, #tpu.memory_space<hbm>>) target_semaphore(%arg15 : memref<!tpu.dma_semaphore, #tpu.memory_space<semaphore_mem>>)
        %add3A_407 = arith.constant 1 : i32
        %add3A_408 = arith.addi %add3A_389, %add3A_407 : i32
        %dma_wait3A_409 = arith.constant 1 : i32
        %dma_wait3A_410 = arith.constant 0 : i32
        %dma_wait3A_411 = tpu.memref_slice %arg8[%dma_wait3A_409, %dma_wait3A_410] : memref<3x128xi32, #tpu.memory_space<vmem>> -> memref<1x128xi32, #tpu.memory_space<vmem>>
        %dma_wait3A_412 = tpu.memref_squeeze %dma_wait3A_411 : memref<1x128xi32, #tpu.memory_space<vmem>> -> memref<128xi32, #tpu.memory_space<vmem>>
        %dma_wait3A_413 = arith.constant 0 : i32
        %dma_wait3A_414 = tpu.memref_slice %arg4[%arg1, %add3A_408, %dma_wait3A_413] : memref<16x80x128xi32, #tpu.memory_space<hbm>> -> memref<1x1x128xi32, #tpu.memory_space<hbm>>
        %dma_wait3A_415 = tpu.memref_squeeze %dma_wait3A_414 : memref<1x1x128xi32, #tpu.memory_space<hbm>> -> memref<128xi32, #tpu.memory_space<hbm>>
        %dma_wait3A_416 = arith.constant 0 : i32
        %dma_wait3A_417 = tpu.memref_slice %arg8[%dma_wait3A_409, %dma_wait3A_416] : memref<3x128xi32, #tpu.memory_space<vmem>> -> memref<1x128xi32, #tpu.memory_space<vmem>>
        %dma_wait3A_418 = tpu.memref_squeeze %dma_wait3A_417 : memref<1x128xi32, #tpu.memory_space<vmem>> -> memref<128xi32, #tpu.memory_space<vmem>>
        %dma_wait3A_419 = arith.constant 0 : i32
        %dma_wait3A_420 = tpu.memref_slice %arg4[%arg1, %add3A_408, %dma_wait3A_419] : memref<16x80x128xi32, #tpu.memory_space<hbm>> -> memref<1x1x128xi32, #tpu.memory_space<hbm>>
        %dma_wait3A_421 = tpu.memref_squeeze %dma_wait3A_420 : memref<1x1x128xi32, #tpu.memory_space<hbm>> -> memref<128xi32, #tpu.memory_space<hbm>>
        tpu.wait_dma2 semaphore(%arg19 : memref<!tpu.dma_semaphore, #tpu.memory_space<semaphore_mem>>) src(%dma_wait3A_421 : memref<128xi32, #tpu.memory_space<hbm>>) dst(%dma_wait3A_418 : memref<128xi32, #tpu.memory_space<vmem>>)
        %sub3A_422 = arith.constant 2 : i32
        %sub3A_423 = arith.subi %add3A_389, %sub3A_422 : i32
        %mul3A_424 = arith.constant 128 : i32
        %mul3A_425 = arith.muli %sub3A_423, %mul3A_424 : i32
        %add3A_426 = arith.addi %mul3A_0, %mul3A_425 : i32
        %dma_wait3A_427 = arith.constant 0 : i32
        %dma_wait3A_428 = arith.constant 0 : i32
        %dma_wait3A_429 = tpu.memref_slice %arg6[%dma_wait3A_427, %add3A_426, %dma_wait3A_428] : memref<2x163840x128xf32, #tpu.memory_space<hbm>> -> memref<1x128x128xf32, #tpu.memory_space<hbm>>
        %dma_wait3A_430 = tpu.memref_squeeze %dma_wait3A_429 : memref<1x128x128xf32, #tpu.memory_space<hbm>> -> memref<128x128xf32, #tpu.memory_space<hbm>>
        %dma_wait3A_431 = arith.constant 0 : i32
        %dma_wait3A_432 = tpu.memref_slice %arg6[%dma_wait3A_427, %add3A_426, %dma_wait3A_431] : memref<2x163840x128xf32, #tpu.memory_space<hbm>> -> memref<1x128x128xf32, #tpu.memory_space<hbm>>
        %dma_wait3A_433 = tpu.memref_squeeze %dma_wait3A_432 : memref<1x128x128xf32, #tpu.memory_space<hbm>> -> memref<128x128xf32, #tpu.memory_space<hbm>>
        tpu.wait_dma2 semaphore(%arg16 : memref<!tpu.dma_semaphore, #tpu.memory_space<semaphore_mem>>) src(%arg10 : memref<128x128xf32, #tpu.memory_space<vmem>>) dst(%dma_wait3A_433 : memref<128x128xf32, #tpu.memory_space<hbm>>)
        %dma_start3A_434 = arith.constant 1 : i32
        %dma_start3A_435 = arith.constant 0 : i32
        %dma_start3A_436 = tpu.memref_slice %arg8[%dma_start3A_434, %dma_start3A_435] : memref<3x128xi32, #tpu.memory_space<vmem>> -> memref<1x128xi32, #tpu.memory_space<vmem>>
        %dma_start3A_437 = tpu.memref_squeeze %dma_start3A_436 : memref<1x128xi32, #tpu.memory_space<vmem>> -> memref<128xi32, #tpu.memory_space<vmem>>
        %dma_start3A_438 = arith.constant 0 : i32
        %dma_start3A_439 = arith.constant 0 : i32
        %dma_start3A_440 = tpu.memref_slice %arg7[%dma_start3A_438, %dma_start3A_439] : memref<10112x128xf32, #tpu.memory_space<vmem_shared>> -> memref<10112x128xf32, #tpu.memory_space<vmem_shared>>
        tpu.enqueue_indirect_dma source(%dma_start3A_440 : memref<10112x128xf32, #tpu.memory_space<vmem_shared>>) target(%arg10 : memref<128x128xf32, #tpu.memory_space<vmem>>) offsets(%dma_start3A_437 : memref<128xi32, #tpu.memory_space<vmem>>) semaphore(%arg13 : memref<!tpu.dma_semaphore, #tpu.memory_space<semaphore_mem>>)
        %add3A_441 = arith.constant 2 : i32
        %add3A_442 = arith.addi %add3A_389, %add3A_441 : i32
        %dma_start3A_443 = arith.constant 2 : i32
        %dma_start3A_444 = arith.constant 0 : i32
        %dma_start3A_445 = tpu.memref_slice %arg8[%dma_start3A_443, %dma_start3A_444] : memref<3x128xi32, #tpu.memory_space<vmem>> -> memref<1x128xi32, #tpu.memory_space<vmem>>
        %dma_start3A_446 = tpu.memref_squeeze %dma_start3A_445 : memref<1x128xi32, #tpu.memory_space<vmem>> -> memref<128xi32, #tpu.memory_space<vmem>>
        %dma_start3A_447 = arith.constant 0 : i32
        %dma_start3A_448 = tpu.memref_slice %arg4[%arg1, %add3A_442, %dma_start3A_447] : memref<16x80x128xi32, #tpu.memory_space<hbm>> -> memref<1x1x128xi32, #tpu.memory_space<hbm>>
        %dma_start3A_449 = tpu.memref_squeeze %dma_start3A_448 : memref<1x1x128xi32, #tpu.memory_space<hbm>> -> memref<128xi32, #tpu.memory_space<hbm>>
        %dma_start3A_450 = arith.constant 0 : i32
        %dma_start3A_451 = tpu.memref_slice %arg8[%dma_start3A_443, %dma_start3A_450] : memref<3x128xi32, #tpu.memory_space<vmem>> -> memref<1x128xi32, #tpu.memory_space<vmem>>
        %dma_start3A_452 = tpu.memref_squeeze %dma_start3A_451 : memref<1x128xi32, #tpu.memory_space<vmem>> -> memref<128xi32, #tpu.memory_space<vmem>>
        %dma_start3A_453 = arith.constant 0 : i32
        %dma_start3A_454 = tpu.memref_slice %arg4[%arg1, %add3A_442, %dma_start3A_453] : memref<16x80x128xi32, #tpu.memory_space<hbm>> -> memref<1x1x128xi32, #tpu.memory_space<hbm>>
        %dma_start3A_455 = tpu.memref_squeeze %dma_start3A_454 : memref<1x1x128xi32, #tpu.memory_space<hbm>> -> memref<128xi32, #tpu.memory_space<hbm>>
        tpu.enqueue_dma source(%dma_start3A_455 : memref<128xi32, #tpu.memory_space<hbm>>) target(%dma_start3A_452 : memref<128xi32, #tpu.memory_space<vmem>>) target_semaphore(%arg20 : memref<!tpu.dma_semaphore, #tpu.memory_space<semaphore_mem>>)
        %mul3A_456 = arith.constant 3 : i32
        %mul3A_457 = arith.muli %scan3A_312, %mul3A_456 : i32
        %add3A_458 = arith.constant 2 : i32
        %add3A_459 = arith.addi %add3A_458, %mul3A_457 : i32
        %add3A_460 = arith.constant 2 : i32
        %add3A_461 = arith.addi %add3A_459, %add3A_460 : i32
        %dma_wait3A_462 = arith.constant 1 : i32
        %dma_wait3A_463 = arith.constant 0 : i32
        %dma_wait3A_464 = tpu.memref_slice %arg8[%dma_wait3A_462, %dma_wait3A_463] : memref<3x128xi32, #tpu.memory_space<vmem>> -> memref<1x128xi32, #tpu.memory_space<vmem>>
        %dma_wait3A_465 = tpu.memref_squeeze %dma_wait3A_464 : memref<1x128xi32, #tpu.memory_space<vmem>> -> memref<128xi32, #tpu.memory_space<vmem>>
        %dma_wait3A_466 = arith.constant 0 : i32
        %dma_wait3A_467 = arith.constant 0 : i32
        %dma_wait3A_468 = tpu.memref_slice %arg7[%dma_wait3A_466, %dma_wait3A_467] : memref<10112x128xf32, #tpu.memory_space<vmem_shared>> -> memref<10112x128xf32, #tpu.memory_space<vmem_shared>>
        tpu.wait_indirect_dma semaphore(%arg13 : memref<!tpu.dma_semaphore, #tpu.memory_space<semaphore_mem>>) src(%dma_wait3A_468 : memref<10112x128xf32, #tpu.memory_space<vmem_shared>>) dst(%arg10 : memref<128x128xf32, #tpu.memory_space<vmem>>)
        %mul3A_469 = arith.constant 128 : i32
        %mul3A_470 = arith.muli %add3A_461, %mul3A_469 : i32
        %add3A_471 = arith.addi %mul3A_0, %mul3A_470 : i32
        %dma_start3A_472 = arith.constant 0 : i32
        %dma_start3A_473 = arith.constant 0 : i32
        %dma_start3A_474 = tpu.memref_slice %arg6[%dma_start3A_472, %add3A_471, %dma_start3A_473] : memref<2x163840x128xf32, #tpu.memory_space<hbm>> -> memref<1x128x128xf32, #tpu.memory_space<hbm>>
        %dma_start3A_475 = tpu.memref_squeeze %dma_start3A_474 : memref<1x128x128xf32, #tpu.memory_space<hbm>> -> memref<128x128xf32, #tpu.memory_space<hbm>>
        %dma_start3A_476 = arith.constant 0 : i32
        %dma_start3A_477 = tpu.memref_slice %arg6[%dma_start3A_472, %add3A_471, %dma_start3A_476] : memref<2x163840x128xf32, #tpu.memory_space<hbm>> -> memref<1x128x128xf32, #tpu.memory_space<hbm>>
        %dma_start3A_478 = tpu.memref_squeeze %dma_start3A_477 : memref<1x128x128xf32, #tpu.memory_space<hbm>> -> memref<128x128xf32, #tpu.memory_space<hbm>>
        tpu.enqueue_dma source(%arg10 : memref<128x128xf32, #tpu.memory_space<vmem>>) target(%dma_start3A_478 : memref<128x128xf32, #tpu.memory_space<hbm>>) target_semaphore(%arg16 : memref<!tpu.dma_semaphore, #tpu.memory_space<semaphore_mem>>)
        %add3A_479 = arith.constant 1 : i32
        %add3A_480 = arith.addi %add3A_461, %add3A_479 : i32
        %dma_wait3A_481 = arith.constant 2 : i32
        %dma_wait3A_482 = arith.constant 0 : i32
        %dma_wait3A_483 = tpu.memref_slice %arg8[%dma_wait3A_481, %dma_wait3A_482] : memref<3x128xi32, #tpu.memory_space<vmem>> -> memref<1x128xi32, #tpu.memory_space<vmem>>
        %dma_wait3A_484 = tpu.memref_squeeze %dma_wait3A_483 : memref<1x128xi32, #tpu.memory_space<vmem>> -> memref<128xi32, #tpu.memory_space<vmem>>
        %dma_wait3A_485 = arith.constant 0 : i32
        %dma_wait3A_486 = tpu.memref_slice %arg4[%arg1, %add3A_480, %dma_wait3A_485] : memref<16x80x128xi32, #tpu.memory_space<hbm>> -> memref<1x1x128xi32, #tpu.memory_space<hbm>>
        %dma_wait3A_487 = tpu.memref_squeeze %dma_wait3A_486 : memref<1x1x128xi32, #tpu.memory_space<hbm>> -> memref<128xi32, #tpu.memory_space<hbm>>
        %dma_wait3A_488 = arith.constant 0 : i32
        %dma_wait3A_489 = tpu.memref_slice %arg8[%dma_wait3A_481, %dma_wait3A_488] : memref<3x128xi32, #tpu.memory_space<vmem>> -> memref<1x128xi32, #tpu.memory_space<vmem>>
        %dma_wait3A_490 = tpu.memref_squeeze %dma_wait3A_489 : memref<1x128xi32, #tpu.memory_space<vmem>> -> memref<128xi32, #tpu.memory_space<vmem>>
        %dma_wait3A_491 = arith.constant 0 : i32
        %dma_wait3A_492 = tpu.memref_slice %arg4[%arg1, %add3A_480, %dma_wait3A_491] : memref<16x80x128xi32, #tpu.memory_space<hbm>> -> memref<1x1x128xi32, #tpu.memory_space<hbm>>
        %dma_wait3A_493 = tpu.memref_squeeze %dma_wait3A_492 : memref<1x1x128xi32, #tpu.memory_space<hbm>> -> memref<128xi32, #tpu.memory_space<hbm>>
        tpu.wait_dma2 semaphore(%arg20 : memref<!tpu.dma_semaphore, #tpu.memory_space<semaphore_mem>>) src(%dma_wait3A_493 : memref<128xi32, #tpu.memory_space<hbm>>) dst(%dma_wait3A_490 : memref<128xi32, #tpu.memory_space<vmem>>)
        %sub3A_494 = arith.constant 2 : i32
        %sub3A_495 = arith.subi %add3A_461, %sub3A_494 : i32
        %mul3A_496 = arith.constant 128 : i32
        %mul3A_497 = arith.muli %sub3A_495, %mul3A_496 : i32
        %add3A_498 = arith.addi %mul3A_0, %mul3A_497 : i32
        %dma_wait3A_499 = arith.constant 0 : i32
        %dma_wait3A_500 = arith.constant 0 : i32
        %dma_wait3A_501 = tpu.memref_slice %arg6[%dma_wait3A_499, %add3A_498, %dma_wait3A_500] : memref<2x163840x128xf32, #tpu.memory_space<hbm>> -> memref<1x128x128xf32, #tpu.memory_space<hbm>>
        %dma_wait3A_502 = tpu.memref_squeeze %dma_wait3A_501 : memref<1x128x128xf32, #tpu.memory_space<hbm>> -> memref<128x128xf32, #tpu.memory_space<hbm>>
        %dma_wait3A_503 = arith.constant 0 : i32
        %dma_wait3A_504 = tpu.memref_slice %arg6[%dma_wait3A_499, %add3A_498, %dma_wait3A_503] : memref<2x163840x128xf32, #tpu.memory_space<hbm>> -> memref<1x128x128xf32, #tpu.memory_space<hbm>>
        %dma_wait3A_505 = tpu.memref_squeeze %dma_wait3A_504 : memref<1x128x128xf32, #tpu.memory_space<hbm>> -> memref<128x128xf32, #tpu.memory_space<hbm>>
        tpu.wait_dma2 semaphore(%arg17 : memref<!tpu.dma_semaphore, #tpu.memory_space<semaphore_mem>>) src(%arg11 : memref<128x128xf32, #tpu.memory_space<vmem>>) dst(%dma_wait3A_505 : memref<128x128xf32, #tpu.memory_space<hbm>>)
        %dma_start3A_506 = arith.constant 2 : i32
        %dma_start3A_507 = arith.constant 0 : i32
        %dma_start3A_508 = tpu.memref_slice %arg8[%dma_start3A_506, %dma_start3A_507] : memref<3x128xi32, #tpu.memory_space<vmem>> -> memref<1x128xi32, #tpu.memory_space<vmem>>
        %dma_start3A_509 = tpu.memref_squeeze %dma_start3A_508 : memref<1x128xi32, #tpu.memory_space<vmem>> -> memref<128xi32, #tpu.memory_space<vmem>>
        %dma_start3A_510 = arith.constant 0 : i32
        %dma_start3A_511 = arith.constant 0 : i32
        %dma_start3A_512 = tpu.memref_slice %arg7[%dma_start3A_510, %dma_start3A_511] : memref<10112x128xf32, #tpu.memory_space<vmem_shared>> -> memref<10112x128xf32, #tpu.memory_space<vmem_shared>>
        tpu.enqueue_indirect_dma source(%dma_start3A_512 : memref<10112x128xf32, #tpu.memory_space<vmem_shared>>) target(%arg11 : memref<128x128xf32, #tpu.memory_space<vmem>>) offsets(%dma_start3A_509 : memref<128xi32, #tpu.memory_space<vmem>>) semaphore(%arg14 : memref<!tpu.dma_semaphore, #tpu.memory_space<semaphore_mem>>)
        %add3A_513 = arith.constant 2 : i32
        %add3A_514 = arith.addi %add3A_461, %add3A_513 : i32
        %dma_start3A_515 = arith.constant 0 : i32
        %dma_start3A_516 = arith.constant 0 : i32
        %dma_start3A_517 = tpu.memref_slice %arg8[%dma_start3A_515, %dma_start3A_516] : memref<3x128xi32, #tpu.memory_space<vmem>> -> memref<1x128xi32, #tpu.memory_space<vmem>>
        %dma_start3A_518 = tpu.memref_squeeze %dma_start3A_517 : memref<1x128xi32, #tpu.memory_space<vmem>> -> memref<128xi32, #tpu.memory_space<vmem>>
        %dma_start3A_519 = arith.constant 0 : i32
        %dma_start3A_520 = tpu.memref_slice %arg4[%arg1, %add3A_514, %dma_start3A_519] : memref<16x80x128xi32, #tpu.memory_space<hbm>> -> memref<1x1x128xi32, #tpu.memory_space<hbm>>
        %dma_start3A_521 = tpu.memref_squeeze %dma_start3A_520 : memref<1x1x128xi32, #tpu.memory_space<hbm>> -> memref<128xi32, #tpu.memory_space<hbm>>
        %dma_start3A_522 = arith.constant 0 : i32
        %dma_start3A_523 = tpu.memref_slice %arg8[%dma_start3A_515, %dma_start3A_522] : memref<3x128xi32, #tpu.memory_space<vmem>> -> memref<1x128xi32, #tpu.memory_space<vmem>>
        %dma_start3A_524 = tpu.memref_squeeze %dma_start3A_523 : memref<1x128xi32, #tpu.memory_space<vmem>> -> memref<128xi32, #tpu.memory_space<vmem>>
        %dma_start3A_525 = arith.constant 0 : i32
        %dma_start3A_526 = tpu.memref_slice %arg4[%arg1, %add3A_514, %dma_start3A_525] : memref<16x80x128xi32, #tpu.memory_space<hbm>> -> memref<1x1x128xi32, #tpu.memory_space<hbm>>
        %dma_start3A_527 = tpu.memref_squeeze %dma_start3A_526 : memref<1x1x128xi32, #tpu.memory_space<hbm>> -> memref<128xi32, #tpu.memory_space<hbm>>
        tpu.enqueue_dma source(%dma_start3A_527 : memref<128xi32, #tpu.memory_space<hbm>>) target(%dma_start3A_524 : memref<128xi32, #tpu.memory_space<vmem>>) target_semaphore(%arg18 : memref<!tpu.dma_semaphore, #tpu.memory_space<semaphore_mem>>)
      }
      %scan3A_162 = arith.constant 25 : i32
      %dma_wait3A_163 = arith.constant 2 : i32
      %dma_wait3A_164 = arith.constant 0 : i32
      %dma_wait3A_165 = tpu.memref_slice %arg8[%dma_wait3A_163, %dma_wait3A_164] : memref<3x128xi32, #tpu.memory_space<vmem>> -> memref<1x128xi32, #tpu.memory_space<vmem>>
      %dma_wait3A_166 = tpu.memref_squeeze %dma_wait3A_165 : memref<1x128xi32, #tpu.memory_space<vmem>> -> memref<128xi32, #tpu.memory_space<vmem>>
      %dma_wait3A_167 = arith.constant 0 : i32
      %dma_wait3A_168 = arith.constant 0 : i32
      %dma_wait3A_169 = tpu.memref_slice %arg7[%dma_wait3A_167, %dma_wait3A_168] : memref<10112x128xf32, #tpu.memory_space<vmem_shared>> -> memref<10112x128xf32, #tpu.memory_space<vmem_shared>>
      tpu.wait_indirect_dma semaphore(%arg14 : memref<!tpu.dma_semaphore, #tpu.memory_space<semaphore_mem>>) src(%dma_wait3A_169 : memref<10112x128xf32, #tpu.memory_space<vmem_shared>>) dst(%arg11 : memref<128x128xf32, #tpu.memory_space<vmem>>)
      %add3A_170 = arith.constant 9856 : i32
      %add3A_171 = arith.addi %mul3A_0, %add3A_170 : i32
      %dma_start3A_172 = arith.constant 0 : i32
      %dma_start3A_173 = arith.constant 0 : i32
      %dma_start3A_174 = tpu.memref_slice %arg6[%dma_start3A_172, %add3A_171, %dma_start3A_173] : memref<2x163840x128xf32, #tpu.memory_space<hbm>> -> memref<1x128x128xf32, #tpu.memory_space<hbm>>
      %dma_start3A_175 = tpu.memref_squeeze %dma_start3A_174 : memref<1x128x128xf32, #tpu.memory_space<hbm>> -> memref<128x128xf32, #tpu.memory_space<hbm>>
      %dma_start3A_176 = arith.constant 0 : i32
      %dma_start3A_177 = tpu.memref_slice %arg6[%dma_start3A_172, %add3A_171, %dma_start3A_176] : memref<2x163840x128xf32, #tpu.memory_space<hbm>> -> memref<1x128x128xf32, #tpu.memory_space<hbm>>
      %dma_start3A_178 = tpu.memref_squeeze %dma_start3A_177 : memref<1x128x128xf32, #tpu.memory_space<hbm>> -> memref<128x128xf32, #tpu.memory_space<hbm>>
      tpu.enqueue_dma source(%arg11 : memref<128x128xf32, #tpu.memory_space<vmem>>) target(%dma_start3A_178 : memref<128x128xf32, #tpu.memory_space<hbm>>) target_semaphore(%arg17 : memref<!tpu.dma_semaphore, #tpu.memory_space<semaphore_mem>>)
      %dma_wait3A_179 = arith.constant 78 : i32
      %dma_wait3A_180 = arith.constant 0 : i32
      %dma_wait3A_181 = arith.constant 0 : i32
      %dma_wait3A_182 = tpu.memref_slice %arg8[%dma_wait3A_180, %dma_wait3A_181] : memref<3x128xi32, #tpu.memory_space<vmem>> -> memref<1x128xi32, #tpu.memory_space<vmem>>
      %dma_wait3A_183 = tpu.memref_squeeze %dma_wait3A_182 : memref<1x128xi32, #tpu.memory_space<vmem>> -> memref<128xi32, #tpu.memory_space<vmem>>
      %dma_wait3A_184 = arith.constant 0 : i32
      %dma_wait3A_185 = tpu.memref_slice %arg4[%arg1, %dma_wait3A_179, %dma_wait3A_184] : memref<16x80x128xi32, #tpu.memory_space<hbm>> -> memref<1x1x128xi32, #tpu.memory_space<hbm>>
      %dma_wait3A_186 = tpu.memref_squeeze %dma_wait3A_185 : memref<1x1x128xi32, #tpu.memory_space<hbm>> -> memref<128xi32, #tpu.memory_space<hbm>>
      %dma_wait3A_187 = arith.constant 0 : i32
      %dma_wait3A_188 = tpu.memref_slice %arg8[%dma_wait3A_180, %dma_wait3A_187] : memref<3x128xi32, #tpu.memory_space<vmem>> -> memref<1x128xi32, #tpu.memory_space<vmem>>
      %dma_wait3A_189 = tpu.memref_squeeze %dma_wait3A_188 : memref<1x128xi32, #tpu.memory_space<vmem>> -> memref<128xi32, #tpu.memory_space<vmem>>
      %dma_wait3A_190 = arith.constant 0 : i32
      %dma_wait3A_191 = tpu.memref_slice %arg4[%arg1, %dma_wait3A_179, %dma_wait3A_190] : memref<16x80x128xi32, #tpu.memory_space<hbm>> -> memref<1x1x128xi32, #tpu.memory_space<hbm>>
      %dma_wait3A_192 = tpu.memref_squeeze %dma_wait3A_191 : memref<1x1x128xi32, #tpu.memory_space<hbm>> -> memref<128xi32, #tpu.memory_space<hbm>>
      tpu.wait_dma2 semaphore(%arg18 : memref<!tpu.dma_semaphore, #tpu.memory_space<semaphore_mem>>) src(%dma_wait3A_192 : memref<128xi32, #tpu.memory_space<hbm>>) dst(%dma_wait3A_189 : memref<128xi32, #tpu.memory_space<vmem>>)
      %add3A_193 = arith.constant 9600 : i32
      %add3A_194 = arith.addi %mul3A_0, %add3A_193 : i32
      %dma_wait3A_195 = arith.constant 0 : i32
      %dma_wait3A_196 = arith.constant 0 : i32
      %dma_wait3A_197 = tpu.memref_slice %arg6[%dma_wait3A_195, %add3A_194, %dma_wait3A_196] : memref<2x163840x128xf32, #tpu.memory_space<hbm>> -> memref<1x128x128xf32, #tpu.memory_space<hbm>>
      %dma_wait3A_198 = tpu.memref_squeeze %dma_wait3A_197 : memref<1x128x128xf32, #tpu.memory_space<hbm>> -> memref<128x128xf32, #tpu.memory_space<hbm>>
      %dma_wait3A_199 = arith.constant 0 : i32
      %dma_wait3A_200 = tpu.memref_slice %arg6[%dma_wait3A_195, %add3A_194, %dma_wait3A_199] : memref<2x163840x128xf32, #tpu.memory_space<hbm>> -> memref<1x128x128xf32, #tpu.memory_space<hbm>>
      %dma_wait3A_201 = tpu.memref_squeeze %dma_wait3A_200 : memref<1x128x128xf32, #tpu.memory_space<hbm>> -> memref<128x128xf32, #tpu.memory_space<hbm>>
      tpu.wait_dma2 semaphore(%arg15 : memref<!tpu.dma_semaphore, #tpu.memory_space<semaphore_mem>>) src(%arg9 : memref<128x128xf32, #tpu.memory_space<vmem>>) dst(%dma_wait3A_201 : memref<128x128xf32, #tpu.memory_space<hbm>>)
      %dma_start3A_202 = arith.constant 0 : i32
      %dma_start3A_203 = arith.constant 0 : i32
      %dma_start3A_204 = tpu.memref_slice %arg8[%dma_start3A_202, %dma_start3A_203] : memref<3x128xi32, #tpu.memory_space<vmem>> -> memref<1x128xi32, #tpu.memory_space<vmem>>
      %dma_start3A_205 = tpu.memref_squeeze %dma_start3A_204 : memref<1x128xi32, #tpu.memory_space<vmem>> -> memref<128xi32, #tpu.memory_space<vmem>>
      %dma_start3A_206 = arith.constant 0 : i32
      %dma_start3A_207 = arith.constant 0 : i32
      %dma_start3A_208 = tpu.memref_slice %arg7[%dma_start3A_206, %dma_start3A_207] : memref<10112x128xf32, #tpu.memory_space<vmem_shared>> -> memref<10112x128xf32, #tpu.memory_space<vmem_shared>>
      tpu.enqueue_indirect_dma source(%dma_start3A_208 : memref<10112x128xf32, #tpu.memory_space<vmem_shared>>) target(%arg9 : memref<128x128xf32, #tpu.memory_space<vmem>>) offsets(%dma_start3A_205 : memref<128xi32, #tpu.memory_space<vmem>>) semaphore(%arg12 : memref<!tpu.dma_semaphore, #tpu.memory_space<semaphore_mem>>)
      %dma_start3A_209 = arith.constant 79 : i32
      %dma_start3A_210 = arith.constant 1 : i32
      %dma_start3A_211 = arith.constant 0 : i32
      %dma_start3A_212 = tpu.memref_slice %arg8[%dma_start3A_210, %dma_start3A_211] : memref<3x128xi32, #tpu.memory_space<vmem>> -> memref<1x128xi32, #tpu.memory_space<vmem>>
      %dma_start3A_213 = tpu.memref_squeeze %dma_start3A_212 : memref<1x128xi32, #tpu.memory_space<vmem>> -> memref<128xi32, #tpu.memory_space<vmem>>
      %dma_start3A_214 = arith.constant 0 : i32
      %dma_start3A_215 = tpu.memref_slice %arg4[%arg1, %dma_start3A_209, %dma_start3A_214] : memref<16x80x128xi32, #tpu.memory_space<hbm>> -> memref<1x1x128xi32, #tpu.memory_space<hbm>>
      %dma_start3A_216 = tpu.memref_squeeze %dma_start3A_215 : memref<1x1x128xi32, #tpu.memory_space<hbm>> -> memref<128xi32, #tpu.memory_space<hbm>>
      %dma_start3A_217 = arith.constant 0 : i32
      %dma_start3A_218 = tpu.memref_slice %arg8[%dma_start3A_210, %dma_start3A_217] : memref<3x128xi32, #tpu.memory_space<vmem>> -> memref<1x128xi32, #tpu.memory_space<vmem>>
      %dma_start3A_219 = tpu.memref_squeeze %dma_start3A_218 : memref<1x128xi32, #tpu.memory_space<vmem>> -> memref<128xi32, #tpu.memory_space<vmem>>
      %dma_start3A_220 = arith.constant 0 : i32
      %dma_start3A_221 = tpu.memref_slice %arg4[%arg1, %dma_start3A_209, %dma_start3A_220] : memref<16x80x128xi32, #tpu.memory_space<hbm>> -> memref<1x1x128xi32, #tpu.memory_space<hbm>>
      %dma_start3A_222 = tpu.memref_squeeze %dma_start3A_221 : memref<1x1x128xi32, #tpu.memory_space<hbm>> -> memref<128xi32, #tpu.memory_space<hbm>>
      tpu.enqueue_dma source(%dma_start3A_222 : memref<128xi32, #tpu.memory_space<hbm>>) target(%dma_start3A_219 : memref<128xi32, #tpu.memory_space<vmem>>) target_semaphore(%arg19 : memref<!tpu.dma_semaphore, #tpu.memory_space<semaphore_mem>>)
      %dma_wait3A_223 = arith.constant 0 : i32
      %dma_wait3A_224 = arith.constant 0 : i32
      %dma_wait3A_225 = tpu.memref_slice %arg8[%dma_wait3A_223, %dma_wait3A_224] : memref<3x128xi32, #tpu.memory_space<vmem>> -> memref<1x128xi32, #tpu.memory_space<vmem>>
      %dma_wait3A_226 = tpu.memref_squeeze %dma_wait3A_225 : memref<1x128xi32, #tpu.memory_space<vmem>> -> memref<128xi32, #tpu.memory_space<vmem>>
      %dma_wait3A_227 = arith.constant 0 : i32
      %dma_wait3A_228 = arith.constant 0 : i32
      %dma_wait3A_229 = tpu.memref_slice %arg7[%dma_wait3A_227, %dma_wait3A_228] : memref<10112x128xf32, #tpu.memory_space<vmem_shared>> -> memref<10112x128xf32, #tpu.memory_space<vmem_shared>>
      tpu.wait_indirect_dma semaphore(%arg12 : memref<!tpu.dma_semaphore, #tpu.memory_space<semaphore_mem>>) src(%dma_wait3A_229 : memref<10112x128xf32, #tpu.memory_space<vmem_shared>>) dst(%arg9 : memref<128x128xf32, #tpu.memory_space<vmem>>)
      %add3A_230 = arith.constant 9984 : i32
      %add3A_231 = arith.addi %mul3A_0, %add3A_230 : i32
      %dma_start3A_232 = arith.constant 0 : i32
      %dma_start3A_233 = arith.constant 0 : i32
      %dma_start3A_234 = tpu.memref_slice %arg6[%dma_start3A_232, %add3A_231, %dma_start3A_233] : memref<2x163840x128xf32, #tpu.memory_space<hbm>> -> memref<1x128x128xf32, #tpu.memory_space<hbm>>
      %dma_start3A_235 = tpu.memref_squeeze %dma_start3A_234 : memref<1x128x128xf32, #tpu.memory_space<hbm>> -> memref<128x128xf32, #tpu.memory_space<hbm>>
      %dma_start3A_236 = arith.constant 0 : i32
      %dma_start3A_237 = tpu.memref_slice %arg6[%dma_start3A_232, %add3A_231, %dma_start3A_236] : memref<2x163840x128xf32, #tpu.memory_space<hbm>> -> memref<1x128x128xf32, #tpu.memory_space<hbm>>
      %dma_start3A_238 = tpu.memref_squeeze %dma_start3A_237 : memref<1x128x128xf32, #tpu.memory_space<hbm>> -> memref<128x128xf32, #tpu.memory_space<hbm>>
      tpu.enqueue_dma source(%arg9 : memref<128x128xf32, #tpu.memory_space<vmem>>) target(%dma_start3A_238 : memref<128x128xf32, #tpu.memory_space<hbm>>) target_semaphore(%arg15 : memref<!tpu.dma_semaphore, #tpu.memory_space<semaphore_mem>>)
      %dma_wait3A_239 = arith.constant 79 : i32
      %dma_wait3A_240 = arith.constant 1 : i32
      %dma_wait3A_241 = arith.constant 0 : i32
      %dma_wait3A_242 = tpu.memref_slice %arg8[%dma_wait3A_240, %dma_wait3A_241] : memref<3x128xi32, #tpu.memory_space<vmem>> -> memref<1x128xi32, #tpu.memory_space<vmem>>
      %dma_wait3A_243 = tpu.memref_squeeze %dma_wait3A_242 : memref<1x128xi32, #tpu.memory_space<vmem>> -> memref<128xi32, #tpu.memory_space<vmem>>
      %dma_wait3A_244 = arith.constant 0 : i32
      %dma_wait3A_245 = tpu.memref_slice %arg4[%arg1, %dma_wait3A_239, %dma_wait3A_244] : memref<16x80x128xi32, #tpu.memory_space<hbm>> -> memref<1x1x128xi32, #tpu.memory_space<hbm>>
      %dma_wait3A_246 = tpu.memref_squeeze %dma_wait3A_245 : memref<1x1x128xi32, #tpu.memory_space<hbm>> -> memref<128xi32, #tpu.memory_space<hbm>>
      %dma_wait3A_247 = arith.constant 0 : i32
      %dma_wait3A_248 = tpu.memref_slice %arg8[%dma_wait3A_240, %dma_wait3A_247] : memref<3x128xi32, #tpu.memory_space<vmem>> -> memref<1x128xi32, #tpu.memory_space<vmem>>
      %dma_wait3A_249 = tpu.memref_squeeze %dma_wait3A_248 : memref<1x128xi32, #tpu.memory_space<vmem>> -> memref<128xi32, #tpu.memory_space<vmem>>
      %dma_wait3A_250 = arith.constant 0 : i32
      %dma_wait3A_251 = tpu.memref_slice %arg4[%arg1, %dma_wait3A_239, %dma_wait3A_250] : memref<16x80x128xi32, #tpu.memory_space<hbm>> -> memref<1x1x128xi32, #tpu.memory_space<hbm>>
      %dma_wait3A_252 = tpu.memref_squeeze %dma_wait3A_251 : memref<1x1x128xi32, #tpu.memory_space<hbm>> -> memref<128xi32, #tpu.memory_space<hbm>>
      tpu.wait_dma2 semaphore(%arg19 : memref<!tpu.dma_semaphore, #tpu.memory_space<semaphore_mem>>) src(%dma_wait3A_252 : memref<128xi32, #tpu.memory_space<hbm>>) dst(%dma_wait3A_249 : memref<128xi32, #tpu.memory_space<vmem>>)
      %add3A_253 = arith.constant 9728 : i32
      %add3A_254 = arith.addi %mul3A_0, %add3A_253 : i32
      %dma_wait3A_255 = arith.constant 0 : i32
      %dma_wait3A_256 = arith.constant 0 : i32
      %dma_wait3A_257 = tpu.memref_slice %arg6[%dma_wait3A_255, %add3A_254, %dma_wait3A_256] : memref<2x163840x128xf32, #tpu.memory_space<hbm>> -> memref<1x128x128xf32, #tpu.memory_space<hbm>>
      %dma_wait3A_258 = tpu.memref_squeeze %dma_wait3A_257 : memref<1x128x128xf32, #tpu.memory_space<hbm>> -> memref<128x128xf32, #tpu.memory_space<hbm>>
      %dma_wait3A_259 = arith.constant 0 : i32
      %dma_wait3A_260 = tpu.memref_slice %arg6[%dma_wait3A_255, %add3A_254, %dma_wait3A_259] : memref<2x163840x128xf32, #tpu.memory_space<hbm>> -> memref<1x128x128xf32, #tpu.memory_space<hbm>>
      %dma_wait3A_261 = tpu.memref_squeeze %dma_wait3A_260 : memref<1x128x128xf32, #tpu.memory_space<hbm>> -> memref<128x128xf32, #tpu.memory_space<hbm>>
      tpu.wait_dma2 semaphore(%arg16 : memref<!tpu.dma_semaphore, #tpu.memory_space<semaphore_mem>>) src(%arg10 : memref<128x128xf32, #tpu.memory_space<vmem>>) dst(%dma_wait3A_261 : memref<128x128xf32, #tpu.memory_space<hbm>>)
      %dma_start3A_262 = arith.constant 1 : i32
      %dma_start3A_263 = arith.constant 0 : i32
      %dma_start3A_264 = tpu.memref_slice %arg8[%dma_start3A_262, %dma_start3A_263] : memref<3x128xi32, #tpu.memory_space<vmem>> -> memref<1x128xi32, #tpu.memory_space<vmem>>
      %dma_start3A_265 = tpu.memref_squeeze %dma_start3A_264 : memref<1x128xi32, #tpu.memory_space<vmem>> -> memref<128xi32, #tpu.memory_space<vmem>>
      %dma_start3A_266 = arith.constant 0 : i32
      %dma_start3A_267 = arith.constant 0 : i32
      %dma_start3A_268 = tpu.memref_slice %arg7[%dma_start3A_266, %dma_start3A_267] : memref<10112x128xf32, #tpu.memory_space<vmem_shared>> -> memref<10112x128xf32, #tpu.memory_space<vmem_shared>>
      tpu.enqueue_indirect_dma source(%dma_start3A_268 : memref<10112x128xf32, #tpu.memory_space<vmem_shared>>) target(%arg10 : memref<128x128xf32, #tpu.memory_space<vmem>>) offsets(%dma_start3A_265 : memref<128xi32, #tpu.memory_space<vmem>>) semaphore(%arg13 : memref<!tpu.dma_semaphore, #tpu.memory_space<semaphore_mem>>)
      %dma_wait3A_269 = arith.constant 1 : i32
      %dma_wait3A_270 = arith.constant 0 : i32
      %dma_wait3A_271 = tpu.memref_slice %arg8[%dma_wait3A_269, %dma_wait3A_270] : memref<3x128xi32, #tpu.memory_space<vmem>> -> memref<1x128xi32, #tpu.memory_space<vmem>>
      %dma_wait3A_272 = tpu.memref_squeeze %dma_wait3A_271 : memref<1x128xi32, #tpu.memory_space<vmem>> -> memref<128xi32, #tpu.memory_space<vmem>>
      %dma_wait3A_273 = arith.constant 0 : i32
      %dma_wait3A_274 = arith.constant 0 : i32
      %dma_wait3A_275 = tpu.memref_slice %arg7[%dma_wait3A_273, %dma_wait3A_274] : memref<10112x128xf32, #tpu.memory_space<vmem_shared>> -> memref<10112x128xf32, #tpu.memory_space<vmem_shared>>
      tpu.wait_indirect_dma semaphore(%arg13 : memref<!tpu.dma_semaphore, #tpu.memory_space<semaphore_mem>>) src(%dma_wait3A_275 : memref<10112x128xf32, #tpu.memory_space<vmem_shared>>) dst(%arg10 : memref<128x128xf32, #tpu.memory_space<vmem>>)
      %add3A_276 = arith.constant 10112 : i32
      %add3A_277 = arith.addi %mul3A_0, %add3A_276 : i32
      %dma_start3A_278 = arith.constant 0 : i32
      %dma_start3A_279 = arith.constant 0 : i32
      %dma_start3A_280 = tpu.memref_slice %arg6[%dma_start3A_278, %add3A_277, %dma_start3A_279] : memref<2x163840x128xf32, #tpu.memory_space<hbm>> -> memref<1x128x128xf32, #tpu.memory_space<hbm>>
      %dma_start3A_281 = tpu.memref_squeeze %dma_start3A_280 : memref<1x128x128xf32, #tpu.memory_space<hbm>> -> memref<128x128xf32, #tpu.memory_space<hbm>>
      %dma_start3A_282 = arith.constant 0 : i32
      %dma_start3A_283 = tpu.memref_slice %arg6[%dma_start3A_278, %add3A_277, %dma_start3A_282] : memref<2x163840x128xf32, #tpu.memory_space<hbm>> -> memref<1x128x128xf32, #tpu.memory_space<hbm>>
      %dma_start3A_284 = tpu.memref_squeeze %dma_start3A_283 : memref<1x128x128xf32, #tpu.memory_space<hbm>> -> memref<128x128xf32, #tpu.memory_space<hbm>>
      tpu.enqueue_dma source(%arg10 : memref<128x128xf32, #tpu.memory_space<vmem>>) target(%dma_start3A_284 : memref<128x128xf32, #tpu.memory_space<hbm>>) target_semaphore(%arg16 : memref<!tpu.dma_semaphore, #tpu.memory_space<semaphore_mem>>)
      %add3A_285 = arith.constant 9856 : i32
      %add3A_286 = arith.addi %mul3A_0, %add3A_285 : i32
      %dma_wait3A_287 = arith.constant 0 : i32
      %dma_wait3A_288 = arith.constant 0 : i32
      %dma_wait3A_289 = tpu.memref_slice %arg6[%dma_wait3A_287, %add3A_286, %dma_wait3A_288] : memref<2x163840x128xf32, #tpu.memory_space<hbm>> -> memref<1x128x128xf32, #tpu.memory_space<hbm>>
      %dma_wait3A_290 = tpu.memref_squeeze %dma_wait3A_289 : memref<1x128x128xf32, #tpu.memory_space<hbm>> -> memref<128x128xf32, #tpu.memory_space<hbm>>
      %dma_wait3A_291 = arith.constant 0 : i32
      %dma_wait3A_292 = tpu.memref_slice %arg6[%dma_wait3A_287, %add3A_286, %dma_wait3A_291] : memref<2x163840x128xf32, #tpu.memory_space<hbm>> -> memref<1x128x128xf32, #tpu.memory_space<hbm>>
      %dma_wait3A_293 = tpu.memref_squeeze %dma_wait3A_292 : memref<1x128x128xf32, #tpu.memory_space<hbm>> -> memref<128x128xf32, #tpu.memory_space<hbm>>
      tpu.wait_dma2 semaphore(%arg17 : memref<!tpu.dma_semaphore, #tpu.memory_space<semaphore_mem>>) src(%arg11 : memref<128x128xf32, #tpu.memory_space<vmem>>) dst(%dma_wait3A_293 : memref<128x128xf32, #tpu.memory_space<hbm>>)
      %add3A_294 = arith.constant 9984 : i32
      %add3A_295 = arith.addi %mul3A_0, %add3A_294 : i32
      %dma_wait3A_296 = arith.constant 0 : i32
      %dma_wait3A_297 = arith.constant 0 : i32
      %dma_wait3A_298 = tpu.memref_slice %arg6[%dma_wait3A_296, %add3A_295, %dma_wait3A_297] : memref<2x163840x128xf32, #tpu.memory_space<hbm>> -> memref<1x128x128xf32, #tpu.memory_space<hbm>>
      %dma_wait3A_299 = tpu.memref_squeeze %dma_wait3A_298 : memref<1x128x128xf32, #tpu.memory_space<hbm>> -> memref<128x128xf32, #tpu.memory_space<hbm>>
      %dma_wait3A_300 = arith.constant 0 : i32
      %dma_wait3A_301 = tpu.memref_slice %arg6[%dma_wait3A_296, %add3A_295, %dma_wait3A_300] : memref<2x163840x128xf32, #tpu.memory_space<hbm>> -> memref<1x128x128xf32, #tpu.memory_space<hbm>>
      %dma_wait3A_302 = tpu.memref_squeeze %dma_wait3A_301 : memref<1x128x128xf32, #tpu.memory_space<hbm>> -> memref<128x128xf32, #tpu.memory_space<hbm>>
      tpu.wait_dma2 semaphore(%arg15 : memref<!tpu.dma_semaphore, #tpu.memory_space<semaphore_mem>>) src(%arg9 : memref<128x128xf32, #tpu.memory_space<vmem>>) dst(%dma_wait3A_302 : memref<128x128xf32, #tpu.memory_space<hbm>>)
      %add3A_303 = arith.constant 10112 : i32
      %add3A_304 = arith.addi %mul3A_0, %add3A_303 : i32
      %dma_wait3A_305 = arith.constant 0 : i32
      %dma_wait3A_306 = arith.constant 0 : i32
      %dma_wait3A_307 = tpu.memref_slice %arg6[%dma_wait3A_305, %add3A_304, %dma_wait3A_306] : memref<2x163840x128xf32, #tpu.memory_space<hbm>> -> memref<1x128x128xf32, #tpu.memory_space<hbm>>
      %dma_wait3A_308 = tpu.memref_squeeze %dma_wait3A_307 : memref<1x128x128xf32, #tpu.memory_space<hbm>> -> memref<128x128xf32, #tpu.memory_space<hbm>>
      %dma_wait3A_309 = arith.constant 0 : i32
      %dma_wait3A_310 = tpu.memref_slice %arg6[%dma_wait3A_305, %add3A_304, %dma_wait3A_309] : memref<2x163840x128xf32, #tpu.memory_space<hbm>> -> memref<1x128x128xf32, #tpu.memory_space<hbm>>
      %dma_wait3A_311 = tpu.memref_squeeze %dma_wait3A_310 : memref<1x128x128xf32, #tpu.memory_space<hbm>> -> memref<128x128xf32, #tpu.memory_space<hbm>>
      tpu.wait_dma2 semaphore(%arg16 : memref<!tpu.dma_semaphore, #tpu.memory_space<semaphore_mem>>) src(%arg10 : memref<128x128xf32, #tpu.memory_space<vmem>>) dst(%dma_wait3A_311 : memref<128x128xf32, #tpu.memory_space<hbm>>)
    } else {
    }
    %eq3A_5 = arith.constant 1 : i32
    %eq3A_6 = arith.cmpi eq, %arg0, %eq3A_5 : i32
    %convert_element_type3A_7 = arith.extui %eq3A_6 : i1 to i32
    %cond3A_8 = arith.constant 0 : i32
    %cond3A_9 = arith.cmpi ne, %convert_element_type3A_7, %cond3A_8 : i32
    scf.if %cond3A_9 {
      "tpu.region"() ({
        %run_scoped3A = tpu.sem_alloc : memref<!tpu.dma_semaphore, #tpu.memory_space<semaphore_mem>>
        %dma_start3A_312 = arith.constant 0 : i32
        %dma_start3A_313 = tpu.memref_slice %arg7[%mul3A_2, %dma_start3A_312] : memref<10112x128xf32, #tpu.memory_space<vmem_shared>> -> memref<632x128xf32, #tpu.memory_space<vmem_shared>>
        %dma_start3A_314 = arith.constant 0 : i32
        %dma_start3A_315 = tpu.memref_slice %arg3[%mul3A_2, %dma_start3A_314] : memref<10112x128xf32, #tpu.memory_space<hbm>> -> memref<632x128xf32, #tpu.memory_space<hbm>>
        tpu.enqueue_dma source(%dma_start3A_315 : memref<632x128xf32, #tpu.memory_space<hbm>>) target(%dma_start3A_313 : memref<632x128xf32, #tpu.memory_space<vmem_shared>>) target_semaphore(%run_scoped3A : memref<!tpu.dma_semaphore, #tpu.memory_space<semaphore_mem>>)
        %dma_wait3A_316 = arith.constant 0 : i32
        %dma_wait3A_317 = tpu.memref_slice %arg7[%mul3A_2, %dma_wait3A_316] : memref<10112x128xf32, #tpu.memory_space<vmem_shared>> -> memref<632x128xf32, #tpu.memory_space<vmem_shared>>
        %dma_wait3A_318 = arith.constant 0 : i32
        %dma_wait3A_319 = tpu.memref_slice %arg3[%mul3A_2, %dma_wait3A_318] : memref<10112x128xf32, #tpu.memory_space<hbm>> -> memref<632x128xf32, #tpu.memory_space<hbm>>
        tpu.wait_dma2 semaphore(%run_scoped3A : memref<!tpu.dma_semaphore, #tpu.memory_space<semaphore_mem>>) src(%dma_wait3A_319 : memref<632x128xf32, #tpu.memory_space<hbm>>) dst(%dma_wait3A_317 : memref<632x128xf32, #tpu.memory_space<vmem_shared>>)
        tpu.yield
      }) : () -> ()
      %barrier3A = arith.constant 0 : index
      tpu.barrier barrier_id(%barrier3A)
      %dma_start3A = arith.constant 0 : i32
      %dma_start3A_10 = arith.constant 0 : i32
      %dma_start3A_11 = arith.constant 0 : i32
      %dma_start3A_12 = tpu.memref_slice %arg8[%dma_start3A_10, %dma_start3A_11] : memref<3x128xi32, #tpu.memory_space<vmem>> -> memref<1x128xi32, #tpu.memory_space<vmem>>
      %dma_start3A_13 = tpu.memref_squeeze %dma_start3A_12 : memref<1x128xi32, #tpu.memory_space<vmem>> -> memref<128xi32, #tpu.memory_space<vmem>>
      %dma_start3A_14 = arith.constant 0 : i32
      %dma_start3A_15 = tpu.memref_slice %arg5[%arg1, %dma_start3A, %dma_start3A_14] : memref<16x80x128xi32, #tpu.memory_space<hbm>> -> memref<1x1x128xi32, #tpu.memory_space<hbm>>
      %dma_start3A_16 = tpu.memref_squeeze %dma_start3A_15 : memref<1x1x128xi32, #tpu.memory_space<hbm>> -> memref<128xi32, #tpu.memory_space<hbm>>
      %dma_start3A_17 = arith.constant 0 : i32
      %dma_start3A_18 = tpu.memref_slice %arg8[%dma_start3A_10, %dma_start3A_17] : memref<3x128xi32, #tpu.memory_space<vmem>> -> memref<1x128xi32, #tpu.memory_space<vmem>>
      %dma_start3A_19 = tpu.memref_squeeze %dma_start3A_18 : memref<1x128xi32, #tpu.memory_space<vmem>> -> memref<128xi32, #tpu.memory_space<vmem>>
      %dma_start3A_20 = arith.constant 0 : i32
      %dma_start3A_21 = tpu.memref_slice %arg5[%arg1, %dma_start3A, %dma_start3A_20] : memref<16x80x128xi32, #tpu.memory_space<hbm>> -> memref<1x1x128xi32, #tpu.memory_space<hbm>>
      %dma_start3A_22 = tpu.memref_squeeze %dma_start3A_21 : memref<1x1x128xi32, #tpu.memory_space<hbm>> -> memref<128xi32, #tpu.memory_space<hbm>>
      tpu.enqueue_dma source(%dma_start3A_22 : memref<128xi32, #tpu.memory_space<hbm>>) target(%dma_start3A_19 : memref<128xi32, #tpu.memory_space<vmem>>) target_semaphore(%arg18 : memref<!tpu.dma_semaphore, #tpu.memory_space<semaphore_mem>>)
      %dma_start3A_23 = arith.constant 1 : i32
      %dma_start3A_24 = arith.constant 1 : i32
      %dma_start3A_25 = arith.constant 0 : i32
      %dma_start3A_26 = tpu.memref_slice %arg8[%dma_start3A_24, %dma_start3A_25] : memref<3x128xi32, #tpu.memory_space<vmem>> -> memref<1x128xi32, #tpu.memory_space<vmem>>
      %dma_start3A_27 = tpu.memref_squeeze %dma_start3A_26 : memref<1x128xi32, #tpu.memory_space<vmem>> -> memref<128xi32, #tpu.memory_space<vmem>>
      %dma_start3A_28 = arith.constant 0 : i32
      %dma_start3A_29 = tpu.memref_slice %arg5[%arg1, %dma_start3A_23, %dma_start3A_28] : memref<16x80x128xi32, #tpu.memory_space<hbm>> -> memref<1x1x128xi32, #tpu.memory_space<hbm>>
      %dma_start3A_30 = tpu.memref_squeeze %dma_start3A_29 : memref<1x1x128xi32, #tpu.memory_space<hbm>> -> memref<128xi32, #tpu.memory_space<hbm>>
      %dma_start3A_31 = arith.constant 0 : i32
      %dma_start3A_32 = tpu.memref_slice %arg8[%dma_start3A_24, %dma_start3A_31] : memref<3x128xi32, #tpu.memory_space<vmem>> -> memref<1x128xi32, #tpu.memory_space<vmem>>
      %dma_start3A_33 = tpu.memref_squeeze %dma_start3A_32 : memref<1x128xi32, #tpu.memory_space<vmem>> -> memref<128xi32, #tpu.memory_space<vmem>>
      %dma_start3A_34 = arith.constant 0 : i32
      %dma_start3A_35 = tpu.memref_slice %arg5[%arg1, %dma_start3A_23, %dma_start3A_34] : memref<16x80x128xi32, #tpu.memory_space<hbm>> -> memref<1x1x128xi32, #tpu.memory_space<hbm>>
      %dma_start3A_36 = tpu.memref_squeeze %dma_start3A_35 : memref<1x1x128xi32, #tpu.memory_space<hbm>> -> memref<128xi32, #tpu.memory_space<hbm>>
      tpu.enqueue_dma source(%dma_start3A_36 : memref<128xi32, #tpu.memory_space<hbm>>) target(%dma_start3A_33 : memref<128xi32, #tpu.memory_space<vmem>>) target_semaphore(%arg19 : memref<!tpu.dma_semaphore, #tpu.memory_space<semaphore_mem>>)
      %dma_wait3A = arith.constant 0 : i32
      %dma_wait3A_37 = arith.constant 0 : i32
      %dma_wait3A_38 = arith.constant 0 : i32
      %dma_wait3A_39 = tpu.memref_slice %arg8[%dma_wait3A_37, %dma_wait3A_38] : memref<3x128xi32, #tpu.memory_space<vmem>> -> memref<1x128xi32, #tpu.memory_space<vmem>>
      %dma_wait3A_40 = tpu.memref_squeeze %dma_wait3A_39 : memref<1x128xi32, #tpu.memory_space<vmem>> -> memref<128xi32, #tpu.memory_space<vmem>>
      %dma_wait3A_41 = arith.constant 0 : i32
      %dma_wait3A_42 = tpu.memref_slice %arg5[%arg1, %dma_wait3A, %dma_wait3A_41] : memref<16x80x128xi32, #tpu.memory_space<hbm>> -> memref<1x1x128xi32, #tpu.memory_space<hbm>>
      %dma_wait3A_43 = tpu.memref_squeeze %dma_wait3A_42 : memref<1x1x128xi32, #tpu.memory_space<hbm>> -> memref<128xi32, #tpu.memory_space<hbm>>
      %dma_wait3A_44 = arith.constant 0 : i32
      %dma_wait3A_45 = tpu.memref_slice %arg8[%dma_wait3A_37, %dma_wait3A_44] : memref<3x128xi32, #tpu.memory_space<vmem>> -> memref<1x128xi32, #tpu.memory_space<vmem>>
      %dma_wait3A_46 = tpu.memref_squeeze %dma_wait3A_45 : memref<1x128xi32, #tpu.memory_space<vmem>> -> memref<128xi32, #tpu.memory_space<vmem>>
      %dma_wait3A_47 = arith.constant 0 : i32
      %dma_wait3A_48 = tpu.memref_slice %arg5[%arg1, %dma_wait3A, %dma_wait3A_47] : memref<16x80x128xi32, #tpu.memory_space<hbm>> -> memref<1x1x128xi32, #tpu.memory_space<hbm>>
      %dma_wait3A_49 = tpu.memref_squeeze %dma_wait3A_48 : memref<1x1x128xi32, #tpu.memory_space<hbm>> -> memref<128xi32, #tpu.memory_space<hbm>>
      tpu.wait_dma2 semaphore(%arg18 : memref<!tpu.dma_semaphore, #tpu.memory_space<semaphore_mem>>) src(%dma_wait3A_49 : memref<128xi32, #tpu.memory_space<hbm>>) dst(%dma_wait3A_46 : memref<128xi32, #tpu.memory_space<vmem>>)
      %dma_start3A_50 = arith.constant 0 : i32
      %dma_start3A_51 = arith.constant 0 : i32
      %dma_start3A_52 = tpu.memref_slice %arg8[%dma_start3A_50, %dma_start3A_51] : memref<3x128xi32, #tpu.memory_space<vmem>> -> memref<1x128xi32, #tpu.memory_space<vmem>>
      %dma_start3A_53 = tpu.memref_squeeze %dma_start3A_52 : memref<1x128xi32, #tpu.memory_space<vmem>> -> memref<128xi32, #tpu.memory_space<vmem>>
      %dma_start3A_54 = arith.constant 0 : i32
      %dma_start3A_55 = arith.constant 0 : i32
      %dma_start3A_56 = tpu.memref_slice %arg7[%dma_start3A_54, %dma_start3A_55] : memref<10112x128xf32, #tpu.memory_space<vmem_shared>> -> memref<10112x128xf32, #tpu.memory_space<vmem_shared>>
      tpu.enqueue_indirect_dma source(%dma_start3A_56 : memref<10112x128xf32, #tpu.memory_space<vmem_shared>>) target(%arg9 : memref<128x128xf32, #tpu.memory_space<vmem>>) offsets(%dma_start3A_53 : memref<128xi32, #tpu.memory_space<vmem>>) semaphore(%arg12 : memref<!tpu.dma_semaphore, #tpu.memory_space<semaphore_mem>>)
      %dma_wait3A_57 = arith.constant 0 : i32
      %dma_wait3A_58 = arith.constant 0 : i32
      %dma_wait3A_59 = tpu.memref_slice %arg8[%dma_wait3A_57, %dma_wait3A_58] : memref<3x128xi32, #tpu.memory_space<vmem>> -> memref<1x128xi32, #tpu.memory_space<vmem>>
      %dma_wait3A_60 = tpu.memref_squeeze %dma_wait3A_59 : memref<1x128xi32, #tpu.memory_space<vmem>> -> memref<128xi32, #tpu.memory_space<vmem>>
      %dma_wait3A_61 = arith.constant 0 : i32
      %dma_wait3A_62 = arith.constant 0 : i32
      %dma_wait3A_63 = tpu.memref_slice %arg7[%dma_wait3A_61, %dma_wait3A_62] : memref<10112x128xf32, #tpu.memory_space<vmem_shared>> -> memref<10112x128xf32, #tpu.memory_space<vmem_shared>>
      tpu.wait_indirect_dma semaphore(%arg12 : memref<!tpu.dma_semaphore, #tpu.memory_space<semaphore_mem>>) src(%dma_wait3A_63 : memref<10112x128xf32, #tpu.memory_space<vmem_shared>>) dst(%arg9 : memref<128x128xf32, #tpu.memory_space<vmem>>)
      %add3A = arith.constant 0 : i32
      %add3A_64 = arith.addi %mul3A_0, %add3A : i32
      %dma_start3A_65 = arith.constant 1 : i32
      %dma_start3A_66 = arith.constant 0 : i32
      %dma_start3A_67 = tpu.memref_slice %arg6[%dma_start3A_65, %add3A_64, %dma_start3A_66] : memref<2x163840x128xf32, #tpu.memory_space<hbm>> -> memref<1x128x128xf32, #tpu.memory_space<hbm>>
      %dma_start3A_68 = tpu.memref_squeeze %dma_start3A_67 : memref<1x128x128xf32, #tpu.memory_space<hbm>> -> memref<128x128xf32, #tpu.memory_space<hbm>>
      %dma_start3A_69 = arith.constant 0 : i32
      %dma_start3A_70 = tpu.memref_slice %arg6[%dma_start3A_65, %add3A_64, %dma_start3A_69] : memref<2x163840x128xf32, #tpu.memory_space<hbm>> -> memref<1x128x128xf32, #tpu.memory_space<hbm>>
      %dma_start3A_71 = tpu.memref_squeeze %dma_start3A_70 : memref<1x128x128xf32, #tpu.memory_space<hbm>> -> memref<128x128xf32, #tpu.memory_space<hbm>>
      tpu.enqueue_dma source(%arg9 : memref<128x128xf32, #tpu.memory_space<vmem>>) target(%dma_start3A_71 : memref<128x128xf32, #tpu.memory_space<hbm>>) target_semaphore(%arg15 : memref<!tpu.dma_semaphore, #tpu.memory_space<semaphore_mem>>)
      %dma_wait3A_72 = arith.constant 1 : i32
      %dma_wait3A_73 = arith.constant 1 : i32
      %dma_wait3A_74 = arith.constant 0 : i32
      %dma_wait3A_75 = tpu.memref_slice %arg8[%dma_wait3A_73, %dma_wait3A_74] : memref<3x128xi32, #tpu.memory_space<vmem>> -> memref<1x128xi32, #tpu.memory_space<vmem>>
      %dma_wait3A_76 = tpu.memref_squeeze %dma_wait3A_75 : memref<1x128xi32, #tpu.memory_space<vmem>> -> memref<128xi32, #tpu.memory_space<vmem>>
      %dma_wait3A_77 = arith.constant 0 : i32
      %dma_wait3A_78 = tpu.memref_slice %arg5[%arg1, %dma_wait3A_72, %dma_wait3A_77] : memref<16x80x128xi32, #tpu.memory_space<hbm>> -> memref<1x1x128xi32, #tpu.memory_space<hbm>>
      %dma_wait3A_79 = tpu.memref_squeeze %dma_wait3A_78 : memref<1x1x128xi32, #tpu.memory_space<hbm>> -> memref<128xi32, #tpu.memory_space<hbm>>
      %dma_wait3A_80 = arith.constant 0 : i32
      %dma_wait3A_81 = tpu.memref_slice %arg8[%dma_wait3A_73, %dma_wait3A_80] : memref<3x128xi32, #tpu.memory_space<vmem>> -> memref<1x128xi32, #tpu.memory_space<vmem>>
      %dma_wait3A_82 = tpu.memref_squeeze %dma_wait3A_81 : memref<1x128xi32, #tpu.memory_space<vmem>> -> memref<128xi32, #tpu.memory_space<vmem>>
      %dma_wait3A_83 = arith.constant 0 : i32
      %dma_wait3A_84 = tpu.memref_slice %arg5[%arg1, %dma_wait3A_72, %dma_wait3A_83] : memref<16x80x128xi32, #tpu.memory_space<hbm>> -> memref<1x1x128xi32, #tpu.memory_space<hbm>>
      %dma_wait3A_85 = tpu.memref_squeeze %dma_wait3A_84 : memref<1x1x128xi32, #tpu.memory_space<hbm>> -> memref<128xi32, #tpu.memory_space<hbm>>
      tpu.wait_dma2 semaphore(%arg19 : memref<!tpu.dma_semaphore, #tpu.memory_space<semaphore_mem>>) src(%dma_wait3A_85 : memref<128xi32, #tpu.memory_space<hbm>>) dst(%dma_wait3A_82 : memref<128xi32, #tpu.memory_space<vmem>>)
      %dma_start3A_86 = arith.constant 1 : i32
      %dma_start3A_87 = arith.constant 0 : i32
      %dma_start3A_88 = tpu.memref_slice %arg8[%dma_start3A_86, %dma_start3A_87] : memref<3x128xi32, #tpu.memory_space<vmem>> -> memref<1x128xi32, #tpu.memory_space<vmem>>
      %dma_start3A_89 = tpu.memref_squeeze %dma_start3A_88 : memref<1x128xi32, #tpu.memory_space<vmem>> -> memref<128xi32, #tpu.memory_space<vmem>>
      %dma_start3A_90 = arith.constant 0 : i32
      %dma_start3A_91 = arith.constant 0 : i32
      %dma_start3A_92 = tpu.memref_slice %arg7[%dma_start3A_90, %dma_start3A_91] : memref<10112x128xf32, #tpu.memory_space<vmem_shared>> -> memref<10112x128xf32, #tpu.memory_space<vmem_shared>>
      tpu.enqueue_indirect_dma source(%dma_start3A_92 : memref<10112x128xf32, #tpu.memory_space<vmem_shared>>) target(%arg10 : memref<128x128xf32, #tpu.memory_space<vmem>>) offsets(%dma_start3A_89 : memref<128xi32, #tpu.memory_space<vmem>>) semaphore(%arg13 : memref<!tpu.dma_semaphore, #tpu.memory_space<semaphore_mem>>)
      %dma_start3A_93 = arith.constant 2 : i32
      %dma_start3A_94 = arith.constant 2 : i32
      %dma_start3A_95 = arith.constant 0 : i32
      %dma_start3A_96 = tpu.memref_slice %arg8[%dma_start3A_94, %dma_start3A_95] : memref<3x128xi32, #tpu.memory_space<vmem>> -> memref<1x128xi32, #tpu.memory_space<vmem>>
      %dma_start3A_97 = tpu.memref_squeeze %dma_start3A_96 : memref<1x128xi32, #tpu.memory_space<vmem>> -> memref<128xi32, #tpu.memory_space<vmem>>
      %dma_start3A_98 = arith.constant 0 : i32
      %dma_start3A_99 = tpu.memref_slice %arg5[%arg1, %dma_start3A_93, %dma_start3A_98] : memref<16x80x128xi32, #tpu.memory_space<hbm>> -> memref<1x1x128xi32, #tpu.memory_space<hbm>>
      %dma_start3A_100 = tpu.memref_squeeze %dma_start3A_99 : memref<1x1x128xi32, #tpu.memory_space<hbm>> -> memref<128xi32, #tpu.memory_space<hbm>>
      %dma_start3A_101 = arith.constant 0 : i32
      %dma_start3A_102 = tpu.memref_slice %arg8[%dma_start3A_94, %dma_start3A_101] : memref<3x128xi32, #tpu.memory_space<vmem>> -> memref<1x128xi32, #tpu.memory_space<vmem>>
      %dma_start3A_103 = tpu.memref_squeeze %dma_start3A_102 : memref<1x128xi32, #tpu.memory_space<vmem>> -> memref<128xi32, #tpu.memory_space<vmem>>
      %dma_start3A_104 = arith.constant 0 : i32
      %dma_start3A_105 = tpu.memref_slice %arg5[%arg1, %dma_start3A_93, %dma_start3A_104] : memref<16x80x128xi32, #tpu.memory_space<hbm>> -> memref<1x1x128xi32, #tpu.memory_space<hbm>>
      %dma_start3A_106 = tpu.memref_squeeze %dma_start3A_105 : memref<1x1x128xi32, #tpu.memory_space<hbm>> -> memref<128xi32, #tpu.memory_space<hbm>>
      tpu.enqueue_dma source(%dma_start3A_106 : memref<128xi32, #tpu.memory_space<hbm>>) target(%dma_start3A_103 : memref<128xi32, #tpu.memory_space<vmem>>) target_semaphore(%arg20 : memref<!tpu.dma_semaphore, #tpu.memory_space<semaphore_mem>>)
      %dma_wait3A_107 = arith.constant 1 : i32
      %dma_wait3A_108 = arith.constant 0 : i32
      %dma_wait3A_109 = tpu.memref_slice %arg8[%dma_wait3A_107, %dma_wait3A_108] : memref<3x128xi32, #tpu.memory_space<vmem>> -> memref<1x128xi32, #tpu.memory_space<vmem>>
      %dma_wait3A_110 = tpu.memref_squeeze %dma_wait3A_109 : memref<1x128xi32, #tpu.memory_space<vmem>> -> memref<128xi32, #tpu.memory_space<vmem>>
      %dma_wait3A_111 = arith.constant 0 : i32
      %dma_wait3A_112 = arith.constant 0 : i32
      %dma_wait3A_113 = tpu.memref_slice %arg7[%dma_wait3A_111, %dma_wait3A_112] : memref<10112x128xf32, #tpu.memory_space<vmem_shared>> -> memref<10112x128xf32, #tpu.memory_space<vmem_shared>>
      tpu.wait_indirect_dma semaphore(%arg13 : memref<!tpu.dma_semaphore, #tpu.memory_space<semaphore_mem>>) src(%dma_wait3A_113 : memref<10112x128xf32, #tpu.memory_space<vmem_shared>>) dst(%arg10 : memref<128x128xf32, #tpu.memory_space<vmem>>)
      %add3A_114 = arith.constant 128 : i32
      %add3A_115 = arith.addi %mul3A_0, %add3A_114 : i32
      %dma_start3A_116 = arith.constant 1 : i32
      %dma_start3A_117 = arith.constant 0 : i32
      %dma_start3A_118 = tpu.memref_slice %arg6[%dma_start3A_116, %add3A_115, %dma_start3A_117] : memref<2x163840x128xf32, #tpu.memory_space<hbm>> -> memref<1x128x128xf32, #tpu.memory_space<hbm>>
      %dma_start3A_119 = tpu.memref_squeeze %dma_start3A_118 : memref<1x128x128xf32, #tpu.memory_space<hbm>> -> memref<128x128xf32, #tpu.memory_space<hbm>>
      %dma_start3A_120 = arith.constant 0 : i32
      %dma_start3A_121 = tpu.memref_slice %arg6[%dma_start3A_116, %add3A_115, %dma_start3A_120] : memref<2x163840x128xf32, #tpu.memory_space<hbm>> -> memref<1x128x128xf32, #tpu.memory_space<hbm>>
      %dma_start3A_122 = tpu.memref_squeeze %dma_start3A_121 : memref<1x128x128xf32, #tpu.memory_space<hbm>> -> memref<128x128xf32, #tpu.memory_space<hbm>>
      tpu.enqueue_dma source(%arg10 : memref<128x128xf32, #tpu.memory_space<vmem>>) target(%dma_start3A_122 : memref<128x128xf32, #tpu.memory_space<hbm>>) target_semaphore(%arg16 : memref<!tpu.dma_semaphore, #tpu.memory_space<semaphore_mem>>)
      %dma_wait3A_123 = arith.constant 2 : i32
      %dma_wait3A_124 = arith.constant 2 : i32
      %dma_wait3A_125 = arith.constant 0 : i32
      %dma_wait3A_126 = tpu.memref_slice %arg8[%dma_wait3A_124, %dma_wait3A_125] : memref<3x128xi32, #tpu.memory_space<vmem>> -> memref<1x128xi32, #tpu.memory_space<vmem>>
      %dma_wait3A_127 = tpu.memref_squeeze %dma_wait3A_126 : memref<1x128xi32, #tpu.memory_space<vmem>> -> memref<128xi32, #tpu.memory_space<vmem>>
      %dma_wait3A_128 = arith.constant 0 : i32
      %dma_wait3A_129 = tpu.memref_slice %arg5[%arg1, %dma_wait3A_123, %dma_wait3A_128] : memref<16x80x128xi32, #tpu.memory_space<hbm>> -> memref<1x1x128xi32, #tpu.memory_space<hbm>>
      %dma_wait3A_130 = tpu.memref_squeeze %dma_wait3A_129 : memref<1x1x128xi32, #tpu.memory_space<hbm>> -> memref<128xi32, #tpu.memory_space<hbm>>
      %dma_wait3A_131 = arith.constant 0 : i32
      %dma_wait3A_132 = tpu.memref_slice %arg8[%dma_wait3A_124, %dma_wait3A_131] : memref<3x128xi32, #tpu.memory_space<vmem>> -> memref<1x128xi32, #tpu.memory_space<vmem>>
      %dma_wait3A_133 = tpu.memref_squeeze %dma_wait3A_132 : memref<1x128xi32, #tpu.memory_space<vmem>> -> memref<128xi32, #tpu.memory_space<vmem>>
      %dma_wait3A_134 = arith.constant 0 : i32
      %dma_wait3A_135 = tpu.memref_slice %arg5[%arg1, %dma_wait3A_123, %dma_wait3A_134] : memref<16x80x128xi32, #tpu.memory_space<hbm>> -> memref<1x1x128xi32, #tpu.memory_space<hbm>>
      %dma_wait3A_136 = tpu.memref_squeeze %dma_wait3A_135 : memref<1x1x128xi32, #tpu.memory_space<hbm>> -> memref<128xi32, #tpu.memory_space<hbm>>
      tpu.wait_dma2 semaphore(%arg20 : memref<!tpu.dma_semaphore, #tpu.memory_space<semaphore_mem>>) src(%dma_wait3A_136 : memref<128xi32, #tpu.memory_space<hbm>>) dst(%dma_wait3A_133 : memref<128xi32, #tpu.memory_space<vmem>>)
      %dma_start3A_137 = arith.constant 2 : i32
      %dma_start3A_138 = arith.constant 0 : i32
      %dma_start3A_139 = tpu.memref_slice %arg8[%dma_start3A_137, %dma_start3A_138] : memref<3x128xi32, #tpu.memory_space<vmem>> -> memref<1x128xi32, #tpu.memory_space<vmem>>
      %dma_start3A_140 = tpu.memref_squeeze %dma_start3A_139 : memref<1x128xi32, #tpu.memory_space<vmem>> -> memref<128xi32, #tpu.memory_space<vmem>>
      %dma_start3A_141 = arith.constant 0 : i32
      %dma_start3A_142 = arith.constant 0 : i32
      %dma_start3A_143 = tpu.memref_slice %arg7[%dma_start3A_141, %dma_start3A_142] : memref<10112x128xf32, #tpu.memory_space<vmem_shared>> -> memref<10112x128xf32, #tpu.memory_space<vmem_shared>>
      tpu.enqueue_indirect_dma source(%dma_start3A_143 : memref<10112x128xf32, #tpu.memory_space<vmem_shared>>) target(%arg11 : memref<128x128xf32, #tpu.memory_space<vmem>>) offsets(%dma_start3A_140 : memref<128xi32, #tpu.memory_space<vmem>>) semaphore(%arg14 : memref<!tpu.dma_semaphore, #tpu.memory_space<semaphore_mem>>)
      %dma_start3A_144 = arith.constant 3 : i32
      %dma_start3A_145 = arith.constant 0 : i32
      %dma_start3A_146 = arith.constant 0 : i32
      %dma_start3A_147 = tpu.memref_slice %arg8[%dma_start3A_145, %dma_start3A_146] : memref<3x128xi32, #tpu.memory_space<vmem>> -> memref<1x128xi32, #tpu.memory_space<vmem>>
      %dma_start3A_148 = tpu.memref_squeeze %dma_start3A_147 : memref<1x128xi32, #tpu.memory_space<vmem>> -> memref<128xi32, #tpu.memory_space<vmem>>
      %dma_start3A_149 = arith.constant 0 : i32
      %dma_start3A_150 = tpu.memref_slice %arg5[%arg1, %dma_start3A_144, %dma_start3A_149] : memref<16x80x128xi32, #tpu.memory_space<hbm>> -> memref<1x1x128xi32, #tpu.memory_space<hbm>>
      %dma_start3A_151 = tpu.memref_squeeze %dma_start3A_150 : memref<1x1x128xi32, #tpu.memory_space<hbm>> -> memref<128xi32, #tpu.memory_space<hbm>>
      %dma_start3A_152 = arith.constant 0 : i32
      %dma_start3A_153 = tpu.memref_slice %arg8[%dma_start3A_145, %dma_start3A_152] : memref<3x128xi32, #tpu.memory_space<vmem>> -> memref<1x128xi32, #tpu.memory_space<vmem>>
      %dma_start3A_154 = tpu.memref_squeeze %dma_start3A_153 : memref<1x128xi32, #tpu.memory_space<vmem>> -> memref<128xi32, #tpu.memory_space<vmem>>
      %dma_start3A_155 = arith.constant 0 : i32
      %dma_start3A_156 = tpu.memref_slice %arg5[%arg1, %dma_start3A_144, %dma_start3A_155] : memref<16x80x128xi32, #tpu.memory_space<hbm>> -> memref<1x1x128xi32, #tpu.memory_space<hbm>>
      %dma_start3A_157 = tpu.memref_squeeze %dma_start3A_156 : memref<1x1x128xi32, #tpu.memory_space<hbm>> -> memref<128xi32, #tpu.memory_space<hbm>>
      tpu.enqueue_dma source(%dma_start3A_157 : memref<128xi32, #tpu.memory_space<hbm>>) target(%dma_start3A_154 : memref<128xi32, #tpu.memory_space<vmem>>) target_semaphore(%arg18 : memref<!tpu.dma_semaphore, #tpu.memory_space<semaphore_mem>>)
      %scan3A = arith.constant 0 : i32
      %scan3A_158 = arith.constant 0 : i32
      %scan3A_159 = arith.constant 25 : i32
      %scan3A_160 = arith.addi %scan3A_158, %scan3A_159 : i32
      %scan3A_161 = arith.constant 1 : i32
      scf.for %scan3A_312 = %scan3A_158 to %scan3A_160 step %scan3A_161  : i32 {
        %mul3A_313 = arith.constant 3 : i32
        %mul3A_314 = arith.muli %scan3A_312, %mul3A_313 : i32
        %add3A_315 = arith.constant 2 : i32
        %add3A_316 = arith.addi %add3A_315, %mul3A_314 : i32
        %add3A_317 = arith.constant 0 : i32
        %add3A_318 = arith.addi %add3A_316, %add3A_317 : i32
        %dma_wait3A_319 = arith.constant 2 : i32
        %dma_wait3A_320 = arith.constant 0 : i32
        %dma_wait3A_321 = tpu.memref_slice %arg8[%dma_wait3A_319, %dma_wait3A_320] : memref<3x128xi32, #tpu.memory_space<vmem>> -> memref<1x128xi32, #tpu.memory_space<vmem>>
        %dma_wait3A_322 = tpu.memref_squeeze %dma_wait3A_321 : memref<1x128xi32, #tpu.memory_space<vmem>> -> memref<128xi32, #tpu.memory_space<vmem>>
        %dma_wait3A_323 = arith.constant 0 : i32
        %dma_wait3A_324 = arith.constant 0 : i32
        %dma_wait3A_325 = tpu.memref_slice %arg7[%dma_wait3A_323, %dma_wait3A_324] : memref<10112x128xf32, #tpu.memory_space<vmem_shared>> -> memref<10112x128xf32, #tpu.memory_space<vmem_shared>>
        tpu.wait_indirect_dma semaphore(%arg14 : memref<!tpu.dma_semaphore, #tpu.memory_space<semaphore_mem>>) src(%dma_wait3A_325 : memref<10112x128xf32, #tpu.memory_space<vmem_shared>>) dst(%arg11 : memref<128x128xf32, #tpu.memory_space<vmem>>)
        %mul3A_326 = arith.constant 128 : i32
        %mul3A_327 = arith.muli %add3A_318, %mul3A_326 : i32
        %add3A_328 = arith.addi %mul3A_0, %mul3A_327 : i32
        %dma_start3A_329 = arith.constant 1 : i32
        %dma_start3A_330 = arith.constant 0 : i32
        %dma_start3A_331 = tpu.memref_slice %arg6[%dma_start3A_329, %add3A_328, %dma_start3A_330] : memref<2x163840x128xf32, #tpu.memory_space<hbm>> -> memref<1x128x128xf32, #tpu.memory_space<hbm>>
        %dma_start3A_332 = tpu.memref_squeeze %dma_start3A_331 : memref<1x128x128xf32, #tpu.memory_space<hbm>> -> memref<128x128xf32, #tpu.memory_space<hbm>>
        %dma_start3A_333 = arith.constant 0 : i32
        %dma_start3A_334 = tpu.memref_slice %arg6[%dma_start3A_329, %add3A_328, %dma_start3A_333] : memref<2x163840x128xf32, #tpu.memory_space<hbm>> -> memref<1x128x128xf32, #tpu.memory_space<hbm>>
        %dma_start3A_335 = tpu.memref_squeeze %dma_start3A_334 : memref<1x128x128xf32, #tpu.memory_space<hbm>> -> memref<128x128xf32, #tpu.memory_space<hbm>>
        tpu.enqueue_dma source(%arg11 : memref<128x128xf32, #tpu.memory_space<vmem>>) target(%dma_start3A_335 : memref<128x128xf32, #tpu.memory_space<hbm>>) target_semaphore(%arg17 : memref<!tpu.dma_semaphore, #tpu.memory_space<semaphore_mem>>)
        %add3A_336 = arith.constant 1 : i32
        %add3A_337 = arith.addi %add3A_318, %add3A_336 : i32
        %dma_wait3A_338 = arith.constant 0 : i32
        %dma_wait3A_339 = arith.constant 0 : i32
        %dma_wait3A_340 = tpu.memref_slice %arg8[%dma_wait3A_338, %dma_wait3A_339] : memref<3x128xi32, #tpu.memory_space<vmem>> -> memref<1x128xi32, #tpu.memory_space<vmem>>
        %dma_wait3A_341 = tpu.memref_squeeze %dma_wait3A_340 : memref<1x128xi32, #tpu.memory_space<vmem>> -> memref<128xi32, #tpu.memory_space<vmem>>
        %dma_wait3A_342 = arith.constant 0 : i32
        %dma_wait3A_343 = tpu.memref_slice %arg5[%arg1, %add3A_337, %dma_wait3A_342] : memref<16x80x128xi32, #tpu.memory_space<hbm>> -> memref<1x1x128xi32, #tpu.memory_space<hbm>>
        %dma_wait3A_344 = tpu.memref_squeeze %dma_wait3A_343 : memref<1x1x128xi32, #tpu.memory_space<hbm>> -> memref<128xi32, #tpu.memory_space<hbm>>
        %dma_wait3A_345 = arith.constant 0 : i32
        %dma_wait3A_346 = tpu.memref_slice %arg8[%dma_wait3A_338, %dma_wait3A_345] : memref<3x128xi32, #tpu.memory_space<vmem>> -> memref<1x128xi32, #tpu.memory_space<vmem>>
        %dma_wait3A_347 = tpu.memref_squeeze %dma_wait3A_346 : memref<1x128xi32, #tpu.memory_space<vmem>> -> memref<128xi32, #tpu.memory_space<vmem>>
        %dma_wait3A_348 = arith.constant 0 : i32
        %dma_wait3A_349 = tpu.memref_slice %arg5[%arg1, %add3A_337, %dma_wait3A_348] : memref<16x80x128xi32, #tpu.memory_space<hbm>> -> memref<1x1x128xi32, #tpu.memory_space<hbm>>
        %dma_wait3A_350 = tpu.memref_squeeze %dma_wait3A_349 : memref<1x1x128xi32, #tpu.memory_space<hbm>> -> memref<128xi32, #tpu.memory_space<hbm>>
        tpu.wait_dma2 semaphore(%arg18 : memref<!tpu.dma_semaphore, #tpu.memory_space<semaphore_mem>>) src(%dma_wait3A_350 : memref<128xi32, #tpu.memory_space<hbm>>) dst(%dma_wait3A_347 : memref<128xi32, #tpu.memory_space<vmem>>)
        %sub3A = arith.constant 2 : i32
        %sub3A_351 = arith.subi %add3A_318, %sub3A : i32
        %mul3A_352 = arith.constant 128 : i32
        %mul3A_353 = arith.muli %sub3A_351, %mul3A_352 : i32
        %add3A_354 = arith.addi %mul3A_0, %mul3A_353 : i32
        %dma_wait3A_355 = arith.constant 1 : i32
        %dma_wait3A_356 = arith.constant 0 : i32
        %dma_wait3A_357 = tpu.memref_slice %arg6[%dma_wait3A_355, %add3A_354, %dma_wait3A_356] : memref<2x163840x128xf32, #tpu.memory_space<hbm>> -> memref<1x128x128xf32, #tpu.memory_space<hbm>>
        %dma_wait3A_358 = tpu.memref_squeeze %dma_wait3A_357 : memref<1x128x128xf32, #tpu.memory_space<hbm>> -> memref<128x128xf32, #tpu.memory_space<hbm>>
        %dma_wait3A_359 = arith.constant 0 : i32
        %dma_wait3A_360 = tpu.memref_slice %arg6[%dma_wait3A_355, %add3A_354, %dma_wait3A_359] : memref<2x163840x128xf32, #tpu.memory_space<hbm>> -> memref<1x128x128xf32, #tpu.memory_space<hbm>>
        %dma_wait3A_361 = tpu.memref_squeeze %dma_wait3A_360 : memref<1x128x128xf32, #tpu.memory_space<hbm>> -> memref<128x128xf32, #tpu.memory_space<hbm>>
        tpu.wait_dma2 semaphore(%arg15 : memref<!tpu.dma_semaphore, #tpu.memory_space<semaphore_mem>>) src(%arg9 : memref<128x128xf32, #tpu.memory_space<vmem>>) dst(%dma_wait3A_361 : memref<128x128xf32, #tpu.memory_space<hbm>>)
        %dma_start3A_362 = arith.constant 0 : i32
        %dma_start3A_363 = arith.constant 0 : i32
        %dma_start3A_364 = tpu.memref_slice %arg8[%dma_start3A_362, %dma_start3A_363] : memref<3x128xi32, #tpu.memory_space<vmem>> -> memref<1x128xi32, #tpu.memory_space<vmem>>
        %dma_start3A_365 = tpu.memref_squeeze %dma_start3A_364 : memref<1x128xi32, #tpu.memory_space<vmem>> -> memref<128xi32, #tpu.memory_space<vmem>>
        %dma_start3A_366 = arith.constant 0 : i32
        %dma_start3A_367 = arith.constant 0 : i32
        %dma_start3A_368 = tpu.memref_slice %arg7[%dma_start3A_366, %dma_start3A_367] : memref<10112x128xf32, #tpu.memory_space<vmem_shared>> -> memref<10112x128xf32, #tpu.memory_space<vmem_shared>>
        tpu.enqueue_indirect_dma source(%dma_start3A_368 : memref<10112x128xf32, #tpu.memory_space<vmem_shared>>) target(%arg9 : memref<128x128xf32, #tpu.memory_space<vmem>>) offsets(%dma_start3A_365 : memref<128xi32, #tpu.memory_space<vmem>>) semaphore(%arg12 : memref<!tpu.dma_semaphore, #tpu.memory_space<semaphore_mem>>)
        %add3A_369 = arith.constant 2 : i32
        %add3A_370 = arith.addi %add3A_318, %add3A_369 : i32
        %dma_start3A_371 = arith.constant 1 : i32
        %dma_start3A_372 = arith.constant 0 : i32
        %dma_start3A_373 = tpu.memref_slice %arg8[%dma_start3A_371, %dma_start3A_372] : memref<3x128xi32, #tpu.memory_space<vmem>> -> memref<1x128xi32, #tpu.memory_space<vmem>>
        %dma_start3A_374 = tpu.memref_squeeze %dma_start3A_373 : memref<1x128xi32, #tpu.memory_space<vmem>> -> memref<128xi32, #tpu.memory_space<vmem>>
        %dma_start3A_375 = arith.constant 0 : i32
        %dma_start3A_376 = tpu.memref_slice %arg5[%arg1, %add3A_370, %dma_start3A_375] : memref<16x80x128xi32, #tpu.memory_space<hbm>> -> memref<1x1x128xi32, #tpu.memory_space<hbm>>
        %dma_start3A_377 = tpu.memref_squeeze %dma_start3A_376 : memref<1x1x128xi32, #tpu.memory_space<hbm>> -> memref<128xi32, #tpu.memory_space<hbm>>
        %dma_start3A_378 = arith.constant 0 : i32
        %dma_start3A_379 = tpu.memref_slice %arg8[%dma_start3A_371, %dma_start3A_378] : memref<3x128xi32, #tpu.memory_space<vmem>> -> memref<1x128xi32, #tpu.memory_space<vmem>>
        %dma_start3A_380 = tpu.memref_squeeze %dma_start3A_379 : memref<1x128xi32, #tpu.memory_space<vmem>> -> memref<128xi32, #tpu.memory_space<vmem>>
        %dma_start3A_381 = arith.constant 0 : i32
        %dma_start3A_382 = tpu.memref_slice %arg5[%arg1, %add3A_370, %dma_start3A_381] : memref<16x80x128xi32, #tpu.memory_space<hbm>> -> memref<1x1x128xi32, #tpu.memory_space<hbm>>
        %dma_start3A_383 = tpu.memref_squeeze %dma_start3A_382 : memref<1x1x128xi32, #tpu.memory_space<hbm>> -> memref<128xi32, #tpu.memory_space<hbm>>
        tpu.enqueue_dma source(%dma_start3A_383 : memref<128xi32, #tpu.memory_space<hbm>>) target(%dma_start3A_380 : memref<128xi32, #tpu.memory_space<vmem>>) target_semaphore(%arg19 : memref<!tpu.dma_semaphore, #tpu.memory_space<semaphore_mem>>)
        %mul3A_384 = arith.constant 3 : i32
        %mul3A_385 = arith.muli %scan3A_312, %mul3A_384 : i32
        %add3A_386 = arith.constant 2 : i32
        %add3A_387 = arith.addi %add3A_386, %mul3A_385 : i32
        %add3A_388 = arith.constant 1 : i32
        %add3A_389 = arith.addi %add3A_387, %add3A_388 : i32
        %dma_wait3A_390 = arith.constant 0 : i32
        %dma_wait3A_391 = arith.constant 0 : i32
        %dma_wait3A_392 = tpu.memref_slice %arg8[%dma_wait3A_390, %dma_wait3A_391] : memref<3x128xi32, #tpu.memory_space<vmem>> -> memref<1x128xi32, #tpu.memory_space<vmem>>
        %dma_wait3A_393 = tpu.memref_squeeze %dma_wait3A_392 : memref<1x128xi32, #tpu.memory_space<vmem>> -> memref<128xi32, #tpu.memory_space<vmem>>
        %dma_wait3A_394 = arith.constant 0 : i32
        %dma_wait3A_395 = arith.constant 0 : i32
        %dma_wait3A_396 = tpu.memref_slice %arg7[%dma_wait3A_394, %dma_wait3A_395] : memref<10112x128xf32, #tpu.memory_space<vmem_shared>> -> memref<10112x128xf32, #tpu.memory_space<vmem_shared>>
        tpu.wait_indirect_dma semaphore(%arg12 : memref<!tpu.dma_semaphore, #tpu.memory_space<semaphore_mem>>) src(%dma_wait3A_396 : memref<10112x128xf32, #tpu.memory_space<vmem_shared>>) dst(%arg9 : memref<128x128xf32, #tpu.memory_space<vmem>>)
        %mul3A_397 = arith.constant 128 : i32
        %mul3A_398 = arith.muli %add3A_389, %mul3A_397 : i32
        %add3A_399 = arith.addi %mul3A_0, %mul3A_398 : i32
        %dma_start3A_400 = arith.constant 1 : i32
        %dma_start3A_401 = arith.constant 0 : i32
        %dma_start3A_402 = tpu.memref_slice %arg6[%dma_start3A_400, %add3A_399, %dma_start3A_401] : memref<2x163840x128xf32, #tpu.memory_space<hbm>> -> memref<1x128x128xf32, #tpu.memory_space<hbm>>
        %dma_start3A_403 = tpu.memref_squeeze %dma_start3A_402 : memref<1x128x128xf32, #tpu.memory_space<hbm>> -> memref<128x128xf32, #tpu.memory_space<hbm>>
        %dma_start3A_404 = arith.constant 0 : i32
        %dma_start3A_405 = tpu.memref_slice %arg6[%dma_start3A_400, %add3A_399, %dma_start3A_404] : memref<2x163840x128xf32, #tpu.memory_space<hbm>> -> memref<1x128x128xf32, #tpu.memory_space<hbm>>
        %dma_start3A_406 = tpu.memref_squeeze %dma_start3A_405 : memref<1x128x128xf32, #tpu.memory_space<hbm>> -> memref<128x128xf32, #tpu.memory_space<hbm>>
        tpu.enqueue_dma source(%arg9 : memref<128x128xf32, #tpu.memory_space<vmem>>) target(%dma_start3A_406 : memref<128x128xf32, #tpu.memory_space<hbm>>) target_semaphore(%arg15 : memref<!tpu.dma_semaphore, #tpu.memory_space<semaphore_mem>>)
        %add3A_407 = arith.constant 1 : i32
        %add3A_408 = arith.addi %add3A_389, %add3A_407 : i32
        %dma_wait3A_409 = arith.constant 1 : i32
        %dma_wait3A_410 = arith.constant 0 : i32
        %dma_wait3A_411 = tpu.memref_slice %arg8[%dma_wait3A_409, %dma_wait3A_410] : memref<3x128xi32, #tpu.memory_space<vmem>> -> memref<1x128xi32, #tpu.memory_space<vmem>>
        %dma_wait3A_412 = tpu.memref_squeeze %dma_wait3A_411 : memref<1x128xi32, #tpu.memory_space<vmem>> -> memref<128xi32, #tpu.memory_space<vmem>>
        %dma_wait3A_413 = arith.constant 0 : i32
        %dma_wait3A_414 = tpu.memref_slice %arg5[%arg1, %add3A_408, %dma_wait3A_413] : memref<16x80x128xi32, #tpu.memory_space<hbm>> -> memref<1x1x128xi32, #tpu.memory_space<hbm>>
        %dma_wait3A_415 = tpu.memref_squeeze %dma_wait3A_414 : memref<1x1x128xi32, #tpu.memory_space<hbm>> -> memref<128xi32, #tpu.memory_space<hbm>>
        %dma_wait3A_416 = arith.constant 0 : i32
        %dma_wait3A_417 = tpu.memref_slice %arg8[%dma_wait3A_409, %dma_wait3A_416] : memref<3x128xi32, #tpu.memory_space<vmem>> -> memref<1x128xi32, #tpu.memory_space<vmem>>
        %dma_wait3A_418 = tpu.memref_squeeze %dma_wait3A_417 : memref<1x128xi32, #tpu.memory_space<vmem>> -> memref<128xi32, #tpu.memory_space<vmem>>
        %dma_wait3A_419 = arith.constant 0 : i32
        %dma_wait3A_420 = tpu.memref_slice %arg5[%arg1, %add3A_408, %dma_wait3A_419] : memref<16x80x128xi32, #tpu.memory_space<hbm>> -> memref<1x1x128xi32, #tpu.memory_space<hbm>>
        %dma_wait3A_421 = tpu.memref_squeeze %dma_wait3A_420 : memref<1x1x128xi32, #tpu.memory_space<hbm>> -> memref<128xi32, #tpu.memory_space<hbm>>
        tpu.wait_dma2 semaphore(%arg19 : memref<!tpu.dma_semaphore, #tpu.memory_space<semaphore_mem>>) src(%dma_wait3A_421 : memref<128xi32, #tpu.memory_space<hbm>>) dst(%dma_wait3A_418 : memref<128xi32, #tpu.memory_space<vmem>>)
        %sub3A_422 = arith.constant 2 : i32
        %sub3A_423 = arith.subi %add3A_389, %sub3A_422 : i32
        %mul3A_424 = arith.constant 128 : i32
        %mul3A_425 = arith.muli %sub3A_423, %mul3A_424 : i32
        %add3A_426 = arith.addi %mul3A_0, %mul3A_425 : i32
        %dma_wait3A_427 = arith.constant 1 : i32
        %dma_wait3A_428 = arith.constant 0 : i32
        %dma_wait3A_429 = tpu.memref_slice %arg6[%dma_wait3A_427, %add3A_426, %dma_wait3A_428] : memref<2x163840x128xf32, #tpu.memory_space<hbm>> -> memref<1x128x128xf32, #tpu.memory_space<hbm>>
        %dma_wait3A_430 = tpu.memref_squeeze %dma_wait3A_429 : memref<1x128x128xf32, #tpu.memory_space<hbm>> -> memref<128x128xf32, #tpu.memory_space<hbm>>
        %dma_wait3A_431 = arith.constant 0 : i32
        %dma_wait3A_432 = tpu.memref_slice %arg6[%dma_wait3A_427, %add3A_426, %dma_wait3A_431] : memref<2x163840x128xf32, #tpu.memory_space<hbm>> -> memref<1x128x128xf32, #tpu.memory_space<hbm>>
        %dma_wait3A_433 = tpu.memref_squeeze %dma_wait3A_432 : memref<1x128x128xf32, #tpu.memory_space<hbm>> -> memref<128x128xf32, #tpu.memory_space<hbm>>
        tpu.wait_dma2 semaphore(%arg16 : memref<!tpu.dma_semaphore, #tpu.memory_space<semaphore_mem>>) src(%arg10 : memref<128x128xf32, #tpu.memory_space<vmem>>) dst(%dma_wait3A_433 : memref<128x128xf32, #tpu.memory_space<hbm>>)
        %dma_start3A_434 = arith.constant 1 : i32
        %dma_start3A_435 = arith.constant 0 : i32
        %dma_start3A_436 = tpu.memref_slice %arg8[%dma_start3A_434, %dma_start3A_435] : memref<3x128xi32, #tpu.memory_space<vmem>> -> memref<1x128xi32, #tpu.memory_space<vmem>>
        %dma_start3A_437 = tpu.memref_squeeze %dma_start3A_436 : memref<1x128xi32, #tpu.memory_space<vmem>> -> memref<128xi32, #tpu.memory_space<vmem>>
        %dma_start3A_438 = arith.constant 0 : i32
        %dma_start3A_439 = arith.constant 0 : i32
        %dma_start3A_440 = tpu.memref_slice %arg7[%dma_start3A_438, %dma_start3A_439] : memref<10112x128xf32, #tpu.memory_space<vmem_shared>> -> memref<10112x128xf32, #tpu.memory_space<vmem_shared>>
        tpu.enqueue_indirect_dma source(%dma_start3A_440 : memref<10112x128xf32, #tpu.memory_space<vmem_shared>>) target(%arg10 : memref<128x128xf32, #tpu.memory_space<vmem>>) offsets(%dma_start3A_437 : memref<128xi32, #tpu.memory_space<vmem>>) semaphore(%arg13 : memref<!tpu.dma_semaphore, #tpu.memory_space<semaphore_mem>>)
        %add3A_441 = arith.constant 2 : i32
        %add3A_442 = arith.addi %add3A_389, %add3A_441 : i32
        %dma_start3A_443 = arith.constant 2 : i32
        %dma_start3A_444 = arith.constant 0 : i32
        %dma_start3A_445 = tpu.memref_slice %arg8[%dma_start3A_443, %dma_start3A_444] : memref<3x128xi32, #tpu.memory_space<vmem>> -> memref<1x128xi32, #tpu.memory_space<vmem>>
        %dma_start3A_446 = tpu.memref_squeeze %dma_start3A_445 : memref<1x128xi32, #tpu.memory_space<vmem>> -> memref<128xi32, #tpu.memory_space<vmem>>
        %dma_start3A_447 = arith.constant 0 : i32
        %dma_start3A_448 = tpu.memref_slice %arg5[%arg1, %add3A_442, %dma_start3A_447] : memref<16x80x128xi32, #tpu.memory_space<hbm>> -> memref<1x1x128xi32, #tpu.memory_space<hbm>>
        %dma_start3A_449 = tpu.memref_squeeze %dma_start3A_448 : memref<1x1x128xi32, #tpu.memory_space<hbm>> -> memref<128xi32, #tpu.memory_space<hbm>>
        %dma_start3A_450 = arith.constant 0 : i32
        %dma_start3A_451 = tpu.memref_slice %arg8[%dma_start3A_443, %dma_start3A_450] : memref<3x128xi32, #tpu.memory_space<vmem>> -> memref<1x128xi32, #tpu.memory_space<vmem>>
        %dma_start3A_452 = tpu.memref_squeeze %dma_start3A_451 : memref<1x128xi32, #tpu.memory_space<vmem>> -> memref<128xi32, #tpu.memory_space<vmem>>
        %dma_start3A_453 = arith.constant 0 : i32
        %dma_start3A_454 = tpu.memref_slice %arg5[%arg1, %add3A_442, %dma_start3A_453] : memref<16x80x128xi32, #tpu.memory_space<hbm>> -> memref<1x1x128xi32, #tpu.memory_space<hbm>>
        %dma_start3A_455 = tpu.memref_squeeze %dma_start3A_454 : memref<1x1x128xi32, #tpu.memory_space<hbm>> -> memref<128xi32, #tpu.memory_space<hbm>>
        tpu.enqueue_dma source(%dma_start3A_455 : memref<128xi32, #tpu.memory_space<hbm>>) target(%dma_start3A_452 : memref<128xi32, #tpu.memory_space<vmem>>) target_semaphore(%arg20 : memref<!tpu.dma_semaphore, #tpu.memory_space<semaphore_mem>>)
        %mul3A_456 = arith.constant 3 : i32
        %mul3A_457 = arith.muli %scan3A_312, %mul3A_456 : i32
        %add3A_458 = arith.constant 2 : i32
        %add3A_459 = arith.addi %add3A_458, %mul3A_457 : i32
        %add3A_460 = arith.constant 2 : i32
        %add3A_461 = arith.addi %add3A_459, %add3A_460 : i32
        %dma_wait3A_462 = arith.constant 1 : i32
        %dma_wait3A_463 = arith.constant 0 : i32
        %dma_wait3A_464 = tpu.memref_slice %arg8[%dma_wait3A_462, %dma_wait3A_463] : memref<3x128xi32, #tpu.memory_space<vmem>> -> memref<1x128xi32, #tpu.memory_space<vmem>>
        %dma_wait3A_465 = tpu.memref_squeeze %dma_wait3A_464 : memref<1x128xi32, #tpu.memory_space<vmem>> -> memref<128xi32, #tpu.memory_space<vmem>>
        %dma_wait3A_466 = arith.constant 0 : i32
        %dma_wait3A_467 = arith.constant 0 : i32
        %dma_wait3A_468 = tpu.memref_slice %arg7[%dma_wait3A_466, %dma_wait3A_467] : memref<10112x128xf32, #tpu.memory_space<vmem_shared>> -> memref<10112x128xf32, #tpu.memory_space<vmem_shared>>
        tpu.wait_indirect_dma semaphore(%arg13 : memref<!tpu.dma_semaphore, #tpu.memory_space<semaphore_mem>>) src(%dma_wait3A_468 : memref<10112x128xf32, #tpu.memory_space<vmem_shared>>) dst(%arg10 : memref<128x128xf32, #tpu.memory_space<vmem>>)
        %mul3A_469 = arith.constant 128 : i32
        %mul3A_470 = arith.muli %add3A_461, %mul3A_469 : i32
        %add3A_471 = arith.addi %mul3A_0, %mul3A_470 : i32
        %dma_start3A_472 = arith.constant 1 : i32
        %dma_start3A_473 = arith.constant 0 : i32
        %dma_start3A_474 = tpu.memref_slice %arg6[%dma_start3A_472, %add3A_471, %dma_start3A_473] : memref<2x163840x128xf32, #tpu.memory_space<hbm>> -> memref<1x128x128xf32, #tpu.memory_space<hbm>>
        %dma_start3A_475 = tpu.memref_squeeze %dma_start3A_474 : memref<1x128x128xf32, #tpu.memory_space<hbm>> -> memref<128x128xf32, #tpu.memory_space<hbm>>
        %dma_start3A_476 = arith.constant 0 : i32
        %dma_start3A_477 = tpu.memref_slice %arg6[%dma_start3A_472, %add3A_471, %dma_start3A_476] : memref<2x163840x128xf32, #tpu.memory_space<hbm>> -> memref<1x128x128xf32, #tpu.memory_space<hbm>>
        %dma_start3A_478 = tpu.memref_squeeze %dma_start3A_477 : memref<1x128x128xf32, #tpu.memory_space<hbm>> -> memref<128x128xf32, #tpu.memory_space<hbm>>
        tpu.enqueue_dma source(%arg10 : memref<128x128xf32, #tpu.memory_space<vmem>>) target(%dma_start3A_478 : memref<128x128xf32, #tpu.memory_space<hbm>>) target_semaphore(%arg16 : memref<!tpu.dma_semaphore, #tpu.memory_space<semaphore_mem>>)
        %add3A_479 = arith.constant 1 : i32
        %add3A_480 = arith.addi %add3A_461, %add3A_479 : i32
        %dma_wait3A_481 = arith.constant 2 : i32
        %dma_wait3A_482 = arith.constant 0 : i32
        %dma_wait3A_483 = tpu.memref_slice %arg8[%dma_wait3A_481, %dma_wait3A_482] : memref<3x128xi32, #tpu.memory_space<vmem>> -> memref<1x128xi32, #tpu.memory_space<vmem>>
        %dma_wait3A_484 = tpu.memref_squeeze %dma_wait3A_483 : memref<1x128xi32, #tpu.memory_space<vmem>> -> memref<128xi32, #tpu.memory_space<vmem>>
        %dma_wait3A_485 = arith.constant 0 : i32
        %dma_wait3A_486 = tpu.memref_slice %arg5[%arg1, %add3A_480, %dma_wait3A_485] : memref<16x80x128xi32, #tpu.memory_space<hbm>> -> memref<1x1x128xi32, #tpu.memory_space<hbm>>
        %dma_wait3A_487 = tpu.memref_squeeze %dma_wait3A_486 : memref<1x1x128xi32, #tpu.memory_space<hbm>> -> memref<128xi32, #tpu.memory_space<hbm>>
        %dma_wait3A_488 = arith.constant 0 : i32
        %dma_wait3A_489 = tpu.memref_slice %arg8[%dma_wait3A_481, %dma_wait3A_488] : memref<3x128xi32, #tpu.memory_space<vmem>> -> memref<1x128xi32, #tpu.memory_space<vmem>>
        %dma_wait3A_490 = tpu.memref_squeeze %dma_wait3A_489 : memref<1x128xi32, #tpu.memory_space<vmem>> -> memref<128xi32, #tpu.memory_space<vmem>>
        %dma_wait3A_491 = arith.constant 0 : i32
        %dma_wait3A_492 = tpu.memref_slice %arg5[%arg1, %add3A_480, %dma_wait3A_491] : memref<16x80x128xi32, #tpu.memory_space<hbm>> -> memref<1x1x128xi32, #tpu.memory_space<hbm>>
        %dma_wait3A_493 = tpu.memref_squeeze %dma_wait3A_492 : memref<1x1x128xi32, #tpu.memory_space<hbm>> -> memref<128xi32, #tpu.memory_space<hbm>>
        tpu.wait_dma2 semaphore(%arg20 : memref<!tpu.dma_semaphore, #tpu.memory_space<semaphore_mem>>) src(%dma_wait3A_493 : memref<128xi32, #tpu.memory_space<hbm>>) dst(%dma_wait3A_490 : memref<128xi32, #tpu.memory_space<vmem>>)
        %sub3A_494 = arith.constant 2 : i32
        %sub3A_495 = arith.subi %add3A_461, %sub3A_494 : i32
        %mul3A_496 = arith.constant 128 : i32
        %mul3A_497 = arith.muli %sub3A_495, %mul3A_496 : i32
        %add3A_498 = arith.addi %mul3A_0, %mul3A_497 : i32
        %dma_wait3A_499 = arith.constant 1 : i32
        %dma_wait3A_500 = arith.constant 0 : i32
        %dma_wait3A_501 = tpu.memref_slice %arg6[%dma_wait3A_499, %add3A_498, %dma_wait3A_500] : memref<2x163840x128xf32, #tpu.memory_space<hbm>> -> memref<1x128x128xf32, #tpu.memory_space<hbm>>
        %dma_wait3A_502 = tpu.memref_squeeze %dma_wait3A_501 : memref<1x128x128xf32, #tpu.memory_space<hbm>> -> memref<128x128xf32, #tpu.memory_space<hbm>>
        %dma_wait3A_503 = arith.constant 0 : i32
        %dma_wait3A_504 = tpu.memref_slice %arg6[%dma_wait3A_499, %add3A_498, %dma_wait3A_503] : memref<2x163840x128xf32, #tpu.memory_space<hbm>> -> memref<1x128x128xf32, #tpu.memory_space<hbm>>
        %dma_wait3A_505 = tpu.memref_squeeze %dma_wait3A_504 : memref<1x128x128xf32, #tpu.memory_space<hbm>> -> memref<128x128xf32, #tpu.memory_space<hbm>>
        tpu.wait_dma2 semaphore(%arg17 : memref<!tpu.dma_semaphore, #tpu.memory_space<semaphore_mem>>) src(%arg11 : memref<128x128xf32, #tpu.memory_space<vmem>>) dst(%dma_wait3A_505 : memref<128x128xf32, #tpu.memory_space<hbm>>)
        %dma_start3A_506 = arith.constant 2 : i32
        %dma_start3A_507 = arith.constant 0 : i32
        %dma_start3A_508 = tpu.memref_slice %arg8[%dma_start3A_506, %dma_start3A_507] : memref<3x128xi32, #tpu.memory_space<vmem>> -> memref<1x128xi32, #tpu.memory_space<vmem>>
        %dma_start3A_509 = tpu.memref_squeeze %dma_start3A_508 : memref<1x128xi32, #tpu.memory_space<vmem>> -> memref<128xi32, #tpu.memory_space<vmem>>
        %dma_start3A_510 = arith.constant 0 : i32
        %dma_start3A_511 = arith.constant 0 : i32
        %dma_start3A_512 = tpu.memref_slice %arg7[%dma_start3A_510, %dma_start3A_511] : memref<10112x128xf32, #tpu.memory_space<vmem_shared>> -> memref<10112x128xf32, #tpu.memory_space<vmem_shared>>
        tpu.enqueue_indirect_dma source(%dma_start3A_512 : memref<10112x128xf32, #tpu.memory_space<vmem_shared>>) target(%arg11 : memref<128x128xf32, #tpu.memory_space<vmem>>) offsets(%dma_start3A_509 : memref<128xi32, #tpu.memory_space<vmem>>) semaphore(%arg14 : memref<!tpu.dma_semaphore, #tpu.memory_space<semaphore_mem>>)
        %add3A_513 = arith.constant 2 : i32
        %add3A_514 = arith.addi %add3A_461, %add3A_513 : i32
        %dma_start3A_515 = arith.constant 0 : i32
        %dma_start3A_516 = arith.constant 0 : i32
        %dma_start3A_517 = tpu.memref_slice %arg8[%dma_start3A_515, %dma_start3A_516] : memref<3x128xi32, #tpu.memory_space<vmem>> -> memref<1x128xi32, #tpu.memory_space<vmem>>
        %dma_start3A_518 = tpu.memref_squeeze %dma_start3A_517 : memref<1x128xi32, #tpu.memory_space<vmem>> -> memref<128xi32, #tpu.memory_space<vmem>>
        %dma_start3A_519 = arith.constant 0 : i32
        %dma_start3A_520 = tpu.memref_slice %arg5[%arg1, %add3A_514, %dma_start3A_519] : memref<16x80x128xi32, #tpu.memory_space<hbm>> -> memref<1x1x128xi32, #tpu.memory_space<hbm>>
        %dma_start3A_521 = tpu.memref_squeeze %dma_start3A_520 : memref<1x1x128xi32, #tpu.memory_space<hbm>> -> memref<128xi32, #tpu.memory_space<hbm>>
        %dma_start3A_522 = arith.constant 0 : i32
        %dma_start3A_523 = tpu.memref_slice %arg8[%dma_start3A_515, %dma_start3A_522] : memref<3x128xi32, #tpu.memory_space<vmem>> -> memref<1x128xi32, #tpu.memory_space<vmem>>
        %dma_start3A_524 = tpu.memref_squeeze %dma_start3A_523 : memref<1x128xi32, #tpu.memory_space<vmem>> -> memref<128xi32, #tpu.memory_space<vmem>>
        %dma_start3A_525 = arith.constant 0 : i32
        %dma_start3A_526 = tpu.memref_slice %arg5[%arg1, %add3A_514, %dma_start3A_525] : memref<16x80x128xi32, #tpu.memory_space<hbm>> -> memref<1x1x128xi32, #tpu.memory_space<hbm>>
        %dma_start3A_527 = tpu.memref_squeeze %dma_start3A_526 : memref<1x1x128xi32, #tpu.memory_space<hbm>> -> memref<128xi32, #tpu.memory_space<hbm>>
        tpu.enqueue_dma source(%dma_start3A_527 : memref<128xi32, #tpu.memory_space<hbm>>) target(%dma_start3A_524 : memref<128xi32, #tpu.memory_space<vmem>>) target_semaphore(%arg18 : memref<!tpu.dma_semaphore, #tpu.memory_space<semaphore_mem>>)
      }
      %scan3A_162 = arith.constant 25 : i32
      %dma_wait3A_163 = arith.constant 2 : i32
      %dma_wait3A_164 = arith.constant 0 : i32
      %dma_wait3A_165 = tpu.memref_slice %arg8[%dma_wait3A_163, %dma_wait3A_164] : memref<3x128xi32, #tpu.memory_space<vmem>> -> memref<1x128xi32, #tpu.memory_space<vmem>>
      %dma_wait3A_166 = tpu.memref_squeeze %dma_wait3A_165 : memref<1x128xi32, #tpu.memory_space<vmem>> -> memref<128xi32, #tpu.memory_space<vmem>>
      %dma_wait3A_167 = arith.constant 0 : i32
      %dma_wait3A_168 = arith.constant 0 : i32
      %dma_wait3A_169 = tpu.memref_slice %arg7[%dma_wait3A_167, %dma_wait3A_168] : memref<10112x128xf32, #tpu.memory_space<vmem_shared>> -> memref<10112x128xf32, #tpu.memory_space<vmem_shared>>
      tpu.wait_indirect_dma semaphore(%arg14 : memref<!tpu.dma_semaphore, #tpu.memory_space<semaphore_mem>>) src(%dma_wait3A_169 : memref<10112x128xf32, #tpu.memory_space<vmem_shared>>) dst(%arg11 : memref<128x128xf32, #tpu.memory_space<vmem>>)
      %add3A_170 = arith.constant 9856 : i32
      %add3A_171 = arith.addi %mul3A_0, %add3A_170 : i32
      %dma_start3A_172 = arith.constant 1 : i32
      %dma_start3A_173 = arith.constant 0 : i32
      %dma_start3A_174 = tpu.memref_slice %arg6[%dma_start3A_172, %add3A_171, %dma_start3A_173] : memref<2x163840x128xf32, #tpu.memory_space<hbm>> -> memref<1x128x128xf32, #tpu.memory_space<hbm>>
      %dma_start3A_175 = tpu.memref_squeeze %dma_start3A_174 : memref<1x128x128xf32, #tpu.memory_space<hbm>> -> memref<128x128xf32, #tpu.memory_space<hbm>>
      %dma_start3A_176 = arith.constant 0 : i32
      %dma_start3A_177 = tpu.memref_slice %arg6[%dma_start3A_172, %add3A_171, %dma_start3A_176] : memref<2x163840x128xf32, #tpu.memory_space<hbm>> -> memref<1x128x128xf32, #tpu.memory_space<hbm>>
      %dma_start3A_178 = tpu.memref_squeeze %dma_start3A_177 : memref<1x128x128xf32, #tpu.memory_space<hbm>> -> memref<128x128xf32, #tpu.memory_space<hbm>>
      tpu.enqueue_dma source(%arg11 : memref<128x128xf32, #tpu.memory_space<vmem>>) target(%dma_start3A_178 : memref<128x128xf32, #tpu.memory_space<hbm>>) target_semaphore(%arg17 : memref<!tpu.dma_semaphore, #tpu.memory_space<semaphore_mem>>)
      %dma_wait3A_179 = arith.constant 78 : i32
      %dma_wait3A_180 = arith.constant 0 : i32
      %dma_wait3A_181 = arith.constant 0 : i32
      %dma_wait3A_182 = tpu.memref_slice %arg8[%dma_wait3A_180, %dma_wait3A_181] : memref<3x128xi32, #tpu.memory_space<vmem>> -> memref<1x128xi32, #tpu.memory_space<vmem>>
      %dma_wait3A_183 = tpu.memref_squeeze %dma_wait3A_182 : memref<1x128xi32, #tpu.memory_space<vmem>> -> memref<128xi32, #tpu.memory_space<vmem>>
      %dma_wait3A_184 = arith.constant 0 : i32
      %dma_wait3A_185 = tpu.memref_slice %arg5[%arg1, %dma_wait3A_179, %dma_wait3A_184] : memref<16x80x128xi32, #tpu.memory_space<hbm>> -> memref<1x1x128xi32, #tpu.memory_space<hbm>>
      %dma_wait3A_186 = tpu.memref_squeeze %dma_wait3A_185 : memref<1x1x128xi32, #tpu.memory_space<hbm>> -> memref<128xi32, #tpu.memory_space<hbm>>
      %dma_wait3A_187 = arith.constant 0 : i32
      %dma_wait3A_188 = tpu.memref_slice %arg8[%dma_wait3A_180, %dma_wait3A_187] : memref<3x128xi32, #tpu.memory_space<vmem>> -> memref<1x128xi32, #tpu.memory_space<vmem>>
      %dma_wait3A_189 = tpu.memref_squeeze %dma_wait3A_188 : memref<1x128xi32, #tpu.memory_space<vmem>> -> memref<128xi32, #tpu.memory_space<vmem>>
      %dma_wait3A_190 = arith.constant 0 : i32
      %dma_wait3A_191 = tpu.memref_slice %arg5[%arg1, %dma_wait3A_179, %dma_wait3A_190] : memref<16x80x128xi32, #tpu.memory_space<hbm>> -> memref<1x1x128xi32, #tpu.memory_space<hbm>>
      %dma_wait3A_192 = tpu.memref_squeeze %dma_wait3A_191 : memref<1x1x128xi32, #tpu.memory_space<hbm>> -> memref<128xi32, #tpu.memory_space<hbm>>
      tpu.wait_dma2 semaphore(%arg18 : memref<!tpu.dma_semaphore, #tpu.memory_space<semaphore_mem>>) src(%dma_wait3A_192 : memref<128xi32, #tpu.memory_space<hbm>>) dst(%dma_wait3A_189 : memref<128xi32, #tpu.memory_space<vmem>>)
      %add3A_193 = arith.constant 9600 : i32
      %add3A_194 = arith.addi %mul3A_0, %add3A_193 : i32
      %dma_wait3A_195 = arith.constant 1 : i32
      %dma_wait3A_196 = arith.constant 0 : i32
      %dma_wait3A_197 = tpu.memref_slice %arg6[%dma_wait3A_195, %add3A_194, %dma_wait3A_196] : memref<2x163840x128xf32, #tpu.memory_space<hbm>> -> memref<1x128x128xf32, #tpu.memory_space<hbm>>
      %dma_wait3A_198 = tpu.memref_squeeze %dma_wait3A_197 : memref<1x128x128xf32, #tpu.memory_space<hbm>> -> memref<128x128xf32, #tpu.memory_space<hbm>>
      %dma_wait3A_199 = arith.constant 0 : i32
      %dma_wait3A_200 = tpu.memref_slice %arg6[%dma_wait3A_195, %add3A_194, %dma_wait3A_199] : memref<2x163840x128xf32, #tpu.memory_space<hbm>> -> memref<1x128x128xf32, #tpu.memory_space<hbm>>
      %dma_wait3A_201 = tpu.memref_squeeze %dma_wait3A_200 : memref<1x128x128xf32, #tpu.memory_space<hbm>> -> memref<128x128xf32, #tpu.memory_space<hbm>>
      tpu.wait_dma2 semaphore(%arg15 : memref<!tpu.dma_semaphore, #tpu.memory_space<semaphore_mem>>) src(%arg9 : memref<128x128xf32, #tpu.memory_space<vmem>>) dst(%dma_wait3A_201 : memref<128x128xf32, #tpu.memory_space<hbm>>)
      %dma_start3A_202 = arith.constant 0 : i32
      %dma_start3A_203 = arith.constant 0 : i32
      %dma_start3A_204 = tpu.memref_slice %arg8[%dma_start3A_202, %dma_start3A_203] : memref<3x128xi32, #tpu.memory_space<vmem>> -> memref<1x128xi32, #tpu.memory_space<vmem>>
      %dma_start3A_205 = tpu.memref_squeeze %dma_start3A_204 : memref<1x128xi32, #tpu.memory_space<vmem>> -> memref<128xi32, #tpu.memory_space<vmem>>
      %dma_start3A_206 = arith.constant 0 : i32
      %dma_start3A_207 = arith.constant 0 : i32
      %dma_start3A_208 = tpu.memref_slice %arg7[%dma_start3A_206, %dma_start3A_207] : memref<10112x128xf32, #tpu.memory_space<vmem_shared>> -> memref<10112x128xf32, #tpu.memory_space<vmem_shared>>
      tpu.enqueue_indirect_dma source(%dma_start3A_208 : memref<10112x128xf32, #tpu.memory_space<vmem_shared>>) target(%arg9 : memref<128x128xf32, #tpu.memory_space<vmem>>) offsets(%dma_start3A_205 : memref<128xi32, #tpu.memory_space<vmem>>) semaphore(%arg12 : memref<!tpu.dma_semaphore, #tpu.memory_space<semaphore_mem>>)
      %dma_start3A_209 = arith.constant 79 : i32
      %dma_start3A_210 = arith.constant 1 : i32
      %dma_start3A_211 = arith.constant 0 : i32
      %dma_start3A_212 = tpu.memref_slice %arg8[%dma_start3A_210, %dma_start3A_211] : memref<3x128xi32, #tpu.memory_space<vmem>> -> memref<1x128xi32, #tpu.memory_space<vmem>>
      %dma_start3A_213 = tpu.memref_squeeze %dma_start3A_212 : memref<1x128xi32, #tpu.memory_space<vmem>> -> memref<128xi32, #tpu.memory_space<vmem>>
      %dma_start3A_214 = arith.constant 0 : i32
      %dma_start3A_215 = tpu.memref_slice %arg5[%arg1, %dma_start3A_209, %dma_start3A_214] : memref<16x80x128xi32, #tpu.memory_space<hbm>> -> memref<1x1x128xi32, #tpu.memory_space<hbm>>
      %dma_start3A_216 = tpu.memref_squeeze %dma_start3A_215 : memref<1x1x128xi32, #tpu.memory_space<hbm>> -> memref<128xi32, #tpu.memory_space<hbm>>
      %dma_start3A_217 = arith.constant 0 : i32
      %dma_start3A_218 = tpu.memref_slice %arg8[%dma_start3A_210, %dma_start3A_217] : memref<3x128xi32, #tpu.memory_space<vmem>> -> memref<1x128xi32, #tpu.memory_space<vmem>>
      %dma_start3A_219 = tpu.memref_squeeze %dma_start3A_218 : memref<1x128xi32, #tpu.memory_space<vmem>> -> memref<128xi32, #tpu.memory_space<vmem>>
      %dma_start3A_220 = arith.constant 0 : i32
      %dma_start3A_221 = tpu.memref_slice %arg5[%arg1, %dma_start3A_209, %dma_start3A_220] : memref<16x80x128xi32, #tpu.memory_space<hbm>> -> memref<1x1x128xi32, #tpu.memory_space<hbm>>
      %dma_start3A_222 = tpu.memref_squeeze %dma_start3A_221 : memref<1x1x128xi32, #tpu.memory_space<hbm>> -> memref<128xi32, #tpu.memory_space<hbm>>
      tpu.enqueue_dma source(%dma_start3A_222 : memref<128xi32, #tpu.memory_space<hbm>>) target(%dma_start3A_219 : memref<128xi32, #tpu.memory_space<vmem>>) target_semaphore(%arg19 : memref<!tpu.dma_semaphore, #tpu.memory_space<semaphore_mem>>)
      %dma_wait3A_223 = arith.constant 0 : i32
      %dma_wait3A_224 = arith.constant 0 : i32
      %dma_wait3A_225 = tpu.memref_slice %arg8[%dma_wait3A_223, %dma_wait3A_224] : memref<3x128xi32, #tpu.memory_space<vmem>> -> memref<1x128xi32, #tpu.memory_space<vmem>>
      %dma_wait3A_226 = tpu.memref_squeeze %dma_wait3A_225 : memref<1x128xi32, #tpu.memory_space<vmem>> -> memref<128xi32, #tpu.memory_space<vmem>>
      %dma_wait3A_227 = arith.constant 0 : i32
      %dma_wait3A_228 = arith.constant 0 : i32
      %dma_wait3A_229 = tpu.memref_slice %arg7[%dma_wait3A_227, %dma_wait3A_228] : memref<10112x128xf32, #tpu.memory_space<vmem_shared>> -> memref<10112x128xf32, #tpu.memory_space<vmem_shared>>
      tpu.wait_indirect_dma semaphore(%arg12 : memref<!tpu.dma_semaphore, #tpu.memory_space<semaphore_mem>>) src(%dma_wait3A_229 : memref<10112x128xf32, #tpu.memory_space<vmem_shared>>) dst(%arg9 : memref<128x128xf32, #tpu.memory_space<vmem>>)
      %add3A_230 = arith.constant 9984 : i32
      %add3A_231 = arith.addi %mul3A_0, %add3A_230 : i32
      %dma_start3A_232 = arith.constant 1 : i32
      %dma_start3A_233 = arith.constant 0 : i32
      %dma_start3A_234 = tpu.memref_slice %arg6[%dma_start3A_232, %add3A_231, %dma_start3A_233] : memref<2x163840x128xf32, #tpu.memory_space<hbm>> -> memref<1x128x128xf32, #tpu.memory_space<hbm>>
      %dma_start3A_235 = tpu.memref_squeeze %dma_start3A_234 : memref<1x128x128xf32, #tpu.memory_space<hbm>> -> memref<128x128xf32, #tpu.memory_space<hbm>>
      %dma_start3A_236 = arith.constant 0 : i32
      %dma_start3A_237 = tpu.memref_slice %arg6[%dma_start3A_232, %add3A_231, %dma_start3A_236] : memref<2x163840x128xf32, #tpu.memory_space<hbm>> -> memref<1x128x128xf32, #tpu.memory_space<hbm>>
      %dma_start3A_238 = tpu.memref_squeeze %dma_start3A_237 : memref<1x128x128xf32, #tpu.memory_space<hbm>> -> memref<128x128xf32, #tpu.memory_space<hbm>>
      tpu.enqueue_dma source(%arg9 : memref<128x128xf32, #tpu.memory_space<vmem>>) target(%dma_start3A_238 : memref<128x128xf32, #tpu.memory_space<hbm>>) target_semaphore(%arg15 : memref<!tpu.dma_semaphore, #tpu.memory_space<semaphore_mem>>)
      %dma_wait3A_239 = arith.constant 79 : i32
      %dma_wait3A_240 = arith.constant 1 : i32
      %dma_wait3A_241 = arith.constant 0 : i32
      %dma_wait3A_242 = tpu.memref_slice %arg8[%dma_wait3A_240, %dma_wait3A_241] : memref<3x128xi32, #tpu.memory_space<vmem>> -> memref<1x128xi32, #tpu.memory_space<vmem>>
      %dma_wait3A_243 = tpu.memref_squeeze %dma_wait3A_242 : memref<1x128xi32, #tpu.memory_space<vmem>> -> memref<128xi32, #tpu.memory_space<vmem>>
      %dma_wait3A_244 = arith.constant 0 : i32
      %dma_wait3A_245 = tpu.memref_slice %arg5[%arg1, %dma_wait3A_239, %dma_wait3A_244] : memref<16x80x128xi32, #tpu.memory_space<hbm>> -> memref<1x1x128xi32, #tpu.memory_space<hbm>>
      %dma_wait3A_246 = tpu.memref_squeeze %dma_wait3A_245 : memref<1x1x128xi32, #tpu.memory_space<hbm>> -> memref<128xi32, #tpu.memory_space<hbm>>
      %dma_wait3A_247 = arith.constant 0 : i32
      %dma_wait3A_248 = tpu.memref_slice %arg8[%dma_wait3A_240, %dma_wait3A_247] : memref<3x128xi32, #tpu.memory_space<vmem>> -> memref<1x128xi32, #tpu.memory_space<vmem>>
      %dma_wait3A_249 = tpu.memref_squeeze %dma_wait3A_248 : memref<1x128xi32, #tpu.memory_space<vmem>> -> memref<128xi32, #tpu.memory_space<vmem>>
      %dma_wait3A_250 = arith.constant 0 : i32
      %dma_wait3A_251 = tpu.memref_slice %arg5[%arg1, %dma_wait3A_239, %dma_wait3A_250] : memref<16x80x128xi32, #tpu.memory_space<hbm>> -> memref<1x1x128xi32, #tpu.memory_space<hbm>>
      %dma_wait3A_252 = tpu.memref_squeeze %dma_wait3A_251 : memref<1x1x128xi32, #tpu.memory_space<hbm>> -> memref<128xi32, #tpu.memory_space<hbm>>
      tpu.wait_dma2 semaphore(%arg19 : memref<!tpu.dma_semaphore, #tpu.memory_space<semaphore_mem>>) src(%dma_wait3A_252 : memref<128xi32, #tpu.memory_space<hbm>>) dst(%dma_wait3A_249 : memref<128xi32, #tpu.memory_space<vmem>>)
      %add3A_253 = arith.constant 9728 : i32
      %add3A_254 = arith.addi %mul3A_0, %add3A_253 : i32
      %dma_wait3A_255 = arith.constant 1 : i32
      %dma_wait3A_256 = arith.constant 0 : i32
      %dma_wait3A_257 = tpu.memref_slice %arg6[%dma_wait3A_255, %add3A_254, %dma_wait3A_256] : memref<2x163840x128xf32, #tpu.memory_space<hbm>> -> memref<1x128x128xf32, #tpu.memory_space<hbm>>
      %dma_wait3A_258 = tpu.memref_squeeze %dma_wait3A_257 : memref<1x128x128xf32, #tpu.memory_space<hbm>> -> memref<128x128xf32, #tpu.memory_space<hbm>>
      %dma_wait3A_259 = arith.constant 0 : i32
      %dma_wait3A_260 = tpu.memref_slice %arg6[%dma_wait3A_255, %add3A_254, %dma_wait3A_259] : memref<2x163840x128xf32, #tpu.memory_space<hbm>> -> memref<1x128x128xf32, #tpu.memory_space<hbm>>
      %dma_wait3A_261 = tpu.memref_squeeze %dma_wait3A_260 : memref<1x128x128xf32, #tpu.memory_space<hbm>> -> memref<128x128xf32, #tpu.memory_space<hbm>>
      tpu.wait_dma2 semaphore(%arg16 : memref<!tpu.dma_semaphore, #tpu.memory_space<semaphore_mem>>) src(%arg10 : memref<128x128xf32, #tpu.memory_space<vmem>>) dst(%dma_wait3A_261 : memref<128x128xf32, #tpu.memory_space<hbm>>)
      %dma_start3A_262 = arith.constant 1 : i32
      %dma_start3A_263 = arith.constant 0 : i32
      %dma_start3A_264 = tpu.memref_slice %arg8[%dma_start3A_262, %dma_start3A_263] : memref<3x128xi32, #tpu.memory_space<vmem>> -> memref<1x128xi32, #tpu.memory_space<vmem>>
      %dma_start3A_265 = tpu.memref_squeeze %dma_start3A_264 : memref<1x128xi32, #tpu.memory_space<vmem>> -> memref<128xi32, #tpu.memory_space<vmem>>
      %dma_start3A_266 = arith.constant 0 : i32
      %dma_start3A_267 = arith.constant 0 : i32
      %dma_start3A_268 = tpu.memref_slice %arg7[%dma_start3A_266, %dma_start3A_267] : memref<10112x128xf32, #tpu.memory_space<vmem_shared>> -> memref<10112x128xf32, #tpu.memory_space<vmem_shared>>
      tpu.enqueue_indirect_dma source(%dma_start3A_268 : memref<10112x128xf32, #tpu.memory_space<vmem_shared>>) target(%arg10 : memref<128x128xf32, #tpu.memory_space<vmem>>) offsets(%dma_start3A_265 : memref<128xi32, #tpu.memory_space<vmem>>) semaphore(%arg13 : memref<!tpu.dma_semaphore, #tpu.memory_space<semaphore_mem>>)
      %dma_wait3A_269 = arith.constant 1 : i32
      %dma_wait3A_270 = arith.constant 0 : i32
      %dma_wait3A_271 = tpu.memref_slice %arg8[%dma_wait3A_269, %dma_wait3A_270] : memref<3x128xi32, #tpu.memory_space<vmem>> -> memref<1x128xi32, #tpu.memory_space<vmem>>
      %dma_wait3A_272 = tpu.memref_squeeze %dma_wait3A_271 : memref<1x128xi32, #tpu.memory_space<vmem>> -> memref<128xi32, #tpu.memory_space<vmem>>
      %dma_wait3A_273 = arith.constant 0 : i32
      %dma_wait3A_274 = arith.constant 0 : i32
      %dma_wait3A_275 = tpu.memref_slice %arg7[%dma_wait3A_273, %dma_wait3A_274] : memref<10112x128xf32, #tpu.memory_space<vmem_shared>> -> memref<10112x128xf32, #tpu.memory_space<vmem_shared>>
      tpu.wait_indirect_dma semaphore(%arg13 : memref<!tpu.dma_semaphore, #tpu.memory_space<semaphore_mem>>) src(%dma_wait3A_275 : memref<10112x128xf32, #tpu.memory_space<vmem_shared>>) dst(%arg10 : memref<128x128xf32, #tpu.memory_space<vmem>>)
      %add3A_276 = arith.constant 10112 : i32
      %add3A_277 = arith.addi %mul3A_0, %add3A_276 : i32
      %dma_start3A_278 = arith.constant 1 : i32
      %dma_start3A_279 = arith.constant 0 : i32
      %dma_start3A_280 = tpu.memref_slice %arg6[%dma_start3A_278, %add3A_277, %dma_start3A_279] : memref<2x163840x128xf32, #tpu.memory_space<hbm>> -> memref<1x128x128xf32, #tpu.memory_space<hbm>>
      %dma_start3A_281 = tpu.memref_squeeze %dma_start3A_280 : memref<1x128x128xf32, #tpu.memory_space<hbm>> -> memref<128x128xf32, #tpu.memory_space<hbm>>
      %dma_start3A_282 = arith.constant 0 : i32
      %dma_start3A_283 = tpu.memref_slice %arg6[%dma_start3A_278, %add3A_277, %dma_start3A_282] : memref<2x163840x128xf32, #tpu.memory_space<hbm>> -> memref<1x128x128xf32, #tpu.memory_space<hbm>>
      %dma_start3A_284 = tpu.memref_squeeze %dma_start3A_283 : memref<1x128x128xf32, #tpu.memory_space<hbm>> -> memref<128x128xf32, #tpu.memory_space<hbm>>
      tpu.enqueue_dma source(%arg10 : memref<128x128xf32, #tpu.memory_space<vmem>>) target(%dma_start3A_284 : memref<128x128xf32, #tpu.memory_space<hbm>>) target_semaphore(%arg16 : memref<!tpu.dma_semaphore, #tpu.memory_space<semaphore_mem>>)
      %add3A_285 = arith.constant 9856 : i32
      %add3A_286 = arith.addi %mul3A_0, %add3A_285 : i32
      %dma_wait3A_287 = arith.constant 1 : i32
      %dma_wait3A_288 = arith.constant 0 : i32
      %dma_wait3A_289 = tpu.memref_slice %arg6[%dma_wait3A_287, %add3A_286, %dma_wait3A_288] : memref<2x163840x128xf32, #tpu.memory_space<hbm>> -> memref<1x128x128xf32, #tpu.memory_space<hbm>>
      %dma_wait3A_290 = tpu.memref_squeeze %dma_wait3A_289 : memref<1x128x128xf32, #tpu.memory_space<hbm>> -> memref<128x128xf32, #tpu.memory_space<hbm>>
      %dma_wait3A_291 = arith.constant 0 : i32
      %dma_wait3A_292 = tpu.memref_slice %arg6[%dma_wait3A_287, %add3A_286, %dma_wait3A_291] : memref<2x163840x128xf32, #tpu.memory_space<hbm>> -> memref<1x128x128xf32, #tpu.memory_space<hbm>>
      %dma_wait3A_293 = tpu.memref_squeeze %dma_wait3A_292 : memref<1x128x128xf32, #tpu.memory_space<hbm>> -> memref<128x128xf32, #tpu.memory_space<hbm>>
      tpu.wait_dma2 semaphore(%arg17 : memref<!tpu.dma_semaphore, #tpu.memory_space<semaphore_mem>>) src(%arg11 : memref<128x128xf32, #tpu.memory_space<vmem>>) dst(%dma_wait3A_293 : memref<128x128xf32, #tpu.memory_space<hbm>>)
      %add3A_294 = arith.constant 9984 : i32
      %add3A_295 = arith.addi %mul3A_0, %add3A_294 : i32
      %dma_wait3A_296 = arith.constant 1 : i32
      %dma_wait3A_297 = arith.constant 0 : i32
      %dma_wait3A_298 = tpu.memref_slice %arg6[%dma_wait3A_296, %add3A_295, %dma_wait3A_297] : memref<2x163840x128xf32, #tpu.memory_space<hbm>> -> memref<1x128x128xf32, #tpu.memory_space<hbm>>
      %dma_wait3A_299 = tpu.memref_squeeze %dma_wait3A_298 : memref<1x128x128xf32, #tpu.memory_space<hbm>> -> memref<128x128xf32, #tpu.memory_space<hbm>>
      %dma_wait3A_300 = arith.constant 0 : i32
      %dma_wait3A_301 = tpu.memref_slice %arg6[%dma_wait3A_296, %add3A_295, %dma_wait3A_300] : memref<2x163840x128xf32, #tpu.memory_space<hbm>> -> memref<1x128x128xf32, #tpu.memory_space<hbm>>
      %dma_wait3A_302 = tpu.memref_squeeze %dma_wait3A_301 : memref<1x128x128xf32, #tpu.memory_space<hbm>> -> memref<128x128xf32, #tpu.memory_space<hbm>>
      tpu.wait_dma2 semaphore(%arg15 : memref<!tpu.dma_semaphore, #tpu.memory_space<semaphore_mem>>) src(%arg9 : memref<128x128xf32, #tpu.memory_space<vmem>>) dst(%dma_wait3A_302 : memref<128x128xf32, #tpu.memory_space<hbm>>)
      %add3A_303 = arith.constant 10112 : i32
      %add3A_304 = arith.addi %mul3A_0, %add3A_303 : i32
      %dma_wait3A_305 = arith.constant 1 : i32
      %dma_wait3A_306 = arith.constant 0 : i32
      %dma_wait3A_307 = tpu.memref_slice %arg6[%dma_wait3A_305, %add3A_304, %dma_wait3A_306] : memref<2x163840x128xf32, #tpu.memory_space<hbm>> -> memref<1x128x128xf32, #tpu.memory_space<hbm>>
      %dma_wait3A_308 = tpu.memref_squeeze %dma_wait3A_307 : memref<1x128x128xf32, #tpu.memory_space<hbm>> -> memref<128x128xf32, #tpu.memory_space<hbm>>
      %dma_wait3A_309 = arith.constant 0 : i32
      %dma_wait3A_310 = tpu.memref_slice %arg6[%dma_wait3A_305, %add3A_304, %dma_wait3A_309] : memref<2x163840x128xf32, #tpu.memory_space<hbm>> -> memref<1x128x128xf32, #tpu.memory_space<hbm>>
      %dma_wait3A_311 = tpu.memref_squeeze %dma_wait3A_310 : memref<1x128x128xf32, #tpu.memory_space<hbm>> -> memref<128x128xf32, #tpu.memory_space<hbm>>
      tpu.wait_dma2 semaphore(%arg16 : memref<!tpu.dma_semaphore, #tpu.memory_space<semaphore_mem>>) src(%arg10 : memref<128x128xf32, #tpu.memory_space<vmem>>) dst(%dma_wait3A_311 : memref<128x128xf32, #tpu.memory_space<hbm>>)
    } else {
    }
    return
  }
}

#map = affine_map<(d0, d1) -> (0, 0)>
#map1 = affine_map<(d0, d1) -> (0, 0, 0)>
module attributes {stable_mosaic.version = 14 : i64} {
  func.func @_gather_body(%arg0: i32, %arg1: i32, %arg2: memref<10112x128xf32, #tpu.memory_space<hbm>>, %arg3: memref<10112x128xf32, #tpu.memory_space<hbm>>, %arg4: memref<16x80x128xi32, #tpu.memory_space<hbm>>, %arg5: memref<16x80x128xi32, #tpu.memory_space<hbm>>, %arg6: memref<2x163840x128xf32, #tpu.memory_space<hbm>>, %arg7: memref<10112x128xf32, #tpu.memory_space<vmem_shared>>, %arg8: memref<3x128xi32, #tpu.memory_space<vmem>>, %arg9: memref<128x128xf32, #tpu.memory_space<vmem>>, %arg10: memref<128x128xf32, #tpu.memory_space<vmem>>, %arg11: memref<128x128xf32, #tpu.memory_space<vmem>>, %arg12: memref<!tpu.dma_semaphore, #tpu.memory_space<semaphore_mem>>, %arg13: memref<!tpu.dma_semaphore, #tpu.memory_space<semaphore_mem>>, %arg14: memref<!tpu.dma_semaphore, #tpu.memory_space<semaphore_mem>>, %arg15: memref<!tpu.dma_semaphore, #tpu.memory_space<semaphore_mem>>, %arg16: memref<!tpu.dma_semaphore, #tpu.memory_space<semaphore_mem>>, %arg17: memref<!tpu.dma_semaphore, #tpu.memory_space<semaphore_mem>>, %arg18: memref<!tpu.dma_semaphore, #tpu.memory_space<semaphore_mem>>, %arg19: memref<!tpu.dma_semaphore, #tpu.memory_space<semaphore_mem>>, %arg20: memref<!tpu.dma_semaphore, #tpu.memory_space<semaphore_mem>>) attributes {dimension_semantics = [#tpu.dimension_semantics<core_parallel>, #tpu.dimension_semantics<subcore_parallel>], iteration_bounds = array<i64: 2, 16>, scalar_prefetch = 0 : i64, scratch_operands = 14 : i64, tpu.core_type = #tpu.core_type<sc_vector_subcore>, window_params = [{transform_indices = #map}, {transform_indices = #map}, {transform_indices = #map1}, {transform_indices = #map1}, {transform_indices = #map1}]} {
    %mul3A = arith.constant 10240 : i32
    %mul3A_0 = arith.muli %arg1, %mul3A : i32
    %mul3A_1 = arith.constant 632 : i32
    %mul3A_2 = arith.muli %arg1, %mul3A_1 : i32
    %eq3A = arith.constant 0 : i32
    %eq3A_3 = arith.cmpi eq, %arg0, %eq3A : i32
    %convert_element_type3A = arith.extui %eq3A_3 : i1 to i32
    %cond3A = arith.constant 0 : i32
    %cond3A_4 = arith.cmpi ne, %convert_element_type3A, %cond3A : i32
    scf.if %cond3A_4 {
      "tpu.region"() ({
        %run_scoped3A = tpu.sem_alloc : memref<!tpu.dma_semaphore, #tpu.memory_space<semaphore_mem>>
        %dma_start3A_312 = arith.constant 0 : i32
        %dma_start3A_313 = tpu.memref_slice %arg7[%mul3A_2, %dma_start3A_312] : memref<10112x128xf32, #tpu.memory_space<vmem_shared>> -> memref<632x128xf32, #tpu.memory_space<vmem_shared>>
        %dma_start3A_314 = arith.constant 0 : i32
        %dma_start3A_315 = tpu.memref_slice %arg2[%mul3A_2, %dma_start3A_314] : memref<10112x128xf32, #tpu.memory_space<hbm>> -> memref<632x128xf32, #tpu.memory_space<hbm>>
        tpu.enqueue_dma source(%dma_start3A_315 : memref<632x128xf32, #tpu.memory_space<hbm>>) target(%dma_start3A_313 : memref<632x128xf32, #tpu.memory_space<vmem_shared>>) target_semaphore(%run_scoped3A : memref<!tpu.dma_semaphore, #tpu.memory_space<semaphore_mem>>)
        %dma_wait3A_316 = arith.constant 0 : i32
        %dma_wait3A_317 = tpu.memref_slice %arg7[%mul3A_2, %dma_wait3A_316] : memref<10112x128xf32, #tpu.memory_space<vmem_shared>> -> memref<632x128xf32, #tpu.memory_space<vmem_shared>>
        %dma_wait3A_318 = arith.constant 0 : i32
        %dma_wait3A_319 = tpu.memref_slice %arg2[%mul3A_2, %dma_wait3A_318] : memref<10112x128xf32, #tpu.memory_space<hbm>> -> memref<632x128xf32, #tpu.memory_space<hbm>>
        tpu.wait_dma2 semaphore(%run_scoped3A : memref<!tpu.dma_semaphore, #tpu.memory_space<semaphore_mem>>) src(%dma_wait3A_319 : memref<632x128xf32, #tpu.memory_space<hbm>>) dst(%dma_wait3A_317 : memref<632x128xf32, #tpu.memory_space<vmem_shared>>)
        tpu.yield
      }) : () -> ()
      %barrier3A = arith.constant 0 : index
      tpu.barrier barrier_id(%barrier3A)
      %dma_start3A = arith.constant 0 : i32
      %dma_start3A_10 = arith.constant 0 : i32
      %dma_start3A_11 = arith.constant 0 : i32
      %dma_start3A_12 = tpu.memref_slice %arg8[%dma_start3A_10, %dma_start3A_11] : memref<3x128xi32, #tpu.memory_space<vmem>> -> memref<1x128xi32, #tpu.memory_space<vmem>>
      %dma_start3A_13 = tpu.memref_squeeze %dma_start3A_12 : memref<1x128xi32, #tpu.memory_space<vmem>> -> memref<128xi32, #tpu.memory_space<vmem>>
      %dma_start3A_14 = arith.constant 0 : i32
      %dma_start3A_15 = tpu.memref_slice %arg4[%arg1, %dma_start3A, %dma_start3A_14] : memref<16x80x128xi32, #tpu.memory_space<hbm>> -> memref<1x1x128xi32, #tpu.memory_space<hbm>>
      %dma_start3A_16 = tpu.memref_squeeze %dma_start3A_15 : memref<1x1x128xi32, #tpu.memory_space<hbm>> -> memref<128xi32, #tpu.memory_space<hbm>>
      %dma_start3A_17 = arith.constant 0 : i32
      %dma_start3A_18 = tpu.memref_slice %arg8[%dma_start3A_10, %dma_start3A_17] : memref<3x128xi32, #tpu.memory_space<vmem>> -> memref<1x128xi32, #tpu.memory_space<vmem>>
      %dma_start3A_19 = tpu.memref_squeeze %dma_start3A_18 : memref<1x128xi32, #tpu.memory_space<vmem>> -> memref<128xi32, #tpu.memory_space<vmem>>
      %dma_start3A_20 = arith.constant 0 : i32
      %dma_start3A_21 = tpu.memref_slice %arg4[%arg1, %dma_start3A, %dma_start3A_20] : memref<16x80x128xi32, #tpu.memory_space<hbm>> -> memref<1x1x128xi32, #tpu.memory_space<hbm>>
      %dma_start3A_22 = tpu.memref_squeeze %dma_start3A_21 : memref<1x1x128xi32, #tpu.memory_space<hbm>> -> memref<128xi32, #tpu.memory_space<hbm>>
      tpu.enqueue_dma source(%dma_start3A_22 : memref<128xi32, #tpu.memory_space<hbm>>) target(%dma_start3A_19 : memref<128xi32, #tpu.memory_space<vmem>>) target_semaphore(%arg18 : memref<!tpu.dma_semaphore, #tpu.memory_space<semaphore_mem>>)
      %dma_start3A_23 = arith.constant 1 : i32
      %dma_start3A_24 = arith.constant 1 : i32
      %dma_start3A_25 = arith.constant 0 : i32
      %dma_start3A_26 = tpu.memref_slice %arg8[%dma_start3A_24, %dma_start3A_25] : memref<3x128xi32, #tpu.memory_space<vmem>> -> memref<1x128xi32, #tpu.memory_space<vmem>>
      %dma_start3A_27 = tpu.memref_squeeze %dma_start3A_26 : memref<1x128xi32, #tpu.memory_space<vmem>> -> memref<128xi32, #tpu.memory_space<vmem>>
      %dma_start3A_28 = arith.constant 0 : i32
      %dma_start3A_29 = tpu.memref_slice %arg4[%arg1, %dma_start3A_23, %dma_start3A_28] : memref<16x80x128xi32, #tpu.memory_space<hbm>> -> memref<1x1x128xi32, #tpu.memory_space<hbm>>
      %dma_start3A_30 = tpu.memref_squeeze %dma_start3A_29 : memref<1x1x128xi32, #tpu.memory_space<hbm>> -> memref<128xi32, #tpu.memory_space<hbm>>
      %dma_start3A_31 = arith.constant 0 : i32
      %dma_start3A_32 = tpu.memref_slice %arg8[%dma_start3A_24, %dma_start3A_31] : memref<3x128xi32, #tpu.memory_space<vmem>> -> memref<1x128xi32, #tpu.memory_space<vmem>>
      %dma_start3A_33 = tpu.memref_squeeze %dma_start3A_32 : memref<1x128xi32, #tpu.memory_space<vmem>> -> memref<128xi32, #tpu.memory_space<vmem>>
      %dma_start3A_34 = arith.constant 0 : i32
      %dma_start3A_35 = tpu.memref_slice %arg4[%arg1, %dma_start3A_23, %dma_start3A_34] : memref<16x80x128xi32, #tpu.memory_space<hbm>> -> memref<1x1x128xi32, #tpu.memory_space<hbm>>
      %dma_start3A_36 = tpu.memref_squeeze %dma_start3A_35 : memref<1x1x128xi32, #tpu.memory_space<hbm>> -> memref<128xi32, #tpu.memory_space<hbm>>
      tpu.enqueue_dma source(%dma_start3A_36 : memref<128xi32, #tpu.memory_space<hbm>>) target(%dma_start3A_33 : memref<128xi32, #tpu.memory_space<vmem>>) target_semaphore(%arg19 : memref<!tpu.dma_semaphore, #tpu.memory_space<semaphore_mem>>)
      %dma_wait3A = arith.constant 0 : i32
      %dma_wait3A_37 = arith.constant 0 : i32
      %dma_wait3A_38 = arith.constant 0 : i32
      %dma_wait3A_39 = tpu.memref_slice %arg8[%dma_wait3A_37, %dma_wait3A_38] : memref<3x128xi32, #tpu.memory_space<vmem>> -> memref<1x128xi32, #tpu.memory_space<vmem>>
      %dma_wait3A_40 = tpu.memref_squeeze %dma_wait3A_39 : memref<1x128xi32, #tpu.memory_space<vmem>> -> memref<128xi32, #tpu.memory_space<vmem>>
      %dma_wait3A_41 = arith.constant 0 : i32
      %dma_wait3A_42 = tpu.memref_slice %arg4[%arg1, %dma_wait3A, %dma_wait3A_41] : memref<16x80x128xi32, #tpu.memory_space<hbm>> -> memref<1x1x128xi32, #tpu.memory_space<hbm>>
      %dma_wait3A_43 = tpu.memref_squeeze %dma_wait3A_42 : memref<1x1x128xi32, #tpu.memory_space<hbm>> -> memref<128xi32, #tpu.memory_space<hbm>>
      %dma_wait3A_44 = arith.constant 0 : i32
      %dma_wait3A_45 = tpu.memref_slice %arg8[%dma_wait3A_37, %dma_wait3A_44] : memref<3x128xi32, #tpu.memory_space<vmem>> -> memref<1x128xi32, #tpu.memory_space<vmem>>
      %dma_wait3A_46 = tpu.memref_squeeze %dma_wait3A_45 : memref<1x128xi32, #tpu.memory_space<vmem>> -> memref<128xi32, #tpu.memory_space<vmem>>
      %dma_wait3A_47 = arith.constant 0 : i32
      %dma_wait3A_48 = tpu.memref_slice %arg4[%arg1, %dma_wait3A, %dma_wait3A_47] : memref<16x80x128xi32, #tpu.memory_space<hbm>> -> memref<1x1x128xi32, #tpu.memory_space<hbm>>
      %dma_wait3A_49 = tpu.memref_squeeze %dma_wait3A_48 : memref<1x1x128xi32, #tpu.memory_space<hbm>> -> memref<128xi32, #tpu.memory_space<hbm>>
      tpu.wait_dma2 semaphore(%arg18 : memref<!tpu.dma_semaphore, #tpu.memory_space<semaphore_mem>>) src(%dma_wait3A_49 : memref<128xi32, #tpu.memory_space<hbm>>) dst(%dma_wait3A_46 : memref<128xi32, #tpu.memory_space<vmem>>)
      %dma_start3A_50 = arith.constant 0 : i32
      %dma_start3A_51 = arith.constant 0 : i32
      %dma_start3A_52 = tpu.memref_slice %arg8[%dma_start3A_50, %dma_start3A_51] : memref<3x128xi32, #tpu.memory_space<vmem>> -> memref<1x128xi32, #tpu.memory_space<vmem>>
      %dma_start3A_53 = tpu.memref_squeeze %dma_start3A_52 : memref<1x128xi32, #tpu.memory_space<vmem>> -> memref<128xi32, #tpu.memory_space<vmem>>
      %dma_start3A_54 = arith.constant 0 : i32
      %dma_start3A_55 = arith.constant 0 : i32
      %dma_start3A_56 = tpu.memref_slice %arg7[%dma_start3A_54, %dma_start3A_55] : memref<10112x128xf32, #tpu.memory_space<vmem_shared>> -> memref<10112x128xf32, #tpu.memory_space<vmem_shared>>
      tpu.enqueue_indirect_dma source(%dma_start3A_56 : memref<10112x128xf32, #tpu.memory_space<vmem_shared>>) target(%arg9 : memref<128x128xf32, #tpu.memory_space<vmem>>) offsets(%dma_start3A_53 : memref<128xi32, #tpu.memory_space<vmem>>) semaphore(%arg12 : memref<!tpu.dma_semaphore, #tpu.memory_space<semaphore_mem>>)
      %dma_wait3A_57 = arith.constant 0 : i32
      %dma_wait3A_58 = arith.constant 0 : i32
      %dma_wait3A_59 = tpu.memref_slice %arg8[%dma_wait3A_57, %dma_wait3A_58] : memref<3x128xi32, #tpu.memory_space<vmem>> -> memref<1x128xi32, #tpu.memory_space<vmem>>
      %dma_wait3A_60 = tpu.memref_squeeze %dma_wait3A_59 : memref<1x128xi32, #tpu.memory_space<vmem>> -> memref<128xi32, #tpu.memory_space<vmem>>
      %dma_wait3A_61 = arith.constant 0 : i32
      %dma_wait3A_62 = arith.constant 0 : i32
      %dma_wait3A_63 = tpu.memref_slice %arg7[%dma_wait3A_61, %dma_wait3A_62] : memref<10112x128xf32, #tpu.memory_space<vmem_shared>> -> memref<10112x128xf32, #tpu.memory_space<vmem_shared>>
      tpu.wait_indirect_dma semaphore(%arg12 : memref<!tpu.dma_semaphore, #tpu.memory_space<semaphore_mem>>) src(%dma_wait3A_63 : memref<10112x128xf32, #tpu.memory_space<vmem_shared>>) dst(%arg9 : memref<128x128xf32, #tpu.memory_space<vmem>>)
      %add3A = arith.constant 0 : i32
      %add3A_64 = arith.addi %mul3A_0, %add3A : i32
      %dma_start3A_65 = arith.constant 0 : i32
      %dma_start3A_66 = arith.constant 0 : i32
      %dma_start3A_67 = tpu.memref_slice %arg6[%dma_start3A_65, %add3A_64, %dma_start3A_66] : memref<2x163840x128xf32, #tpu.memory_space<hbm>> -> memref<1x128x128xf32, #tpu.memory_space<hbm>>
      %dma_start3A_68 = tpu.memref_squeeze %dma_start3A_67 : memref<1x128x128xf32, #tpu.memory_space<hbm>> -> memref<128x128xf32, #tpu.memory_space<hbm>>
      %dma_start3A_69 = arith.constant 0 : i32
      %dma_start3A_70 = tpu.memref_slice %arg6[%dma_start3A_65, %add3A_64, %dma_start3A_69] : memref<2x163840x128xf32, #tpu.memory_space<hbm>> -> memref<1x128x128xf32, #tpu.memory_space<hbm>>
      %dma_start3A_71 = tpu.memref_squeeze %dma_start3A_70 : memref<1x128x128xf32, #tpu.memory_space<hbm>> -> memref<128x128xf32, #tpu.memory_space<hbm>>
      tpu.enqueue_dma source(%arg9 : memref<128x128xf32, #tpu.memory_space<vmem>>) target(%dma_start3A_71 : memref<128x128xf32, #tpu.memory_space<hbm>>) target_semaphore(%arg15 : memref<!tpu.dma_semaphore, #tpu.memory_space<semaphore_mem>>)
      %dma_wait3A_72 = arith.constant 1 : i32
      %dma_wait3A_73 = arith.constant 1 : i32
      %dma_wait3A_74 = arith.constant 0 : i32
      %dma_wait3A_75 = tpu.memref_slice %arg8[%dma_wait3A_73, %dma_wait3A_74] : memref<3x128xi32, #tpu.memory_space<vmem>> -> memref<1x128xi32, #tpu.memory_space<vmem>>
      %dma_wait3A_76 = tpu.memref_squeeze %dma_wait3A_75 : memref<1x128xi32, #tpu.memory_space<vmem>> -> memref<128xi32, #tpu.memory_space<vmem>>
      %dma_wait3A_77 = arith.constant 0 : i32
      %dma_wait3A_78 = tpu.memref_slice %arg4[%arg1, %dma_wait3A_72, %dma_wait3A_77] : memref<16x80x128xi32, #tpu.memory_space<hbm>> -> memref<1x1x128xi32, #tpu.memory_space<hbm>>
      %dma_wait3A_79 = tpu.memref_squeeze %dma_wait3A_78 : memref<1x1x128xi32, #tpu.memory_space<hbm>> -> memref<128xi32, #tpu.memory_space<hbm>>
      %dma_wait3A_80 = arith.constant 0 : i32
      %dma_wait3A_81 = tpu.memref_slice %arg8[%dma_wait3A_73, %dma_wait3A_80] : memref<3x128xi32, #tpu.memory_space<vmem>> -> memref<1x128xi32, #tpu.memory_space<vmem>>
      %dma_wait3A_82 = tpu.memref_squeeze %dma_wait3A_81 : memref<1x128xi32, #tpu.memory_space<vmem>> -> memref<128xi32, #tpu.memory_space<vmem>>
      %dma_wait3A_83 = arith.constant 0 : i32
      %dma_wait3A_84 = tpu.memref_slice %arg4[%arg1, %dma_wait3A_72, %dma_wait3A_83] : memref<16x80x128xi32, #tpu.memory_space<hbm>> -> memref<1x1x128xi32, #tpu.memory_space<hbm>>
      %dma_wait3A_85 = tpu.memref_squeeze %dma_wait3A_84 : memref<1x1x128xi32, #tpu.memory_space<hbm>> -> memref<128xi32, #tpu.memory_space<hbm>>
      tpu.wait_dma2 semaphore(%arg19 : memref<!tpu.dma_semaphore, #tpu.memory_space<semaphore_mem>>) src(%dma_wait3A_85 : memref<128xi32, #tpu.memory_space<hbm>>) dst(%dma_wait3A_82 : memref<128xi32, #tpu.memory_space<vmem>>)
      %dma_start3A_86 = arith.constant 1 : i32
      %dma_start3A_87 = arith.constant 0 : i32
      %dma_start3A_88 = tpu.memref_slice %arg8[%dma_start3A_86, %dma_start3A_87] : memref<3x128xi32, #tpu.memory_space<vmem>> -> memref<1x128xi32, #tpu.memory_space<vmem>>
      %dma_start3A_89 = tpu.memref_squeeze %dma_start3A_88 : memref<1x128xi32, #tpu.memory_space<vmem>> -> memref<128xi32, #tpu.memory_space<vmem>>
      %dma_start3A_90 = arith.constant 0 : i32
      %dma_start3A_91 = arith.constant 0 : i32
      %dma_start3A_92 = tpu.memref_slice %arg7[%dma_start3A_90, %dma_start3A_91] : memref<10112x128xf32, #tpu.memory_space<vmem_shared>> -> memref<10112x128xf32, #tpu.memory_space<vmem_shared>>
      tpu.enqueue_indirect_dma source(%dma_start3A_92 : memref<10112x128xf32, #tpu.memory_space<vmem_shared>>) target(%arg10 : memref<128x128xf32, #tpu.memory_space<vmem>>) offsets(%dma_start3A_89 : memref<128xi32, #tpu.memory_space<vmem>>) semaphore(%arg13 : memref<!tpu.dma_semaphore, #tpu.memory_space<semaphore_mem>>)
      %dma_start3A_93 = arith.constant 2 : i32
      %dma_start3A_94 = arith.constant 2 : i32
      %dma_start3A_95 = arith.constant 0 : i32
      %dma_start3A_96 = tpu.memref_slice %arg8[%dma_start3A_94, %dma_start3A_95] : memref<3x128xi32, #tpu.memory_space<vmem>> -> memref<1x128xi32, #tpu.memory_space<vmem>>
      %dma_start3A_97 = tpu.memref_squeeze %dma_start3A_96 : memref<1x128xi32, #tpu.memory_space<vmem>> -> memref<128xi32, #tpu.memory_space<vmem>>
      %dma_start3A_98 = arith.constant 0 : i32
      %dma_start3A_99 = tpu.memref_slice %arg4[%arg1, %dma_start3A_93, %dma_start3A_98] : memref<16x80x128xi32, #tpu.memory_space<hbm>> -> memref<1x1x128xi32, #tpu.memory_space<hbm>>
      %dma_start3A_100 = tpu.memref_squeeze %dma_start3A_99 : memref<1x1x128xi32, #tpu.memory_space<hbm>> -> memref<128xi32, #tpu.memory_space<hbm>>
      %dma_start3A_101 = arith.constant 0 : i32
      %dma_start3A_102 = tpu.memref_slice %arg8[%dma_start3A_94, %dma_start3A_101] : memref<3x128xi32, #tpu.memory_space<vmem>> -> memref<1x128xi32, #tpu.memory_space<vmem>>
      %dma_start3A_103 = tpu.memref_squeeze %dma_start3A_102 : memref<1x128xi32, #tpu.memory_space<vmem>> -> memref<128xi32, #tpu.memory_space<vmem>>
      %dma_start3A_104 = arith.constant 0 : i32
      %dma_start3A_105 = tpu.memref_slice %arg4[%arg1, %dma_start3A_93, %dma_start3A_104] : memref<16x80x128xi32, #tpu.memory_space<hbm>> -> memref<1x1x128xi32, #tpu.memory_space<hbm>>
      %dma_start3A_106 = tpu.memref_squeeze %dma_start3A_105 : memref<1x1x128xi32, #tpu.memory_space<hbm>> -> memref<128xi32, #tpu.memory_space<hbm>>
      tpu.enqueue_dma source(%dma_start3A_106 : memref<128xi32, #tpu.memory_space<hbm>>) target(%dma_start3A_103 : memref<128xi32, #tpu.memory_space<vmem>>) target_semaphore(%arg20 : memref<!tpu.dma_semaphore, #tpu.memory_space<semaphore_mem>>)
      %dma_wait3A_107 = arith.constant 1 : i32
      %dma_wait3A_108 = arith.constant 0 : i32
      %dma_wait3A_109 = tpu.memref_slice %arg8[%dma_wait3A_107, %dma_wait3A_108] : memref<3x128xi32, #tpu.memory_space<vmem>> -> memref<1x128xi32, #tpu.memory_space<vmem>>
      %dma_wait3A_110 = tpu.memref_squeeze %dma_wait3A_109 : memref<1x128xi32, #tpu.memory_space<vmem>> -> memref<128xi32, #tpu.memory_space<vmem>>
      %dma_wait3A_111 = arith.constant 0 : i32
      %dma_wait3A_112 = arith.constant 0 : i32
      %dma_wait3A_113 = tpu.memref_slice %arg7[%dma_wait3A_111, %dma_wait3A_112] : memref<10112x128xf32, #tpu.memory_space<vmem_shared>> -> memref<10112x128xf32, #tpu.memory_space<vmem_shared>>
      tpu.wait_indirect_dma semaphore(%arg13 : memref<!tpu.dma_semaphore, #tpu.memory_space<semaphore_mem>>) src(%dma_wait3A_113 : memref<10112x128xf32, #tpu.memory_space<vmem_shared>>) dst(%arg10 : memref<128x128xf32, #tpu.memory_space<vmem>>)
      %add3A_114 = arith.constant 128 : i32
      %add3A_115 = arith.addi %mul3A_0, %add3A_114 : i32
      %dma_start3A_116 = arith.constant 0 : i32
      %dma_start3A_117 = arith.constant 0 : i32
      %dma_start3A_118 = tpu.memref_slice %arg6[%dma_start3A_116, %add3A_115, %dma_start3A_117] : memref<2x163840x128xf32, #tpu.memory_space<hbm>> -> memref<1x128x128xf32, #tpu.memory_space<hbm>>
      %dma_start3A_119 = tpu.memref_squeeze %dma_start3A_118 : memref<1x128x128xf32, #tpu.memory_space<hbm>> -> memref<128x128xf32, #tpu.memory_space<hbm>>
      %dma_start3A_120 = arith.constant 0 : i32
      %dma_start3A_121 = tpu.memref_slice %arg6[%dma_start3A_116, %add3A_115, %dma_start3A_120] : memref<2x163840x128xf32, #tpu.memory_space<hbm>> -> memref<1x128x128xf32, #tpu.memory_space<hbm>>
      %dma_start3A_122 = tpu.memref_squeeze %dma_start3A_121 : memref<1x128x128xf32, #tpu.memory_space<hbm>> -> memref<128x128xf32, #tpu.memory_space<hbm>>
      tpu.enqueue_dma source(%arg10 : memref<128x128xf32, #tpu.memory_space<vmem>>) target(%dma_start3A_122 : memref<128x128xf32, #tpu.memory_space<hbm>>) target_semaphore(%arg16 : memref<!tpu.dma_semaphore, #tpu.memory_space<semaphore_mem>>)
      %dma_wait3A_123 = arith.constant 2 : i32
      %dma_wait3A_124 = arith.constant 2 : i32
      %dma_wait3A_125 = arith.constant 0 : i32
      %dma_wait3A_126 = tpu.memref_slice %arg8[%dma_wait3A_124, %dma_wait3A_125] : memref<3x128xi32, #tpu.memory_space<vmem>> -> memref<1x128xi32, #tpu.memory_space<vmem>>
      %dma_wait3A_127 = tpu.memref_squeeze %dma_wait3A_126 : memref<1x128xi32, #tpu.memory_space<vmem>> -> memref<128xi32, #tpu.memory_space<vmem>>
      %dma_wait3A_128 = arith.constant 0 : i32
      %dma_wait3A_129 = tpu.memref_slice %arg4[%arg1, %dma_wait3A_123, %dma_wait3A_128] : memref<16x80x128xi32, #tpu.memory_space<hbm>> -> memref<1x1x128xi32, #tpu.memory_space<hbm>>
      %dma_wait3A_130 = tpu.memref_squeeze %dma_wait3A_129 : memref<1x1x128xi32, #tpu.memory_space<hbm>> -> memref<128xi32, #tpu.memory_space<hbm>>
      %dma_wait3A_131 = arith.constant 0 : i32
      %dma_wait3A_132 = tpu.memref_slice %arg8[%dma_wait3A_124, %dma_wait3A_131] : memref<3x128xi32, #tpu.memory_space<vmem>> -> memref<1x128xi32, #tpu.memory_space<vmem>>
      %dma_wait3A_133 = tpu.memref_squeeze %dma_wait3A_132 : memref<1x128xi32, #tpu.memory_space<vmem>> -> memref<128xi32, #tpu.memory_space<vmem>>
      %dma_wait3A_134 = arith.constant 0 : i32
      %dma_wait3A_135 = tpu.memref_slice %arg4[%arg1, %dma_wait3A_123, %dma_wait3A_134] : memref<16x80x128xi32, #tpu.memory_space<hbm>> -> memref<1x1x128xi32, #tpu.memory_space<hbm>>
      %dma_wait3A_136 = tpu.memref_squeeze %dma_wait3A_135 : memref<1x1x128xi32, #tpu.memory_space<hbm>> -> memref<128xi32, #tpu.memory_space<hbm>>
      tpu.wait_dma2 semaphore(%arg20 : memref<!tpu.dma_semaphore, #tpu.memory_space<semaphore_mem>>) src(%dma_wait3A_136 : memref<128xi32, #tpu.memory_space<hbm>>) dst(%dma_wait3A_133 : memref<128xi32, #tpu.memory_space<vmem>>)
      %dma_start3A_137 = arith.constant 2 : i32
      %dma_start3A_138 = arith.constant 0 : i32
      %dma_start3A_139 = tpu.memref_slice %arg8[%dma_start3A_137, %dma_start3A_138] : memref<3x128xi32, #tpu.memory_space<vmem>> -> memref<1x128xi32, #tpu.memory_space<vmem>>
      %dma_start3A_140 = tpu.memref_squeeze %dma_start3A_139 : memref<1x128xi32, #tpu.memory_space<vmem>> -> memref<128xi32, #tpu.memory_space<vmem>>
      %dma_start3A_141 = arith.constant 0 : i32
      %dma_start3A_142 = arith.constant 0 : i32
      %dma_start3A_143 = tpu.memref_slice %arg7[%dma_start3A_141, %dma_start3A_142] : memref<10112x128xf32, #tpu.memory_space<vmem_shared>> -> memref<10112x128xf32, #tpu.memory_space<vmem_shared>>
      tpu.enqueue_indirect_dma source(%dma_start3A_143 : memref<10112x128xf32, #tpu.memory_space<vmem_shared>>) target(%arg11 : memref<128x128xf32, #tpu.memory_space<vmem>>) offsets(%dma_start3A_140 : memref<128xi32, #tpu.memory_space<vmem>>) semaphore(%arg14 : memref<!tpu.dma_semaphore, #tpu.memory_space<semaphore_mem>>)
      %dma_start3A_144 = arith.constant 3 : i32
      %dma_start3A_145 = arith.constant 0 : i32
      %dma_start3A_146 = arith.constant 0 : i32
      %dma_start3A_147 = tpu.memref_slice %arg8[%dma_start3A_145, %dma_start3A_146] : memref<3x128xi32, #tpu.memory_space<vmem>> -> memref<1x128xi32, #tpu.memory_space<vmem>>
      %dma_start3A_148 = tpu.memref_squeeze %dma_start3A_147 : memref<1x128xi32, #tpu.memory_space<vmem>> -> memref<128xi32, #tpu.memory_space<vmem>>
      %dma_start3A_149 = arith.constant 0 : i32
      %dma_start3A_150 = tpu.memref_slice %arg4[%arg1, %dma_start3A_144, %dma_start3A_149] : memref<16x80x128xi32, #tpu.memory_space<hbm>> -> memref<1x1x128xi32, #tpu.memory_space<hbm>>
      %dma_start3A_151 = tpu.memref_squeeze %dma_start3A_150 : memref<1x1x128xi32, #tpu.memory_space<hbm>> -> memref<128xi32, #tpu.memory_space<hbm>>
      %dma_start3A_152 = arith.constant 0 : i32
      %dma_start3A_153 = tpu.memref_slice %arg8[%dma_start3A_145, %dma_start3A_152] : memref<3x128xi32, #tpu.memory_space<vmem>> -> memref<1x128xi32, #tpu.memory_space<vmem>>
      %dma_start3A_154 = tpu.memref_squeeze %dma_start3A_153 : memref<1x128xi32, #tpu.memory_space<vmem>> -> memref<128xi32, #tpu.memory_space<vmem>>
      %dma_start3A_155 = arith.constant 0 : i32
      %dma_start3A_156 = tpu.memref_slice %arg4[%arg1, %dma_start3A_144, %dma_start3A_155] : memref<16x80x128xi32, #tpu.memory_space<hbm>> -> memref<1x1x128xi32, #tpu.memory_space<hbm>>
      %dma_start3A_157 = tpu.memref_squeeze %dma_start3A_156 : memref<1x1x128xi32, #tpu.memory_space<hbm>> -> memref<128xi32, #tpu.memory_space<hbm>>
      tpu.enqueue_dma source(%dma_start3A_157 : memref<128xi32, #tpu.memory_space<hbm>>) target(%dma_start3A_154 : memref<128xi32, #tpu.memory_space<vmem>>) target_semaphore(%arg18 : memref<!tpu.dma_semaphore, #tpu.memory_space<semaphore_mem>>)
      %scan3A = arith.constant 0 : i32
      %scan3A_158 = arith.constant 0 : i32
      %scan3A_159 = arith.constant 25 : i32
      %scan3A_160 = arith.addi %scan3A_158, %scan3A_159 : i32
      %scan3A_161 = arith.constant 1 : i32
      scf.for %scan3A_312 = %scan3A_158 to %scan3A_160 step %scan3A_161  : i32 {
        %mul3A_313 = arith.constant 3 : i32
        %mul3A_314 = arith.muli %scan3A_312, %mul3A_313 : i32
        %add3A_315 = arith.constant 2 : i32
        %add3A_316 = arith.addi %add3A_315, %mul3A_314 : i32
        %add3A_317 = arith.constant 0 : i32
        %add3A_318 = arith.addi %add3A_316, %add3A_317 : i32
        %dma_wait3A_319 = arith.constant 2 : i32
        %dma_wait3A_320 = arith.constant 0 : i32
        %dma_wait3A_321 = tpu.memref_slice %arg8[%dma_wait3A_319, %dma_wait3A_320] : memref<3x128xi32, #tpu.memory_space<vmem>> -> memref<1x128xi32, #tpu.memory_space<vmem>>
        %dma_wait3A_322 = tpu.memref_squeeze %dma_wait3A_321 : memref<1x128xi32, #tpu.memory_space<vmem>> -> memref<128xi32, #tpu.memory_space<vmem>>
        %dma_wait3A_323 = arith.constant 0 : i32
        %dma_wait3A_324 = arith.constant 0 : i32
        %dma_wait3A_325 = tpu.memref_slice %arg7[%dma_wait3A_323, %dma_wait3A_324] : memref<10112x128xf32, #tpu.memory_space<vmem_shared>> -> memref<10112x128xf32, #tpu.memory_space<vmem_shared>>
        tpu.wait_indirect_dma semaphore(%arg14 : memref<!tpu.dma_semaphore, #tpu.memory_space<semaphore_mem>>) src(%dma_wait3A_325 : memref<10112x128xf32, #tpu.memory_space<vmem_shared>>) dst(%arg11 : memref<128x128xf32, #tpu.memory_space<vmem>>)
        %mul3A_326 = arith.constant 128 : i32
        %mul3A_327 = arith.muli %add3A_318, %mul3A_326 : i32
        %add3A_328 = arith.addi %mul3A_0, %mul3A_327 : i32
        %dma_start3A_329 = arith.constant 0 : i32
        %dma_start3A_330 = arith.constant 0 : i32
        %dma_start3A_331 = tpu.memref_slice %arg6[%dma_start3A_329, %add3A_328, %dma_start3A_330] : memref<2x163840x128xf32, #tpu.memory_space<hbm>> -> memref<1x128x128xf32, #tpu.memory_space<hbm>>
        %dma_start3A_332 = tpu.memref_squeeze %dma_start3A_331 : memref<1x128x128xf32, #tpu.memory_space<hbm>> -> memref<128x128xf32, #tpu.memory_space<hbm>>
        %dma_start3A_333 = arith.constant 0 : i32
        %dma_start3A_334 = tpu.memref_slice %arg6[%dma_start3A_329, %add3A_328, %dma_start3A_333] : memref<2x163840x128xf32, #tpu.memory_space<hbm>> -> memref<1x128x128xf32, #tpu.memory_space<hbm>>
        %dma_start3A_335 = tpu.memref_squeeze %dma_start3A_334 : memref<1x128x128xf32, #tpu.memory_space<hbm>> -> memref<128x128xf32, #tpu.memory_space<hbm>>
        tpu.enqueue_dma source(%arg11 : memref<128x128xf32, #tpu.memory_space<vmem>>) target(%dma_start3A_335 : memref<128x128xf32, #tpu.memory_space<hbm>>) target_semaphore(%arg17 : memref<!tpu.dma_semaphore, #tpu.memory_space<semaphore_mem>>)
        %add3A_336 = arith.constant 1 : i32
        %add3A_337 = arith.addi %add3A_318, %add3A_336 : i32
        %dma_wait3A_338 = arith.constant 0 : i32
        %dma_wait3A_339 = arith.constant 0 : i32
        %dma_wait3A_340 = tpu.memref_slice %arg8[%dma_wait3A_338, %dma_wait3A_339] : memref<3x128xi32, #tpu.memory_space<vmem>> -> memref<1x128xi32, #tpu.memory_space<vmem>>
        %dma_wait3A_341 = tpu.memref_squeeze %dma_wait3A_340 : memref<1x128xi32, #tpu.memory_space<vmem>> -> memref<128xi32, #tpu.memory_space<vmem>>
        %dma_wait3A_342 = arith.constant 0 : i32
        %dma_wait3A_343 = tpu.memref_slice %arg4[%arg1, %add3A_337, %dma_wait3A_342] : memref<16x80x128xi32, #tpu.memory_space<hbm>> -> memref<1x1x128xi32, #tpu.memory_space<hbm>>
        %dma_wait3A_344 = tpu.memref_squeeze %dma_wait3A_343 : memref<1x1x128xi32, #tpu.memory_space<hbm>> -> memref<128xi32, #tpu.memory_space<hbm>>
        %dma_wait3A_345 = arith.constant 0 : i32
        %dma_wait3A_346 = tpu.memref_slice %arg8[%dma_wait3A_338, %dma_wait3A_345] : memref<3x128xi32, #tpu.memory_space<vmem>> -> memref<1x128xi32, #tpu.memory_space<vmem>>
        %dma_wait3A_347 = tpu.memref_squeeze %dma_wait3A_346 : memref<1x128xi32, #tpu.memory_space<vmem>> -> memref<128xi32, #tpu.memory_space<vmem>>
        %dma_wait3A_348 = arith.constant 0 : i32
        %dma_wait3A_349 = tpu.memref_slice %arg4[%arg1, %add3A_337, %dma_wait3A_348] : memref<16x80x128xi32, #tpu.memory_space<hbm>> -> memref<1x1x128xi32, #tpu.memory_space<hbm>>
        %dma_wait3A_350 = tpu.memref_squeeze %dma_wait3A_349 : memref<1x1x128xi32, #tpu.memory_space<hbm>> -> memref<128xi32, #tpu.memory_space<hbm>>
        tpu.wait_dma2 semaphore(%arg18 : memref<!tpu.dma_semaphore, #tpu.memory_space<semaphore_mem>>) src(%dma_wait3A_350 : memref<128xi32, #tpu.memory_space<hbm>>) dst(%dma_wait3A_347 : memref<128xi32, #tpu.memory_space<vmem>>)
        %sub3A = arith.constant 2 : i32
        %sub3A_351 = arith.subi %add3A_318, %sub3A : i32
        %mul3A_352 = arith.constant 128 : i32
        %mul3A_353 = arith.muli %sub3A_351, %mul3A_352 : i32
        %add3A_354 = arith.addi %mul3A_0, %mul3A_353 : i32
        %dma_wait3A_355 = arith.constant 0 : i32
        %dma_wait3A_356 = arith.constant 0 : i32
        %dma_wait3A_357 = tpu.memref_slice %arg6[%dma_wait3A_355, %add3A_354, %dma_wait3A_356] : memref<2x163840x128xf32, #tpu.memory_space<hbm>> -> memref<1x128x128xf32, #tpu.memory_space<hbm>>
        %dma_wait3A_358 = tpu.memref_squeeze %dma_wait3A_357 : memref<1x128x128xf32, #tpu.memory_space<hbm>> -> memref<128x128xf32, #tpu.memory_space<hbm>>
        %dma_wait3A_359 = arith.constant 0 : i32
        %dma_wait3A_360 = tpu.memref_slice %arg6[%dma_wait3A_355, %add3A_354, %dma_wait3A_359] : memref<2x163840x128xf32, #tpu.memory_space<hbm>> -> memref<1x128x128xf32, #tpu.memory_space<hbm>>
        %dma_wait3A_361 = tpu.memref_squeeze %dma_wait3A_360 : memref<1x128x128xf32, #tpu.memory_space<hbm>> -> memref<128x128xf32, #tpu.memory_space<hbm>>
        tpu.wait_dma2 semaphore(%arg15 : memref<!tpu.dma_semaphore, #tpu.memory_space<semaphore_mem>>) src(%arg9 : memref<128x128xf32, #tpu.memory_space<vmem>>) dst(%dma_wait3A_361 : memref<128x128xf32, #tpu.memory_space<hbm>>)
        %dma_start3A_362 = arith.constant 0 : i32
        %dma_start3A_363 = arith.constant 0 : i32
        %dma_start3A_364 = tpu.memref_slice %arg8[%dma_start3A_362, %dma_start3A_363] : memref<3x128xi32, #tpu.memory_space<vmem>> -> memref<1x128xi32, #tpu.memory_space<vmem>>
        %dma_start3A_365 = tpu.memref_squeeze %dma_start3A_364 : memref<1x128xi32, #tpu.memory_space<vmem>> -> memref<128xi32, #tpu.memory_space<vmem>>
        %dma_start3A_366 = arith.constant 0 : i32
        %dma_start3A_367 = arith.constant 0 : i32
        %dma_start3A_368 = tpu.memref_slice %arg7[%dma_start3A_366, %dma_start3A_367] : memref<10112x128xf32, #tpu.memory_space<vmem_shared>> -> memref<10112x128xf32, #tpu.memory_space<vmem_shared>>
        tpu.enqueue_indirect_dma source(%dma_start3A_368 : memref<10112x128xf32, #tpu.memory_space<vmem_shared>>) target(%arg9 : memref<128x128xf32, #tpu.memory_space<vmem>>) offsets(%dma_start3A_365 : memref<128xi32, #tpu.memory_space<vmem>>) semaphore(%arg12 : memref<!tpu.dma_semaphore, #tpu.memory_space<semaphore_mem>>)
        %add3A_369 = arith.constant 2 : i32
        %add3A_370 = arith.addi %add3A_318, %add3A_369 : i32
        %dma_start3A_371 = arith.constant 1 : i32
        %dma_start3A_372 = arith.constant 0 : i32
        %dma_start3A_373 = tpu.memref_slice %arg8[%dma_start3A_371, %dma_start3A_372] : memref<3x128xi32, #tpu.memory_space<vmem>> -> memref<1x128xi32, #tpu.memory_space<vmem>>
        %dma_start3A_374 = tpu.memref_squeeze %dma_start3A_373 : memref<1x128xi32, #tpu.memory_space<vmem>> -> memref<128xi32, #tpu.memory_space<vmem>>
        %dma_start3A_375 = arith.constant 0 : i32
        %dma_start3A_376 = tpu.memref_slice %arg4[%arg1, %add3A_370, %dma_start3A_375] : memref<16x80x128xi32, #tpu.memory_space<hbm>> -> memref<1x1x128xi32, #tpu.memory_space<hbm>>
        %dma_start3A_377 = tpu.memref_squeeze %dma_start3A_376 : memref<1x1x128xi32, #tpu.memory_space<hbm>> -> memref<128xi32, #tpu.memory_space<hbm>>
        %dma_start3A_378 = arith.constant 0 : i32
        %dma_start3A_379 = tpu.memref_slice %arg8[%dma_start3A_371, %dma_start3A_378] : memref<3x128xi32, #tpu.memory_space<vmem>> -> memref<1x128xi32, #tpu.memory_space<vmem>>
        %dma_start3A_380 = tpu.memref_squeeze %dma_start3A_379 : memref<1x128xi32, #tpu.memory_space<vmem>> -> memref<128xi32, #tpu.memory_space<vmem>>
        %dma_start3A_381 = arith.constant 0 : i32
        %dma_start3A_382 = tpu.memref_slice %arg4[%arg1, %add3A_370, %dma_start3A_381] : memref<16x80x128xi32, #tpu.memory_space<hbm>> -> memref<1x1x128xi32, #tpu.memory_space<hbm>>
        %dma_start3A_383 = tpu.memref_squeeze %dma_start3A_382 : memref<1x1x128xi32, #tpu.memory_space<hbm>> -> memref<128xi32, #tpu.memory_space<hbm>>
        tpu.enqueue_dma source(%dma_start3A_383 : memref<128xi32, #tpu.memory_space<hbm>>) target(%dma_start3A_380 : memref<128xi32, #tpu.memory_space<vmem>>) target_semaphore(%arg19 : memref<!tpu.dma_semaphore, #tpu.memory_space<semaphore_mem>>)
        %mul3A_384 = arith.constant 3 : i32
        %mul3A_385 = arith.muli %scan3A_312, %mul3A_384 : i32
        %add3A_386 = arith.constant 2 : i32
        %add3A_387 = arith.addi %add3A_386, %mul3A_385 : i32
        %add3A_388 = arith.constant 1 : i32
        %add3A_389 = arith.addi %add3A_387, %add3A_388 : i32
        %dma_wait3A_390 = arith.constant 0 : i32
        %dma_wait3A_391 = arith.constant 0 : i32
        %dma_wait3A_392 = tpu.memref_slice %arg8[%dma_wait3A_390, %dma_wait3A_391] : memref<3x128xi32, #tpu.memory_space<vmem>> -> memref<1x128xi32, #tpu.memory_space<vmem>>
        %dma_wait3A_393 = tpu.memref_squeeze %dma_wait3A_392 : memref<1x128xi32, #tpu.memory_space<vmem>> -> memref<128xi32, #tpu.memory_space<vmem>>
        %dma_wait3A_394 = arith.constant 0 : i32
        %dma_wait3A_395 = arith.constant 0 : i32
        %dma_wait3A_396 = tpu.memref_slice %arg7[%dma_wait3A_394, %dma_wait3A_395] : memref<10112x128xf32, #tpu.memory_space<vmem_shared>> -> memref<10112x128xf32, #tpu.memory_space<vmem_shared>>
        tpu.wait_indirect_dma semaphore(%arg12 : memref<!tpu.dma_semaphore, #tpu.memory_space<semaphore_mem>>) src(%dma_wait3A_396 : memref<10112x128xf32, #tpu.memory_space<vmem_shared>>) dst(%arg9 : memref<128x128xf32, #tpu.memory_space<vmem>>)
        %mul3A_397 = arith.constant 128 : i32
        %mul3A_398 = arith.muli %add3A_389, %mul3A_397 : i32
        %add3A_399 = arith.addi %mul3A_0, %mul3A_398 : i32
        %dma_start3A_400 = arith.constant 0 : i32
        %dma_start3A_401 = arith.constant 0 : i32
        %dma_start3A_402 = tpu.memref_slice %arg6[%dma_start3A_400, %add3A_399, %dma_start3A_401] : memref<2x163840x128xf32, #tpu.memory_space<hbm>> -> memref<1x128x128xf32, #tpu.memory_space<hbm>>
        %dma_start3A_403 = tpu.memref_squeeze %dma_start3A_402 : memref<1x128x128xf32, #tpu.memory_space<hbm>> -> memref<128x128xf32, #tpu.memory_space<hbm>>
        %dma_start3A_404 = arith.constant 0 : i32
        %dma_start3A_405 = tpu.memref_slice %arg6[%dma_start3A_400, %add3A_399, %dma_start3A_404] : memref<2x163840x128xf32, #tpu.memory_space<hbm>> -> memref<1x128x128xf32, #tpu.memory_space<hbm>>
        %dma_start3A_406 = tpu.memref_squeeze %dma_start3A_405 : memref<1x128x128xf32, #tpu.memory_space<hbm>> -> memref<128x128xf32, #tpu.memory_space<hbm>>
        tpu.enqueue_dma source(%arg9 : memref<128x128xf32, #tpu.memory_space<vmem>>) target(%dma_start3A_406 : memref<128x128xf32, #tpu.memory_space<hbm>>) target_semaphore(%arg15 : memref<!tpu.dma_semaphore, #tpu.memory_space<semaphore_mem>>)
        %add3A_407 = arith.constant 1 : i32
        %add3A_408 = arith.addi %add3A_389, %add3A_407 : i32
        %dma_wait3A_409 = arith.constant 1 : i32
        %dma_wait3A_410 = arith.constant 0 : i32
        %dma_wait3A_411 = tpu.memref_slice %arg8[%dma_wait3A_409, %dma_wait3A_410] : memref<3x128xi32, #tpu.memory_space<vmem>> -> memref<1x128xi32, #tpu.memory_space<vmem>>
        %dma_wait3A_412 = tpu.memref_squeeze %dma_wait3A_411 : memref<1x128xi32, #tpu.memory_space<vmem>> -> memref<128xi32, #tpu.memory_space<vmem>>
        %dma_wait3A_413 = arith.constant 0 : i32
        %dma_wait3A_414 = tpu.memref_slice %arg4[%arg1, %add3A_408, %dma_wait3A_413] : memref<16x80x128xi32, #tpu.memory_space<hbm>> -> memref<1x1x128xi32, #tpu.memory_space<hbm>>
        %dma_wait3A_415 = tpu.memref_squeeze %dma_wait3A_414 : memref<1x1x128xi32, #tpu.memory_space<hbm>> -> memref<128xi32, #tpu.memory_space<hbm>>
        %dma_wait3A_416 = arith.constant 0 : i32
        %dma_wait3A_417 = tpu.memref_slice %arg8[%dma_wait3A_409, %dma_wait3A_416] : memref<3x128xi32, #tpu.memory_space<vmem>> -> memref<1x128xi32, #tpu.memory_space<vmem>>
        %dma_wait3A_418 = tpu.memref_squeeze %dma_wait3A_417 : memref<1x128xi32, #tpu.memory_space<vmem>> -> memref<128xi32, #tpu.memory_space<vmem>>
        %dma_wait3A_419 = arith.constant 0 : i32
        %dma_wait3A_420 = tpu.memref_slice %arg4[%arg1, %add3A_408, %dma_wait3A_419] : memref<16x80x128xi32, #tpu.memory_space<hbm>> -> memref<1x1x128xi32, #tpu.memory_space<hbm>>
        %dma_wait3A_421 = tpu.memref_squeeze %dma_wait3A_420 : memref<1x1x128xi32, #tpu.memory_space<hbm>> -> memref<128xi32, #tpu.memory_space<hbm>>
        tpu.wait_dma2 semaphore(%arg19 : memref<!tpu.dma_semaphore, #tpu.memory_space<semaphore_mem>>) src(%dma_wait3A_421 : memref<128xi32, #tpu.memory_space<hbm>>) dst(%dma_wait3A_418 : memref<128xi32, #tpu.memory_space<vmem>>)
        %sub3A_422 = arith.constant 2 : i32
        %sub3A_423 = arith.subi %add3A_389, %sub3A_422 : i32
        %mul3A_424 = arith.constant 128 : i32
        %mul3A_425 = arith.muli %sub3A_423, %mul3A_424 : i32
        %add3A_426 = arith.addi %mul3A_0, %mul3A_425 : i32
        %dma_wait3A_427 = arith.constant 0 : i32
        %dma_wait3A_428 = arith.constant 0 : i32
        %dma_wait3A_429 = tpu.memref_slice %arg6[%dma_wait3A_427, %add3A_426, %dma_wait3A_428] : memref<2x163840x128xf32, #tpu.memory_space<hbm>> -> memref<1x128x128xf32, #tpu.memory_space<hbm>>
        %dma_wait3A_430 = tpu.memref_squeeze %dma_wait3A_429 : memref<1x128x128xf32, #tpu.memory_space<hbm>> -> memref<128x128xf32, #tpu.memory_space<hbm>>
        %dma_wait3A_431 = arith.constant 0 : i32
        %dma_wait3A_432 = tpu.memref_slice %arg6[%dma_wait3A_427, %add3A_426, %dma_wait3A_431] : memref<2x163840x128xf32, #tpu.memory_space<hbm>> -> memref<1x128x128xf32, #tpu.memory_space<hbm>>
        %dma_wait3A_433 = tpu.memref_squeeze %dma_wait3A_432 : memref<1x128x128xf32, #tpu.memory_space<hbm>> -> memref<128x128xf32, #tpu.memory_space<hbm>>
        tpu.wait_dma2 semaphore(%arg16 : memref<!tpu.dma_semaphore, #tpu.memory_space<semaphore_mem>>) src(%arg10 : memref<128x128xf32, #tpu.memory_space<vmem>>) dst(%dma_wait3A_433 : memref<128x128xf32, #tpu.memory_space<hbm>>)
        %dma_start3A_434 = arith.constant 1 : i32
        %dma_start3A_435 = arith.constant 0 : i32
        %dma_start3A_436 = tpu.memref_slice %arg8[%dma_start3A_434, %dma_start3A_435] : memref<3x128xi32, #tpu.memory_space<vmem>> -> memref<1x128xi32, #tpu.memory_space<vmem>>
        %dma_start3A_437 = tpu.memref_squeeze %dma_start3A_436 : memref<1x128xi32, #tpu.memory_space<vmem>> -> memref<128xi32, #tpu.memory_space<vmem>>
        %dma_start3A_438 = arith.constant 0 : i32
        %dma_start3A_439 = arith.constant 0 : i32
        %dma_start3A_440 = tpu.memref_slice %arg7[%dma_start3A_438, %dma_start3A_439] : memref<10112x128xf32, #tpu.memory_space<vmem_shared>> -> memref<10112x128xf32, #tpu.memory_space<vmem_shared>>
        tpu.enqueue_indirect_dma source(%dma_start3A_440 : memref<10112x128xf32, #tpu.memory_space<vmem_shared>>) target(%arg10 : memref<128x128xf32, #tpu.memory_space<vmem>>) offsets(%dma_start3A_437 : memref<128xi32, #tpu.memory_space<vmem>>) semaphore(%arg13 : memref<!tpu.dma_semaphore, #tpu.memory_space<semaphore_mem>>)
        %add3A_441 = arith.constant 2 : i32
        %add3A_442 = arith.addi %add3A_389, %add3A_441 : i32
        %dma_start3A_443 = arith.constant 2 : i32
        %dma_start3A_444 = arith.constant 0 : i32
        %dma_start3A_445 = tpu.memref_slice %arg8[%dma_start3A_443, %dma_start3A_444] : memref<3x128xi32, #tpu.memory_space<vmem>> -> memref<1x128xi32, #tpu.memory_space<vmem>>
        %dma_start3A_446 = tpu.memref_squeeze %dma_start3A_445 : memref<1x128xi32, #tpu.memory_space<vmem>> -> memref<128xi32, #tpu.memory_space<vmem>>
        %dma_start3A_447 = arith.constant 0 : i32
        %dma_start3A_448 = tpu.memref_slice %arg4[%arg1, %add3A_442, %dma_start3A_447] : memref<16x80x128xi32, #tpu.memory_space<hbm>> -> memref<1x1x128xi32, #tpu.memory_space<hbm>>
        %dma_start3A_449 = tpu.memref_squeeze %dma_start3A_448 : memref<1x1x128xi32, #tpu.memory_space<hbm>> -> memref<128xi32, #tpu.memory_space<hbm>>
        %dma_start3A_450 = arith.constant 0 : i32
        %dma_start3A_451 = tpu.memref_slice %arg8[%dma_start3A_443, %dma_start3A_450] : memref<3x128xi32, #tpu.memory_space<vmem>> -> memref<1x128xi32, #tpu.memory_space<vmem>>
        %dma_start3A_452 = tpu.memref_squeeze %dma_start3A_451 : memref<1x128xi32, #tpu.memory_space<vmem>> -> memref<128xi32, #tpu.memory_space<vmem>>
        %dma_start3A_453 = arith.constant 0 : i32
        %dma_start3A_454 = tpu.memref_slice %arg4[%arg1, %add3A_442, %dma_start3A_453] : memref<16x80x128xi32, #tpu.memory_space<hbm>> -> memref<1x1x128xi32, #tpu.memory_space<hbm>>
        %dma_start3A_455 = tpu.memref_squeeze %dma_start3A_454 : memref<1x1x128xi32, #tpu.memory_space<hbm>> -> memref<128xi32, #tpu.memory_space<hbm>>
        tpu.enqueue_dma source(%dma_start3A_455 : memref<128xi32, #tpu.memory_space<hbm>>) target(%dma_start3A_452 : memref<128xi32, #tpu.memory_space<vmem>>) target_semaphore(%arg20 : memref<!tpu.dma_semaphore, #tpu.memory_space<semaphore_mem>>)
        %mul3A_456 = arith.constant 3 : i32
        %mul3A_457 = arith.muli %scan3A_312, %mul3A_456 : i32
        %add3A_458 = arith.constant 2 : i32
        %add3A_459 = arith.addi %add3A_458, %mul3A_457 : i32
        %add3A_460 = arith.constant 2 : i32
        %add3A_461 = arith.addi %add3A_459, %add3A_460 : i32
        %dma_wait3A_462 = arith.constant 1 : i32
        %dma_wait3A_463 = arith.constant 0 : i32
        %dma_wait3A_464 = tpu.memref_slice %arg8[%dma_wait3A_462, %dma_wait3A_463] : memref<3x128xi32, #tpu.memory_space<vmem>> -> memref<1x128xi32, #tpu.memory_space<vmem>>
        %dma_wait3A_465 = tpu.memref_squeeze %dma_wait3A_464 : memref<1x128xi32, #tpu.memory_space<vmem>> -> memref<128xi32, #tpu.memory_space<vmem>>
        %dma_wait3A_466 = arith.constant 0 : i32
        %dma_wait3A_467 = arith.constant 0 : i32
        %dma_wait3A_468 = tpu.memref_slice %arg7[%dma_wait3A_466, %dma_wait3A_467] : memref<10112x128xf32, #tpu.memory_space<vmem_shared>> -> memref<10112x128xf32, #tpu.memory_space<vmem_shared>>
        tpu.wait_indirect_dma semaphore(%arg13 : memref<!tpu.dma_semaphore, #tpu.memory_space<semaphore_mem>>) src(%dma_wait3A_468 : memref<10112x128xf32, #tpu.memory_space<vmem_shared>>) dst(%arg10 : memref<128x128xf32, #tpu.memory_space<vmem>>)
        %mul3A_469 = arith.constant 128 : i32
        %mul3A_470 = arith.muli %add3A_461, %mul3A_469 : i32
        %add3A_471 = arith.addi %mul3A_0, %mul3A_470 : i32
        %dma_start3A_472 = arith.constant 0 : i32
        %dma_start3A_473 = arith.constant 0 : i32
        %dma_start3A_474 = tpu.memref_slice %arg6[%dma_start3A_472, %add3A_471, %dma_start3A_473] : memref<2x163840x128xf32, #tpu.memory_space<hbm>> -> memref<1x128x128xf32, #tpu.memory_space<hbm>>
        %dma_start3A_475 = tpu.memref_squeeze %dma_start3A_474 : memref<1x128x128xf32, #tpu.memory_space<hbm>> -> memref<128x128xf32, #tpu.memory_space<hbm>>
        %dma_start3A_476 = arith.constant 0 : i32
        %dma_start3A_477 = tpu.memref_slice %arg6[%dma_start3A_472, %add3A_471, %dma_start3A_476] : memref<2x163840x128xf32, #tpu.memory_space<hbm>> -> memref<1x128x128xf32, #tpu.memory_space<hbm>>
        %dma_start3A_478 = tpu.memref_squeeze %dma_start3A_477 : memref<1x128x128xf32, #tpu.memory_space<hbm>> -> memref<128x128xf32, #tpu.memory_space<hbm>>
        tpu.enqueue_dma source(%arg10 : memref<128x128xf32, #tpu.memory_space<vmem>>) target(%dma_start3A_478 : memref<128x128xf32, #tpu.memory_space<hbm>>) target_semaphore(%arg16 : memref<!tpu.dma_semaphore, #tpu.memory_space<semaphore_mem>>)
        %add3A_479 = arith.constant 1 : i32
        %add3A_480 = arith.addi %add3A_461, %add3A_479 : i32
        %dma_wait3A_481 = arith.constant 2 : i32
        %dma_wait3A_482 = arith.constant 0 : i32
        %dma_wait3A_483 = tpu.memref_slice %arg8[%dma_wait3A_481, %dma_wait3A_482] : memref<3x128xi32, #tpu.memory_space<vmem>> -> memref<1x128xi32, #tpu.memory_space<vmem>>
        %dma_wait3A_484 = tpu.memref_squeeze %dma_wait3A_483 : memref<1x128xi32, #tpu.memory_space<vmem>> -> memref<128xi32, #tpu.memory_space<vmem>>
        %dma_wait3A_485 = arith.constant 0 : i32
        %dma_wait3A_486 = tpu.memref_slice %arg4[%arg1, %add3A_480, %dma_wait3A_485] : memref<16x80x128xi32, #tpu.memory_space<hbm>> -> memref<1x1x128xi32, #tpu.memory_space<hbm>>
        %dma_wait3A_487 = tpu.memref_squeeze %dma_wait3A_486 : memref<1x1x128xi32, #tpu.memory_space<hbm>> -> memref<128xi32, #tpu.memory_space<hbm>>
        %dma_wait3A_488 = arith.constant 0 : i32
        %dma_wait3A_489 = tpu.memref_slice %arg8[%dma_wait3A_481, %dma_wait3A_488] : memref<3x128xi32, #tpu.memory_space<vmem>> -> memref<1x128xi32, #tpu.memory_space<vmem>>
        %dma_wait3A_490 = tpu.memref_squeeze %dma_wait3A_489 : memref<1x128xi32, #tpu.memory_space<vmem>> -> memref<128xi32, #tpu.memory_space<vmem>>
        %dma_wait3A_491 = arith.constant 0 : i32
        %dma_wait3A_492 = tpu.memref_slice %arg4[%arg1, %add3A_480, %dma_wait3A_491] : memref<16x80x128xi32, #tpu.memory_space<hbm>> -> memref<1x1x128xi32, #tpu.memory_space<hbm>>
        %dma_wait3A_493 = tpu.memref_squeeze %dma_wait3A_492 : memref<1x1x128xi32, #tpu.memory_space<hbm>> -> memref<128xi32, #tpu.memory_space<hbm>>
        tpu.wait_dma2 semaphore(%arg20 : memref<!tpu.dma_semaphore, #tpu.memory_space<semaphore_mem>>) src(%dma_wait3A_493 : memref<128xi32, #tpu.memory_space<hbm>>) dst(%dma_wait3A_490 : memref<128xi32, #tpu.memory_space<vmem>>)
        %sub3A_494 = arith.constant 2 : i32
        %sub3A_495 = arith.subi %add3A_461, %sub3A_494 : i32
        %mul3A_496 = arith.constant 128 : i32
        %mul3A_497 = arith.muli %sub3A_495, %mul3A_496 : i32
        %add3A_498 = arith.addi %mul3A_0, %mul3A_497 : i32
        %dma_wait3A_499 = arith.constant 0 : i32
        %dma_wait3A_500 = arith.constant 0 : i32
        %dma_wait3A_501 = tpu.memref_slice %arg6[%dma_wait3A_499, %add3A_498, %dma_wait3A_500] : memref<2x163840x128xf32, #tpu.memory_space<hbm>> -> memref<1x128x128xf32, #tpu.memory_space<hbm>>
        %dma_wait3A_502 = tpu.memref_squeeze %dma_wait3A_501 : memref<1x128x128xf32, #tpu.memory_space<hbm>> -> memref<128x128xf32, #tpu.memory_space<hbm>>
        %dma_wait3A_503 = arith.constant 0 : i32
        %dma_wait3A_504 = tpu.memref_slice %arg6[%dma_wait3A_499, %add3A_498, %dma_wait3A_503] : memref<2x163840x128xf32, #tpu.memory_space<hbm>> -> memref<1x128x128xf32, #tpu.memory_space<hbm>>
        %dma_wait3A_505 = tpu.memref_squeeze %dma_wait3A_504 : memref<1x128x128xf32, #tpu.memory_space<hbm>> -> memref<128x128xf32, #tpu.memory_space<hbm>>
        tpu.wait_dma2 semaphore(%arg17 : memref<!tpu.dma_semaphore, #tpu.memory_space<semaphore_mem>>) src(%arg11 : memref<128x128xf32, #tpu.memory_space<vmem>>) dst(%dma_wait3A_505 : memref<128x128xf32, #tpu.memory_space<hbm>>)
        %dma_start3A_506 = arith.constant 2 : i32
        %dma_start3A_507 = arith.constant 0 : i32
        %dma_start3A_508 = tpu.memref_slice %arg8[%dma_start3A_506, %dma_start3A_507] : memref<3x128xi32, #tpu.memory_space<vmem>> -> memref<1x128xi32, #tpu.memory_space<vmem>>
        %dma_start3A_509 = tpu.memref_squeeze %dma_start3A_508 : memref<1x128xi32, #tpu.memory_space<vmem>> -> memref<128xi32, #tpu.memory_space<vmem>>
        %dma_start3A_510 = arith.constant 0 : i32
        %dma_start3A_511 = arith.constant 0 : i32
        %dma_start3A_512 = tpu.memref_slice %arg7[%dma_start3A_510, %dma_start3A_511] : memref<10112x128xf32, #tpu.memory_space<vmem_shared>> -> memref<10112x128xf32, #tpu.memory_space<vmem_shared>>
        tpu.enqueue_indirect_dma source(%dma_start3A_512 : memref<10112x128xf32, #tpu.memory_space<vmem_shared>>) target(%arg11 : memref<128x128xf32, #tpu.memory_space<vmem>>) offsets(%dma_start3A_509 : memref<128xi32, #tpu.memory_space<vmem>>) semaphore(%arg14 : memref<!tpu.dma_semaphore, #tpu.memory_space<semaphore_mem>>)
        %add3A_513 = arith.constant 2 : i32
        %add3A_514 = arith.addi %add3A_461, %add3A_513 : i32
        %dma_start3A_515 = arith.constant 0 : i32
        %dma_start3A_516 = arith.constant 0 : i32
        %dma_start3A_517 = tpu.memref_slice %arg8[%dma_start3A_515, %dma_start3A_516] : memref<3x128xi32, #tpu.memory_space<vmem>> -> memref<1x128xi32, #tpu.memory_space<vmem>>
        %dma_start3A_518 = tpu.memref_squeeze %dma_start3A_517 : memref<1x128xi32, #tpu.memory_space<vmem>> -> memref<128xi32, #tpu.memory_space<vmem>>
        %dma_start3A_519 = arith.constant 0 : i32
        %dma_start3A_520 = tpu.memref_slice %arg4[%arg1, %add3A_514, %dma_start3A_519] : memref<16x80x128xi32, #tpu.memory_space<hbm>> -> memref<1x1x128xi32, #tpu.memory_space<hbm>>
        %dma_start3A_521 = tpu.memref_squeeze %dma_start3A_520 : memref<1x1x128xi32, #tpu.memory_space<hbm>> -> memref<128xi32, #tpu.memory_space<hbm>>
        %dma_start3A_522 = arith.constant 0 : i32
        %dma_start3A_523 = tpu.memref_slice %arg8[%dma_start3A_515, %dma_start3A_522] : memref<3x128xi32, #tpu.memory_space<vmem>> -> memref<1x128xi32, #tpu.memory_space<vmem>>
        %dma_start3A_524 = tpu.memref_squeeze %dma_start3A_523 : memref<1x128xi32, #tpu.memory_space<vmem>> -> memref<128xi32, #tpu.memory_space<vmem>>
        %dma_start3A_525 = arith.constant 0 : i32
        %dma_start3A_526 = tpu.memref_slice %arg4[%arg1, %add3A_514, %dma_start3A_525] : memref<16x80x128xi32, #tpu.memory_space<hbm>> -> memref<1x1x128xi32, #tpu.memory_space<hbm>>
        %dma_start3A_527 = tpu.memref_squeeze %dma_start3A_526 : memref<1x1x128xi32, #tpu.memory_space<hbm>> -> memref<128xi32, #tpu.memory_space<hbm>>
        tpu.enqueue_dma source(%dma_start3A_527 : memref<128xi32, #tpu.memory_space<hbm>>) target(%dma_start3A_524 : memref<128xi32, #tpu.memory_space<vmem>>) target_semaphore(%arg18 : memref<!tpu.dma_semaphore, #tpu.memory_space<semaphore_mem>>)
      }
      %scan3A_162 = arith.constant 25 : i32
      %dma_wait3A_163 = arith.constant 2 : i32
      %dma_wait3A_164 = arith.constant 0 : i32
      %dma_wait3A_165 = tpu.memref_slice %arg8[%dma_wait3A_163, %dma_wait3A_164] : memref<3x128xi32, #tpu.memory_space<vmem>> -> memref<1x128xi32, #tpu.memory_space<vmem>>
      %dma_wait3A_166 = tpu.memref_squeeze %dma_wait3A_165 : memref<1x128xi32, #tpu.memory_space<vmem>> -> memref<128xi32, #tpu.memory_space<vmem>>
      %dma_wait3A_167 = arith.constant 0 : i32
      %dma_wait3A_168 = arith.constant 0 : i32
      %dma_wait3A_169 = tpu.memref_slice %arg7[%dma_wait3A_167, %dma_wait3A_168] : memref<10112x128xf32, #tpu.memory_space<vmem_shared>> -> memref<10112x128xf32, #tpu.memory_space<vmem_shared>>
      tpu.wait_indirect_dma semaphore(%arg14 : memref<!tpu.dma_semaphore, #tpu.memory_space<semaphore_mem>>) src(%dma_wait3A_169 : memref<10112x128xf32, #tpu.memory_space<vmem_shared>>) dst(%arg11 : memref<128x128xf32, #tpu.memory_space<vmem>>)
      %add3A_170 = arith.constant 9856 : i32
      %add3A_171 = arith.addi %mul3A_0, %add3A_170 : i32
      %dma_start3A_172 = arith.constant 0 : i32
      %dma_start3A_173 = arith.constant 0 : i32
      %dma_start3A_174 = tpu.memref_slice %arg6[%dma_start3A_172, %add3A_171, %dma_start3A_173] : memref<2x163840x128xf32, #tpu.memory_space<hbm>> -> memref<1x128x128xf32, #tpu.memory_space<hbm>>
      %dma_start3A_175 = tpu.memref_squeeze %dma_start3A_174 : memref<1x128x128xf32, #tpu.memory_space<hbm>> -> memref<128x128xf32, #tpu.memory_space<hbm>>
      %dma_start3A_176 = arith.constant 0 : i32
      %dma_start3A_177 = tpu.memref_slice %arg6[%dma_start3A_172, %add3A_171, %dma_start3A_176] : memref<2x163840x128xf32, #tpu.memory_space<hbm>> -> memref<1x128x128xf32, #tpu.memory_space<hbm>>
      %dma_start3A_178 = tpu.memref_squeeze %dma_start3A_177 : memref<1x128x128xf32, #tpu.memory_space<hbm>> -> memref<128x128xf32, #tpu.memory_space<hbm>>
      tpu.enqueue_dma source(%arg11 : memref<128x128xf32, #tpu.memory_space<vmem>>) target(%dma_start3A_178 : memref<128x128xf32, #tpu.memory_space<hbm>>) target_semaphore(%arg17 : memref<!tpu.dma_semaphore, #tpu.memory_space<semaphore_mem>>)
      %dma_wait3A_179 = arith.constant 78 : i32
      %dma_wait3A_180 = arith.constant 0 : i32
      %dma_wait3A_181 = arith.constant 0 : i32
      %dma_wait3A_182 = tpu.memref_slice %arg8[%dma_wait3A_180, %dma_wait3A_181] : memref<3x128xi32, #tpu.memory_space<vmem>> -> memref<1x128xi32, #tpu.memory_space<vmem>>
      %dma_wait3A_183 = tpu.memref_squeeze %dma_wait3A_182 : memref<1x128xi32, #tpu.memory_space<vmem>> -> memref<128xi32, #tpu.memory_space<vmem>>
      %dma_wait3A_184 = arith.constant 0 : i32
      %dma_wait3A_185 = tpu.memref_slice %arg4[%arg1, %dma_wait3A_179, %dma_wait3A_184] : memref<16x80x128xi32, #tpu.memory_space<hbm>> -> memref<1x1x128xi32, #tpu.memory_space<hbm>>
      %dma_wait3A_186 = tpu.memref_squeeze %dma_wait3A_185 : memref<1x1x128xi32, #tpu.memory_space<hbm>> -> memref<128xi32, #tpu.memory_space<hbm>>
      %dma_wait3A_187 = arith.constant 0 : i32
      %dma_wait3A_188 = tpu.memref_slice %arg8[%dma_wait3A_180, %dma_wait3A_187] : memref<3x128xi32, #tpu.memory_space<vmem>> -> memref<1x128xi32, #tpu.memory_space<vmem>>
      %dma_wait3A_189 = tpu.memref_squeeze %dma_wait3A_188 : memref<1x128xi32, #tpu.memory_space<vmem>> -> memref<128xi32, #tpu.memory_space<vmem>>
      %dma_wait3A_190 = arith.constant 0 : i32
      %dma_wait3A_191 = tpu.memref_slice %arg4[%arg1, %dma_wait3A_179, %dma_wait3A_190] : memref<16x80x128xi32, #tpu.memory_space<hbm>> -> memref<1x1x128xi32, #tpu.memory_space<hbm>>
      %dma_wait3A_192 = tpu.memref_squeeze %dma_wait3A_191 : memref<1x1x128xi32, #tpu.memory_space<hbm>> -> memref<128xi32, #tpu.memory_space<hbm>>
      tpu.wait_dma2 semaphore(%arg18 : memref<!tpu.dma_semaphore, #tpu.memory_space<semaphore_mem>>) src(%dma_wait3A_192 : memref<128xi32, #tpu.memory_space<hbm>>) dst(%dma_wait3A_189 : memref<128xi32, #tpu.memory_space<vmem>>)
      %add3A_193 = arith.constant 9600 : i32
      %add3A_194 = arith.addi %mul3A_0, %add3A_193 : i32
      %dma_wait3A_195 = arith.constant 0 : i32
      %dma_wait3A_196 = arith.constant 0 : i32
      %dma_wait3A_197 = tpu.memref_slice %arg6[%dma_wait3A_195, %add3A_194, %dma_wait3A_196] : memref<2x163840x128xf32, #tpu.memory_space<hbm>> -> memref<1x128x128xf32, #tpu.memory_space<hbm>>
      %dma_wait3A_198 = tpu.memref_squeeze %dma_wait3A_197 : memref<1x128x128xf32, #tpu.memory_space<hbm>> -> memref<128x128xf32, #tpu.memory_space<hbm>>
      %dma_wait3A_199 = arith.constant 0 : i32
      %dma_wait3A_200 = tpu.memref_slice %arg6[%dma_wait3A_195, %add3A_194, %dma_wait3A_199] : memref<2x163840x128xf32, #tpu.memory_space<hbm>> -> memref<1x128x128xf32, #tpu.memory_space<hbm>>
      %dma_wait3A_201 = tpu.memref_squeeze %dma_wait3A_200 : memref<1x128x128xf32, #tpu.memory_space<hbm>> -> memref<128x128xf32, #tpu.memory_space<hbm>>
      tpu.wait_dma2 semaphore(%arg15 : memref<!tpu.dma_semaphore, #tpu.memory_space<semaphore_mem>>) src(%arg9 : memref<128x128xf32, #tpu.memory_space<vmem>>) dst(%dma_wait3A_201 : memref<128x128xf32, #tpu.memory_space<hbm>>)
      %dma_start3A_202 = arith.constant 0 : i32
      %dma_start3A_203 = arith.constant 0 : i32
      %dma_start3A_204 = tpu.memref_slice %arg8[%dma_start3A_202, %dma_start3A_203] : memref<3x128xi32, #tpu.memory_space<vmem>> -> memref<1x128xi32, #tpu.memory_space<vmem>>
      %dma_start3A_205 = tpu.memref_squeeze %dma_start3A_204 : memref<1x128xi32, #tpu.memory_space<vmem>> -> memref<128xi32, #tpu.memory_space<vmem>>
      %dma_start3A_206 = arith.constant 0 : i32
      %dma_start3A_207 = arith.constant 0 : i32
      %dma_start3A_208 = tpu.memref_slice %arg7[%dma_start3A_206, %dma_start3A_207] : memref<10112x128xf32, #tpu.memory_space<vmem_shared>> -> memref<10112x128xf32, #tpu.memory_space<vmem_shared>>
      tpu.enqueue_indirect_dma source(%dma_start3A_208 : memref<10112x128xf32, #tpu.memory_space<vmem_shared>>) target(%arg9 : memref<128x128xf32, #tpu.memory_space<vmem>>) offsets(%dma_start3A_205 : memref<128xi32, #tpu.memory_space<vmem>>) semaphore(%arg12 : memref<!tpu.dma_semaphore, #tpu.memory_space<semaphore_mem>>)
      %dma_start3A_209 = arith.constant 79 : i32
      %dma_start3A_210 = arith.constant 1 : i32
      %dma_start3A_211 = arith.constant 0 : i32
      %dma_start3A_212 = tpu.memref_slice %arg8[%dma_start3A_210, %dma_start3A_211] : memref<3x128xi32, #tpu.memory_space<vmem>> -> memref<1x128xi32, #tpu.memory_space<vmem>>
      %dma_start3A_213 = tpu.memref_squeeze %dma_start3A_212 : memref<1x128xi32, #tpu.memory_space<vmem>> -> memref<128xi32, #tpu.memory_space<vmem>>
      %dma_start3A_214 = arith.constant 0 : i32
      %dma_start3A_215 = tpu.memref_slice %arg4[%arg1, %dma_start3A_209, %dma_start3A_214] : memref<16x80x128xi32, #tpu.memory_space<hbm>> -> memref<1x1x128xi32, #tpu.memory_space<hbm>>
      %dma_start3A_216 = tpu.memref_squeeze %dma_start3A_215 : memref<1x1x128xi32, #tpu.memory_space<hbm>> -> memref<128xi32, #tpu.memory_space<hbm>>
      %dma_start3A_217 = arith.constant 0 : i32
      %dma_start3A_218 = tpu.memref_slice %arg8[%dma_start3A_210, %dma_start3A_217] : memref<3x128xi32, #tpu.memory_space<vmem>> -> memref<1x128xi32, #tpu.memory_space<vmem>>
      %dma_start3A_219 = tpu.memref_squeeze %dma_start3A_218 : memref<1x128xi32, #tpu.memory_space<vmem>> -> memref<128xi32, #tpu.memory_space<vmem>>
      %dma_start3A_220 = arith.constant 0 : i32
      %dma_start3A_221 = tpu.memref_slice %arg4[%arg1, %dma_start3A_209, %dma_start3A_220] : memref<16x80x128xi32, #tpu.memory_space<hbm>> -> memref<1x1x128xi32, #tpu.memory_space<hbm>>
      %dma_start3A_222 = tpu.memref_squeeze %dma_start3A_221 : memref<1x1x128xi32, #tpu.memory_space<hbm>> -> memref<128xi32, #tpu.memory_space<hbm>>
      tpu.enqueue_dma source(%dma_start3A_222 : memref<128xi32, #tpu.memory_space<hbm>>) target(%dma_start3A_219 : memref<128xi32, #tpu.memory_space<vmem>>) target_semaphore(%arg19 : memref<!tpu.dma_semaphore, #tpu.memory_space<semaphore_mem>>)
      %dma_wait3A_223 = arith.constant 0 : i32
      %dma_wait3A_224 = arith.constant 0 : i32
      %dma_wait3A_225 = tpu.memref_slice %arg8[%dma_wait3A_223, %dma_wait3A_224] : memref<3x128xi32, #tpu.memory_space<vmem>> -> memref<1x128xi32, #tpu.memory_space<vmem>>
      %dma_wait3A_226 = tpu.memref_squeeze %dma_wait3A_225 : memref<1x128xi32, #tpu.memory_space<vmem>> -> memref<128xi32, #tpu.memory_space<vmem>>
      %dma_wait3A_227 = arith.constant 0 : i32
      %dma_wait3A_228 = arith.constant 0 : i32
      %dma_wait3A_229 = tpu.memref_slice %arg7[%dma_wait3A_227, %dma_wait3A_228] : memref<10112x128xf32, #tpu.memory_space<vmem_shared>> -> memref<10112x128xf32, #tpu.memory_space<vmem_shared>>
      tpu.wait_indirect_dma semaphore(%arg12 : memref<!tpu.dma_semaphore, #tpu.memory_space<semaphore_mem>>) src(%dma_wait3A_229 : memref<10112x128xf32, #tpu.memory_space<vmem_shared>>) dst(%arg9 : memref<128x128xf32, #tpu.memory_space<vmem>>)
      %add3A_230 = arith.constant 9984 : i32
      %add3A_231 = arith.addi %mul3A_0, %add3A_230 : i32
      %dma_start3A_232 = arith.constant 0 : i32
      %dma_start3A_233 = arith.constant 0 : i32
      %dma_start3A_234 = tpu.memref_slice %arg6[%dma_start3A_232, %add3A_231, %dma_start3A_233] : memref<2x163840x128xf32, #tpu.memory_space<hbm>> -> memref<1x128x128xf32, #tpu.memory_space<hbm>>
      %dma_start3A_235 = tpu.memref_squeeze %dma_start3A_234 : memref<1x128x128xf32, #tpu.memory_space<hbm>> -> memref<128x128xf32, #tpu.memory_space<hbm>>
      %dma_start3A_236 = arith.constant 0 : i32
      %dma_start3A_237 = tpu.memref_slice %arg6[%dma_start3A_232, %add3A_231, %dma_start3A_236] : memref<2x163840x128xf32, #tpu.memory_space<hbm>> -> memref<1x128x128xf32, #tpu.memory_space<hbm>>
      %dma_start3A_238 = tpu.memref_squeeze %dma_start3A_237 : memref<1x128x128xf32, #tpu.memory_space<hbm>> -> memref<128x128xf32, #tpu.memory_space<hbm>>
      tpu.enqueue_dma source(%arg9 : memref<128x128xf32, #tpu.memory_space<vmem>>) target(%dma_start3A_238 : memref<128x128xf32, #tpu.memory_space<hbm>>) target_semaphore(%arg15 : memref<!tpu.dma_semaphore, #tpu.memory_space<semaphore_mem>>)
      %dma_wait3A_239 = arith.constant 79 : i32
      %dma_wait3A_240 = arith.constant 1 : i32
      %dma_wait3A_241 = arith.constant 0 : i32
      %dma_wait3A_242 = tpu.memref_slice %arg8[%dma_wait3A_240, %dma_wait3A_241] : memref<3x128xi32, #tpu.memory_space<vmem>> -> memref<1x128xi32, #tpu.memory_space<vmem>>
      %dma_wait3A_243 = tpu.memref_squeeze %dma_wait3A_242 : memref<1x128xi32, #tpu.memory_space<vmem>> -> memref<128xi32, #tpu.memory_space<vmem>>
      %dma_wait3A_244 = arith.constant 0 : i32
      %dma_wait3A_245 = tpu.memref_slice %arg4[%arg1, %dma_wait3A_239, %dma_wait3A_244] : memref<16x80x128xi32, #tpu.memory_space<hbm>> -> memref<1x1x128xi32, #tpu.memory_space<hbm>>
      %dma_wait3A_246 = tpu.memref_squeeze %dma_wait3A_245 : memref<1x1x128xi32, #tpu.memory_space<hbm>> -> memref<128xi32, #tpu.memory_space<hbm>>
      %dma_wait3A_247 = arith.constant 0 : i32
      %dma_wait3A_248 = tpu.memref_slice %arg8[%dma_wait3A_240, %dma_wait3A_247] : memref<3x128xi32, #tpu.memory_space<vmem>> -> memref<1x128xi32, #tpu.memory_space<vmem>>
      %dma_wait3A_249 = tpu.memref_squeeze %dma_wait3A_248 : memref<1x128xi32, #tpu.memory_space<vmem>> -> memref<128xi32, #tpu.memory_space<vmem>>
      %dma_wait3A_250 = arith.constant 0 : i32
      %dma_wait3A_251 = tpu.memref_slice %arg4[%arg1, %dma_wait3A_239, %dma_wait3A_250] : memref<16x80x128xi32, #tpu.memory_space<hbm>> -> memref<1x1x128xi32, #tpu.memory_space<hbm>>
      %dma_wait3A_252 = tpu.memref_squeeze %dma_wait3A_251 : memref<1x1x128xi32, #tpu.memory_space<hbm>> -> memref<128xi32, #tpu.memory_space<hbm>>
      tpu.wait_dma2 semaphore(%arg19 : memref<!tpu.dma_semaphore, #tpu.memory_space<semaphore_mem>>) src(%dma_wait3A_252 : memref<128xi32, #tpu.memory_space<hbm>>) dst(%dma_wait3A_249 : memref<128xi32, #tpu.memory_space<vmem>>)
      %add3A_253 = arith.constant 9728 : i32
      %add3A_254 = arith.addi %mul3A_0, %add3A_253 : i32
      %dma_wait3A_255 = arith.constant 0 : i32
      %dma_wait3A_256 = arith.constant 0 : i32
      %dma_wait3A_257 = tpu.memref_slice %arg6[%dma_wait3A_255, %add3A_254, %dma_wait3A_256] : memref<2x163840x128xf32, #tpu.memory_space<hbm>> -> memref<1x128x128xf32, #tpu.memory_space<hbm>>
      %dma_wait3A_258 = tpu.memref_squeeze %dma_wait3A_257 : memref<1x128x128xf32, #tpu.memory_space<hbm>> -> memref<128x128xf32, #tpu.memory_space<hbm>>
      %dma_wait3A_259 = arith.constant 0 : i32
      %dma_wait3A_260 = tpu.memref_slice %arg6[%dma_wait3A_255, %add3A_254, %dma_wait3A_259] : memref<2x163840x128xf32, #tpu.memory_space<hbm>> -> memref<1x128x128xf32, #tpu.memory_space<hbm>>
      %dma_wait3A_261 = tpu.memref_squeeze %dma_wait3A_260 : memref<1x128x128xf32, #tpu.memory_space<hbm>> -> memref<128x128xf32, #tpu.memory_space<hbm>>
      tpu.wait_dma2 semaphore(%arg16 : memref<!tpu.dma_semaphore, #tpu.memory_space<semaphore_mem>>) src(%arg10 : memref<128x128xf32, #tpu.memory_space<vmem>>) dst(%dma_wait3A_261 : memref<128x128xf32, #tpu.memory_space<hbm>>)
      %dma_start3A_262 = arith.constant 1 : i32
      %dma_start3A_263 = arith.constant 0 : i32
      %dma_start3A_264 = tpu.memref_slice %arg8[%dma_start3A_262, %dma_start3A_263] : memref<3x128xi32, #tpu.memory_space<vmem>> -> memref<1x128xi32, #tpu.memory_space<vmem>>
      %dma_start3A_265 = tpu.memref_squeeze %dma_start3A_264 : memref<1x128xi32, #tpu.memory_space<vmem>> -> memref<128xi32, #tpu.memory_space<vmem>>
      %dma_start3A_266 = arith.constant 0 : i32
      %dma_start3A_267 = arith.constant 0 : i32
      %dma_start3A_268 = tpu.memref_slice %arg7[%dma_start3A_266, %dma_start3A_267] : memref<10112x128xf32, #tpu.memory_space<vmem_shared>> -> memref<10112x128xf32, #tpu.memory_space<vmem_shared>>
      tpu.enqueue_indirect_dma source(%dma_start3A_268 : memref<10112x128xf32, #tpu.memory_space<vmem_shared>>) target(%arg10 : memref<128x128xf32, #tpu.memory_space<vmem>>) offsets(%dma_start3A_265 : memref<128xi32, #tpu.memory_space<vmem>>) semaphore(%arg13 : memref<!tpu.dma_semaphore, #tpu.memory_space<semaphore_mem>>)
      %dma_wait3A_269 = arith.constant 1 : i32
      %dma_wait3A_270 = arith.constant 0 : i32
      %dma_wait3A_271 = tpu.memref_slice %arg8[%dma_wait3A_269, %dma_wait3A_270] : memref<3x128xi32, #tpu.memory_space<vmem>> -> memref<1x128xi32, #tpu.memory_space<vmem>>
      %dma_wait3A_272 = tpu.memref_squeeze %dma_wait3A_271 : memref<1x128xi32, #tpu.memory_space<vmem>> -> memref<128xi32, #tpu.memory_space<vmem>>
      %dma_wait3A_273 = arith.constant 0 : i32
      %dma_wait3A_274 = arith.constant 0 : i32
      %dma_wait3A_275 = tpu.memref_slice %arg7[%dma_wait3A_273, %dma_wait3A_274] : memref<10112x128xf32, #tpu.memory_space<vmem_shared>> -> memref<10112x128xf32, #tpu.memory_space<vmem_shared>>
      tpu.wait_indirect_dma semaphore(%arg13 : memref<!tpu.dma_semaphore, #tpu.memory_space<semaphore_mem>>) src(%dma_wait3A_275 : memref<10112x128xf32, #tpu.memory_space<vmem_shared>>) dst(%arg10 : memref<128x128xf32, #tpu.memory_space<vmem>>)
      %add3A_276 = arith.constant 10112 : i32
      %add3A_277 = arith.addi %mul3A_0, %add3A_276 : i32
      %dma_start3A_278 = arith.constant 0 : i32
      %dma_start3A_279 = arith.constant 0 : i32
      %dma_start3A_280 = tpu.memref_slice %arg6[%dma_start3A_278, %add3A_277, %dma_start3A_279] : memref<2x163840x128xf32, #tpu.memory_space<hbm>> -> memref<1x128x128xf32, #tpu.memory_space<hbm>>
      %dma_start3A_281 = tpu.memref_squeeze %dma_start3A_280 : memref<1x128x128xf32, #tpu.memory_space<hbm>> -> memref<128x128xf32, #tpu.memory_space<hbm>>
      %dma_start3A_282 = arith.constant 0 : i32
      %dma_start3A_283 = tpu.memref_slice %arg6[%dma_start3A_278, %add3A_277, %dma_start3A_282] : memref<2x163840x128xf32, #tpu.memory_space<hbm>> -> memref<1x128x128xf32, #tpu.memory_space<hbm>>
      %dma_start3A_284 = tpu.memref_squeeze %dma_start3A_283 : memref<1x128x128xf32, #tpu.memory_space<hbm>> -> memref<128x128xf32, #tpu.memory_space<hbm>>
      tpu.enqueue_dma source(%arg10 : memref<128x128xf32, #tpu.memory_space<vmem>>) target(%dma_start3A_284 : memref<128x128xf32, #tpu.memory_space<hbm>>) target_semaphore(%arg16 : memref<!tpu.dma_semaphore, #tpu.memory_space<semaphore_mem>>)
      %add3A_285 = arith.constant 9856 : i32
      %add3A_286 = arith.addi %mul3A_0, %add3A_285 : i32
      %dma_wait3A_287 = arith.constant 0 : i32
      %dma_wait3A_288 = arith.constant 0 : i32
      %dma_wait3A_289 = tpu.memref_slice %arg6[%dma_wait3A_287, %add3A_286, %dma_wait3A_288] : memref<2x163840x128xf32, #tpu.memory_space<hbm>> -> memref<1x128x128xf32, #tpu.memory_space<hbm>>
      %dma_wait3A_290 = tpu.memref_squeeze %dma_wait3A_289 : memref<1x128x128xf32, #tpu.memory_space<hbm>> -> memref<128x128xf32, #tpu.memory_space<hbm>>
      %dma_wait3A_291 = arith.constant 0 : i32
      %dma_wait3A_292 = tpu.memref_slice %arg6[%dma_wait3A_287, %add3A_286, %dma_wait3A_291] : memref<2x163840x128xf32, #tpu.memory_space<hbm>> -> memref<1x128x128xf32, #tpu.memory_space<hbm>>
      %dma_wait3A_293 = tpu.memref_squeeze %dma_wait3A_292 : memref<1x128x128xf32, #tpu.memory_space<hbm>> -> memref<128x128xf32, #tpu.memory_space<hbm>>
      tpu.wait_dma2 semaphore(%arg17 : memref<!tpu.dma_semaphore, #tpu.memory_space<semaphore_mem>>) src(%arg11 : memref<128x128xf32, #tpu.memory_space<vmem>>) dst(%dma_wait3A_293 : memref<128x128xf32, #tpu.memory_space<hbm>>)
      %add3A_294 = arith.constant 9984 : i32
      %add3A_295 = arith.addi %mul3A_0, %add3A_294 : i32
      %dma_wait3A_296 = arith.constant 0 : i32
      %dma_wait3A_297 = arith.constant 0 : i32
      %dma_wait3A_298 = tpu.memref_slice %arg6[%dma_wait3A_296, %add3A_295, %dma_wait3A_297] : memref<2x163840x128xf32, #tpu.memory_space<hbm>> -> memref<1x128x128xf32, #tpu.memory_space<hbm>>
      %dma_wait3A_299 = tpu.memref_squeeze %dma_wait3A_298 : memref<1x128x128xf32, #tpu.memory_space<hbm>> -> memref<128x128xf32, #tpu.memory_space<hbm>>
      %dma_wait3A_300 = arith.constant 0 : i32
      %dma_wait3A_301 = tpu.memref_slice %arg6[%dma_wait3A_296, %add3A_295, %dma_wait3A_300] : memref<2x163840x128xf32, #tpu.memory_space<hbm>> -> memref<1x128x128xf32, #tpu.memory_space<hbm>>
      %dma_wait3A_302 = tpu.memref_squeeze %dma_wait3A_301 : memref<1x128x128xf32, #tpu.memory_space<hbm>> -> memref<128x128xf32, #tpu.memory_space<hbm>>
      tpu.wait_dma2 semaphore(%arg15 : memref<!tpu.dma_semaphore, #tpu.memory_space<semaphore_mem>>) src(%arg9 : memref<128x128xf32, #tpu.memory_space<vmem>>) dst(%dma_wait3A_302 : memref<128x128xf32, #tpu.memory_space<hbm>>)
      %add3A_303 = arith.constant 10112 : i32
      %add3A_304 = arith.addi %mul3A_0, %add3A_303 : i32
      %dma_wait3A_305 = arith.constant 0 : i32
      %dma_wait3A_306 = arith.constant 0 : i32
      %dma_wait3A_307 = tpu.memref_slice %arg6[%dma_wait3A_305, %add3A_304, %dma_wait3A_306] : memref<2x163840x128xf32, #tpu.memory_space<hbm>> -> memref<1x128x128xf32, #tpu.memory_space<hbm>>
      %dma_wait3A_308 = tpu.memref_squeeze %dma_wait3A_307 : memref<1x128x128xf32, #tpu.memory_space<hbm>> -> memref<128x128xf32, #tpu.memory_space<hbm>>
      %dma_wait3A_309 = arith.constant 0 : i32
      %dma_wait3A_310 = tpu.memref_slice %arg6[%dma_wait3A_305, %add3A_304, %dma_wait3A_309] : memref<2x163840x128xf32, #tpu.memory_space<hbm>> -> memref<1x128x128xf32, #tpu.memory_space<hbm>>
      %dma_wait3A_311 = tpu.memref_squeeze %dma_wait3A_310 : memref<1x128x128xf32, #tpu.memory_space<hbm>> -> memref<128x128xf32, #tpu.memory_space<hbm>>
      tpu.wait_dma2 semaphore(%arg16 : memref<!tpu.dma_semaphore, #tpu.memory_space<semaphore_mem>>) src(%arg10 : memref<128x128xf32, #tpu.memory_space<vmem>>) dst(%dma_wait3A_311 : memref<128x128xf32, #tpu.memory_space<hbm>>)
    } else {
    }
    %eq3A_5 = arith.constant 1 : i32
    %eq3A_6 = arith.cmpi eq, %arg0, %eq3A_5 : i32
    %convert_element_type3A_7 = arith.extui %eq3A_6 : i1 to i32
    %cond3A_8 = arith.constant 0 : i32
    %cond3A_9 = arith.cmpi ne, %convert_element_type3A_7, %cond3A_8 : i32
    scf.if %cond3A_9 {
      "tpu.region"() ({
        %run_scoped3A = tpu.sem_alloc : memref<!tpu.dma_semaphore, #tpu.memory_space<semaphore_mem>>
        %dma_start3A_312 = arith.constant 0 : i32
        %dma_start3A_313 = tpu.memref_slice %arg7[%mul3A_2, %dma_start3A_312] : memref<10112x128xf32, #tpu.memory_space<vmem_shared>> -> memref<632x128xf32, #tpu.memory_space<vmem_shared>>
        %dma_start3A_314 = arith.constant 0 : i32
        %dma_start3A_315 = tpu.memref_slice %arg3[%mul3A_2, %dma_start3A_314] : memref<10112x128xf32, #tpu.memory_space<hbm>> -> memref<632x128xf32, #tpu.memory_space<hbm>>
        tpu.enqueue_dma source(%dma_start3A_315 : memref<632x128xf32, #tpu.memory_space<hbm>>) target(%dma_start3A_313 : memref<632x128xf32, #tpu.memory_space<vmem_shared>>) target_semaphore(%run_scoped3A : memref<!tpu.dma_semaphore, #tpu.memory_space<semaphore_mem>>)
        %dma_wait3A_316 = arith.constant 0 : i32
        %dma_wait3A_317 = tpu.memref_slice %arg7[%mul3A_2, %dma_wait3A_316] : memref<10112x128xf32, #tpu.memory_space<vmem_shared>> -> memref<632x128xf32, #tpu.memory_space<vmem_shared>>
        %dma_wait3A_318 = arith.constant 0 : i32
        %dma_wait3A_319 = tpu.memref_slice %arg3[%mul3A_2, %dma_wait3A_318] : memref<10112x128xf32, #tpu.memory_space<hbm>> -> memref<632x128xf32, #tpu.memory_space<hbm>>
        tpu.wait_dma2 semaphore(%run_scoped3A : memref<!tpu.dma_semaphore, #tpu.memory_space<semaphore_mem>>) src(%dma_wait3A_319 : memref<632x128xf32, #tpu.memory_space<hbm>>) dst(%dma_wait3A_317 : memref<632x128xf32, #tpu.memory_space<vmem_shared>>)
        tpu.yield
      }) : () -> ()
      %barrier3A = arith.constant 0 : index
      tpu.barrier barrier_id(%barrier3A)
      %dma_start3A = arith.constant 0 : i32
      %dma_start3A_10 = arith.constant 0 : i32
      %dma_start3A_11 = arith.constant 0 : i32
      %dma_start3A_12 = tpu.memref_slice %arg8[%dma_start3A_10, %dma_start3A_11] : memref<3x128xi32, #tpu.memory_space<vmem>> -> memref<1x128xi32, #tpu.memory_space<vmem>>
      %dma_start3A_13 = tpu.memref_squeeze %dma_start3A_12 : memref<1x128xi32, #tpu.memory_space<vmem>> -> memref<128xi32, #tpu.memory_space<vmem>>
      %dma_start3A_14 = arith.constant 0 : i32
      %dma_start3A_15 = tpu.memref_slice %arg5[%arg1, %dma_start3A, %dma_start3A_14] : memref<16x80x128xi32, #tpu.memory_space<hbm>> -> memref<1x1x128xi32, #tpu.memory_space<hbm>>
      %dma_start3A_16 = tpu.memref_squeeze %dma_start3A_15 : memref<1x1x128xi32, #tpu.memory_space<hbm>> -> memref<128xi32, #tpu.memory_space<hbm>>
      %dma_start3A_17 = arith.constant 0 : i32
      %dma_start3A_18 = tpu.memref_slice %arg8[%dma_start3A_10, %dma_start3A_17] : memref<3x128xi32, #tpu.memory_space<vmem>> -> memref<1x128xi32, #tpu.memory_space<vmem>>
      %dma_start3A_19 = tpu.memref_squeeze %dma_start3A_18 : memref<1x128xi32, #tpu.memory_space<vmem>> -> memref<128xi32, #tpu.memory_space<vmem>>
      %dma_start3A_20 = arith.constant 0 : i32
      %dma_start3A_21 = tpu.memref_slice %arg5[%arg1, %dma_start3A, %dma_start3A_20] : memref<16x80x128xi32, #tpu.memory_space<hbm>> -> memref<1x1x128xi32, #tpu.memory_space<hbm>>
      %dma_start3A_22 = tpu.memref_squeeze %dma_start3A_21 : memref<1x1x128xi32, #tpu.memory_space<hbm>> -> memref<128xi32, #tpu.memory_space<hbm>>
      tpu.enqueue_dma source(%dma_start3A_22 : memref<128xi32, #tpu.memory_space<hbm>>) target(%dma_start3A_19 : memref<128xi32, #tpu.memory_space<vmem>>) target_semaphore(%arg18 : memref<!tpu.dma_semaphore, #tpu.memory_space<semaphore_mem>>)
      %dma_start3A_23 = arith.constant 1 : i32
      %dma_start3A_24 = arith.constant 1 : i32
      %dma_start3A_25 = arith.constant 0 : i32
      %dma_start3A_26 = tpu.memref_slice %arg8[%dma_start3A_24, %dma_start3A_25] : memref<3x128xi32, #tpu.memory_space<vmem>> -> memref<1x128xi32, #tpu.memory_space<vmem>>
      %dma_start3A_27 = tpu.memref_squeeze %dma_start3A_26 : memref<1x128xi32, #tpu.memory_space<vmem>> -> memref<128xi32, #tpu.memory_space<vmem>>
      %dma_start3A_28 = arith.constant 0 : i32
      %dma_start3A_29 = tpu.memref_slice %arg5[%arg1, %dma_start3A_23, %dma_start3A_28] : memref<16x80x128xi32, #tpu.memory_space<hbm>> -> memref<1x1x128xi32, #tpu.memory_space<hbm>>
      %dma_start3A_30 = tpu.memref_squeeze %dma_start3A_29 : memref<1x1x128xi32, #tpu.memory_space<hbm>> -> memref<128xi32, #tpu.memory_space<hbm>>
      %dma_start3A_31 = arith.constant 0 : i32
      %dma_start3A_32 = tpu.memref_slice %arg8[%dma_start3A_24, %dma_start3A_31] : memref<3x128xi32, #tpu.memory_space<vmem>> -> memref<1x128xi32, #tpu.memory_space<vmem>>
      %dma_start3A_33 = tpu.memref_squeeze %dma_start3A_32 : memref<1x128xi32, #tpu.memory_space<vmem>> -> memref<128xi32, #tpu.memory_space<vmem>>
      %dma_start3A_34 = arith.constant 0 : i32
      %dma_start3A_35 = tpu.memref_slice %arg5[%arg1, %dma_start3A_23, %dma_start3A_34] : memref<16x80x128xi32, #tpu.memory_space<hbm>> -> memref<1x1x128xi32, #tpu.memory_space<hbm>>
      %dma_start3A_36 = tpu.memref_squeeze %dma_start3A_35 : memref<1x1x128xi32, #tpu.memory_space<hbm>> -> memref<128xi32, #tpu.memory_space<hbm>>
      tpu.enqueue_dma source(%dma_start3A_36 : memref<128xi32, #tpu.memory_space<hbm>>) target(%dma_start3A_33 : memref<128xi32, #tpu.memory_space<vmem>>) target_semaphore(%arg19 : memref<!tpu.dma_semaphore, #tpu.memory_space<semaphore_mem>>)
      %dma_wait3A = arith.constant 0 : i32
      %dma_wait3A_37 = arith.constant 0 : i32
      %dma_wait3A_38 = arith.constant 0 : i32
      %dma_wait3A_39 = tpu.memref_slice %arg8[%dma_wait3A_37, %dma_wait3A_38] : memref<3x128xi32, #tpu.memory_space<vmem>> -> memref<1x128xi32, #tpu.memory_space<vmem>>
      %dma_wait3A_40 = tpu.memref_squeeze %dma_wait3A_39 : memref<1x128xi32, #tpu.memory_space<vmem>> -> memref<128xi32, #tpu.memory_space<vmem>>
      %dma_wait3A_41 = arith.constant 0 : i32
      %dma_wait3A_42 = tpu.memref_slice %arg5[%arg1, %dma_wait3A, %dma_wait3A_41] : memref<16x80x128xi32, #tpu.memory_space<hbm>> -> memref<1x1x128xi32, #tpu.memory_space<hbm>>
      %dma_wait3A_43 = tpu.memref_squeeze %dma_wait3A_42 : memref<1x1x128xi32, #tpu.memory_space<hbm>> -> memref<128xi32, #tpu.memory_space<hbm>>
      %dma_wait3A_44 = arith.constant 0 : i32
      %dma_wait3A_45 = tpu.memref_slice %arg8[%dma_wait3A_37, %dma_wait3A_44] : memref<3x128xi32, #tpu.memory_space<vmem>> -> memref<1x128xi32, #tpu.memory_space<vmem>>
      %dma_wait3A_46 = tpu.memref_squeeze %dma_wait3A_45 : memref<1x128xi32, #tpu.memory_space<vmem>> -> memref<128xi32, #tpu.memory_space<vmem>>
      %dma_wait3A_47 = arith.constant 0 : i32
      %dma_wait3A_48 = tpu.memref_slice %arg5[%arg1, %dma_wait3A, %dma_wait3A_47] : memref<16x80x128xi32, #tpu.memory_space<hbm>> -> memref<1x1x128xi32, #tpu.memory_space<hbm>>
      %dma_wait3A_49 = tpu.memref_squeeze %dma_wait3A_48 : memref<1x1x128xi32, #tpu.memory_space<hbm>> -> memref<128xi32, #tpu.memory_space<hbm>>
      tpu.wait_dma2 semaphore(%arg18 : memref<!tpu.dma_semaphore, #tpu.memory_space<semaphore_mem>>) src(%dma_wait3A_49 : memref<128xi32, #tpu.memory_space<hbm>>) dst(%dma_wait3A_46 : memref<128xi32, #tpu.memory_space<vmem>>)
      %dma_start3A_50 = arith.constant 0 : i32
      %dma_start3A_51 = arith.constant 0 : i32
      %dma_start3A_52 = tpu.memref_slice %arg8[%dma_start3A_50, %dma_start3A_51] : memref<3x128xi32, #tpu.memory_space<vmem>> -> memref<1x128xi32, #tpu.memory_space<vmem>>
      %dma_start3A_53 = tpu.memref_squeeze %dma_start3A_52 : memref<1x128xi32, #tpu.memory_space<vmem>> -> memref<128xi32, #tpu.memory_space<vmem>>
      %dma_start3A_54 = arith.constant 0 : i32
      %dma_start3A_55 = arith.constant 0 : i32
      %dma_start3A_56 = tpu.memref_slice %arg7[%dma_start3A_54, %dma_start3A_55] : memref<10112x128xf32, #tpu.memory_space<vmem_shared>> -> memref<10112x128xf32, #tpu.memory_space<vmem_shared>>
      tpu.enqueue_indirect_dma source(%dma_start3A_56 : memref<10112x128xf32, #tpu.memory_space<vmem_shared>>) target(%arg9 : memref<128x128xf32, #tpu.memory_space<vmem>>) offsets(%dma_start3A_53 : memref<128xi32, #tpu.memory_space<vmem>>) semaphore(%arg12 : memref<!tpu.dma_semaphore, #tpu.memory_space<semaphore_mem>>)
      %dma_wait3A_57 = arith.constant 0 : i32
      %dma_wait3A_58 = arith.constant 0 : i32
      %dma_wait3A_59 = tpu.memref_slice %arg8[%dma_wait3A_57, %dma_wait3A_58] : memref<3x128xi32, #tpu.memory_space<vmem>> -> memref<1x128xi32, #tpu.memory_space<vmem>>
      %dma_wait3A_60 = tpu.memref_squeeze %dma_wait3A_59 : memref<1x128xi32, #tpu.memory_space<vmem>> -> memref<128xi32, #tpu.memory_space<vmem>>
      %dma_wait3A_61 = arith.constant 0 : i32
      %dma_wait3A_62 = arith.constant 0 : i32
      %dma_wait3A_63 = tpu.memref_slice %arg7[%dma_wait3A_61, %dma_wait3A_62] : memref<10112x128xf32, #tpu.memory_space<vmem_shared>> -> memref<10112x128xf32, #tpu.memory_space<vmem_shared>>
      tpu.wait_indirect_dma semaphore(%arg12 : memref<!tpu.dma_semaphore, #tpu.memory_space<semaphore_mem>>) src(%dma_wait3A_63 : memref<10112x128xf32, #tpu.memory_space<vmem_shared>>) dst(%arg9 : memref<128x128xf32, #tpu.memory_space<vmem>>)
      %add3A = arith.constant 0 : i32
      %add3A_64 = arith.addi %mul3A_0, %add3A : i32
      %dma_start3A_65 = arith.constant 1 : i32
      %dma_start3A_66 = arith.constant 0 : i32
      %dma_start3A_67 = tpu.memref_slice %arg6[%dma_start3A_65, %add3A_64, %dma_start3A_66] : memref<2x163840x128xf32, #tpu.memory_space<hbm>> -> memref<1x128x128xf32, #tpu.memory_space<hbm>>
      %dma_start3A_68 = tpu.memref_squeeze %dma_start3A_67 : memref<1x128x128xf32, #tpu.memory_space<hbm>> -> memref<128x128xf32, #tpu.memory_space<hbm>>
      %dma_start3A_69 = arith.constant 0 : i32
      %dma_start3A_70 = tpu.memref_slice %arg6[%dma_start3A_65, %add3A_64, %dma_start3A_69] : memref<2x163840x128xf32, #tpu.memory_space<hbm>> -> memref<1x128x128xf32, #tpu.memory_space<hbm>>
      %dma_start3A_71 = tpu.memref_squeeze %dma_start3A_70 : memref<1x128x128xf32, #tpu.memory_space<hbm>> -> memref<128x128xf32, #tpu.memory_space<hbm>>
      tpu.enqueue_dma source(%arg9 : memref<128x128xf32, #tpu.memory_space<vmem>>) target(%dma_start3A_71 : memref<128x128xf32, #tpu.memory_space<hbm>>) target_semaphore(%arg15 : memref<!tpu.dma_semaphore, #tpu.memory_space<semaphore_mem>>)
      %dma_wait3A_72 = arith.constant 1 : i32
      %dma_wait3A_73 = arith.constant 1 : i32
      %dma_wait3A_74 = arith.constant 0 : i32
      %dma_wait3A_75 = tpu.memref_slice %arg8[%dma_wait3A_73, %dma_wait3A_74] : memref<3x128xi32, #tpu.memory_space<vmem>> -> memref<1x128xi32, #tpu.memory_space<vmem>>
      %dma_wait3A_76 = tpu.memref_squeeze %dma_wait3A_75 : memref<1x128xi32, #tpu.memory_space<vmem>> -> memref<128xi32, #tpu.memory_space<vmem>>
      %dma_wait3A_77 = arith.constant 0 : i32
      %dma_wait3A_78 = tpu.memref_slice %arg5[%arg1, %dma_wait3A_72, %dma_wait3A_77] : memref<16x80x128xi32, #tpu.memory_space<hbm>> -> memref<1x1x128xi32, #tpu.memory_space<hbm>>
      %dma_wait3A_79 = tpu.memref_squeeze %dma_wait3A_78 : memref<1x1x128xi32, #tpu.memory_space<hbm>> -> memref<128xi32, #tpu.memory_space<hbm>>
      %dma_wait3A_80 = arith.constant 0 : i32
      %dma_wait3A_81 = tpu.memref_slice %arg8[%dma_wait3A_73, %dma_wait3A_80] : memref<3x128xi32, #tpu.memory_space<vmem>> -> memref<1x128xi32, #tpu.memory_space<vmem>>
      %dma_wait3A_82 = tpu.memref_squeeze %dma_wait3A_81 : memref<1x128xi32, #tpu.memory_space<vmem>> -> memref<128xi32, #tpu.memory_space<vmem>>
      %dma_wait3A_83 = arith.constant 0 : i32
      %dma_wait3A_84 = tpu.memref_slice %arg5[%arg1, %dma_wait3A_72, %dma_wait3A_83] : memref<16x80x128xi32, #tpu.memory_space<hbm>> -> memref<1x1x128xi32, #tpu.memory_space<hbm>>
      %dma_wait3A_85 = tpu.memref_squeeze %dma_wait3A_84 : memref<1x1x128xi32, #tpu.memory_space<hbm>> -> memref<128xi32, #tpu.memory_space<hbm>>
      tpu.wait_dma2 semaphore(%arg19 : memref<!tpu.dma_semaphore, #tpu.memory_space<semaphore_mem>>) src(%dma_wait3A_85 : memref<128xi32, #tpu.memory_space<hbm>>) dst(%dma_wait3A_82 : memref<128xi32, #tpu.memory_space<vmem>>)
      %dma_start3A_86 = arith.constant 1 : i32
      %dma_start3A_87 = arith.constant 0 : i32
      %dma_start3A_88 = tpu.memref_slice %arg8[%dma_start3A_86, %dma_start3A_87] : memref<3x128xi32, #tpu.memory_space<vmem>> -> memref<1x128xi32, #tpu.memory_space<vmem>>
      %dma_start3A_89 = tpu.memref_squeeze %dma_start3A_88 : memref<1x128xi32, #tpu.memory_space<vmem>> -> memref<128xi32, #tpu.memory_space<vmem>>
      %dma_start3A_90 = arith.constant 0 : i32
      %dma_start3A_91 = arith.constant 0 : i32
      %dma_start3A_92 = tpu.memref_slice %arg7[%dma_start3A_90, %dma_start3A_91] : memref<10112x128xf32, #tpu.memory_space<vmem_shared>> -> memref<10112x128xf32, #tpu.memory_space<vmem_shared>>
      tpu.enqueue_indirect_dma source(%dma_start3A_92 : memref<10112x128xf32, #tpu.memory_space<vmem_shared>>) target(%arg10 : memref<128x128xf32, #tpu.memory_space<vmem>>) offsets(%dma_start3A_89 : memref<128xi32, #tpu.memory_space<vmem>>) semaphore(%arg13 : memref<!tpu.dma_semaphore, #tpu.memory_space<semaphore_mem>>)
      %dma_start3A_93 = arith.constant 2 : i32
      %dma_start3A_94 = arith.constant 2 : i32
      %dma_start3A_95 = arith.constant 0 : i32
      %dma_start3A_96 = tpu.memref_slice %arg8[%dma_start3A_94, %dma_start3A_95] : memref<3x128xi32, #tpu.memory_space<vmem>> -> memref<1x128xi32, #tpu.memory_space<vmem>>
      %dma_start3A_97 = tpu.memref_squeeze %dma_start3A_96 : memref<1x128xi32, #tpu.memory_space<vmem>> -> memref<128xi32, #tpu.memory_space<vmem>>
      %dma_start3A_98 = arith.constant 0 : i32
      %dma_start3A_99 = tpu.memref_slice %arg5[%arg1, %dma_start3A_93, %dma_start3A_98] : memref<16x80x128xi32, #tpu.memory_space<hbm>> -> memref<1x1x128xi32, #tpu.memory_space<hbm>>
      %dma_start3A_100 = tpu.memref_squeeze %dma_start3A_99 : memref<1x1x128xi32, #tpu.memory_space<hbm>> -> memref<128xi32, #tpu.memory_space<hbm>>
      %dma_start3A_101 = arith.constant 0 : i32
      %dma_start3A_102 = tpu.memref_slice %arg8[%dma_start3A_94, %dma_start3A_101] : memref<3x128xi32, #tpu.memory_space<vmem>> -> memref<1x128xi32, #tpu.memory_space<vmem>>
      %dma_start3A_103 = tpu.memref_squeeze %dma_start3A_102 : memref<1x128xi32, #tpu.memory_space<vmem>> -> memref<128xi32, #tpu.memory_space<vmem>>
      %dma_start3A_104 = arith.constant 0 : i32
      %dma_start3A_105 = tpu.memref_slice %arg5[%arg1, %dma_start3A_93, %dma_start3A_104] : memref<16x80x128xi32, #tpu.memory_space<hbm>> -> memref<1x1x128xi32, #tpu.memory_space<hbm>>
      %dma_start3A_106 = tpu.memref_squeeze %dma_start3A_105 : memref<1x1x128xi32, #tpu.memory_space<hbm>> -> memref<128xi32, #tpu.memory_space<hbm>>
      tpu.enqueue_dma source(%dma_start3A_106 : memref<128xi32, #tpu.memory_space<hbm>>) target(%dma_start3A_103 : memref<128xi32, #tpu.memory_space<vmem>>) target_semaphore(%arg20 : memref<!tpu.dma_semaphore, #tpu.memory_space<semaphore_mem>>)
      %dma_wait3A_107 = arith.constant 1 : i32
      %dma_wait3A_108 = arith.constant 0 : i32
      %dma_wait3A_109 = tpu.memref_slice %arg8[%dma_wait3A_107, %dma_wait3A_108] : memref<3x128xi32, #tpu.memory_space<vmem>> -> memref<1x128xi32, #tpu.memory_space<vmem>>
      %dma_wait3A_110 = tpu.memref_squeeze %dma_wait3A_109 : memref<1x128xi32, #tpu.memory_space<vmem>> -> memref<128xi32, #tpu.memory_space<vmem>>
      %dma_wait3A_111 = arith.constant 0 : i32
      %dma_wait3A_112 = arith.constant 0 : i32
      %dma_wait3A_113 = tpu.memref_slice %arg7[%dma_wait3A_111, %dma_wait3A_112] : memref<10112x128xf32, #tpu.memory_space<vmem_shared>> -> memref<10112x128xf32, #tpu.memory_space<vmem_shared>>
      tpu.wait_indirect_dma semaphore(%arg13 : memref<!tpu.dma_semaphore, #tpu.memory_space<semaphore_mem>>) src(%dma_wait3A_113 : memref<10112x128xf32, #tpu.memory_space<vmem_shared>>) dst(%arg10 : memref<128x128xf32, #tpu.memory_space<vmem>>)
      %add3A_114 = arith.constant 128 : i32
      %add3A_115 = arith.addi %mul3A_0, %add3A_114 : i32
      %dma_start3A_116 = arith.constant 1 : i32
      %dma_start3A_117 = arith.constant 0 : i32
      %dma_start3A_118 = tpu.memref_slice %arg6[%dma_start3A_116, %add3A_115, %dma_start3A_117] : memref<2x163840x128xf32, #tpu.memory_space<hbm>> -> memref<1x128x128xf32, #tpu.memory_space<hbm>>
      %dma_start3A_119 = tpu.memref_squeeze %dma_start3A_118 : memref<1x128x128xf32, #tpu.memory_space<hbm>> -> memref<128x128xf32, #tpu.memory_space<hbm>>
      %dma_start3A_120 = arith.constant 0 : i32
      %dma_start3A_121 = tpu.memref_slice %arg6[%dma_start3A_116, %add3A_115, %dma_start3A_120] : memref<2x163840x128xf32, #tpu.memory_space<hbm>> -> memref<1x128x128xf32, #tpu.memory_space<hbm>>
      %dma_start3A_122 = tpu.memref_squeeze %dma_start3A_121 : memref<1x128x128xf32, #tpu.memory_space<hbm>> -> memref<128x128xf32, #tpu.memory_space<hbm>>
      tpu.enqueue_dma source(%arg10 : memref<128x128xf32, #tpu.memory_space<vmem>>) target(%dma_start3A_122 : memref<128x128xf32, #tpu.memory_space<hbm>>) target_semaphore(%arg16 : memref<!tpu.dma_semaphore, #tpu.memory_space<semaphore_mem>>)
      %dma_wait3A_123 = arith.constant 2 : i32
      %dma_wait3A_124 = arith.constant 2 : i32
      %dma_wait3A_125 = arith.constant 0 : i32
      %dma_wait3A_126 = tpu.memref_slice %arg8[%dma_wait3A_124, %dma_wait3A_125] : memref<3x128xi32, #tpu.memory_space<vmem>> -> memref<1x128xi32, #tpu.memory_space<vmem>>
      %dma_wait3A_127 = tpu.memref_squeeze %dma_wait3A_126 : memref<1x128xi32, #tpu.memory_space<vmem>> -> memref<128xi32, #tpu.memory_space<vmem>>
      %dma_wait3A_128 = arith.constant 0 : i32
      %dma_wait3A_129 = tpu.memref_slice %arg5[%arg1, %dma_wait3A_123, %dma_wait3A_128] : memref<16x80x128xi32, #tpu.memory_space<hbm>> -> memref<1x1x128xi32, #tpu.memory_space<hbm>>
      %dma_wait3A_130 = tpu.memref_squeeze %dma_wait3A_129 : memref<1x1x128xi32, #tpu.memory_space<hbm>> -> memref<128xi32, #tpu.memory_space<hbm>>
      %dma_wait3A_131 = arith.constant 0 : i32
      %dma_wait3A_132 = tpu.memref_slice %arg8[%dma_wait3A_124, %dma_wait3A_131] : memref<3x128xi32, #tpu.memory_space<vmem>> -> memref<1x128xi32, #tpu.memory_space<vmem>>
      %dma_wait3A_133 = tpu.memref_squeeze %dma_wait3A_132 : memref<1x128xi32, #tpu.memory_space<vmem>> -> memref<128xi32, #tpu.memory_space<vmem>>
      %dma_wait3A_134 = arith.constant 0 : i32
      %dma_wait3A_135 = tpu.memref_slice %arg5[%arg1, %dma_wait3A_123, %dma_wait3A_134] : memref<16x80x128xi32, #tpu.memory_space<hbm>> -> memref<1x1x128xi32, #tpu.memory_space<hbm>>
      %dma_wait3A_136 = tpu.memref_squeeze %dma_wait3A_135 : memref<1x1x128xi32, #tpu.memory_space<hbm>> -> memref<128xi32, #tpu.memory_space<hbm>>
      tpu.wait_dma2 semaphore(%arg20 : memref<!tpu.dma_semaphore, #tpu.memory_space<semaphore_mem>>) src(%dma_wait3A_136 : memref<128xi32, #tpu.memory_space<hbm>>) dst(%dma_wait3A_133 : memref<128xi32, #tpu.memory_space<vmem>>)
      %dma_start3A_137 = arith.constant 2 : i32
      %dma_start3A_138 = arith.constant 0 : i32
      %dma_start3A_139 = tpu.memref_slice %arg8[%dma_start3A_137, %dma_start3A_138] : memref<3x128xi32, #tpu.memory_space<vmem>> -> memref<1x128xi32, #tpu.memory_space<vmem>>
      %dma_start3A_140 = tpu.memref_squeeze %dma_start3A_139 : memref<1x128xi32, #tpu.memory_space<vmem>> -> memref<128xi32, #tpu.memory_space<vmem>>
      %dma_start3A_141 = arith.constant 0 : i32
      %dma_start3A_142 = arith.constant 0 : i32
      %dma_start3A_143 = tpu.memref_slice %arg7[%dma_start3A_141, %dma_start3A_142] : memref<10112x128xf32, #tpu.memory_space<vmem_shared>> -> memref<10112x128xf32, #tpu.memory_space<vmem_shared>>
      tpu.enqueue_indirect_dma source(%dma_start3A_143 : memref<10112x128xf32, #tpu.memory_space<vmem_shared>>) target(%arg11 : memref<128x128xf32, #tpu.memory_space<vmem>>) offsets(%dma_start3A_140 : memref<128xi32, #tpu.memory_space<vmem>>) semaphore(%arg14 : memref<!tpu.dma_semaphore, #tpu.memory_space<semaphore_mem>>)
      %dma_start3A_144 = arith.constant 3 : i32
      %dma_start3A_145 = arith.constant 0 : i32
      %dma_start3A_146 = arith.constant 0 : i32
      %dma_start3A_147 = tpu.memref_slice %arg8[%dma_start3A_145, %dma_start3A_146] : memref<3x128xi32, #tpu.memory_space<vmem>> -> memref<1x128xi32, #tpu.memory_space<vmem>>
      %dma_start3A_148 = tpu.memref_squeeze %dma_start3A_147 : memref<1x128xi32, #tpu.memory_space<vmem>> -> memref<128xi32, #tpu.memory_space<vmem>>
      %dma_start3A_149 = arith.constant 0 : i32
      %dma_start3A_150 = tpu.memref_slice %arg5[%arg1, %dma_start3A_144, %dma_start3A_149] : memref<16x80x128xi32, #tpu.memory_space<hbm>> -> memref<1x1x128xi32, #tpu.memory_space<hbm>>
      %dma_start3A_151 = tpu.memref_squeeze %dma_start3A_150 : memref<1x1x128xi32, #tpu.memory_space<hbm>> -> memref<128xi32, #tpu.memory_space<hbm>>
      %dma_start3A_152 = arith.constant 0 : i32
      %dma_start3A_153 = tpu.memref_slice %arg8[%dma_start3A_145, %dma_start3A_152] : memref<3x128xi32, #tpu.memory_space<vmem>> -> memref<1x128xi32, #tpu.memory_space<vmem>>
      %dma_start3A_154 = tpu.memref_squeeze %dma_start3A_153 : memref<1x128xi32, #tpu.memory_space<vmem>> -> memref<128xi32, #tpu.memory_space<vmem>>
      %dma_start3A_155 = arith.constant 0 : i32
      %dma_start3A_156 = tpu.memref_slice %arg5[%arg1, %dma_start3A_144, %dma_start3A_155] : memref<16x80x128xi32, #tpu.memory_space<hbm>> -> memref<1x1x128xi32, #tpu.memory_space<hbm>>
      %dma_start3A_157 = tpu.memref_squeeze %dma_start3A_156 : memref<1x1x128xi32, #tpu.memory_space<hbm>> -> memref<128xi32, #tpu.memory_space<hbm>>
      tpu.enqueue_dma source(%dma_start3A_157 : memref<128xi32, #tpu.memory_space<hbm>>) target(%dma_start3A_154 : memref<128xi32, #tpu.memory_space<vmem>>) target_semaphore(%arg18 : memref<!tpu.dma_semaphore, #tpu.memory_space<semaphore_mem>>)
      %scan3A = arith.constant 0 : i32
      %scan3A_158 = arith.constant 0 : i32
      %scan3A_159 = arith.constant 25 : i32
      %scan3A_160 = arith.addi %scan3A_158, %scan3A_159 : i32
      %scan3A_161 = arith.constant 1 : i32
      scf.for %scan3A_312 = %scan3A_158 to %scan3A_160 step %scan3A_161  : i32 {
        %mul3A_313 = arith.constant 3 : i32
        %mul3A_314 = arith.muli %scan3A_312, %mul3A_313 : i32
        %add3A_315 = arith.constant 2 : i32
        %add3A_316 = arith.addi %add3A_315, %mul3A_314 : i32
        %add3A_317 = arith.constant 0 : i32
        %add3A_318 = arith.addi %add3A_316, %add3A_317 : i32
        %dma_wait3A_319 = arith.constant 2 : i32
        %dma_wait3A_320 = arith.constant 0 : i32
        %dma_wait3A_321 = tpu.memref_slice %arg8[%dma_wait3A_319, %dma_wait3A_320] : memref<3x128xi32, #tpu.memory_space<vmem>> -> memref<1x128xi32, #tpu.memory_space<vmem>>
        %dma_wait3A_322 = tpu.memref_squeeze %dma_wait3A_321 : memref<1x128xi32, #tpu.memory_space<vmem>> -> memref<128xi32, #tpu.memory_space<vmem>>
        %dma_wait3A_323 = arith.constant 0 : i32
        %dma_wait3A_324 = arith.constant 0 : i32
        %dma_wait3A_325 = tpu.memref_slice %arg7[%dma_wait3A_323, %dma_wait3A_324] : memref<10112x128xf32, #tpu.memory_space<vmem_shared>> -> memref<10112x128xf32, #tpu.memory_space<vmem_shared>>
        tpu.wait_indirect_dma semaphore(%arg14 : memref<!tpu.dma_semaphore, #tpu.memory_space<semaphore_mem>>) src(%dma_wait3A_325 : memref<10112x128xf32, #tpu.memory_space<vmem_shared>>) dst(%arg11 : memref<128x128xf32, #tpu.memory_space<vmem>>)
        %mul3A_326 = arith.constant 128 : i32
        %mul3A_327 = arith.muli %add3A_318, %mul3A_326 : i32
        %add3A_328 = arith.addi %mul3A_0, %mul3A_327 : i32
        %dma_start3A_329 = arith.constant 1 : i32
        %dma_start3A_330 = arith.constant 0 : i32
        %dma_start3A_331 = tpu.memref_slice %arg6[%dma_start3A_329, %add3A_328, %dma_start3A_330] : memref<2x163840x128xf32, #tpu.memory_space<hbm>> -> memref<1x128x128xf32, #tpu.memory_space<hbm>>
        %dma_start3A_332 = tpu.memref_squeeze %dma_start3A_331 : memref<1x128x128xf32, #tpu.memory_space<hbm>> -> memref<128x128xf32, #tpu.memory_space<hbm>>
        %dma_start3A_333 = arith.constant 0 : i32
        %dma_start3A_334 = tpu.memref_slice %arg6[%dma_start3A_329, %add3A_328, %dma_start3A_333] : memref<2x163840x128xf32, #tpu.memory_space<hbm>> -> memref<1x128x128xf32, #tpu.memory_space<hbm>>
        %dma_start3A_335 = tpu.memref_squeeze %dma_start3A_334 : memref<1x128x128xf32, #tpu.memory_space<hbm>> -> memref<128x128xf32, #tpu.memory_space<hbm>>
        tpu.enqueue_dma source(%arg11 : memref<128x128xf32, #tpu.memory_space<vmem>>) target(%dma_start3A_335 : memref<128x128xf32, #tpu.memory_space<hbm>>) target_semaphore(%arg17 : memref<!tpu.dma_semaphore, #tpu.memory_space<semaphore_mem>>)
        %add3A_336 = arith.constant 1 : i32
        %add3A_337 = arith.addi %add3A_318, %add3A_336 : i32
        %dma_wait3A_338 = arith.constant 0 : i32
        %dma_wait3A_339 = arith.constant 0 : i32
        %dma_wait3A_340 = tpu.memref_slice %arg8[%dma_wait3A_338, %dma_wait3A_339] : memref<3x128xi32, #tpu.memory_space<vmem>> -> memref<1x128xi32, #tpu.memory_space<vmem>>
        %dma_wait3A_341 = tpu.memref_squeeze %dma_wait3A_340 : memref<1x128xi32, #tpu.memory_space<vmem>> -> memref<128xi32, #tpu.memory_space<vmem>>
        %dma_wait3A_342 = arith.constant 0 : i32
        %dma_wait3A_343 = tpu.memref_slice %arg5[%arg1, %add3A_337, %dma_wait3A_342] : memref<16x80x128xi32, #tpu.memory_space<hbm>> -> memref<1x1x128xi32, #tpu.memory_space<hbm>>
        %dma_wait3A_344 = tpu.memref_squeeze %dma_wait3A_343 : memref<1x1x128xi32, #tpu.memory_space<hbm>> -> memref<128xi32, #tpu.memory_space<hbm>>
        %dma_wait3A_345 = arith.constant 0 : i32
        %dma_wait3A_346 = tpu.memref_slice %arg8[%dma_wait3A_338, %dma_wait3A_345] : memref<3x128xi32, #tpu.memory_space<vmem>> -> memref<1x128xi32, #tpu.memory_space<vmem>>
        %dma_wait3A_347 = tpu.memref_squeeze %dma_wait3A_346 : memref<1x128xi32, #tpu.memory_space<vmem>> -> memref<128xi32, #tpu.memory_space<vmem>>
        %dma_wait3A_348 = arith.constant 0 : i32
        %dma_wait3A_349 = tpu.memref_slice %arg5[%arg1, %add3A_337, %dma_wait3A_348] : memref<16x80x128xi32, #tpu.memory_space<hbm>> -> memref<1x1x128xi32, #tpu.memory_space<hbm>>
        %dma_wait3A_350 = tpu.memref_squeeze %dma_wait3A_349 : memref<1x1x128xi32, #tpu.memory_space<hbm>> -> memref<128xi32, #tpu.memory_space<hbm>>
        tpu.wait_dma2 semaphore(%arg18 : memref<!tpu.dma_semaphore, #tpu.memory_space<semaphore_mem>>) src(%dma_wait3A_350 : memref<128xi32, #tpu.memory_space<hbm>>) dst(%dma_wait3A_347 : memref<128xi32, #tpu.memory_space<vmem>>)
        %sub3A = arith.constant 2 : i32
        %sub3A_351 = arith.subi %add3A_318, %sub3A : i32
        %mul3A_352 = arith.constant 128 : i32
        %mul3A_353 = arith.muli %sub3A_351, %mul3A_352 : i32
        %add3A_354 = arith.addi %mul3A_0, %mul3A_353 : i32
        %dma_wait3A_355 = arith.constant 1 : i32
        %dma_wait3A_356 = arith.constant 0 : i32
        %dma_wait3A_357 = tpu.memref_slice %arg6[%dma_wait3A_355, %add3A_354, %dma_wait3A_356] : memref<2x163840x128xf32, #tpu.memory_space<hbm>> -> memref<1x128x128xf32, #tpu.memory_space<hbm>>
        %dma_wait3A_358 = tpu.memref_squeeze %dma_wait3A_357 : memref<1x128x128xf32, #tpu.memory_space<hbm>> -> memref<128x128xf32, #tpu.memory_space<hbm>>
        %dma_wait3A_359 = arith.constant 0 : i32
        %dma_wait3A_360 = tpu.memref_slice %arg6[%dma_wait3A_355, %add3A_354, %dma_wait3A_359] : memref<2x163840x128xf32, #tpu.memory_space<hbm>> -> memref<1x128x128xf32, #tpu.memory_space<hbm>>
        %dma_wait3A_361 = tpu.memref_squeeze %dma_wait3A_360 : memref<1x128x128xf32, #tpu.memory_space<hbm>> -> memref<128x128xf32, #tpu.memory_space<hbm>>
        tpu.wait_dma2 semaphore(%arg15 : memref<!tpu.dma_semaphore, #tpu.memory_space<semaphore_mem>>) src(%arg9 : memref<128x128xf32, #tpu.memory_space<vmem>>) dst(%dma_wait3A_361 : memref<128x128xf32, #tpu.memory_space<hbm>>)
        %dma_start3A_362 = arith.constant 0 : i32
        %dma_start3A_363 = arith.constant 0 : i32
        %dma_start3A_364 = tpu.memref_slice %arg8[%dma_start3A_362, %dma_start3A_363] : memref<3x128xi32, #tpu.memory_space<vmem>> -> memref<1x128xi32, #tpu.memory_space<vmem>>
        %dma_start3A_365 = tpu.memref_squeeze %dma_start3A_364 : memref<1x128xi32, #tpu.memory_space<vmem>> -> memref<128xi32, #tpu.memory_space<vmem>>
        %dma_start3A_366 = arith.constant 0 : i32
        %dma_start3A_367 = arith.constant 0 : i32
        %dma_start3A_368 = tpu.memref_slice %arg7[%dma_start3A_366, %dma_start3A_367] : memref<10112x128xf32, #tpu.memory_space<vmem_shared>> -> memref<10112x128xf32, #tpu.memory_space<vmem_shared>>
        tpu.enqueue_indirect_dma source(%dma_start3A_368 : memref<10112x128xf32, #tpu.memory_space<vmem_shared>>) target(%arg9 : memref<128x128xf32, #tpu.memory_space<vmem>>) offsets(%dma_start3A_365 : memref<128xi32, #tpu.memory_space<vmem>>) semaphore(%arg12 : memref<!tpu.dma_semaphore, #tpu.memory_space<semaphore_mem>>)
        %add3A_369 = arith.constant 2 : i32
        %add3A_370 = arith.addi %add3A_318, %add3A_369 : i32
        %dma_start3A_371 = arith.constant 1 : i32
        %dma_start3A_372 = arith.constant 0 : i32
        %dma_start3A_373 = tpu.memref_slice %arg8[%dma_start3A_371, %dma_start3A_372] : memref<3x128xi32, #tpu.memory_space<vmem>> -> memref<1x128xi32, #tpu.memory_space<vmem>>
        %dma_start3A_374 = tpu.memref_squeeze %dma_start3A_373 : memref<1x128xi32, #tpu.memory_space<vmem>> -> memref<128xi32, #tpu.memory_space<vmem>>
        %dma_start3A_375 = arith.constant 0 : i32
        %dma_start3A_376 = tpu.memref_slice %arg5[%arg1, %add3A_370, %dma_start3A_375] : memref<16x80x128xi32, #tpu.memory_space<hbm>> -> memref<1x1x128xi32, #tpu.memory_space<hbm>>
        %dma_start3A_377 = tpu.memref_squeeze %dma_start3A_376 : memref<1x1x128xi32, #tpu.memory_space<hbm>> -> memref<128xi32, #tpu.memory_space<hbm>>
        %dma_start3A_378 = arith.constant 0 : i32
        %dma_start3A_379 = tpu.memref_slice %arg8[%dma_start3A_371, %dma_start3A_378] : memref<3x128xi32, #tpu.memory_space<vmem>> -> memref<1x128xi32, #tpu.memory_space<vmem>>
        %dma_start3A_380 = tpu.memref_squeeze %dma_start3A_379 : memref<1x128xi32, #tpu.memory_space<vmem>> -> memref<128xi32, #tpu.memory_space<vmem>>
        %dma_start3A_381 = arith.constant 0 : i32
        %dma_start3A_382 = tpu.memref_slice %arg5[%arg1, %add3A_370, %dma_start3A_381] : memref<16x80x128xi32, #tpu.memory_space<hbm>> -> memref<1x1x128xi32, #tpu.memory_space<hbm>>
        %dma_start3A_383 = tpu.memref_squeeze %dma_start3A_382 : memref<1x1x128xi32, #tpu.memory_space<hbm>> -> memref<128xi32, #tpu.memory_space<hbm>>
        tpu.enqueue_dma source(%dma_start3A_383 : memref<128xi32, #tpu.memory_space<hbm>>) target(%dma_start3A_380 : memref<128xi32, #tpu.memory_space<vmem>>) target_semaphore(%arg19 : memref<!tpu.dma_semaphore, #tpu.memory_space<semaphore_mem>>)
        %mul3A_384 = arith.constant 3 : i32
        %mul3A_385 = arith.muli %scan3A_312, %mul3A_384 : i32
        %add3A_386 = arith.constant 2 : i32
        %add3A_387 = arith.addi %add3A_386, %mul3A_385 : i32
        %add3A_388 = arith.constant 1 : i32
        %add3A_389 = arith.addi %add3A_387, %add3A_388 : i32
        %dma_wait3A_390 = arith.constant 0 : i32
        %dma_wait3A_391 = arith.constant 0 : i32
        %dma_wait3A_392 = tpu.memref_slice %arg8[%dma_wait3A_390, %dma_wait3A_391] : memref<3x128xi32, #tpu.memory_space<vmem>> -> memref<1x128xi32, #tpu.memory_space<vmem>>
        %dma_wait3A_393 = tpu.memref_squeeze %dma_wait3A_392 : memref<1x128xi32, #tpu.memory_space<vmem>> -> memref<128xi32, #tpu.memory_space<vmem>>
        %dma_wait3A_394 = arith.constant 0 : i32
        %dma_wait3A_395 = arith.constant 0 : i32
        %dma_wait3A_396 = tpu.memref_slice %arg7[%dma_wait3A_394, %dma_wait3A_395] : memref<10112x128xf32, #tpu.memory_space<vmem_shared>> -> memref<10112x128xf32, #tpu.memory_space<vmem_shared>>
        tpu.wait_indirect_dma semaphore(%arg12 : memref<!tpu.dma_semaphore, #tpu.memory_space<semaphore_mem>>) src(%dma_wait3A_396 : memref<10112x128xf32, #tpu.memory_space<vmem_shared>>) dst(%arg9 : memref<128x128xf32, #tpu.memory_space<vmem>>)
        %mul3A_397 = arith.constant 128 : i32
        %mul3A_398 = arith.muli %add3A_389, %mul3A_397 : i32
        %add3A_399 = arith.addi %mul3A_0, %mul3A_398 : i32
        %dma_start3A_400 = arith.constant 1 : i32
        %dma_start3A_401 = arith.constant 0 : i32
        %dma_start3A_402 = tpu.memref_slice %arg6[%dma_start3A_400, %add3A_399, %dma_start3A_401] : memref<2x163840x128xf32, #tpu.memory_space<hbm>> -> memref<1x128x128xf32, #tpu.memory_space<hbm>>
        %dma_start3A_403 = tpu.memref_squeeze %dma_start3A_402 : memref<1x128x128xf32, #tpu.memory_space<hbm>> -> memref<128x128xf32, #tpu.memory_space<hbm>>
        %dma_start3A_404 = arith.constant 0 : i32
        %dma_start3A_405 = tpu.memref_slice %arg6[%dma_start3A_400, %add3A_399, %dma_start3A_404] : memref<2x163840x128xf32, #tpu.memory_space<hbm>> -> memref<1x128x128xf32, #tpu.memory_space<hbm>>
        %dma_start3A_406 = tpu.memref_squeeze %dma_start3A_405 : memref<1x128x128xf32, #tpu.memory_space<hbm>> -> memref<128x128xf32, #tpu.memory_space<hbm>>
        tpu.enqueue_dma source(%arg9 : memref<128x128xf32, #tpu.memory_space<vmem>>) target(%dma_start3A_406 : memref<128x128xf32, #tpu.memory_space<hbm>>) target_semaphore(%arg15 : memref<!tpu.dma_semaphore, #tpu.memory_space<semaphore_mem>>)
        %add3A_407 = arith.constant 1 : i32
        %add3A_408 = arith.addi %add3A_389, %add3A_407 : i32
        %dma_wait3A_409 = arith.constant 1 : i32
        %dma_wait3A_410 = arith.constant 0 : i32
        %dma_wait3A_411 = tpu.memref_slice %arg8[%dma_wait3A_409, %dma_wait3A_410] : memref<3x128xi32, #tpu.memory_space<vmem>> -> memref<1x128xi32, #tpu.memory_space<vmem>>
        %dma_wait3A_412 = tpu.memref_squeeze %dma_wait3A_411 : memref<1x128xi32, #tpu.memory_space<vmem>> -> memref<128xi32, #tpu.memory_space<vmem>>
        %dma_wait3A_413 = arith.constant 0 : i32
        %dma_wait3A_414 = tpu.memref_slice %arg5[%arg1, %add3A_408, %dma_wait3A_413] : memref<16x80x128xi32, #tpu.memory_space<hbm>> -> memref<1x1x128xi32, #tpu.memory_space<hbm>>
        %dma_wait3A_415 = tpu.memref_squeeze %dma_wait3A_414 : memref<1x1x128xi32, #tpu.memory_space<hbm>> -> memref<128xi32, #tpu.memory_space<hbm>>
        %dma_wait3A_416 = arith.constant 0 : i32
        %dma_wait3A_417 = tpu.memref_slice %arg8[%dma_wait3A_409, %dma_wait3A_416] : memref<3x128xi32, #tpu.memory_space<vmem>> -> memref<1x128xi32, #tpu.memory_space<vmem>>
        %dma_wait3A_418 = tpu.memref_squeeze %dma_wait3A_417 : memref<1x128xi32, #tpu.memory_space<vmem>> -> memref<128xi32, #tpu.memory_space<vmem>>
        %dma_wait3A_419 = arith.constant 0 : i32
        %dma_wait3A_420 = tpu.memref_slice %arg5[%arg1, %add3A_408, %dma_wait3A_419] : memref<16x80x128xi32, #tpu.memory_space<hbm>> -> memref<1x1x128xi32, #tpu.memory_space<hbm>>
        %dma_wait3A_421 = tpu.memref_squeeze %dma_wait3A_420 : memref<1x1x128xi32, #tpu.memory_space<hbm>> -> memref<128xi32, #tpu.memory_space<hbm>>
        tpu.wait_dma2 semaphore(%arg19 : memref<!tpu.dma_semaphore, #tpu.memory_space<semaphore_mem>>) src(%dma_wait3A_421 : memref<128xi32, #tpu.memory_space<hbm>>) dst(%dma_wait3A_418 : memref<128xi32, #tpu.memory_space<vmem>>)
        %sub3A_422 = arith.constant 2 : i32
        %sub3A_423 = arith.subi %add3A_389, %sub3A_422 : i32
        %mul3A_424 = arith.constant 128 : i32
        %mul3A_425 = arith.muli %sub3A_423, %mul3A_424 : i32
        %add3A_426 = arith.addi %mul3A_0, %mul3A_425 : i32
        %dma_wait3A_427 = arith.constant 1 : i32
        %dma_wait3A_428 = arith.constant 0 : i32
        %dma_wait3A_429 = tpu.memref_slice %arg6[%dma_wait3A_427, %add3A_426, %dma_wait3A_428] : memref<2x163840x128xf32, #tpu.memory_space<hbm>> -> memref<1x128x128xf32, #tpu.memory_space<hbm>>
        %dma_wait3A_430 = tpu.memref_squeeze %dma_wait3A_429 : memref<1x128x128xf32, #tpu.memory_space<hbm>> -> memref<128x128xf32, #tpu.memory_space<hbm>>
        %dma_wait3A_431 = arith.constant 0 : i32
        %dma_wait3A_432 = tpu.memref_slice %arg6[%dma_wait3A_427, %add3A_426, %dma_wait3A_431] : memref<2x163840x128xf32, #tpu.memory_space<hbm>> -> memref<1x128x128xf32, #tpu.memory_space<hbm>>
        %dma_wait3A_433 = tpu.memref_squeeze %dma_wait3A_432 : memref<1x128x128xf32, #tpu.memory_space<hbm>> -> memref<128x128xf32, #tpu.memory_space<hbm>>
        tpu.wait_dma2 semaphore(%arg16 : memref<!tpu.dma_semaphore, #tpu.memory_space<semaphore_mem>>) src(%arg10 : memref<128x128xf32, #tpu.memory_space<vmem>>) dst(%dma_wait3A_433 : memref<128x128xf32, #tpu.memory_space<hbm>>)
        %dma_start3A_434 = arith.constant 1 : i32
        %dma_start3A_435 = arith.constant 0 : i32
        %dma_start3A_436 = tpu.memref_slice %arg8[%dma_start3A_434, %dma_start3A_435] : memref<3x128xi32, #tpu.memory_space<vmem>> -> memref<1x128xi32, #tpu.memory_space<vmem>>
        %dma_start3A_437 = tpu.memref_squeeze %dma_start3A_436 : memref<1x128xi32, #tpu.memory_space<vmem>> -> memref<128xi32, #tpu.memory_space<vmem>>
        %dma_start3A_438 = arith.constant 0 : i32
        %dma_start3A_439 = arith.constant 0 : i32
        %dma_start3A_440 = tpu.memref_slice %arg7[%dma_start3A_438, %dma_start3A_439] : memref<10112x128xf32, #tpu.memory_space<vmem_shared>> -> memref<10112x128xf32, #tpu.memory_space<vmem_shared>>
        tpu.enqueue_indirect_dma source(%dma_start3A_440 : memref<10112x128xf32, #tpu.memory_space<vmem_shared>>) target(%arg10 : memref<128x128xf32, #tpu.memory_space<vmem>>) offsets(%dma_start3A_437 : memref<128xi32, #tpu.memory_space<vmem>>) semaphore(%arg13 : memref<!tpu.dma_semaphore, #tpu.memory_space<semaphore_mem>>)
        %add3A_441 = arith.constant 2 : i32
        %add3A_442 = arith.addi %add3A_389, %add3A_441 : i32
        %dma_start3A_443 = arith.constant 2 : i32
        %dma_start3A_444 = arith.constant 0 : i32
        %dma_start3A_445 = tpu.memref_slice %arg8[%dma_start3A_443, %dma_start3A_444] : memref<3x128xi32, #tpu.memory_space<vmem>> -> memref<1x128xi32, #tpu.memory_space<vmem>>
        %dma_start3A_446 = tpu.memref_squeeze %dma_start3A_445 : memref<1x128xi32, #tpu.memory_space<vmem>> -> memref<128xi32, #tpu.memory_space<vmem>>
        %dma_start3A_447 = arith.constant 0 : i32
        %dma_start3A_448 = tpu.memref_slice %arg5[%arg1, %add3A_442, %dma_start3A_447] : memref<16x80x128xi32, #tpu.memory_space<hbm>> -> memref<1x1x128xi32, #tpu.memory_space<hbm>>
        %dma_start3A_449 = tpu.memref_squeeze %dma_start3A_448 : memref<1x1x128xi32, #tpu.memory_space<hbm>> -> memref<128xi32, #tpu.memory_space<hbm>>
        %dma_start3A_450 = arith.constant 0 : i32
        %dma_start3A_451 = tpu.memref_slice %arg8[%dma_start3A_443, %dma_start3A_450] : memref<3x128xi32, #tpu.memory_space<vmem>> -> memref<1x128xi32, #tpu.memory_space<vmem>>
        %dma_start3A_452 = tpu.memref_squeeze %dma_start3A_451 : memref<1x128xi32, #tpu.memory_space<vmem>> -> memref<128xi32, #tpu.memory_space<vmem>>
        %dma_start3A_453 = arith.constant 0 : i32
        %dma_start3A_454 = tpu.memref_slice %arg5[%arg1, %add3A_442, %dma_start3A_453] : memref<16x80x128xi32, #tpu.memory_space<hbm>> -> memref<1x1x128xi32, #tpu.memory_space<hbm>>
        %dma_start3A_455 = tpu.memref_squeeze %dma_start3A_454 : memref<1x1x128xi32, #tpu.memory_space<hbm>> -> memref<128xi32, #tpu.memory_space<hbm>>
        tpu.enqueue_dma source(%dma_start3A_455 : memref<128xi32, #tpu.memory_space<hbm>>) target(%dma_start3A_452 : memref<128xi32, #tpu.memory_space<vmem>>) target_semaphore(%arg20 : memref<!tpu.dma_semaphore, #tpu.memory_space<semaphore_mem>>)
        %mul3A_456 = arith.constant 3 : i32
        %mul3A_457 = arith.muli %scan3A_312, %mul3A_456 : i32
        %add3A_458 = arith.constant 2 : i32
        %add3A_459 = arith.addi %add3A_458, %mul3A_457 : i32
        %add3A_460 = arith.constant 2 : i32
        %add3A_461 = arith.addi %add3A_459, %add3A_460 : i32
        %dma_wait3A_462 = arith.constant 1 : i32
        %dma_wait3A_463 = arith.constant 0 : i32
        %dma_wait3A_464 = tpu.memref_slice %arg8[%dma_wait3A_462, %dma_wait3A_463] : memref<3x128xi32, #tpu.memory_space<vmem>> -> memref<1x128xi32, #tpu.memory_space<vmem>>
        %dma_wait3A_465 = tpu.memref_squeeze %dma_wait3A_464 : memref<1x128xi32, #tpu.memory_space<vmem>> -> memref<128xi32, #tpu.memory_space<vmem>>
        %dma_wait3A_466 = arith.constant 0 : i32
        %dma_wait3A_467 = arith.constant 0 : i32
        %dma_wait3A_468 = tpu.memref_slice %arg7[%dma_wait3A_466, %dma_wait3A_467] : memref<10112x128xf32, #tpu.memory_space<vmem_shared>> -> memref<10112x128xf32, #tpu.memory_space<vmem_shared>>
        tpu.wait_indirect_dma semaphore(%arg13 : memref<!tpu.dma_semaphore, #tpu.memory_space<semaphore_mem>>) src(%dma_wait3A_468 : memref<10112x128xf32, #tpu.memory_space<vmem_shared>>) dst(%arg10 : memref<128x128xf32, #tpu.memory_space<vmem>>)
        %mul3A_469 = arith.constant 128 : i32
        %mul3A_470 = arith.muli %add3A_461, %mul3A_469 : i32
        %add3A_471 = arith.addi %mul3A_0, %mul3A_470 : i32
        %dma_start3A_472 = arith.constant 1 : i32
        %dma_start3A_473 = arith.constant 0 : i32
        %dma_start3A_474 = tpu.memref_slice %arg6[%dma_start3A_472, %add3A_471, %dma_start3A_473] : memref<2x163840x128xf32, #tpu.memory_space<hbm>> -> memref<1x128x128xf32, #tpu.memory_space<hbm>>
        %dma_start3A_475 = tpu.memref_squeeze %dma_start3A_474 : memref<1x128x128xf32, #tpu.memory_space<hbm>> -> memref<128x128xf32, #tpu.memory_space<hbm>>
        %dma_start3A_476 = arith.constant 0 : i32
        %dma_start3A_477 = tpu.memref_slice %arg6[%dma_start3A_472, %add3A_471, %dma_start3A_476] : memref<2x163840x128xf32, #tpu.memory_space<hbm>> -> memref<1x128x128xf32, #tpu.memory_space<hbm>>
        %dma_start3A_478 = tpu.memref_squeeze %dma_start3A_477 : memref<1x128x128xf32, #tpu.memory_space<hbm>> -> memref<128x128xf32, #tpu.memory_space<hbm>>
        tpu.enqueue_dma source(%arg10 : memref<128x128xf32, #tpu.memory_space<vmem>>) target(%dma_start3A_478 : memref<128x128xf32, #tpu.memory_space<hbm>>) target_semaphore(%arg16 : memref<!tpu.dma_semaphore, #tpu.memory_space<semaphore_mem>>)
        %add3A_479 = arith.constant 1 : i32
        %add3A_480 = arith.addi %add3A_461, %add3A_479 : i32
        %dma_wait3A_481 = arith.constant 2 : i32
        %dma_wait3A_482 = arith.constant 0 : i32
        %dma_wait3A_483 = tpu.memref_slice %arg8[%dma_wait3A_481, %dma_wait3A_482] : memref<3x128xi32, #tpu.memory_space<vmem>> -> memref<1x128xi32, #tpu.memory_space<vmem>>
        %dma_wait3A_484 = tpu.memref_squeeze %dma_wait3A_483 : memref<1x128xi32, #tpu.memory_space<vmem>> -> memref<128xi32, #tpu.memory_space<vmem>>
        %dma_wait3A_485 = arith.constant 0 : i32
        %dma_wait3A_486 = tpu.memref_slice %arg5[%arg1, %add3A_480, %dma_wait3A_485] : memref<16x80x128xi32, #tpu.memory_space<hbm>> -> memref<1x1x128xi32, #tpu.memory_space<hbm>>
        %dma_wait3A_487 = tpu.memref_squeeze %dma_wait3A_486 : memref<1x1x128xi32, #tpu.memory_space<hbm>> -> memref<128xi32, #tpu.memory_space<hbm>>
        %dma_wait3A_488 = arith.constant 0 : i32
        %dma_wait3A_489 = tpu.memref_slice %arg8[%dma_wait3A_481, %dma_wait3A_488] : memref<3x128xi32, #tpu.memory_space<vmem>> -> memref<1x128xi32, #tpu.memory_space<vmem>>
        %dma_wait3A_490 = tpu.memref_squeeze %dma_wait3A_489 : memref<1x128xi32, #tpu.memory_space<vmem>> -> memref<128xi32, #tpu.memory_space<vmem>>
        %dma_wait3A_491 = arith.constant 0 : i32
        %dma_wait3A_492 = tpu.memref_slice %arg5[%arg1, %add3A_480, %dma_wait3A_491] : memref<16x80x128xi32, #tpu.memory_space<hbm>> -> memref<1x1x128xi32, #tpu.memory_space<hbm>>
        %dma_wait3A_493 = tpu.memref_squeeze %dma_wait3A_492 : memref<1x1x128xi32, #tpu.memory_space<hbm>> -> memref<128xi32, #tpu.memory_space<hbm>>
        tpu.wait_dma2 semaphore(%arg20 : memref<!tpu.dma_semaphore, #tpu.memory_space<semaphore_mem>>) src(%dma_wait3A_493 : memref<128xi32, #tpu.memory_space<hbm>>) dst(%dma_wait3A_490 : memref<128xi32, #tpu.memory_space<vmem>>)
        %sub3A_494 = arith.constant 2 : i32
        %sub3A_495 = arith.subi %add3A_461, %sub3A_494 : i32
        %mul3A_496 = arith.constant 128 : i32
        %mul3A_497 = arith.muli %sub3A_495, %mul3A_496 : i32
        %add3A_498 = arith.addi %mul3A_0, %mul3A_497 : i32
        %dma_wait3A_499 = arith.constant 1 : i32
        %dma_wait3A_500 = arith.constant 0 : i32
        %dma_wait3A_501 = tpu.memref_slice %arg6[%dma_wait3A_499, %add3A_498, %dma_wait3A_500] : memref<2x163840x128xf32, #tpu.memory_space<hbm>> -> memref<1x128x128xf32, #tpu.memory_space<hbm>>
        %dma_wait3A_502 = tpu.memref_squeeze %dma_wait3A_501 : memref<1x128x128xf32, #tpu.memory_space<hbm>> -> memref<128x128xf32, #tpu.memory_space<hbm>>
        %dma_wait3A_503 = arith.constant 0 : i32
        %dma_wait3A_504 = tpu.memref_slice %arg6[%dma_wait3A_499, %add3A_498, %dma_wait3A_503] : memref<2x163840x128xf32, #tpu.memory_space<hbm>> -> memref<1x128x128xf32, #tpu.memory_space<hbm>>
        %dma_wait3A_505 = tpu.memref_squeeze %dma_wait3A_504 : memref<1x128x128xf32, #tpu.memory_space<hbm>> -> memref<128x128xf32, #tpu.memory_space<hbm>>
        tpu.wait_dma2 semaphore(%arg17 : memref<!tpu.dma_semaphore, #tpu.memory_space<semaphore_mem>>) src(%arg11 : memref<128x128xf32, #tpu.memory_space<vmem>>) dst(%dma_wait3A_505 : memref<128x128xf32, #tpu.memory_space<hbm>>)
        %dma_start3A_506 = arith.constant 2 : i32
        %dma_start3A_507 = arith.constant 0 : i32
        %dma_start3A_508 = tpu.memref_slice %arg8[%dma_start3A_506, %dma_start3A_507] : memref<3x128xi32, #tpu.memory_space<vmem>> -> memref<1x128xi32, #tpu.memory_space<vmem>>
        %dma_start3A_509 = tpu.memref_squeeze %dma_start3A_508 : memref<1x128xi32, #tpu.memory_space<vmem>> -> memref<128xi32, #tpu.memory_space<vmem>>
        %dma_start3A_510 = arith.constant 0 : i32
        %dma_start3A_511 = arith.constant 0 : i32
        %dma_start3A_512 = tpu.memref_slice %arg7[%dma_start3A_510, %dma_start3A_511] : memref<10112x128xf32, #tpu.memory_space<vmem_shared>> -> memref<10112x128xf32, #tpu.memory_space<vmem_shared>>
        tpu.enqueue_indirect_dma source(%dma_start3A_512 : memref<10112x128xf32, #tpu.memory_space<vmem_shared>>) target(%arg11 : memref<128x128xf32, #tpu.memory_space<vmem>>) offsets(%dma_start3A_509 : memref<128xi32, #tpu.memory_space<vmem>>) semaphore(%arg14 : memref<!tpu.dma_semaphore, #tpu.memory_space<semaphore_mem>>)
        %add3A_513 = arith.constant 2 : i32
        %add3A_514 = arith.addi %add3A_461, %add3A_513 : i32
        %dma_start3A_515 = arith.constant 0 : i32
        %dma_start3A_516 = arith.constant 0 : i32
        %dma_start3A_517 = tpu.memref_slice %arg8[%dma_start3A_515, %dma_start3A_516] : memref<3x128xi32, #tpu.memory_space<vmem>> -> memref<1x128xi32, #tpu.memory_space<vmem>>
        %dma_start3A_518 = tpu.memref_squeeze %dma_start3A_517 : memref<1x128xi32, #tpu.memory_space<vmem>> -> memref<128xi32, #tpu.memory_space<vmem>>
        %dma_start3A_519 = arith.constant 0 : i32
        %dma_start3A_520 = tpu.memref_slice %arg5[%arg1, %add3A_514, %dma_start3A_519] : memref<16x80x128xi32, #tpu.memory_space<hbm>> -> memref<1x1x128xi32, #tpu.memory_space<hbm>>
        %dma_start3A_521 = tpu.memref_squeeze %dma_start3A_520 : memref<1x1x128xi32, #tpu.memory_space<hbm>> -> memref<128xi32, #tpu.memory_space<hbm>>
        %dma_start3A_522 = arith.constant 0 : i32
        %dma_start3A_523 = tpu.memref_slice %arg8[%dma_start3A_515, %dma_start3A_522] : memref<3x128xi32, #tpu.memory_space<vmem>> -> memref<1x128xi32, #tpu.memory_space<vmem>>
        %dma_start3A_524 = tpu.memref_squeeze %dma_start3A_523 : memref<1x128xi32, #tpu.memory_space<vmem>> -> memref<128xi32, #tpu.memory_space<vmem>>
        %dma_start3A_525 = arith.constant 0 : i32
        %dma_start3A_526 = tpu.memref_slice %arg5[%arg1, %add3A_514, %dma_start3A_525] : memref<16x80x128xi32, #tpu.memory_space<hbm>> -> memref<1x1x128xi32, #tpu.memory_space<hbm>>
        %dma_start3A_527 = tpu.memref_squeeze %dma_start3A_526 : memref<1x1x128xi32, #tpu.memory_space<hbm>> -> memref<128xi32, #tpu.memory_space<hbm>>
        tpu.enqueue_dma source(%dma_start3A_527 : memref<128xi32, #tpu.memory_space<hbm>>) target(%dma_start3A_524 : memref<128xi32, #tpu.memory_space<vmem>>) target_semaphore(%arg18 : memref<!tpu.dma_semaphore, #tpu.memory_space<semaphore_mem>>)
      }
      %scan3A_162 = arith.constant 25 : i32
      %dma_wait3A_163 = arith.constant 2 : i32
      %dma_wait3A_164 = arith.constant 0 : i32
      %dma_wait3A_165 = tpu.memref_slice %arg8[%dma_wait3A_163, %dma_wait3A_164] : memref<3x128xi32, #tpu.memory_space<vmem>> -> memref<1x128xi32, #tpu.memory_space<vmem>>
      %dma_wait3A_166 = tpu.memref_squeeze %dma_wait3A_165 : memref<1x128xi32, #tpu.memory_space<vmem>> -> memref<128xi32, #tpu.memory_space<vmem>>
      %dma_wait3A_167 = arith.constant 0 : i32
      %dma_wait3A_168 = arith.constant 0 : i32
      %dma_wait3A_169 = tpu.memref_slice %arg7[%dma_wait3A_167, %dma_wait3A_168] : memref<10112x128xf32, #tpu.memory_space<vmem_shared>> -> memref<10112x128xf32, #tpu.memory_space<vmem_shared>>
      tpu.wait_indirect_dma semaphore(%arg14 : memref<!tpu.dma_semaphore, #tpu.memory_space<semaphore_mem>>) src(%dma_wait3A_169 : memref<10112x128xf32, #tpu.memory_space<vmem_shared>>) dst(%arg11 : memref<128x128xf32, #tpu.memory_space<vmem>>)
      %add3A_170 = arith.constant 9856 : i32
      %add3A_171 = arith.addi %mul3A_0, %add3A_170 : i32
      %dma_start3A_172 = arith.constant 1 : i32
      %dma_start3A_173 = arith.constant 0 : i32
      %dma_start3A_174 = tpu.memref_slice %arg6[%dma_start3A_172, %add3A_171, %dma_start3A_173] : memref<2x163840x128xf32, #tpu.memory_space<hbm>> -> memref<1x128x128xf32, #tpu.memory_space<hbm>>
      %dma_start3A_175 = tpu.memref_squeeze %dma_start3A_174 : memref<1x128x128xf32, #tpu.memory_space<hbm>> -> memref<128x128xf32, #tpu.memory_space<hbm>>
      %dma_start3A_176 = arith.constant 0 : i32
      %dma_start3A_177 = tpu.memref_slice %arg6[%dma_start3A_172, %add3A_171, %dma_start3A_176] : memref<2x163840x128xf32, #tpu.memory_space<hbm>> -> memref<1x128x128xf32, #tpu.memory_space<hbm>>
      %dma_start3A_178 = tpu.memref_squeeze %dma_start3A_177 : memref<1x128x128xf32, #tpu.memory_space<hbm>> -> memref<128x128xf32, #tpu.memory_space<hbm>>
      tpu.enqueue_dma source(%arg11 : memref<128x128xf32, #tpu.memory_space<vmem>>) target(%dma_start3A_178 : memref<128x128xf32, #tpu.memory_space<hbm>>) target_semaphore(%arg17 : memref<!tpu.dma_semaphore, #tpu.memory_space<semaphore_mem>>)
      %dma_wait3A_179 = arith.constant 78 : i32
      %dma_wait3A_180 = arith.constant 0 : i32
      %dma_wait3A_181 = arith.constant 0 : i32
      %dma_wait3A_182 = tpu.memref_slice %arg8[%dma_wait3A_180, %dma_wait3A_181] : memref<3x128xi32, #tpu.memory_space<vmem>> -> memref<1x128xi32, #tpu.memory_space<vmem>>
      %dma_wait3A_183 = tpu.memref_squeeze %dma_wait3A_182 : memref<1x128xi32, #tpu.memory_space<vmem>> -> memref<128xi32, #tpu.memory_space<vmem>>
      %dma_wait3A_184 = arith.constant 0 : i32
      %dma_wait3A_185 = tpu.memref_slice %arg5[%arg1, %dma_wait3A_179, %dma_wait3A_184] : memref<16x80x128xi32, #tpu.memory_space<hbm>> -> memref<1x1x128xi32, #tpu.memory_space<hbm>>
      %dma_wait3A_186 = tpu.memref_squeeze %dma_wait3A_185 : memref<1x1x128xi32, #tpu.memory_space<hbm>> -> memref<128xi32, #tpu.memory_space<hbm>>
      %dma_wait3A_187 = arith.constant 0 : i32
      %dma_wait3A_188 = tpu.memref_slice %arg8[%dma_wait3A_180, %dma_wait3A_187] : memref<3x128xi32, #tpu.memory_space<vmem>> -> memref<1x128xi32, #tpu.memory_space<vmem>>
      %dma_wait3A_189 = tpu.memref_squeeze %dma_wait3A_188 : memref<1x128xi32, #tpu.memory_space<vmem>> -> memref<128xi32, #tpu.memory_space<vmem>>
      %dma_wait3A_190 = arith.constant 0 : i32
      %dma_wait3A_191 = tpu.memref_slice %arg5[%arg1, %dma_wait3A_179, %dma_wait3A_190] : memref<16x80x128xi32, #tpu.memory_space<hbm>> -> memref<1x1x128xi32, #tpu.memory_space<hbm>>
      %dma_wait3A_192 = tpu.memref_squeeze %dma_wait3A_191 : memref<1x1x128xi32, #tpu.memory_space<hbm>> -> memref<128xi32, #tpu.memory_space<hbm>>
      tpu.wait_dma2 semaphore(%arg18 : memref<!tpu.dma_semaphore, #tpu.memory_space<semaphore_mem>>) src(%dma_wait3A_192 : memref<128xi32, #tpu.memory_space<hbm>>) dst(%dma_wait3A_189 : memref<128xi32, #tpu.memory_space<vmem>>)
      %add3A_193 = arith.constant 9600 : i32
      %add3A_194 = arith.addi %mul3A_0, %add3A_193 : i32
      %dma_wait3A_195 = arith.constant 1 : i32
      %dma_wait3A_196 = arith.constant 0 : i32
      %dma_wait3A_197 = tpu.memref_slice %arg6[%dma_wait3A_195, %add3A_194, %dma_wait3A_196] : memref<2x163840x128xf32, #tpu.memory_space<hbm>> -> memref<1x128x128xf32, #tpu.memory_space<hbm>>
      %dma_wait3A_198 = tpu.memref_squeeze %dma_wait3A_197 : memref<1x128x128xf32, #tpu.memory_space<hbm>> -> memref<128x128xf32, #tpu.memory_space<hbm>>
      %dma_wait3A_199 = arith.constant 0 : i32
      %dma_wait3A_200 = tpu.memref_slice %arg6[%dma_wait3A_195, %add3A_194, %dma_wait3A_199] : memref<2x163840x128xf32, #tpu.memory_space<hbm>> -> memref<1x128x128xf32, #tpu.memory_space<hbm>>
      %dma_wait3A_201 = tpu.memref_squeeze %dma_wait3A_200 : memref<1x128x128xf32, #tpu.memory_space<hbm>> -> memref<128x128xf32, #tpu.memory_space<hbm>>
      tpu.wait_dma2 semaphore(%arg15 : memref<!tpu.dma_semaphore, #tpu.memory_space<semaphore_mem>>) src(%arg9 : memref<128x128xf32, #tpu.memory_space<vmem>>) dst(%dma_wait3A_201 : memref<128x128xf32, #tpu.memory_space<hbm>>)
      %dma_start3A_202 = arith.constant 0 : i32
      %dma_start3A_203 = arith.constant 0 : i32
      %dma_start3A_204 = tpu.memref_slice %arg8[%dma_start3A_202, %dma_start3A_203] : memref<3x128xi32, #tpu.memory_space<vmem>> -> memref<1x128xi32, #tpu.memory_space<vmem>>
      %dma_start3A_205 = tpu.memref_squeeze %dma_start3A_204 : memref<1x128xi32, #tpu.memory_space<vmem>> -> memref<128xi32, #tpu.memory_space<vmem>>
      %dma_start3A_206 = arith.constant 0 : i32
      %dma_start3A_207 = arith.constant 0 : i32
      %dma_start3A_208 = tpu.memref_slice %arg7[%dma_start3A_206, %dma_start3A_207] : memref<10112x128xf32, #tpu.memory_space<vmem_shared>> -> memref<10112x128xf32, #tpu.memory_space<vmem_shared>>
      tpu.enqueue_indirect_dma source(%dma_start3A_208 : memref<10112x128xf32, #tpu.memory_space<vmem_shared>>) target(%arg9 : memref<128x128xf32, #tpu.memory_space<vmem>>) offsets(%dma_start3A_205 : memref<128xi32, #tpu.memory_space<vmem>>) semaphore(%arg12 : memref<!tpu.dma_semaphore, #tpu.memory_space<semaphore_mem>>)
      %dma_start3A_209 = arith.constant 79 : i32
      %dma_start3A_210 = arith.constant 1 : i32
      %dma_start3A_211 = arith.constant 0 : i32
      %dma_start3A_212 = tpu.memref_slice %arg8[%dma_start3A_210, %dma_start3A_211] : memref<3x128xi32, #tpu.memory_space<vmem>> -> memref<1x128xi32, #tpu.memory_space<vmem>>
      %dma_start3A_213 = tpu.memref_squeeze %dma_start3A_212 : memref<1x128xi32, #tpu.memory_space<vmem>> -> memref<128xi32, #tpu.memory_space<vmem>>
      %dma_start3A_214 = arith.constant 0 : i32
      %dma_start3A_215 = tpu.memref_slice %arg5[%arg1, %dma_start3A_209, %dma_start3A_214] : memref<16x80x128xi32, #tpu.memory_space<hbm>> -> memref<1x1x128xi32, #tpu.memory_space<hbm>>
      %dma_start3A_216 = tpu.memref_squeeze %dma_start3A_215 : memref<1x1x128xi32, #tpu.memory_space<hbm>> -> memref<128xi32, #tpu.memory_space<hbm>>
      %dma_start3A_217 = arith.constant 0 : i32
      %dma_start3A_218 = tpu.memref_slice %arg8[%dma_start3A_210, %dma_start3A_217] : memref<3x128xi32, #tpu.memory_space<vmem>> -> memref<1x128xi32, #tpu.memory_space<vmem>>
      %dma_start3A_219 = tpu.memref_squeeze %dma_start3A_218 : memref<1x128xi32, #tpu.memory_space<vmem>> -> memref<128xi32, #tpu.memory_space<vmem>>
      %dma_start3A_220 = arith.constant 0 : i32
      %dma_start3A_221 = tpu.memref_slice %arg5[%arg1, %dma_start3A_209, %dma_start3A_220] : memref<16x80x128xi32, #tpu.memory_space<hbm>> -> memref<1x1x128xi32, #tpu.memory_space<hbm>>
      %dma_start3A_222 = tpu.memref_squeeze %dma_start3A_221 : memref<1x1x128xi32, #tpu.memory_space<hbm>> -> memref<128xi32, #tpu.memory_space<hbm>>
      tpu.enqueue_dma source(%dma_start3A_222 : memref<128xi32, #tpu.memory_space<hbm>>) target(%dma_start3A_219 : memref<128xi32, #tpu.memory_space<vmem>>) target_semaphore(%arg19 : memref<!tpu.dma_semaphore, #tpu.memory_space<semaphore_mem>>)
      %dma_wait3A_223 = arith.constant 0 : i32
      %dma_wait3A_224 = arith.constant 0 : i32
      %dma_wait3A_225 = tpu.memref_slice %arg8[%dma_wait3A_223, %dma_wait3A_224] : memref<3x128xi32, #tpu.memory_space<vmem>> -> memref<1x128xi32, #tpu.memory_space<vmem>>
      %dma_wait3A_226 = tpu.memref_squeeze %dma_wait3A_225 : memref<1x128xi32, #tpu.memory_space<vmem>> -> memref<128xi32, #tpu.memory_space<vmem>>
      %dma_wait3A_227 = arith.constant 0 : i32
      %dma_wait3A_228 = arith.constant 0 : i32
      %dma_wait3A_229 = tpu.memref_slice %arg7[%dma_wait3A_227, %dma_wait3A_228] : memref<10112x128xf32, #tpu.memory_space<vmem_shared>> -> memref<10112x128xf32, #tpu.memory_space<vmem_shared>>
      tpu.wait_indirect_dma semaphore(%arg12 : memref<!tpu.dma_semaphore, #tpu.memory_space<semaphore_mem>>) src(%dma_wait3A_229 : memref<10112x128xf32, #tpu.memory_space<vmem_shared>>) dst(%arg9 : memref<128x128xf32, #tpu.memory_space<vmem>>)
      %add3A_230 = arith.constant 9984 : i32
      %add3A_231 = arith.addi %mul3A_0, %add3A_230 : i32
      %dma_start3A_232 = arith.constant 1 : i32
      %dma_start3A_233 = arith.constant 0 : i32
      %dma_start3A_234 = tpu.memref_slice %arg6[%dma_start3A_232, %add3A_231, %dma_start3A_233] : memref<2x163840x128xf32, #tpu.memory_space<hbm>> -> memref<1x128x128xf32, #tpu.memory_space<hbm>>
      %dma_start3A_235 = tpu.memref_squeeze %dma_start3A_234 : memref<1x128x128xf32, #tpu.memory_space<hbm>> -> memref<128x128xf32, #tpu.memory_space<hbm>>
      %dma_start3A_236 = arith.constant 0 : i32
      %dma_start3A_237 = tpu.memref_slice %arg6[%dma_start3A_232, %add3A_231, %dma_start3A_236] : memref<2x163840x128xf32, #tpu.memory_space<hbm>> -> memref<1x128x128xf32, #tpu.memory_space<hbm>>
      %dma_start3A_238 = tpu.memref_squeeze %dma_start3A_237 : memref<1x128x128xf32, #tpu.memory_space<hbm>> -> memref<128x128xf32, #tpu.memory_space<hbm>>
      tpu.enqueue_dma source(%arg9 : memref<128x128xf32, #tpu.memory_space<vmem>>) target(%dma_start3A_238 : memref<128x128xf32, #tpu.memory_space<hbm>>) target_semaphore(%arg15 : memref<!tpu.dma_semaphore, #tpu.memory_space<semaphore_mem>>)
      %dma_wait3A_239 = arith.constant 79 : i32
      %dma_wait3A_240 = arith.constant 1 : i32
      %dma_wait3A_241 = arith.constant 0 : i32
      %dma_wait3A_242 = tpu.memref_slice %arg8[%dma_wait3A_240, %dma_wait3A_241] : memref<3x128xi32, #tpu.memory_space<vmem>> -> memref<1x128xi32, #tpu.memory_space<vmem>>
      %dma_wait3A_243 = tpu.memref_squeeze %dma_wait3A_242 : memref<1x128xi32, #tpu.memory_space<vmem>> -> memref<128xi32, #tpu.memory_space<vmem>>
      %dma_wait3A_244 = arith.constant 0 : i32
      %dma_wait3A_245 = tpu.memref_slice %arg5[%arg1, %dma_wait3A_239, %dma_wait3A_244] : memref<16x80x128xi32, #tpu.memory_space<hbm>> -> memref<1x1x128xi32, #tpu.memory_space<hbm>>
      %dma_wait3A_246 = tpu.memref_squeeze %dma_wait3A_245 : memref<1x1x128xi32, #tpu.memory_space<hbm>> -> memref<128xi32, #tpu.memory_space<hbm>>
      %dma_wait3A_247 = arith.constant 0 : i32
      %dma_wait3A_248 = tpu.memref_slice %arg8[%dma_wait3A_240, %dma_wait3A_247] : memref<3x128xi32, #tpu.memory_space<vmem>> -> memref<1x128xi32, #tpu.memory_space<vmem>>
      %dma_wait3A_249 = tpu.memref_squeeze %dma_wait3A_248 : memref<1x128xi32, #tpu.memory_space<vmem>> -> memref<128xi32, #tpu.memory_space<vmem>>
      %dma_wait3A_250 = arith.constant 0 : i32
      %dma_wait3A_251 = tpu.memref_slice %arg5[%arg1, %dma_wait3A_239, %dma_wait3A_250] : memref<16x80x128xi32, #tpu.memory_space<hbm>> -> memref<1x1x128xi32, #tpu.memory_space<hbm>>
      %dma_wait3A_252 = tpu.memref_squeeze %dma_wait3A_251 : memref<1x1x128xi32, #tpu.memory_space<hbm>> -> memref<128xi32, #tpu.memory_space<hbm>>
      tpu.wait_dma2 semaphore(%arg19 : memref<!tpu.dma_semaphore, #tpu.memory_space<semaphore_mem>>) src(%dma_wait3A_252 : memref<128xi32, #tpu.memory_space<hbm>>) dst(%dma_wait3A_249 : memref<128xi32, #tpu.memory_space<vmem>>)
      %add3A_253 = arith.constant 9728 : i32
      %add3A_254 = arith.addi %mul3A_0, %add3A_253 : i32
      %dma_wait3A_255 = arith.constant 1 : i32
      %dma_wait3A_256 = arith.constant 0 : i32
      %dma_wait3A_257 = tpu.memref_slice %arg6[%dma_wait3A_255, %add3A_254, %dma_wait3A_256] : memref<2x163840x128xf32, #tpu.memory_space<hbm>> -> memref<1x128x128xf32, #tpu.memory_space<hbm>>
      %dma_wait3A_258 = tpu.memref_squeeze %dma_wait3A_257 : memref<1x128x128xf32, #tpu.memory_space<hbm>> -> memref<128x128xf32, #tpu.memory_space<hbm>>
      %dma_wait3A_259 = arith.constant 0 : i32
      %dma_wait3A_260 = tpu.memref_slice %arg6[%dma_wait3A_255, %add3A_254, %dma_wait3A_259] : memref<2x163840x128xf32, #tpu.memory_space<hbm>> -> memref<1x128x128xf32, #tpu.memory_space<hbm>>
      %dma_wait3A_261 = tpu.memref_squeeze %dma_wait3A_260 : memref<1x128x128xf32, #tpu.memory_space<hbm>> -> memref<128x128xf32, #tpu.memory_space<hbm>>
      tpu.wait_dma2 semaphore(%arg16 : memref<!tpu.dma_semaphore, #tpu.memory_space<semaphore_mem>>) src(%arg10 : memref<128x128xf32, #tpu.memory_space<vmem>>) dst(%dma_wait3A_261 : memref<128x128xf32, #tpu.memory_space<hbm>>)
      %dma_start3A_262 = arith.constant 1 : i32
      %dma_start3A_263 = arith.constant 0 : i32
      %dma_start3A_264 = tpu.memref_slice %arg8[%dma_start3A_262, %dma_start3A_263] : memref<3x128xi32, #tpu.memory_space<vmem>> -> memref<1x128xi32, #tpu.memory_space<vmem>>
      %dma_start3A_265 = tpu.memref_squeeze %dma_start3A_264 : memref<1x128xi32, #tpu.memory_space<vmem>> -> memref<128xi32, #tpu.memory_space<vmem>>
      %dma_start3A_266 = arith.constant 0 : i32
      %dma_start3A_267 = arith.constant 0 : i32
      %dma_start3A_268 = tpu.memref_slice %arg7[%dma_start3A_266, %dma_start3A_267] : memref<10112x128xf32, #tpu.memory_space<vmem_shared>> -> memref<10112x128xf32, #tpu.memory_space<vmem_shared>>
      tpu.enqueue_indirect_dma source(%dma_start3A_268 : memref<10112x128xf32, #tpu.memory_space<vmem_shared>>) target(%arg10 : memref<128x128xf32, #tpu.memory_space<vmem>>) offsets(%dma_start3A_265 : memref<128xi32, #tpu.memory_space<vmem>>) semaphore(%arg13 : memref<!tpu.dma_semaphore, #tpu.memory_space<semaphore_mem>>)
      %dma_wait3A_269 = arith.constant 1 : i32
      %dma_wait3A_270 = arith.constant 0 : i32
      %dma_wait3A_271 = tpu.memref_slice %arg8[%dma_wait3A_269, %dma_wait3A_270] : memref<3x128xi32, #tpu.memory_space<vmem>> -> memref<1x128xi32, #tpu.memory_space<vmem>>
      %dma_wait3A_272 = tpu.memref_squeeze %dma_wait3A_271 : memref<1x128xi32, #tpu.memory_space<vmem>> -> memref<128xi32, #tpu.memory_space<vmem>>
      %dma_wait3A_273 = arith.constant 0 : i32
      %dma_wait3A_274 = arith.constant 0 : i32
      %dma_wait3A_275 = tpu.memref_slice %arg7[%dma_wait3A_273, %dma_wait3A_274] : memref<10112x128xf32, #tpu.memory_space<vmem_shared>> -> memref<10112x128xf32, #tpu.memory_space<vmem_shared>>
      tpu.wait_indirect_dma semaphore(%arg13 : memref<!tpu.dma_semaphore, #tpu.memory_space<semaphore_mem>>) src(%dma_wait3A_275 : memref<10112x128xf32, #tpu.memory_space<vmem_shared>>) dst(%arg10 : memref<128x128xf32, #tpu.memory_space<vmem>>)
      %add3A_276 = arith.constant 10112 : i32
      %add3A_277 = arith.addi %mul3A_0, %add3A_276 : i32
      %dma_start3A_278 = arith.constant 1 : i32
      %dma_start3A_279 = arith.constant 0 : i32
      %dma_start3A_280 = tpu.memref_slice %arg6[%dma_start3A_278, %add3A_277, %dma_start3A_279] : memref<2x163840x128xf32, #tpu.memory_space<hbm>> -> memref<1x128x128xf32, #tpu.memory_space<hbm>>
      %dma_start3A_281 = tpu.memref_squeeze %dma_start3A_280 : memref<1x128x128xf32, #tpu.memory_space<hbm>> -> memref<128x128xf32, #tpu.memory_space<hbm>>
      %dma_start3A_282 = arith.constant 0 : i32
      %dma_start3A_283 = tpu.memref_slice %arg6[%dma_start3A_278, %add3A_277, %dma_start3A_282] : memref<2x163840x128xf32, #tpu.memory_space<hbm>> -> memref<1x128x128xf32, #tpu.memory_space<hbm>>
      %dma_start3A_284 = tpu.memref_squeeze %dma_start3A_283 : memref<1x128x128xf32, #tpu.memory_space<hbm>> -> memref<128x128xf32, #tpu.memory_space<hbm>>
      tpu.enqueue_dma source(%arg10 : memref<128x128xf32, #tpu.memory_space<vmem>>) target(%dma_start3A_284 : memref<128x128xf32, #tpu.memory_space<hbm>>) target_semaphore(%arg16 : memref<!tpu.dma_semaphore, #tpu.memory_space<semaphore_mem>>)
      %add3A_285 = arith.constant 9856 : i32
      %add3A_286 = arith.addi %mul3A_0, %add3A_285 : i32
      %dma_wait3A_287 = arith.constant 1 : i32
      %dma_wait3A_288 = arith.constant 0 : i32
      %dma_wait3A_289 = tpu.memref_slice %arg6[%dma_wait3A_287, %add3A_286, %dma_wait3A_288] : memref<2x163840x128xf32, #tpu.memory_space<hbm>> -> memref<1x128x128xf32, #tpu.memory_space<hbm>>
      %dma_wait3A_290 = tpu.memref_squeeze %dma_wait3A_289 : memref<1x128x128xf32, #tpu.memory_space<hbm>> -> memref<128x128xf32, #tpu.memory_space<hbm>>
      %dma_wait3A_291 = arith.constant 0 : i32
      %dma_wait3A_292 = tpu.memref_slice %arg6[%dma_wait3A_287, %add3A_286, %dma_wait3A_291] : memref<2x163840x128xf32, #tpu.memory_space<hbm>> -> memref<1x128x128xf32, #tpu.memory_space<hbm>>
      %dma_wait3A_293 = tpu.memref_squeeze %dma_wait3A_292 : memref<1x128x128xf32, #tpu.memory_space<hbm>> -> memref<128x128xf32, #tpu.memory_space<hbm>>
      tpu.wait_dma2 semaphore(%arg17 : memref<!tpu.dma_semaphore, #tpu.memory_space<semaphore_mem>>) src(%arg11 : memref<128x128xf32, #tpu.memory_space<vmem>>) dst(%dma_wait3A_293 : memref<128x128xf32, #tpu.memory_space<hbm>>)
      %add3A_294 = arith.constant 9984 : i32
      %add3A_295 = arith.addi %mul3A_0, %add3A_294 : i32
      %dma_wait3A_296 = arith.constant 1 : i32
      %dma_wait3A_297 = arith.constant 0 : i32
      %dma_wait3A_298 = tpu.memref_slice %arg6[%dma_wait3A_296, %add3A_295, %dma_wait3A_297] : memref<2x163840x128xf32, #tpu.memory_space<hbm>> -> memref<1x128x128xf32, #tpu.memory_space<hbm>>
      %dma_wait3A_299 = tpu.memref_squeeze %dma_wait3A_298 : memref<1x128x128xf32, #tpu.memory_space<hbm>> -> memref<128x128xf32, #tpu.memory_space<hbm>>
      %dma_wait3A_300 = arith.constant 0 : i32
      %dma_wait3A_301 = tpu.memref_slice %arg6[%dma_wait3A_296, %add3A_295, %dma_wait3A_300] : memref<2x163840x128xf32, #tpu.memory_space<hbm>> -> memref<1x128x128xf32, #tpu.memory_space<hbm>>
      %dma_wait3A_302 = tpu.memref_squeeze %dma_wait3A_301 : memref<1x128x128xf32, #tpu.memory_space<hbm>> -> memref<128x128xf32, #tpu.memory_space<hbm>>
      tpu.wait_dma2 semaphore(%arg15 : memref<!tpu.dma_semaphore, #tpu.memory_space<semaphore_mem>>) src(%arg9 : memref<128x128xf32, #tpu.memory_space<vmem>>) dst(%dma_wait3A_302 : memref<128x128xf32, #tpu.memory_space<hbm>>)
      %add3A_303 = arith.constant 10112 : i32
      %add3A_304 = arith.addi %mul3A_0, %add3A_303 : i32
      %dma_wait3A_305 = arith.constant 1 : i32
      %dma_wait3A_306 = arith.constant 0 : i32
      %dma_wait3A_307 = tpu.memref_slice %arg6[%dma_wait3A_305, %add3A_304, %dma_wait3A_306] : memref<2x163840x128xf32, #tpu.memory_space<hbm>> -> memref<1x128x128xf32, #tpu.memory_space<hbm>>
      %dma_wait3A_308 = tpu.memref_squeeze %dma_wait3A_307 : memref<1x128x128xf32, #tpu.memory_space<hbm>> -> memref<128x128xf32, #tpu.memory_space<hbm>>
      %dma_wait3A_309 = arith.constant 0 : i32
      %dma_wait3A_310 = tpu.memref_slice %arg6[%dma_wait3A_305, %add3A_304, %dma_wait3A_309] : memref<2x163840x128xf32, #tpu.memory_space<hbm>> -> memref<1x128x128xf32, #tpu.memory_space<hbm>>
      %dma_wait3A_311 = tpu.memref_squeeze %dma_wait3A_310 : memref<1x128x128xf32, #tpu.memory_space<hbm>> -> memref<128x128xf32, #tpu.memory_space<hbm>>
      tpu.wait_dma2 semaphore(%arg16 : memref<!tpu.dma_semaphore, #tpu.memory_space<semaphore_mem>>) src(%arg10 : memref<128x128xf32, #tpu.memory_space<vmem>>) dst(%dma_wait3A_311 : memref<128x128xf32, #tpu.memory_space<hbm>>)
    } else {
    }
    return
  }
}

#map = affine_map<(d0, d1) -> (0, 0)>
#map1 = affine_map<(d0, d1) -> (0, 0, 0)>
module attributes {stable_mosaic.version = 14 : i64} {
  func.func @_scatter_body(%arg0: i32, %arg1: i32, %arg2: memref<163840x128xf32, #tpu.memory_space<hbm>>, %arg3: memref<32x40x128xi32, #tpu.memory_space<hbm>>, %arg4: memref<2x10240x128xf32, #tpu.memory_space<hbm>>, %arg5: memref<40x128xi32, #tpu.memory_space<vmem>>, %arg6: memref<128x128xf32, #tpu.memory_space<vmem>>, %arg7: memref<128x128xf32, #tpu.memory_space<vmem>>, %arg8: memref<10240x128xf32, #tpu.memory_space<vmem_shared>>, %arg9: memref<!tpu.dma_semaphore, #tpu.memory_space<semaphore_mem>>, %arg10: memref<!tpu.dma_semaphore, #tpu.memory_space<semaphore_mem>>, %arg11: memref<!tpu.dma_semaphore, #tpu.memory_space<semaphore_mem>>, %arg12: memref<!tpu.dma_semaphore, #tpu.memory_space<semaphore_mem>>) attributes {dimension_semantics = [#tpu.dimension_semantics<core_parallel>, #tpu.dimension_semantics<subcore_parallel>], iteration_bounds = array<i64: 2, 16>, scalar_prefetch = 0 : i64, scratch_operands = 8 : i64, tpu.core_type = #tpu.core_type<sc_vector_subcore>, window_params = [{transform_indices = #map}, {transform_indices = #map1}, {transform_indices = #map1}]} {
    %mul3A = arith.constant 2 : i32
    %mul3A_0 = arith.muli %arg1, %mul3A : i32
    %add3A = arith.addi %mul3A_0, %arg0 : i32
    %mul3A_1 = arith.constant 5120 : i32
    %mul3A_2 = arith.muli %add3A, %mul3A_1 : i32
    %scan3A = arith.constant 0 : i32
    %scan3A_3 = arith.constant 0 : i32
    %scan3A_4 = arith.constant 128 : i32
    %scan3A_5 = arith.addi %scan3A_3, %scan3A_4 : i32
    %scan3A_6 = arith.constant 1 : i32
    scf.for %scan3A_89 = %scan3A_3 to %scan3A_5 step %scan3A_6  : i32 {
      %broadcast_in_dim3A = arith.constant 0.000000e+00 : f32
      %broadcast_in_dim3A_90 = vector.broadcast %broadcast_in_dim3A : f32 to vector<16xf32>
      %swap3A = arith.index_cast %scan3A_89 : i32 to index
      %swap3A_91 = arith.constant 0 : index
      %swap3A_92 = tpu.vector_load %arg6[%swap3A, %swap3A_91] {strides = array<i32>} : memref<128x128xf32, #tpu.memory_space<vmem>>, vector<1x16xf32>,
      %swap3A_93 = vector.shape_cast %swap3A_92 : vector<1x16xf32> to vector<16xf32>
      %swap3A_94 = vector.shape_cast %broadcast_in_dim3A_90 : vector<16xf32> to vector<1x16xf32>
      tpu.vector_store %arg6[%swap3A, %swap3A_91], %swap3A_94 {strides = array<i32>} : memref<128x128xf32, #tpu.memory_space<vmem>>, vector<1x16xf32>,
      %broadcast_in_dim3A_95 = arith.constant 0.000000e+00 : f32
      %broadcast_in_dim3A_96 = vector.broadcast %broadcast_in_dim3A_95 : f32 to vector<16xf32>
      %swap3A_97 = arith.index_cast %scan3A_89 : i32 to index
      %swap3A_98 = arith.constant 16 : index
      %swap3A_99 = tpu.vector_load %arg6[%swap3A_97, %swap3A_98] {strides = array<i32>} : memref<128x128xf32, #tpu.memory_space<vmem>>, vector<1x16xf32>,
      %swap3A_100 = vector.shape_cast %swap3A_99 : vector<1x16xf32> to vector<16xf32>
      %swap3A_101 = vector.shape_cast %broadcast_in_dim3A_96 : vector<16xf32> to vector<1x16xf32>
      tpu.vector_store %arg6[%swap3A_97, %swap3A_98], %swap3A_101 {strides = array<i32>} : memref<128x128xf32, #tpu.memory_space<vmem>>, vector<1x16xf32>,
      %broadcast_in_dim3A_102 = arith.constant 0.000000e+00 : f32
      %broadcast_in_dim3A_103 = vector.broadcast %broadcast_in_dim3A_102 : f32 to vector<16xf32>
      %swap3A_104 = arith.index_cast %scan3A_89 : i32 to index
      %swap3A_105 = arith.constant 32 : index
      %swap3A_106 = tpu.vector_load %arg6[%swap3A_104, %swap3A_105] {strides = array<i32>} : memref<128x128xf32, #tpu.memory_space<vmem>>, vector<1x16xf32>,
      %swap3A_107 = vector.shape_cast %swap3A_106 : vector<1x16xf32> to vector<16xf32>
      %swap3A_108 = vector.shape_cast %broadcast_in_dim3A_103 : vector<16xf32> to vector<1x16xf32>
      tpu.vector_store %arg6[%swap3A_104, %swap3A_105], %swap3A_108 {strides = array<i32>} : memref<128x128xf32, #tpu.memory_space<vmem>>, vector<1x16xf32>,
      %broadcast_in_dim3A_109 = arith.constant 0.000000e+00 : f32
      %broadcast_in_dim3A_110 = vector.broadcast %broadcast_in_dim3A_109 : f32 to vector<16xf32>
      %swap3A_111 = arith.index_cast %scan3A_89 : i32 to index
      %swap3A_112 = arith.constant 48 : index
      %swap3A_113 = tpu.vector_load %arg6[%swap3A_111, %swap3A_112] {strides = array<i32>} : memref<128x128xf32, #tpu.memory_space<vmem>>, vector<1x16xf32>,
      %swap3A_114 = vector.shape_cast %swap3A_113 : vector<1x16xf32> to vector<16xf32>
      %swap3A_115 = vector.shape_cast %broadcast_in_dim3A_110 : vector<16xf32> to vector<1x16xf32>
      tpu.vector_store %arg6[%swap3A_111, %swap3A_112], %swap3A_115 {strides = array<i32>} : memref<128x128xf32, #tpu.memory_space<vmem>>, vector<1x16xf32>,
      %broadcast_in_dim3A_116 = arith.constant 0.000000e+00 : f32
      %broadcast_in_dim3A_117 = vector.broadcast %broadcast_in_dim3A_116 : f32 to vector<16xf32>
      %swap3A_118 = arith.index_cast %scan3A_89 : i32 to index
      %swap3A_119 = arith.constant 64 : index
      %swap3A_120 = tpu.vector_load %arg6[%swap3A_118, %swap3A_119] {strides = array<i32>} : memref<128x128xf32, #tpu.memory_space<vmem>>, vector<1x16xf32>,
      %swap3A_121 = vector.shape_cast %swap3A_120 : vector<1x16xf32> to vector<16xf32>
      %swap3A_122 = vector.shape_cast %broadcast_in_dim3A_117 : vector<16xf32> to vector<1x16xf32>
      tpu.vector_store %arg6[%swap3A_118, %swap3A_119], %swap3A_122 {strides = array<i32>} : memref<128x128xf32, #tpu.memory_space<vmem>>, vector<1x16xf32>,
      %broadcast_in_dim3A_123 = arith.constant 0.000000e+00 : f32
      %broadcast_in_dim3A_124 = vector.broadcast %broadcast_in_dim3A_123 : f32 to vector<16xf32>
      %swap3A_125 = arith.index_cast %scan3A_89 : i32 to index
      %swap3A_126 = arith.constant 80 : index
      %swap3A_127 = tpu.vector_load %arg6[%swap3A_125, %swap3A_126] {strides = array<i32>} : memref<128x128xf32, #tpu.memory_space<vmem>>, vector<1x16xf32>,
      %swap3A_128 = vector.shape_cast %swap3A_127 : vector<1x16xf32> to vector<16xf32>
      %swap3A_129 = vector.shape_cast %broadcast_in_dim3A_124 : vector<16xf32> to vector<1x16xf32>
      tpu.vector_store %arg6[%swap3A_125, %swap3A_126], %swap3A_129 {strides = array<i32>} : memref<128x128xf32, #tpu.memory_space<vmem>>, vector<1x16xf32>,
      %broadcast_in_dim3A_130 = arith.constant 0.000000e+00 : f32
      %broadcast_in_dim3A_131 = vector.broadcast %broadcast_in_dim3A_130 : f32 to vector<16xf32>
      %swap3A_132 = arith.index_cast %scan3A_89 : i32 to index
      %swap3A_133 = arith.constant 96 : index
      %swap3A_134 = tpu.vector_load %arg6[%swap3A_132, %swap3A_133] {strides = array<i32>} : memref<128x128xf32, #tpu.memory_space<vmem>>, vector<1x16xf32>,
      %swap3A_135 = vector.shape_cast %swap3A_134 : vector<1x16xf32> to vector<16xf32>
      %swap3A_136 = vector.shape_cast %broadcast_in_dim3A_131 : vector<16xf32> to vector<1x16xf32>
      tpu.vector_store %arg6[%swap3A_132, %swap3A_133], %swap3A_136 {strides = array<i32>} : memref<128x128xf32, #tpu.memory_space<vmem>>, vector<1x16xf32>,
      %broadcast_in_dim3A_137 = arith.constant 0.000000e+00 : f32
      %broadcast_in_dim3A_138 = vector.broadcast %broadcast_in_dim3A_137 : f32 to vector<16xf32>
      %swap3A_139 = arith.index_cast %scan3A_89 : i32 to index
      %swap3A_140 = arith.constant 112 : index
      %swap3A_141 = tpu.vector_load %arg6[%swap3A_139, %swap3A_140] {strides = array<i32>} : memref<128x128xf32, #tpu.memory_space<vmem>>, vector<1x16xf32>,
      %swap3A_142 = vector.shape_cast %swap3A_141 : vector<1x16xf32> to vector<16xf32>
      %swap3A_143 = vector.shape_cast %broadcast_in_dim3A_138 : vector<16xf32> to vector<1x16xf32>
      tpu.vector_store %arg6[%swap3A_139, %swap3A_140], %swap3A_143 {strides = array<i32>} : memref<128x128xf32, #tpu.memory_space<vmem>>, vector<1x16xf32>,
    }
    %scan3A_7 = arith.constant 128 : i32
    %mul3A_8 = arith.constant 640 : i32
    %mul3A_9 = arith.muli %arg1, %mul3A_8 : i32
    %add3A_10 = arith.constant 0 : i32
    %add3A_11 = arith.addi %mul3A_9, %add3A_10 : i32
    "tpu.region"() ({
      %run_scoped3A = tpu.sem_alloc : memref<!tpu.dma_semaphore, #tpu.memory_space<semaphore_mem>>
      %dma_start3A_89 = arith.constant 0 : i32
      %dma_start3A_90 = tpu.memref_slice %arg8[%add3A_11, %dma_start3A_89] : memref<10240x128xf32, #tpu.memory_space<vmem_shared>> -> memref<128x128xf32, #tpu.memory_space<vmem_shared>>
      %dma_start3A_91 = arith.constant 0 : i32
      %dma_start3A_92 = tpu.memref_slice %arg8[%add3A_11, %dma_start3A_91] : memref<10240x128xf32, #tpu.memory_space<vmem_shared>> -> memref<128x128xf32, #tpu.memory_space<vmem_shared>>
      tpu.enqueue_dma source(%arg6 : memref<128x128xf32, #tpu.memory_space<vmem>>) target(%dma_start3A_92 : memref<128x128xf32, #tpu.memory_space<vmem_shared>>) target_semaphore(%run_scoped3A : memref<!tpu.dma_semaphore, #tpu.memory_space<semaphore_mem>>)
      %dma_wait3A_93 = arith.constant 0 : i32
      %dma_wait3A_94 = tpu.memref_slice %arg8[%add3A_11, %dma_wait3A_93] : memref<10240x128xf32, #tpu.memory_space<vmem_shared>> -> memref<128x128xf32, #tpu.memory_space<vmem_shared>>
      %dma_wait3A_95 = arith.constant 0 : i32
      %dma_wait3A_96 = tpu.memref_slice %arg8[%add3A_11, %dma_wait3A_95] : memref<10240x128xf32, #tpu.memory_space<vmem_shared>> -> memref<128x128xf32, #tpu.memory_space<vmem_shared>>
      tpu.wait_dma2 semaphore(%run_scoped3A : memref<!tpu.dma_semaphore, #tpu.memory_space<semaphore_mem>>) src(%arg6 : memref<128x128xf32, #tpu.memory_space<vmem>>) dst(%dma_wait3A_96 : memref<128x128xf32, #tpu.memory_space<vmem_shared>>)
      tpu.yield
    }) : () -> ()
    %mul3A_12 = arith.constant 640 : i32
    %mul3A_13 = arith.muli %arg1, %mul3A_12 : i32
    %add3A_14 = arith.constant 128 : i32
    %add3A_15 = arith.addi %mul3A_13, %add3A_14 : i32
    "tpu.region"() ({
      %run_scoped3A = tpu.sem_alloc : memref<!tpu.dma_semaphore, #tpu.memory_space<semaphore_mem>>
      %dma_start3A_89 = arith.constant 0 : i32
      %dma_start3A_90 = tpu.memref_slice %arg8[%add3A_15, %dma_start3A_89] : memref<10240x128xf32, #tpu.memory_space<vmem_shared>> -> memref<128x128xf32, #tpu.memory_space<vmem_shared>>
      %dma_start3A_91 = arith.constant 0 : i32
      %dma_start3A_92 = tpu.memref_slice %arg8[%add3A_15, %dma_start3A_91] : memref<10240x128xf32, #tpu.memory_space<vmem_shared>> -> memref<128x128xf32, #tpu.memory_space<vmem_shared>>
      tpu.enqueue_dma source(%arg6 : memref<128x128xf32, #tpu.memory_space<vmem>>) target(%dma_start3A_92 : memref<128x128xf32, #tpu.memory_space<vmem_shared>>) target_semaphore(%run_scoped3A : memref<!tpu.dma_semaphore, #tpu.memory_space<semaphore_mem>>)
      %dma_wait3A_93 = arith.constant 0 : i32
      %dma_wait3A_94 = tpu.memref_slice %arg8[%add3A_15, %dma_wait3A_93] : memref<10240x128xf32, #tpu.memory_space<vmem_shared>> -> memref<128x128xf32, #tpu.memory_space<vmem_shared>>
      %dma_wait3A_95 = arith.constant 0 : i32
      %dma_wait3A_96 = tpu.memref_slice %arg8[%add3A_15, %dma_wait3A_95] : memref<10240x128xf32, #tpu.memory_space<vmem_shared>> -> memref<128x128xf32, #tpu.memory_space<vmem_shared>>
      tpu.wait_dma2 semaphore(%run_scoped3A : memref<!tpu.dma_semaphore, #tpu.memory_space<semaphore_mem>>) src(%arg6 : memref<128x128xf32, #tpu.memory_space<vmem>>) dst(%dma_wait3A_96 : memref<128x128xf32, #tpu.memory_space<vmem_shared>>)
      tpu.yield
    }) : () -> ()
    %mul3A_16 = arith.constant 640 : i32
    %mul3A_17 = arith.muli %arg1, %mul3A_16 : i32
    %add3A_18 = arith.constant 256 : i32
    %add3A_19 = arith.addi %mul3A_17, %add3A_18 : i32
    "tpu.region"() ({
      %run_scoped3A = tpu.sem_alloc : memref<!tpu.dma_semaphore, #tpu.memory_space<semaphore_mem>>
      %dma_start3A_89 = arith.constant 0 : i32
      %dma_start3A_90 = tpu.memref_slice %arg8[%add3A_19, %dma_start3A_89] : memref<10240x128xf32, #tpu.memory_space<vmem_shared>> -> memref<128x128xf32, #tpu.memory_space<vmem_shared>>
      %dma_start3A_91 = arith.constant 0 : i32
      %dma_start3A_92 = tpu.memref_slice %arg8[%add3A_19, %dma_start3A_91] : memref<10240x128xf32, #tpu.memory_space<vmem_shared>> -> memref<128x128xf32, #tpu.memory_space<vmem_shared>>
      tpu.enqueue_dma source(%arg6 : memref<128x128xf32, #tpu.memory_space<vmem>>) target(%dma_start3A_92 : memref<128x128xf32, #tpu.memory_space<vmem_shared>>) target_semaphore(%run_scoped3A : memref<!tpu.dma_semaphore, #tpu.memory_space<semaphore_mem>>)
      %dma_wait3A_93 = arith.constant 0 : i32
      %dma_wait3A_94 = tpu.memref_slice %arg8[%add3A_19, %dma_wait3A_93] : memref<10240x128xf32, #tpu.memory_space<vmem_shared>> -> memref<128x128xf32, #tpu.memory_space<vmem_shared>>
      %dma_wait3A_95 = arith.constant 0 : i32
      %dma_wait3A_96 = tpu.memref_slice %arg8[%add3A_19, %dma_wait3A_95] : memref<10240x128xf32, #tpu.memory_space<vmem_shared>> -> memref<128x128xf32, #tpu.memory_space<vmem_shared>>
      tpu.wait_dma2 semaphore(%run_scoped3A : memref<!tpu.dma_semaphore, #tpu.memory_space<semaphore_mem>>) src(%arg6 : memref<128x128xf32, #tpu.memory_space<vmem>>) dst(%dma_wait3A_96 : memref<128x128xf32, #tpu.memory_space<vmem_shared>>)
      tpu.yield
    }) : () -> ()
    %mul3A_20 = arith.constant 640 : i32
    %mul3A_21 = arith.muli %arg1, %mul3A_20 : i32
    %add3A_22 = arith.constant 384 : i32
    %add3A_23 = arith.addi %mul3A_21, %add3A_22 : i32
    "tpu.region"() ({
      %run_scoped3A = tpu.sem_alloc : memref<!tpu.dma_semaphore, #tpu.memory_space<semaphore_mem>>
      %dma_start3A_89 = arith.constant 0 : i32
      %dma_start3A_90 = tpu.memref_slice %arg8[%add3A_23, %dma_start3A_89] : memref<10240x128xf32, #tpu.memory_space<vmem_shared>> -> memref<128x128xf32, #tpu.memory_space<vmem_shared>>
      %dma_start3A_91 = arith.constant 0 : i32
      %dma_start3A_92 = tpu.memref_slice %arg8[%add3A_23, %dma_start3A_91] : memref<10240x128xf32, #tpu.memory_space<vmem_shared>> -> memref<128x128xf32, #tpu.memory_space<vmem_shared>>
      tpu.enqueue_dma source(%arg6 : memref<128x128xf32, #tpu.memory_space<vmem>>) target(%dma_start3A_92 : memref<128x128xf32, #tpu.memory_space<vmem_shared>>) target_semaphore(%run_scoped3A : memref<!tpu.dma_semaphore, #tpu.memory_space<semaphore_mem>>)
      %dma_wait3A_93 = arith.constant 0 : i32
      %dma_wait3A_94 = tpu.memref_slice %arg8[%add3A_23, %dma_wait3A_93] : memref<10240x128xf32, #tpu.memory_space<vmem_shared>> -> memref<128x128xf32, #tpu.memory_space<vmem_shared>>
      %dma_wait3A_95 = arith.constant 0 : i32
      %dma_wait3A_96 = tpu.memref_slice %arg8[%add3A_23, %dma_wait3A_95] : memref<10240x128xf32, #tpu.memory_space<vmem_shared>> -> memref<128x128xf32, #tpu.memory_space<vmem_shared>>
      tpu.wait_dma2 semaphore(%run_scoped3A : memref<!tpu.dma_semaphore, #tpu.memory_space<semaphore_mem>>) src(%arg6 : memref<128x128xf32, #tpu.memory_space<vmem>>) dst(%dma_wait3A_96 : memref<128x128xf32, #tpu.memory_space<vmem_shared>>)
      tpu.yield
    }) : () -> ()
    %mul3A_24 = arith.constant 640 : i32
    %mul3A_25 = arith.muli %arg1, %mul3A_24 : i32
    %add3A_26 = arith.constant 512 : i32
    %add3A_27 = arith.addi %mul3A_25, %add3A_26 : i32
    "tpu.region"() ({
      %run_scoped3A = tpu.sem_alloc : memref<!tpu.dma_semaphore, #tpu.memory_space<semaphore_mem>>
      %dma_start3A_89 = arith.constant 0 : i32
      %dma_start3A_90 = tpu.memref_slice %arg8[%add3A_27, %dma_start3A_89] : memref<10240x128xf32, #tpu.memory_space<vmem_shared>> -> memref<128x128xf32, #tpu.memory_space<vmem_shared>>
      %dma_start3A_91 = arith.constant 0 : i32
      %dma_start3A_92 = tpu.memref_slice %arg8[%add3A_27, %dma_start3A_91] : memref<10240x128xf32, #tpu.memory_space<vmem_shared>> -> memref<128x128xf32, #tpu.memory_space<vmem_shared>>
      tpu.enqueue_dma source(%arg6 : memref<128x128xf32, #tpu.memory_space<vmem>>) target(%dma_start3A_92 : memref<128x128xf32, #tpu.memory_space<vmem_shared>>) target_semaphore(%run_scoped3A : memref<!tpu.dma_semaphore, #tpu.memory_space<semaphore_mem>>)
      %dma_wait3A_93 = arith.constant 0 : i32
      %dma_wait3A_94 = tpu.memref_slice %arg8[%add3A_27, %dma_wait3A_93] : memref<10240x128xf32, #tpu.memory_space<vmem_shared>> -> memref<128x128xf32, #tpu.memory_space<vmem_shared>>
      %dma_wait3A_95 = arith.constant 0 : i32
      %dma_wait3A_96 = tpu.memref_slice %arg8[%add3A_27, %dma_wait3A_95] : memref<10240x128xf32, #tpu.memory_space<vmem_shared>> -> memref<128x128xf32, #tpu.memory_space<vmem_shared>>
      tpu.wait_dma2 semaphore(%run_scoped3A : memref<!tpu.dma_semaphore, #tpu.memory_space<semaphore_mem>>) src(%arg6 : memref<128x128xf32, #tpu.memory_space<vmem>>) dst(%dma_wait3A_96 : memref<128x128xf32, #tpu.memory_space<vmem_shared>>)
      tpu.yield
    }) : () -> ()
    %barrier3A = arith.constant 0 : index
    tpu.barrier barrier_id(%barrier3A)
    "tpu.region"() ({
      %run_scoped3A = tpu.sem_alloc : memref<!tpu.dma_semaphore, #tpu.memory_space<semaphore_mem>>
      %dma_start3A_89 = arith.constant 0 : i32
      %dma_start3A_90 = arith.constant 0 : i32
      %dma_start3A_91 = tpu.memref_slice %arg3[%add3A, %dma_start3A_89, %dma_start3A_90] : memref<32x40x128xi32, #tpu.memory_space<hbm>> -> memref<1x40x128xi32, #tpu.memory_space<hbm>>
      %dma_start3A_92 = tpu.memref_squeeze %dma_start3A_91 : memref<1x40x128xi32, #tpu.memory_space<hbm>> -> memref<40x128xi32, #tpu.memory_space<hbm>>
      %dma_start3A_93 = arith.constant 0 : i32
      %dma_start3A_94 = arith.constant 0 : i32
      %dma_start3A_95 = tpu.memref_slice %arg3[%add3A, %dma_start3A_93, %dma_start3A_94] : memref<32x40x128xi32, #tpu.memory_space<hbm>> -> memref<1x40x128xi32, #tpu.memory_space<hbm>>
      %dma_start3A_96 = tpu.memref_squeeze %dma_start3A_95 : memref<1x40x128xi32, #tpu.memory_space<hbm>> -> memref<40x128xi32, #tpu.memory_space<hbm>>
      tpu.enqueue_dma source(%dma_start3A_96 : memref<40x128xi32, #tpu.memory_space<hbm>>) target(%arg5 : memref<40x128xi32, #tpu.memory_space<vmem>>) target_semaphore(%run_scoped3A : memref<!tpu.dma_semaphore, #tpu.memory_space<semaphore_mem>>)
      %dma_wait3A_97 = arith.constant 0 : i32
      %dma_wait3A_98 = arith.constant 0 : i32
      %dma_wait3A_99 = tpu.memref_slice %arg3[%add3A, %dma_wait3A_97, %dma_wait3A_98] : memref<32x40x128xi32, #tpu.memory_space<hbm>> -> memref<1x40x128xi32, #tpu.memory_space<hbm>>
      %dma_wait3A_100 = tpu.memref_squeeze %dma_wait3A_99 : memref<1x40x128xi32, #tpu.memory_space<hbm>> -> memref<40x128xi32, #tpu.memory_space<hbm>>
      %dma_wait3A_101 = arith.constant 0 : i32
      %dma_wait3A_102 = arith.constant 0 : i32
      %dma_wait3A_103 = tpu.memref_slice %arg3[%add3A, %dma_wait3A_101, %dma_wait3A_102] : memref<32x40x128xi32, #tpu.memory_space<hbm>> -> memref<1x40x128xi32, #tpu.memory_space<hbm>>
      %dma_wait3A_104 = tpu.memref_squeeze %dma_wait3A_103 : memref<1x40x128xi32, #tpu.memory_space<hbm>> -> memref<40x128xi32, #tpu.memory_space<hbm>>
      tpu.wait_dma2 semaphore(%run_scoped3A : memref<!tpu.dma_semaphore, #tpu.memory_space<semaphore_mem>>) src(%dma_wait3A_104 : memref<40x128xi32, #tpu.memory_space<hbm>>) dst(%arg5 : memref<40x128xi32, #tpu.memory_space<vmem>>)
      tpu.yield
    }) : () -> ()
    %add3A_28 = arith.constant 0 : i32
    %add3A_29 = arith.addi %mul3A_2, %add3A_28 : i32
    %dma_start3A = arith.constant 0 : i32
    %dma_start3A_30 = tpu.memref_slice %arg2[%add3A_29, %dma_start3A] : memref<163840x128xf32, #tpu.memory_space<hbm>> -> memref<128x128xf32, #tpu.memory_space<hbm>>
    %dma_start3A_31 = arith.constant 0 : i32
    %dma_start3A_32 = tpu.memref_slice %arg2[%add3A_29, %dma_start3A_31] : memref<163840x128xf32, #tpu.memory_space<hbm>> -> memref<128x128xf32, #tpu.memory_space<hbm>>
    tpu.enqueue_dma source(%dma_start3A_32 : memref<128x128xf32, #tpu.memory_space<hbm>>) target(%arg6 : memref<128x128xf32, #tpu.memory_space<vmem>>) target_semaphore(%arg9 : memref<!tpu.dma_semaphore, #tpu.memory_space<semaphore_mem>>)
    %add3A_33 = arith.constant 0 : i32
    %add3A_34 = arith.addi %mul3A_2, %add3A_33 : i32
    %dma_wait3A = arith.constant 0 : i32
    %dma_wait3A_35 = tpu.memref_slice %arg2[%add3A_34, %dma_wait3A] : memref<163840x128xf32, #tpu.memory_space<hbm>> -> memref<128x128xf32, #tpu.memory_space<hbm>>
    %dma_wait3A_36 = arith.constant 0 : i32
    %dma_wait3A_37 = tpu.memref_slice %arg2[%add3A_34, %dma_wait3A_36] : memref<163840x128xf32, #tpu.memory_space<hbm>> -> memref<128x128xf32, #tpu.memory_space<hbm>>
    tpu.wait_dma2 semaphore(%arg9 : memref<!tpu.dma_semaphore, #tpu.memory_space<semaphore_mem>>) src(%dma_wait3A_37 : memref<128x128xf32, #tpu.memory_space<hbm>>) dst(%arg6 : memref<128x128xf32, #tpu.memory_space<vmem>>)
    %add3A_38 = arith.constant 128 : i32
    %add3A_39 = arith.addi %mul3A_2, %add3A_38 : i32
    %dma_start3A_40 = arith.constant 0 : i32
    %dma_start3A_41 = tpu.memref_slice %arg2[%add3A_39, %dma_start3A_40] : memref<163840x128xf32, #tpu.memory_space<hbm>> -> memref<128x128xf32, #tpu.memory_space<hbm>>
    %dma_start3A_42 = arith.constant 0 : i32
    %dma_start3A_43 = tpu.memref_slice %arg2[%add3A_39, %dma_start3A_42] : memref<163840x128xf32, #tpu.memory_space<hbm>> -> memref<128x128xf32, #tpu.memory_space<hbm>>
    tpu.enqueue_dma source(%dma_start3A_43 : memref<128x128xf32, #tpu.memory_space<hbm>>) target(%arg7 : memref<128x128xf32, #tpu.memory_space<vmem>>) target_semaphore(%arg10 : memref<!tpu.dma_semaphore, #tpu.memory_space<semaphore_mem>>)
    %dma_start3A_44 = arith.constant 0 : i32
    %dma_start3A_45 = arith.constant 0 : i32
    %dma_start3A_46 = tpu.memref_slice %arg5[%dma_start3A_44, %dma_start3A_45] : memref<40x128xi32, #tpu.memory_space<vmem>> -> memref<1x128xi32, #tpu.memory_space<vmem>>
    %dma_start3A_47 = tpu.memref_squeeze %dma_start3A_46 : memref<1x128xi32, #tpu.memory_space<vmem>> -> memref<128xi32, #tpu.memory_space<vmem>>
    %dma_start3A_48 = arith.constant 0 : i32
    %dma_start3A_49 = arith.constant 0 : i32
    %dma_start3A_50 = tpu.memref_slice %arg8[%dma_start3A_48, %dma_start3A_49] : memref<10240x128xf32, #tpu.memory_space<vmem_shared>> -> memref<10240x128xf32, #tpu.memory_space<vmem_shared>>
    tpu.enqueue_indirect_dma source(%arg6 : memref<128x128xf32, #tpu.memory_space<vmem>>) target(%dma_start3A_50 : memref<10240x128xf32, #tpu.memory_space<vmem_shared>>) offsets(%dma_start3A_47 : memref<128xi32, #tpu.memory_space<vmem>>) semaphore(%arg11 : memref<!tpu.dma_semaphore, #tpu.memory_space<semaphore_mem>>) {add = true}
    %scan3A_51 = arith.constant 0 : i32
    %scan3A_52 = arith.constant 0 : i32
    %scan3A_53 = arith.constant 19 : i32
    %scan3A_54 = arith.addi %scan3A_52, %scan3A_53 : i32
    %scan3A_55 = arith.constant 1 : i32
    scf.for %scan3A_89 = %scan3A_52 to %scan3A_54 step %scan3A_55  : i32 {
      %mul3A_90 = arith.constant 2 : i32
      %mul3A_91 = arith.muli %scan3A_89, %mul3A_90 : i32
      %add3A_92 = arith.constant 1 : i32
      %add3A_93 = arith.addi %add3A_92, %mul3A_91 : i32
      %add3A_94 = arith.constant 0 : i32
      %add3A_95 = arith.addi %add3A_93, %add3A_94 : i32
      %mul3A_96 = arith.constant 128 : i32
      %mul3A_97 = arith.muli %add3A_95, %mul3A_96 : i32
      %add3A_98 = arith.addi %mul3A_2, %mul3A_97 : i32
      %dma_wait3A_99 = arith.constant 0 : i32
      %dma_wait3A_100 = tpu.memref_slice %arg2[%add3A_98, %dma_wait3A_99] : memref<163840x128xf32, #tpu.memory_space<hbm>> -> memref<128x128xf32, #tpu.memory_space<hbm>>
      %dma_wait3A_101 = arith.constant 0 : i32
      %dma_wait3A_102 = tpu.memref_slice %arg2[%add3A_98, %dma_wait3A_101] : memref<163840x128xf32, #tpu.memory_space<hbm>> -> memref<128x128xf32, #tpu.memory_space<hbm>>
      tpu.wait_dma2 semaphore(%arg10 : memref<!tpu.dma_semaphore, #tpu.memory_space<semaphore_mem>>) src(%dma_wait3A_102 : memref<128x128xf32, #tpu.memory_space<hbm>>) dst(%arg7 : memref<128x128xf32, #tpu.memory_space<vmem>>)
      %sub3A = arith.constant 1 : i32
      %sub3A_103 = arith.subi %add3A_95, %sub3A : i32
      %dma_wait3A_104 = arith.constant 0 : i32
      %dma_wait3A_105 = tpu.memref_slice %arg5[%sub3A_103, %dma_wait3A_104] : memref<40x128xi32, #tpu.memory_space<vmem>> -> memref<1x128xi32, #tpu.memory_space<vmem>>
      %dma_wait3A_106 = tpu.memref_squeeze %dma_wait3A_105 : memref<1x128xi32, #tpu.memory_space<vmem>> -> memref<128xi32, #tpu.memory_space<vmem>>
      %dma_wait3A_107 = arith.constant 0 : i32
      %dma_wait3A_108 = arith.constant 0 : i32
      %dma_wait3A_109 = tpu.memref_slice %arg8[%dma_wait3A_107, %dma_wait3A_108] : memref<10240x128xf32, #tpu.memory_space<vmem_shared>> -> memref<10240x128xf32, #tpu.memory_space<vmem_shared>>
      tpu.wait_indirect_dma semaphore(%arg11 : memref<!tpu.dma_semaphore, #tpu.memory_space<semaphore_mem>>) src(%arg6 : memref<128x128xf32, #tpu.memory_space<vmem>>) dst(%dma_wait3A_109 : memref<10240x128xf32, #tpu.memory_space<vmem_shared>>)
      %add3A_110 = arith.constant 1 : i32
      %add3A_111 = arith.addi %add3A_95, %add3A_110 : i32
      %mul3A_112 = arith.constant 128 : i32
      %mul3A_113 = arith.muli %add3A_111, %mul3A_112 : i32
      %add3A_114 = arith.addi %mul3A_2, %mul3A_113 : i32
      %dma_start3A_115 = arith.constant 0 : i32
      %dma_start3A_116 = tpu.memref_slice %arg2[%add3A_114, %dma_start3A_115] : memref<163840x128xf32, #tpu.memory_space<hbm>> -> memref<128x128xf32, #tpu.memory_space<hbm>>
      %dma_start3A_117 = arith.constant 0 : i32
      %dma_start3A_118 = tpu.memref_slice %arg2[%add3A_114, %dma_start3A_117] : memref<163840x128xf32, #tpu.memory_space<hbm>> -> memref<128x128xf32, #tpu.memory_space<hbm>>
      tpu.enqueue_dma source(%dma_start3A_118 : memref<128x128xf32, #tpu.memory_space<hbm>>) target(%arg6 : memref<128x128xf32, #tpu.memory_space<vmem>>) target_semaphore(%arg9 : memref<!tpu.dma_semaphore, #tpu.memory_space<semaphore_mem>>)
      %dma_start3A_119 = arith.constant 0 : i32
      %dma_start3A_120 = tpu.memref_slice %arg5[%add3A_95, %dma_start3A_119] : memref<40x128xi32, #tpu.memory_space<vmem>> -> memref<1x128xi32, #tpu.memory_space<vmem>>
      %dma_start3A_121 = tpu.memref_squeeze %dma_start3A_120 : memref<1x128xi32, #tpu.memory_space<vmem>> -> memref<128xi32, #tpu.memory_space<vmem>>
      %dma_start3A_122 = arith.constant 0 : i32
      %dma_start3A_123 = arith.constant 0 : i32
      %dma_start3A_124 = tpu.memref_slice %arg8[%dma_start3A_122, %dma_start3A_123] : memref<10240x128xf32, #tpu.memory_space<vmem_shared>> -> memref<10240x128xf32, #tpu.memory_space<vmem_shared>>
      tpu.enqueue_indirect_dma source(%arg7 : memref<128x128xf32, #tpu.memory_space<vmem>>) target(%dma_start3A_124 : memref<10240x128xf32, #tpu.memory_space<vmem_shared>>) offsets(%dma_start3A_121 : memref<128xi32, #tpu.memory_space<vmem>>) semaphore(%arg12 : memref<!tpu.dma_semaphore, #tpu.memory_space<semaphore_mem>>) {add = true}
      %mul3A_125 = arith.constant 2 : i32
      %mul3A_126 = arith.muli %scan3A_89, %mul3A_125 : i32
      %add3A_127 = arith.constant 1 : i32
      %add3A_128 = arith.addi %add3A_127, %mul3A_126 : i32
      %add3A_129 = arith.constant 1 : i32
      %add3A_130 = arith.addi %add3A_128, %add3A_129 : i32
      %mul3A_131 = arith.constant 128 : i32
      %mul3A_132 = arith.muli %add3A_130, %mul3A_131 : i32
      %add3A_133 = arith.addi %mul3A_2, %mul3A_132 : i32
      %dma_wait3A_134 = arith.constant 0 : i32
      %dma_wait3A_135 = tpu.memref_slice %arg2[%add3A_133, %dma_wait3A_134] : memref<163840x128xf32, #tpu.memory_space<hbm>> -> memref<128x128xf32, #tpu.memory_space<hbm>>
      %dma_wait3A_136 = arith.constant 0 : i32
      %dma_wait3A_137 = tpu.memref_slice %arg2[%add3A_133, %dma_wait3A_136] : memref<163840x128xf32, #tpu.memory_space<hbm>> -> memref<128x128xf32, #tpu.memory_space<hbm>>
      tpu.wait_dma2 semaphore(%arg9 : memref<!tpu.dma_semaphore, #tpu.memory_space<semaphore_mem>>) src(%dma_wait3A_137 : memref<128x128xf32, #tpu.memory_space<hbm>>) dst(%arg6 : memref<128x128xf32, #tpu.memory_space<vmem>>)
      %sub3A_138 = arith.constant 1 : i32
      %sub3A_139 = arith.subi %add3A_130, %sub3A_138 : i32
      %dma_wait3A_140 = arith.constant 0 : i32
      %dma_wait3A_141 = tpu.memref_slice %arg5[%sub3A_139, %dma_wait3A_140] : memref<40x128xi32, #tpu.memory_space<vmem>> -> memref<1x128xi32, #tpu.memory_space<vmem>>
      %dma_wait3A_142 = tpu.memref_squeeze %dma_wait3A_141 : memref<1x128xi32, #tpu.memory_space<vmem>> -> memref<128xi32, #tpu.memory_space<vmem>>
      %dma_wait3A_143 = arith.constant 0 : i32
      %dma_wait3A_144 = arith.constant 0 : i32
      %dma_wait3A_145 = tpu.memref_slice %arg8[%dma_wait3A_143, %dma_wait3A_144] : memref<10240x128xf32, #tpu.memory_space<vmem_shared>> -> memref<10240x128xf32, #tpu.memory_space<vmem_shared>>
      tpu.wait_indirect_dma semaphore(%arg12 : memref<!tpu.dma_semaphore, #tpu.memory_space<semaphore_mem>>) src(%arg7 : memref<128x128xf32, #tpu.memory_space<vmem>>) dst(%dma_wait3A_145 : memref<10240x128xf32, #tpu.memory_space<vmem_shared>>)
      %add3A_146 = arith.constant 1 : i32
      %add3A_147 = arith.addi %add3A_130, %add3A_146 : i32
      %mul3A_148 = arith.constant 128 : i32
      %mul3A_149 = arith.muli %add3A_147, %mul3A_148 : i32
      %add3A_150 = arith.addi %mul3A_2, %mul3A_149 : i32
      %dma_start3A_151 = arith.constant 0 : i32
      %dma_start3A_152 = tpu.memref_slice %arg2[%add3A_150, %dma_start3A_151] : memref<163840x128xf32, #tpu.memory_space<hbm>> -> memref<128x128xf32, #tpu.memory_space<hbm>>
      %dma_start3A_153 = arith.constant 0 : i32
      %dma_start3A_154 = tpu.memref_slice %arg2[%add3A_150, %dma_start3A_153] : memref<163840x128xf32, #tpu.memory_space<hbm>> -> memref<128x128xf32, #tpu.memory_space<hbm>>
      tpu.enqueue_dma source(%dma_start3A_154 : memref<128x128xf32, #tpu.memory_space<hbm>>) target(%arg7 : memref<128x128xf32, #tpu.memory_space<vmem>>) target_semaphore(%arg10 : memref<!tpu.dma_semaphore, #tpu.memory_space<semaphore_mem>>)
      %dma_start3A_155 = arith.constant 0 : i32
      %dma_start3A_156 = tpu.memref_slice %arg5[%add3A_130, %dma_start3A_155] : memref<40x128xi32, #tpu.memory_space<vmem>> -> memref<1x128xi32, #tpu.memory_space<vmem>>
      %dma_start3A_157 = tpu.memref_squeeze %dma_start3A_156 : memref<1x128xi32, #tpu.memory_space<vmem>> -> memref<128xi32, #tpu.memory_space<vmem>>
      %dma_start3A_158 = arith.constant 0 : i32
      %dma_start3A_159 = arith.constant 0 : i32
      %dma_start3A_160 = tpu.memref_slice %arg8[%dma_start3A_158, %dma_start3A_159] : memref<10240x128xf32, #tpu.memory_space<vmem_shared>> -> memref<10240x128xf32, #tpu.memory_space<vmem_shared>>
      tpu.enqueue_indirect_dma source(%arg6 : memref<128x128xf32, #tpu.memory_space<vmem>>) target(%dma_start3A_160 : memref<10240x128xf32, #tpu.memory_space<vmem_shared>>) offsets(%dma_start3A_157 : memref<128xi32, #tpu.memory_space<vmem>>) semaphore(%arg11 : memref<!tpu.dma_semaphore, #tpu.memory_space<semaphore_mem>>) {add = true}
    }
    %scan3A_56 = arith.constant 19 : i32
    %add3A_57 = arith.constant 4992 : i32
    %add3A_58 = arith.addi %mul3A_2, %add3A_57 : i32
    %dma_wait3A_59 = arith.constant 0 : i32
    %dma_wait3A_60 = tpu.memref_slice %arg2[%add3A_58, %dma_wait3A_59] : memref<163840x128xf32, #tpu.memory_space<hbm>> -> memref<128x128xf32, #tpu.memory_space<hbm>>
    %dma_wait3A_61 = arith.constant 0 : i32
    %dma_wait3A_62 = tpu.memref_slice %arg2[%add3A_58, %dma_wait3A_61] : memref<163840x128xf32, #tpu.memory_space<hbm>> -> memref<128x128xf32, #tpu.memory_space<hbm>>
    tpu.wait_dma2 semaphore(%arg10 : memref<!tpu.dma_semaphore, #tpu.memory_space<semaphore_mem>>) src(%dma_wait3A_62 : memref<128x128xf32, #tpu.memory_space<hbm>>) dst(%arg7 : memref<128x128xf32, #tpu.memory_space<vmem>>)
    %dma_start3A_63 = arith.constant 39 : i32
    %dma_start3A_64 = arith.constant 0 : i32
    %dma_start3A_65 = tpu.memref_slice %arg5[%dma_start3A_63, %dma_start3A_64] : memref<40x128xi32, #tpu.memory_space<vmem>> -> memref<1x128xi32, #tpu.memory_space<vmem>>
    %dma_start3A_66 = tpu.memref_squeeze %dma_start3A_65 : memref<1x128xi32, #tpu.memory_space<vmem>> -> memref<128xi32, #tpu.memory_space<vmem>>
    %dma_start3A_67 = arith.constant 0 : i32
    %dma_start3A_68 = arith.constant 0 : i32
    %dma_start3A_69 = tpu.memref_slice %arg8[%dma_start3A_67, %dma_start3A_68] : memref<10240x128xf32, #tpu.memory_space<vmem_shared>> -> memref<10240x128xf32, #tpu.memory_space<vmem_shared>>
    tpu.enqueue_indirect_dma source(%arg7 : memref<128x128xf32, #tpu.memory_space<vmem>>) target(%dma_start3A_69 : memref<10240x128xf32, #tpu.memory_space<vmem_shared>>) offsets(%dma_start3A_66 : memref<128xi32, #tpu.memory_space<vmem>>) semaphore(%arg12 : memref<!tpu.dma_semaphore, #tpu.memory_space<semaphore_mem>>) {add = true}
    %dma_wait3A_70 = arith.constant 38 : i32
    %dma_wait3A_71 = arith.constant 0 : i32
    %dma_wait3A_72 = tpu.memref_slice %arg5[%dma_wait3A_70, %dma_wait3A_71] : memref<40x128xi32, #tpu.memory_space<vmem>> -> memref<1x128xi32, #tpu.memory_space<vmem>>
    %dma_wait3A_73 = tpu.memref_squeeze %dma_wait3A_72 : memref<1x128xi32, #tpu.memory_space<vmem>> -> memref<128xi32, #tpu.memory_space<vmem>>
    %dma_wait3A_74 = arith.constant 0 : i32
    %dma_wait3A_75 = arith.constant 0 : i32
    %dma_wait3A_76 = tpu.memref_slice %arg8[%dma_wait3A_74, %dma_wait3A_75] : memref<10240x128xf32, #tpu.memory_space<vmem_shared>> -> memref<10240x128xf32, #tpu.memory_space<vmem_shared>>
    tpu.wait_indirect_dma semaphore(%arg11 : memref<!tpu.dma_semaphore, #tpu.memory_space<semaphore_mem>>) src(%arg6 : memref<128x128xf32, #tpu.memory_space<vmem>>) dst(%dma_wait3A_76 : memref<10240x128xf32, #tpu.memory_space<vmem_shared>>)
    %dma_wait3A_77 = arith.constant 39 : i32
    %dma_wait3A_78 = arith.constant 0 : i32
    %dma_wait3A_79 = tpu.memref_slice %arg5[%dma_wait3A_77, %dma_wait3A_78] : memref<40x128xi32, #tpu.memory_space<vmem>> -> memref<1x128xi32, #tpu.memory_space<vmem>>
    %dma_wait3A_80 = tpu.memref_squeeze %dma_wait3A_79 : memref<1x128xi32, #tpu.memory_space<vmem>> -> memref<128xi32, #tpu.memory_space<vmem>>
    %dma_wait3A_81 = arith.constant 0 : i32
    %dma_wait3A_82 = arith.constant 0 : i32
    %dma_wait3A_83 = tpu.memref_slice %arg8[%dma_wait3A_81, %dma_wait3A_82] : memref<10240x128xf32, #tpu.memory_space<vmem_shared>> -> memref<10240x128xf32, #tpu.memory_space<vmem_shared>>
    tpu.wait_indirect_dma semaphore(%arg12 : memref<!tpu.dma_semaphore, #tpu.memory_space<semaphore_mem>>) src(%arg7 : memref<128x128xf32, #tpu.memory_space<vmem>>) dst(%dma_wait3A_83 : memref<10240x128xf32, #tpu.memory_space<vmem_shared>>)
    %barrier3A_84 = arith.constant 0 : index
    tpu.barrier barrier_id(%barrier3A_84)
    %mul3A_85 = arith.constant 640 : i32
    %mul3A_86 = arith.muli %arg1, %mul3A_85 : i32
    %mul3A_87 = arith.constant 640 : i32
    %mul3A_88 = arith.muli %arg1, %mul3A_87 : i32
    "tpu.region"() ({
      %run_scoped3A = tpu.sem_alloc : memref<!tpu.dma_semaphore, #tpu.memory_space<semaphore_mem>>
      %dma_start3A_89 = arith.constant 0 : i32
      %dma_start3A_90 = tpu.memref_slice %arg4[%arg0, %mul3A_88, %dma_start3A_89] : memref<2x10240x128xf32, #tpu.memory_space<hbm>> -> memref<1x640x128xf32, #tpu.memory_space<hbm>>
      %dma_start3A_91 = tpu.memref_squeeze %dma_start3A_90 : memref<1x640x128xf32, #tpu.memory_space<hbm>> -> memref<640x128xf32, #tpu.memory_space<hbm>>
      %dma_start3A_92 = arith.constant 0 : i32
      %dma_start3A_93 = tpu.memref_slice %arg8[%mul3A_86, %dma_start3A_92] : memref<10240x128xf32, #tpu.memory_space<vmem_shared>> -> memref<640x128xf32, #tpu.memory_space<vmem_shared>>
      tpu.enqueue_dma source(%dma_start3A_93 : memref<640x128xf32, #tpu.memory_space<vmem_shared>>) target(%dma_start3A_91 : memref<640x128xf32, #tpu.memory_space<hbm>>) target_semaphore(%run_scoped3A : memref<!tpu.dma_semaphore, #tpu.memory_space<semaphore_mem>>)
      %dma_wait3A_94 = arith.constant 0 : i32
      %dma_wait3A_95 = tpu.memref_slice %arg4[%arg0, %mul3A_88, %dma_wait3A_94] : memref<2x10240x128xf32, #tpu.memory_space<hbm>> -> memref<1x640x128xf32, #tpu.memory_space<hbm>>
      %dma_wait3A_96 = tpu.memref_squeeze %dma_wait3A_95 : memref<1x640x128xf32, #tpu.memory_space<hbm>> -> memref<640x128xf32, #tpu.memory_space<hbm>>
      %dma_wait3A_97 = arith.constant 0 : i32
      %dma_wait3A_98 = tpu.memref_slice %arg8[%mul3A_86, %dma_wait3A_97] : memref<10240x128xf32, #tpu.memory_space<vmem_shared>> -> memref<640x128xf32, #tpu.memory_space<vmem_shared>>
      tpu.wait_dma2 semaphore(%run_scoped3A : memref<!tpu.dma_semaphore, #tpu.memory_space<semaphore_mem>>) src(%dma_wait3A_98 : memref<640x128xf32, #tpu.memory_space<vmem_shared>>) dst(%dma_wait3A_96 : memref<640x128xf32, #tpu.memory_space<hbm>>)
      tpu.yield
    }) : () -> ()
    return
  }
}

module attributes {stable_mosaic.version = 14 : i64} {
  func.func @_node_proj_body(%arg0: i32, %arg1: memref<632x128xf32, #tpu.memory_space<vmem>>, %arg2: memref<128x128xf32, #tpu.memory_space<vmem>>, %arg3: memref<128x128xf32, #tpu.memory_space<vmem>>, %arg4: memref<632x128xf32, #tpu.memory_space<vmem>>, %arg5: memref<632x128xf32, #tpu.memory_space<vmem>>) attributes {dimension_semantics = [#tpu.dimension_semantics<arbitrary>], iteration_bounds = array<i64: 16>, scalar_prefetch = 0 : i64, scratch_operands = 0 : i64, tpu.core_type = #tpu.core_type<tc>, window_params = [{transform_indices = @transform_0, window_bounds = array<i64: 632, 128>}, {pipeline_mode = #tpu.pipeline_mode<synchronous>, transform_indices = @transform_1, window_bounds = array<i64: 128, 128>}, {pipeline_mode = #tpu.pipeline_mode<synchronous>, transform_indices = @transform_2, window_bounds = array<i64: 128, 128>}, {transform_indices = @transform_3, window_bounds = array<i64: 632, 128>}, {transform_indices = @transform_4, window_bounds = array<i64: 632, 128>}]} {
    %get3A = arith.constant 0 : index
    %get3A_0 = arith.constant 0 : index
    %get3A_1 = vector.load %arg1[%get3A, %get3A_0] : memref<632x128xf32, #tpu.memory_space<vmem>>, vector<632x128xf32>
    %get3A_2 = arith.constant 0 : index
    %get3A_3 = arith.constant 0 : index
    %get3A_4 = vector.load %arg2[%get3A_2, %get3A_3] : memref<128x128xf32, #tpu.memory_space<vmem>>, vector<128x128xf32>
    %dot_general3A = arith.constant dense<0.000000e+00> : vector<632x128xf32>
    %dot_general3A_5 = tpu.matmul %get3A_1, %get3A_4, %dot_general3A {dimension_numbers = #tpu.dot_dimension_numbers<[1], [0], [0], [1], [0, 0, 1, 1], [], []>, transpose_lhs_hint = false} : vector<632x128xf32>, vector<128x128xf32>, vector<632x128xf32> -> vector<632x128xf32>
    %swap3A = arith.constant 0 : index
    %swap3A_6 = arith.constant 0 : index
    %swap3A_7 = vector.load %arg4[%swap3A, %swap3A_6] : memref<632x128xf32, #tpu.memory_space<vmem>>, vector<632x128xf32>
    tpu.vector_store %arg4[%swap3A, %swap3A_6], %dot_general3A_5 {strides = array<i32>} : memref<632x128xf32, #tpu.memory_space<vmem>>, vector<632x128xf32>,
    %get3A_8 = arith.constant 0 : index
    %get3A_9 = arith.constant 0 : index
    %get3A_10 = vector.load %arg3[%get3A_8, %get3A_9] : memref<128x128xf32, #tpu.memory_space<vmem>>, vector<128x128xf32>
    %dot_general3A_11 = arith.constant dense<0.000000e+00> : vector<632x128xf32>
    %dot_general3A_12 = tpu.matmul %get3A_1, %get3A_10, %dot_general3A_11 {dimension_numbers = #tpu.dot_dimension_numbers<[1], [0], [0], [1], [0, 0, 1, 1], [], []>, transpose_lhs_hint = false} : vector<632x128xf32>, vector<128x128xf32>, vector<632x128xf32> -> vector<632x128xf32>
    %swap3A_13 = arith.constant 0 : index
    %swap3A_14 = arith.constant 0 : index
    %swap3A_15 = vector.load %arg5[%swap3A_13, %swap3A_14] : memref<632x128xf32, #tpu.memory_space<vmem>>, vector<632x128xf32>
    tpu.vector_store %arg5[%swap3A_13, %swap3A_14], %dot_general3A_12 {strides = array<i32>} : memref<632x128xf32, #tpu.memory_space<vmem>>, vector<632x128xf32>,
    return
  }
  func.func @transform_0(%arg0: i32) -> (i32, i32) {
    %c0_i32 = arith.constant 0 : i32
    %c0_i32_0 = arith.constant 0 : i32
    return %arg0, %c0_i32 : i32, i32
  }
  func.func @transform_1(%arg0: i32) -> (i32, i32) {
    %c0_i32 = arith.constant 0 : i32
    %c0_i32_0 = arith.constant 0 : i32
    %c0_i32_1 = arith.constant 0 : i32
    return %c0_i32, %c0_i32_0 : i32, i32
  }
  func.func @transform_2(%arg0: i32) -> (i32, i32) {
    %c0_i32 = arith.constant 0 : i32
    %c0_i32_0 = arith.constant 0 : i32
    %c0_i32_1 = arith.constant 0 : i32
    return %c0_i32, %c0_i32_0 : i32, i32
  }
  func.func @transform_3(%arg0: i32) -> (i32, i32) {
    %c0_i32 = arith.constant 0 : i32
    %c0_i32_0 = arith.constant 0 : i32
    return %arg0, %c0_i32 : i32, i32
  }
  func.func @transform_4(%arg0: i32) -> (i32, i32) {
    %c0_i32 = arith.constant 0 : i32
    %c0_i32_0 = arith.constant 0 : i32
    return %arg0, %c0_i32 : i32, i32
  }
}

module attributes {stable_mosaic.version = 14 : i64} {
  func.func @_edge_mlp_body(%arg0: i32, %arg1: memref<1x2048x128xf32, #tpu.memory_space<vmem>>, %arg2: memref<1x2048x128xf32, #tpu.memory_space<vmem>>, %arg3: memref<2048x16xf32, #tpu.memory_space<vmem>>, %arg4: memref<16x128xf32, #tpu.memory_space<vmem>>, %arg5: memref<1x128xf32, #tpu.memory_space<vmem>>, %arg6: memref<128x128xbf16, #tpu.memory_space<vmem>>, %arg7: memref<1x128xf32, #tpu.memory_space<vmem>>, %arg8: memref<2048x128xf32, #tpu.memory_space<vmem>>) attributes {dimension_semantics = [#tpu.dimension_semantics<arbitrary>], iteration_bounds = array<i64: 80>, scalar_prefetch = 0 : i64, scratch_operands = 0 : i64, tpu.core_type = #tpu.core_type<tc>, window_params = [{transform_indices = @transform_0, window_bounds = array<i64: 1, 2048, 128>}, {transform_indices = @transform_1, window_bounds = array<i64: 1, 2048, 128>}, {transform_indices = @transform_2, window_bounds = array<i64: 2048, 16>}, {pipeline_mode = #tpu.pipeline_mode<synchronous>, transform_indices = @transform_3, window_bounds = array<i64: 16, 128>}, {pipeline_mode = #tpu.pipeline_mode<synchronous>, transform_indices = @transform_4, window_bounds = array<i64: 1, 128>}, {pipeline_mode = #tpu.pipeline_mode<synchronous>, transform_indices = @transform_5, window_bounds = array<i64: 128, 128>}, {pipeline_mode = #tpu.pipeline_mode<synchronous>, transform_indices = @transform_6, window_bounds = array<i64: 1, 128>}, {transform_indices = @transform_7, window_bounds = array<i64: 2048, 128>}]} {
    %get3A = arith.constant 0 : index
    %get3A_0 = arith.constant 0 : index
    %get3A_1 = arith.constant 0 : index
    %get3A_2 = vector.load %arg1[%get3A, %get3A_0, %get3A_1] : memref<1x2048x128xf32, #tpu.memory_space<vmem>>, vector<1x2048x128xf32>
    %get3A_3 = vector.shape_cast %get3A_2 : vector<1x2048x128xf32> to vector<2048x128xf32>
    %get3A_4 = arith.constant 0 : index
    %get3A_5 = arith.constant 0 : index
    %get3A_6 = arith.constant 0 : index
    %get3A_7 = vector.load %arg2[%get3A_4, %get3A_5, %get3A_6] : memref<1x2048x128xf32, #tpu.memory_space<vmem>>, vector<1x2048x128xf32>
    %get3A_8 = vector.shape_cast %get3A_7 : vector<1x2048x128xf32> to vector<2048x128xf32>
    %add3A = arith.addf %get3A_3, %get3A_8 : vector<2048x128xf32>
    %get3A_9 = arith.constant 0 : index
    %get3A_10 = arith.constant 0 : index
    %get3A_11 = vector.load %arg3[%get3A_9, %get3A_10] : memref<2048x16xf32, #tpu.memory_space<vmem>>, vector<2048x16xf32>
    %get3A_12 = arith.constant 0 : index
    %get3A_13 = arith.constant 0 : index
    %get3A_14 = vector.load %arg4[%get3A_12, %get3A_13] : memref<16x128xf32, #tpu.memory_space<vmem>>, vector<16x128xf32>
    %dot_general3A = arith.constant dense<0.000000e+00> : vector<2048x128xf32>
    %dot_general3A_15 = tpu.matmul %get3A_11, %get3A_14, %dot_general3A {dimension_numbers = #tpu.dot_dimension_numbers<[1], [0], [0], [1], [0, 0, 1, 1], [], []>, transpose_lhs_hint = false} : vector<2048x16xf32>, vector<16x128xf32>, vector<2048x128xf32> -> vector<2048x128xf32>
    %add3A_16 = arith.addf %add3A, %dot_general3A_15 : vector<2048x128xf32>
    %get3A_17 = arith.constant 0 : index
    %get3A_18 = arith.constant 0 : index
    %get3A_19 = vector.load %arg5[%get3A_17, %get3A_18] : memref<1x128xf32, #tpu.memory_space<vmem>>, vector<1x128xf32>
    %add3A_20 = vector.broadcast %get3A_19 : vector<1x128xf32> to vector<2048x128xf32>
    %add3A_21 = arith.addf %add3A_16, %add3A_20 : vector<2048x128xf32>
    %max3A = arith.constant 0.000000e+00 : f32
    %max3A_22 = vector.broadcast %max3A : f32 to vector<2048x128xf32>
    %max3A_23 = arith.maximumf %add3A_21, %max3A_22 : vector<2048x128xf32>
    %convert_element_type3A = arith.truncf %max3A_23 : vector<2048x128xf32> to vector<2048x128xbf16>
    %get3A_24 = arith.constant 0 : index
    %get3A_25 = arith.constant 0 : index
    %get3A_26 = vector.load %arg6[%get3A_24, %get3A_25] : memref<128x128xbf16, #tpu.memory_space<vmem>>, vector<128x128xbf16>
    %dot_general3A_27 = arith.constant dense<0.000000e+00> : vector<2048x128xf32>
    %dot_general3A_28 = tpu.matmul %convert_element_type3A, %get3A_26, %dot_general3A_27 {dimension_numbers = #tpu.dot_dimension_numbers<[1], [0], [0], [1], [0, 0, 1, 1], [], []>, transpose_lhs_hint = false} : vector<2048x128xbf16>, vector<128x128xbf16>, vector<2048x128xf32> -> vector<2048x128xf32>
    %get3A_29 = arith.constant 0 : index
    %get3A_30 = arith.constant 0 : index
    %get3A_31 = vector.load %arg7[%get3A_29, %get3A_30] : memref<1x128xf32, #tpu.memory_space<vmem>>, vector<1x128xf32>
    %add3A_32 = vector.broadcast %get3A_31 : vector<1x128xf32> to vector<2048x128xf32>
    %add3A_33 = arith.addf %dot_general3A_28, %add3A_32 : vector<2048x128xf32>
    %max3A_34 = arith.constant 0.000000e+00 : f32
    %max3A_35 = vector.broadcast %max3A_34 : f32 to vector<2048x128xf32>
    %max3A_36 = arith.maximumf %add3A_33, %max3A_35 : vector<2048x128xf32>
    %swap3A = arith.constant 0 : index
    %swap3A_37 = arith.constant 0 : index
    %swap3A_38 = vector.load %arg8[%swap3A, %swap3A_37] : memref<2048x128xf32, #tpu.memory_space<vmem>>, vector<2048x128xf32>
    tpu.vector_store %arg8[%swap3A, %swap3A_37], %max3A_36 {strides = array<i32>} : memref<2048x128xf32, #tpu.memory_space<vmem>>, vector<2048x128xf32>,
    return
  }
  func.func @transform_0(%arg0: i32) -> (i32, i32, i32) {
    %c0_i32 = arith.constant 0 : i32
    %c0_i32_0 = arith.constant 0 : i32
    %c0_i32_1 = arith.constant 0 : i32
    return %c0_i32, %arg0, %c0_i32_0 : i32, i32, i32
  }
  func.func @transform_1(%arg0: i32) -> (i32, i32, i32) {
    %c1_i32 = arith.constant 1 : i32
    %c0_i32 = arith.constant 0 : i32
    %c0_i32_0 = arith.constant 0 : i32
    return %c1_i32, %arg0, %c0_i32 : i32, i32, i32
  }
  func.func @transform_2(%arg0: i32) -> (i32, i32) {
    %c0_i32 = arith.constant 0 : i32
    %c0_i32_0 = arith.constant 0 : i32
    return %arg0, %c0_i32 : i32, i32
  }
  func.func @transform_3(%arg0: i32) -> (i32, i32) {
    %c0_i32 = arith.constant 0 : i32
    %c0_i32_0 = arith.constant 0 : i32
    %c0_i32_1 = arith.constant 0 : i32
    return %c0_i32, %c0_i32_0 : i32, i32
  }
  func.func @transform_4(%arg0: i32) -> (i32, i32) {
    %c0_i32 = arith.constant 0 : i32
    %c0_i32_0 = arith.constant 0 : i32
    %c0_i32_1 = arith.constant 0 : i32
    return %c0_i32, %c0_i32_0 : i32, i32
  }
  func.func @transform_5(%arg0: i32) -> (i32, i32) {
    %c0_i32 = arith.constant 0 : i32
    %c0_i32_0 = arith.constant 0 : i32
    %c0_i32_1 = arith.constant 0 : i32
    return %c0_i32, %c0_i32_0 : i32, i32
  }
  func.func @transform_6(%arg0: i32) -> (i32, i32) {
    %c0_i32 = arith.constant 0 : i32
    %c0_i32_0 = arith.constant 0 : i32
    %c0_i32_1 = arith.constant 0 : i32
    return %c0_i32, %c0_i32_0 : i32, i32
  }
  func.func @transform_7(%arg0: i32) -> (i32, i32) {
    %c0_i32 = arith.constant 0 : i32
    %c0_i32_0 = arith.constant 0 : i32
    return %arg0, %c0_i32 : i32, i32
  }
}

module attributes {stable_mosaic.version = 14 : i64} {
  func.func @_node_update_body(%arg0: i32, %arg1: memref<1000x128xf32, #tpu.memory_space<vmem>>, %arg2: memref<1x1000x128xf32, #tpu.memory_space<vmem>>, %arg3: memref<1x1000x128xf32, #tpu.memory_space<vmem>>, %arg4: memref<1x1000x128xf32, #tpu.memory_space<vmem>>, %arg5: memref<1x1000x128xf32, #tpu.memory_space<vmem>>, %arg6: memref<256x128xf32, #tpu.memory_space<vmem>>, %arg7: memref<1x128xf32, #tpu.memory_space<vmem>>, %arg8: memref<128x128xf32, #tpu.memory_space<vmem>>, %arg9: memref<1x128xf32, #tpu.memory_space<vmem>>, %arg10: memref<1000x128xf32, #tpu.memory_space<vmem>>) attributes {dimension_semantics = [#tpu.dimension_semantics<arbitrary>], iteration_bounds = array<i64: 10>, scalar_prefetch = 0 : i64, scratch_operands = 0 : i64, tpu.core_type = #tpu.core_type<tc>, window_params = [{transform_indices = @transform_0, window_bounds = array<i64: 1000, 128>}, {transform_indices = @transform_1, window_bounds = array<i64: 1, 1000, 128>}, {transform_indices = @transform_2, window_bounds = array<i64: 1, 1000, 128>}, {transform_indices = @transform_3, window_bounds = array<i64: 1, 1000, 128>}, {transform_indices = @transform_4, window_bounds = array<i64: 1, 1000, 128>}, {pipeline_mode = #tpu.pipeline_mode<synchronous>, transform_indices = @transform_5, window_bounds = array<i64: 256, 128>}, {pipeline_mode = #tpu.pipeline_mode<synchronous>, transform_indices = @transform_6, window_bounds = array<i64: 1, 128>}, {pipeline_mode = #tpu.pipeline_mode<synchronous>, transform_indices = @transform_7, window_bounds = array<i64: 128, 128>}, {pipeline_mode = #tpu.pipeline_mode<synchronous>, transform_indices = @transform_8, window_bounds = array<i64: 1, 128>}, {transform_indices = @transform_9, window_bounds = array<i64: 1000, 128>}]} {
    %get3A = arith.constant 0 : index
    %get3A_0 = arith.constant 0 : index
    %get3A_1 = vector.load %arg1[%get3A, %get3A_0] : memref<1000x128xf32, #tpu.memory_space<vmem>>, vector<1000x128xf32>
    %get3A_2 = arith.constant 0 : index
    %get3A_3 = arith.constant 0 : index
    %get3A_4 = arith.constant 0 : index
    %get3A_5 = vector.load %arg2[%get3A_2, %get3A_3, %get3A_4] : memref<1x1000x128xf32, #tpu.memory_space<vmem>>, vector<1x1000x128xf32>
    %get3A_6 = vector.shape_cast %get3A_5 : vector<1x1000x128xf32> to vector<1000x128xf32>
    %get3A_7 = arith.constant 0 : index
    %get3A_8 = arith.constant 0 : index
    %get3A_9 = arith.constant 0 : index
    %get3A_10 = vector.load %arg3[%get3A_7, %get3A_8, %get3A_9] : memref<1x1000x128xf32, #tpu.memory_space<vmem>>, vector<1x1000x128xf32>
    %get3A_11 = vector.shape_cast %get3A_10 : vector<1x1000x128xf32> to vector<1000x128xf32>
    %add3A = arith.addf %get3A_6, %get3A_11 : vector<1000x128xf32>
    %get3A_12 = arith.constant 0 : index
    %get3A_13 = arith.constant 0 : index
    %get3A_14 = arith.constant 0 : index
    %get3A_15 = vector.load %arg4[%get3A_12, %get3A_13, %get3A_14] : memref<1x1000x128xf32, #tpu.memory_space<vmem>>, vector<1x1000x128xf32>
    %get3A_16 = vector.shape_cast %get3A_15 : vector<1x1000x128xf32> to vector<1000x128xf32>
    %add3A_17 = arith.addf %add3A, %get3A_16 : vector<1000x128xf32>
    %get3A_18 = arith.constant 0 : index
    %get3A_19 = arith.constant 0 : index
    %get3A_20 = arith.constant 0 : index
    %get3A_21 = vector.load %arg5[%get3A_18, %get3A_19, %get3A_20] : memref<1x1000x128xf32, #tpu.memory_space<vmem>>, vector<1x1000x128xf32>
    %get3A_22 = vector.shape_cast %get3A_21 : vector<1x1000x128xf32> to vector<1000x128xf32>
    %add3A_23 = arith.addf %add3A_17, %get3A_22 : vector<1000x128xf32>
    %concatenate3A = tpu.concatenate %get3A_1, %add3A_23 in 1 : vector<1000x128xf32>, vector<1000x128xf32> -> vector<1000x256xf32>
    %get3A_24 = arith.constant 0 : index
    %get3A_25 = arith.constant 0 : index
    %get3A_26 = vector.load %arg6[%get3A_24, %get3A_25] : memref<256x128xf32, #tpu.memory_space<vmem>>, vector<256x128xf32>
    %dot_general3A = arith.constant dense<0.000000e+00> : vector<1000x128xf32>
    %dot_general3A_27 = tpu.matmul %concatenate3A, %get3A_26, %dot_general3A {dimension_numbers = #tpu.dot_dimension_numbers<[1], [0], [0], [1], [0, 0, 1, 1], [], []>, transpose_lhs_hint = false} : vector<1000x256xf32>, vector<256x128xf32>, vector<1000x128xf32> -> vector<1000x128xf32>
    %get3A_28 = arith.constant 0 : index
    %get3A_29 = arith.constant 0 : index
    %get3A_30 = vector.load %arg7[%get3A_28, %get3A_29] : memref<1x128xf32, #tpu.memory_space<vmem>>, vector<1x128xf32>
    %add3A_31 = vector.broadcast %get3A_30 : vector<1x128xf32> to vector<1000x128xf32>
    %add3A_32 = arith.addf %dot_general3A_27, %add3A_31 : vector<1000x128xf32>
    %max3A = arith.constant 0.000000e+00 : f32
    %max3A_33 = vector.broadcast %max3A : f32 to vector<1000x128xf32>
    %max3A_34 = arith.maximumf %add3A_32, %max3A_33 : vector<1000x128xf32>
    %get3A_35 = arith.constant 0 : index
    %get3A_36 = arith.constant 0 : index
    %get3A_37 = vector.load %arg8[%get3A_35, %get3A_36] : memref<128x128xf32, #tpu.memory_space<vmem>>, vector<128x128xf32>
    %dot_general3A_38 = arith.constant dense<0.000000e+00> : vector<1000x128xf32>
    %dot_general3A_39 = tpu.matmul %max3A_34, %get3A_37, %dot_general3A_38 {dimension_numbers = #tpu.dot_dimension_numbers<[1], [0], [0], [1], [0, 0, 1, 1], [], []>, transpose_lhs_hint = false} : vector<1000x128xf32>, vector<128x128xf32>, vector<1000x128xf32> -> vector<1000x128xf32>
    %add3A_40 = arith.addf %get3A_1, %dot_general3A_39 : vector<1000x128xf32>
    %get3A_41 = arith.constant 0 : index
    %get3A_42 = arith.constant 0 : index
    %get3A_43 = vector.load %arg9[%get3A_41, %get3A_42] : memref<1x128xf32, #tpu.memory_space<vmem>>, vector<1x128xf32>
    %add3A_44 = vector.broadcast %get3A_43 : vector<1x128xf32> to vector<1000x128xf32>
    %add3A_45 = arith.addf %add3A_40, %add3A_44 : vector<1000x128xf32>
    %swap3A = arith.constant 0 : index
    %swap3A_46 = arith.constant 0 : index
    %swap3A_47 = vector.load %arg10[%swap3A, %swap3A_46] : memref<1000x128xf32, #tpu.memory_space<vmem>>, vector<1000x128xf32>
    tpu.vector_store %arg10[%swap3A, %swap3A_46], %add3A_45 {strides = array<i32>} : memref<1000x128xf32, #tpu.memory_space<vmem>>, vector<1000x128xf32>,
    return
  }
  func.func @transform_0(%arg0: i32) -> (i32, i32) {
    %c0_i32 = arith.constant 0 : i32
    %c0_i32_0 = arith.constant 0 : i32
    return %arg0, %c0_i32 : i32, i32
  }
  func.func @transform_1(%arg0: i32) -> (i32, i32, i32) {
    %c0_i32 = arith.constant 0 : i32
    %c0_i32_0 = arith.constant 0 : i32
    %c0_i32_1 = arith.constant 0 : i32
    return %c0_i32, %arg0, %c0_i32_0 : i32, i32, i32
  }
  func.func @transform_2(%arg0: i32) -> (i32, i32, i32) {
    %c1_i32 = arith.constant 1 : i32
    %c0_i32 = arith.constant 0 : i32
    %c0_i32_0 = arith.constant 0 : i32
    return %c1_i32, %arg0, %c0_i32 : i32, i32, i32
  }
  func.func @transform_3(%arg0: i32) -> (i32, i32, i32) {
    %c0_i32 = arith.constant 0 : i32
    %c0_i32_0 = arith.constant 0 : i32
    %c0_i32_1 = arith.constant 0 : i32
    return %c0_i32, %arg0, %c0_i32_0 : i32, i32, i32
  }
  func.func @transform_4(%arg0: i32) -> (i32, i32, i32) {
    %c1_i32 = arith.constant 1 : i32
    %c0_i32 = arith.constant 0 : i32
    %c0_i32_0 = arith.constant 0 : i32
    return %c1_i32, %arg0, %c0_i32 : i32, i32, i32
  }
  func.func @transform_5(%arg0: i32) -> (i32, i32) {
    %c0_i32 = arith.constant 0 : i32
    %c0_i32_0 = arith.constant 0 : i32
    %c0_i32_1 = arith.constant 0 : i32
    return %c0_i32, %c0_i32_0 : i32, i32
  }
  func.func @transform_6(%arg0: i32) -> (i32, i32) {
    %c0_i32 = arith.constant 0 : i32
    %c0_i32_0 = arith.constant 0 : i32
    %c0_i32_1 = arith.constant 0 : i32
    return %c0_i32, %c0_i32_0 : i32, i32
  }
  func.func @transform_7(%arg0: i32) -> (i32, i32) {
    %c0_i32 = arith.constant 0 : i32
    %c0_i32_0 = arith.constant 0 : i32
    %c0_i32_1 = arith.constant 0 : i32
    return %c0_i32, %c0_i32_0 : i32, i32
  }
  func.func @transform_8(%arg0: i32) -> (i32, i32) {
    %c0_i32 = arith.constant 0 : i32
    %c0_i32_0 = arith.constant 0 : i32
    %c0_i32_1 = arith.constant 0 : i32
    return %c0_i32, %c0_i32_0 : i32, i32
  }
  func.func @transform_9(%arg0: i32) -> (i32, i32) {
    %c0_i32 = arith.constant 0 : i32
    %c0_i32_0 = arith.constant 0 : i32
    return %arg0, %c0_i32 : i32, i32
  }
}

</mosaic_0001>

<sc_bundles>
// kernel: kernel.10.cloned.1.call-start
scs
__scs_entry_jumppad:
0x0: {  	(pc) =	sbr.rel $0x88, $3  }
0x1: {  	(tag) =	ssettag $0x0;
	lr =	simm.s32 $0x1  }
0x2: {  	[smem:$0x3F96] =	sst lr;
	_ =	strace $0xD0000000  }
0x3: {  	_ = 	snop  }
0x4: {  	_ = 	snop  }
0x5: {  	_ = 	snop  }
0x6: {  	_ = 	snop  }
0x7: {  	_ = 	snop  }
__scs_overlays_trampoline_lowered:
0x8: {  	[smem:$0x3FA5] =	sst s0  }
0x9: {  	[smem:$0x3FA6] =	sst s1  }
0xa: {  	[smem:$0x3FA7] =	sst s2  }
0xb: {  	[smem:$0x3FA8] =	sst s3  }
0xc: {  	[smem:$0x3FA9] =	sst s4  }
0xd: {  	[smem:$0x3FAA] =	sst s5  }
0xe: {  	[smem:$0x3FAB] =	sst s6  }
0xf: {  	[smem:$0x3FAC] =	sst s7  }
0x10: {  	[smem:$0x3FAD] =	sst s8  }
0x11: {  	[smem:$0x3FAE] =	sst s9;
	s0 =	simm.s32 @!p0 $0x0  }
0x12: {  	s1 =	sld [smem:$0x3F94];
	s0 =	simm.s32 @p0 $0x1  }
0x13: {  	[smem:$0x3FAF] =	sst s0;
	s0 =	simm.s32 @!p1 $0x0  }
0x14: {  	s2 =	sld [smem:$0x3F93];
	s0 =	simm.s32 @p1 $0x1  }
0x15: {  	[smem:$0x3FB0] =	sst s0;
	s0 =	simm.s32 @!p2 $0x0  }
0x16: {  	s3 =	sld [smem:$0x3FDB];
	s0 =	simm.s32 @p2 $0x1  }
0x17: {  	s4 =	simm.s32 $0x1BF5;
	[smem:$0x3FB2] =	sst s0  }
0x18: {  	s0 =	sld [smem:$0x3F95];
	_ =	swait.ge [sflag:s4], $0x0  }
0x19: {  	s7 =	sld [smem:$0x3F96]  }
0x1a: {  	s8 =	sadd.s32 $0xFFFFE003, lr  }
0x1b: {  	s9 =	sadd.s32 $0xFFFFFEF7, lr;
	s5 =	simm.s32 $0xFFFFFFFF;
	p2 =	slt.u32 s8, $0xFFFFF086  }
0x1c: {  	p1 =	slt.u32 s9, $0xF7A;
	s5 =	simm.s32 @!p2 $0x0  }
0x1d: {  	s5 =	simm.s32 @p1 $0x1;
	p0 =	seq.s32 s7, s2  }
0x1e: {  	s7 =	smul.u32 @!p0 $0xF7A, s2;
	p2 =	seq.s32 @!p0 s5, $0x0  }
0x1f: {  	s9 =	smul.u32 $0xF7A, s1;
	s8 =	simm.s32 @!p0 $0x1BF5;
	p2 =	por !p2, p0  }
0x20: {  	[sflag:s8] =	ssyncset.s32 @!p0 $0xFFFFF086;
	s6 =	sadd.s32 @!p0 s3, s7;
	s7 =	simm.s32 @!p0 $0x108  }
0x21: {  	s3 =	sadd.s32 s3, s9;
	s6 =	sadd.s32 @!p0 $0x88, s6;
	s7 =	simm.s32 @p2 $0x1082  }
0x22: {  	[simem:s7], [sflag:s8] =	dma.local @!p0 [hbm:s6], $0xF7A  }
0x23: {  	s9 =	sor.u32 $0xD0000000, s2;
	s6 =	simm.s32 $0x108;
	_ =	swait.ge @!p0 [sflag:s8], $0x0  }
0x24: {  	s3 =	sadd.s32 $0x88, s3;
	s6 =	simm.s32 @!p1 $0x1082;
	[sflag:s4] =	ssyncset.s32 $0xFFFFF086  }
0x25: {  	[simem:s6], [sflag:s4] =	dma.local [hbm:s3], $0xF7A  }
0x26: {  	[smem:$0x3F96] =	sst s1;
	(tag) =	ssettag s2;
	_ =	strace s9  }
0x27: {  	s1 =	sld [smem:$0x3FA6]  }
0x28: {  	s2 =	sld [smem:$0x3FA7]  }
0x29: {  	s4 =	sld [smem:$0x3FA9]  }
0x2a: {  	p0 =	seq.s32 s5, $0x0;
	s5 =	sld [smem:$0x3FAA]  }
0x2b: {  	s6 =	sld [smem:$0x3FAB]  }
0x2c: {  	s7 =	sld [smem:$0x3FAC]  }
0x2d: {  	s3 =	simm.s32 $0x108;
	s8 =	sld [smem:$0x3FAD]  }
0x2e: {  	s3 =	simm.s32 @!p0 $0x1082;
	s9 =	sld [smem:$0x3FAE]  }
0x2f: {  	lr =	sadd.s32 s0, s3;
	s0 =	sld [smem:$0x3FA5]  }
0x30: {  	s3 =	sld [smem:$0x3FA8]  }
0x31: {  	[smem:$0x3FB1] =	sst s10  }
0x32: {  	s10 =	sld [smem:$0x3FAF];
	_ =	sdelay $0x3  }
0x33: {  	p0 =	seq.s32 s10, $0x1;
	s10 =	sld [smem:$0x3FB1];
	_ =	sdelay $0x3  }
0x34: {  	[smem:$0x3FB1] =	sst s10  }
0x35: {  	s10 =	sld [smem:$0x3FB0];
	_ =	sdelay $0x3  }
0x36: {  	p1 =	seq.s32 s10, $0x1;
	s10 =	sld [smem:$0x3FB1];
	_ =	sdelay $0x3  }
0x37: {  	[smem:$0x3FB1] =	sst s10  }
0x38: {  	s10 =	sld [smem:$0x3FB2]  }
0x39: {  	_ = 	snop;
	(pc) =	sbr.ind lr, $3  }
0x3a: {  	_ = 	snop  }
0x3b: {  	_ = 	snop  }
0x3c: {  	p2 =	seq.s32 s10, $0x1;
	s10 =	sld [smem:$0x3FB1]  }
0x3d: {  	_ =	shalt  }
0x3e: {  	_ =	shalt  }
0x3f: {  	_ =	shalt  }
0x40: {  	_ =	shalt  }
0x41: {  	_ =	shalt  }
0x42: {  	_ =	shalt  }
0x43: {  	_ =	shalt  }
0x44: {  	_ =	shalt  }
0x45: {  	_ =	shalt  }
0x46: {  	_ =	shalt  }
0x47: {  	_ =	shalt  }
0x48: {  	_ =	shalt  }
0x49: {  	_ =	shalt  }
0x4a: {  	_ =	shalt  }
0x4b: {  	_ =	shalt  }
0x4c: {  	_ =	shalt  }
0x4d: {  	_ =	shalt  }
0x4e: {  	_ =	shalt  }
0x4f: {  	_ =	shalt  }
0x50: {  	_ =	shalt  }
0x51: {  	_ =	shalt  }
0x52: {  	_ =	shalt  }
0x53: {  	_ =	shalt  }
0x54: {  	_ =	shalt  }
0x55: {  	_ =	shalt  }
0x56: {  	_ =	shalt  }
0x57: {  	_ =	shalt  }
0x58: {  	_ =	shalt  }
0x59: {  	_ =	shalt  }
0x5a: {  	_ =	shalt  }
0x5b: {  	_ =	shalt  }
0x5c: {  	_ =	shalt  }
0x5d: {  	_ =	shalt  }
0x5e: {  	_ =	shalt  }
0x5f: {  	_ =	shalt  }
0x60: {  	_ =	shalt  }
0x61: {  	_ =	shalt  }
0x62: {  	_ =	shalt  }
0x63: {  	_ =	shalt  }
0x64: {  	_ =	shalt  }
0x65: {  	_ =	shalt  }
0x66: {  	_ =	shalt  }
0x67: {  	_ =	shalt  }
0x68: {  	_ =	shalt  }
0x69: {  	_ =	shalt  }
0x6a: {  	_ =	shalt  }
0x6b: {  	_ =	shalt  }
0x6c: {  	_ =	shalt  }
0x6d: {  	_ =	shalt  }
0x6e: {  	_ =	shalt  }
0x6f: {  	_ =	shalt  }
0x70: {  	_ =	shalt  }
0x71: {  	_ =	shalt  }
0x72: {  	_ =	shalt  }
0x73: {  	_ =	shalt  }
0x74: {  	_ =	shalt  }
0x75: {  	_ =	shalt  }
0x76: {  	_ =	shalt  }
0x77: {  	_ =	shalt  }
0x78: {  	_ =	shalt  }
0x79: {  	_ =	shalt  }
0x7a: {  	_ =	shalt  }
0x7b: {  	_ =	shalt  }
0x7c: {  	_ =	shalt  }
0x7d: {  	_ =	shalt  }
0x7e: {  	_ =	shalt  }
0x7f: {  	_ =	shalt  }
0x80: {  	_ =	shalt  }
0x81: {  	_ =	shalt  }
0x82: {  	_ =	shalt  }
0x83: {  	_ =	shalt  }
0x84: {  	_ =	shalt  }
0x85: {  	_ =	shalt  }
0x86: {  	_ =	shalt  }
0x87: {  	_ =	shalt  }
.Lfunc_end0:
.L_simem_size_0:
called_computation_lowered:
.L_overlay_start_0:
0x88: {  	s2 =	sld [smem:$0x3FD9]  }
0x89: {  	s3 =	sld [smem:$0x3FFE];
	_ =	sdelay $0x1  }
0x8a: {  	s1 =	srdreg.scid  }
0x8b: {  	s0 =	sand.u32 $0x1, s1  }
0x8c: {  	s17 =	sshll.u32 s0, $0xA;
	s2 =	sadd.s32 s3, s2  }
0x8d: {  	s2 =	sadd.s32 s2, s17  }
0x8e: {  	[smem:$0x3FBD] =	sst s2  }
0x8f: {  	_ = 	snop  }
0x90: {  	(tm) =	ssettm $0x1  }
0x91: {  	s18 =	sld [smem:$0x3FFB];
	_ =	sdelay $0x3  }
0x92: {  	_ =	strace s18  }
0x93: {  	s2 =	sld [smem:$0x3FFC];
	_ =	sdelay $0x3  }
0x94: {  	_ =	strace s2  }
0x95: {  	s2 =	sld [smem:$0x3FFD];
	_ =	sdelay $0x3  }
0x96: {  	_ =	strace s2  }
0x97: {  	_ =	strace $0x8FFFFFFF  }
0x98: {  	s19 =	sld [smem:$0x3FDB];
	_ =	sdelay $0x1  }
0x99: {  	s20 =	simm.s32 $_scs_section_size  }
0x9a: {  	s4 =	simm.s32 $_size__tile_overlayer_lowered;
	s5 =	simm.s32 $_tile_overlayer_lowered  }
0x9b: {  	s6 =	simm.s32 $0x1BFF;
	s21 =	sshll.u32 s5, $0x1;
	s3 =	sadd.s32 s20, s19  }
0x9c: {  	s22 =	simm.s32 $0x0;
	s4 =	sshll.u32 s4, $0x1;
	s5 =	sadd.s32 s21, s3  }
0x9d: {  	[timem:s22], [sflag:s6] =	dma.local [hbm:s5], s4  }
0x9e: {  	_ =	swait.ge [sflag:s6], s4  }
0x9f: {  	s4 =	ssub.s32 $0x0, s4;
	[sflag:s6] =	ssyncset.done $0x0  }
0xa0: {  	[sflag:s6] =	ssyncadd.s32 s4;
	_ =	sdelay $0x1  }
0xa1: {  	s23 =	simm.s32 $0x1B8B  }
0xa2: {  	_ =	swait.ge [sflag:s23], $0x1  }
0xa3: {  	[sflag:s23] =	ssyncset.done $0x0  }
0xa4: {  	[sflag:s23] =	ssyncadd.s32 $0xFFFFFFFF  }
0xa5: {  	s4 =	sld [smem:$0x0]  }
0xa6: {  	s5 =	sand.u32 $0xFFFFFFFE, s1  }
0xa7: {  	p0 =	sne.s32 s1, s5  }
0xa8: {  	s5 =	sshll.u32 @p0 s5, $0xE  }
0xa9: {  	s5 =	sadd.s32 @p0 $0x11B8D, s5;
	s6 =	sshll.u32 @p0 s4, $0x11  }
0xaa: {  	s5 =	sor.u32 @p0 s6, s5  }
0xab: {  	[sflag:s5] =	ssyncadd.remote.s32 @p0 $0x1;
	_ =	sdelay $0x1  }
0xac: {  	s5 =	simm.s32 @p0 $0x1B8D  }
0xad: {  	_ =	swait.eq @p0 [sflag:s5], $0x1  }
0xae: {  	[sflag:s5] =	ssyncadd.s32 @p0 $0xFFFFFFFF  }
0xaf: {  	s6 =	sshll.u32 @!p0 s1, $0xE  }
0xb0: {  	s6 =	sor.u32 @!p0 $0x4000, s6;
	s5 =	simm.s32 @!p0 $0x1B8D  }
0xb1: {  	s4 =	sshll.u32 @!p0 s4, $0x11;
	s6 =	sadd.s32 @!p0 $0x11B8D, s6;
	_ =	swait.eq @!p0 [sflag:s5], $0x1  }
0xb2: {  	s4 =	sor.u32 @!p0 s4, s6;
	[sflag:s5] =	ssyncadd.s32 @!p0 $0xFFFFFFFF  }
0xb3: {  	s25 =	simm.s32 $0x1B8E;
	s24 =	sld [smem:$0x3FFE];
	[sflag:s4] =	ssyncadd.remote.s32 @!p0 $0x1  }
0xb4: {  	s26 =	simm.s32 $execute0_lowered;
	[smem:$0x3FD2] =	sst s25  }
0xb5: {  	s5 =	sshll.u32 s26, $0x1;
	_ =	strace $0x80000049;
	[dreg:$0x1] =	wrdreg $0xFFFFFFFF  }
0xb6: {  	s28 =	simm.s32 $_size_execute0_lowered;
	s3 =	sadd.s32 s3, s5;
	[dreg:$0x0] =	wrdreg $0x0  }
0xb7: {  	s5 =	sshll.u32 s28, $0x1;
	[dreg:$0x2] =	wrdreg s3  }
0xb8: {  	[dreg:$0x3] =	wrdreg s5  }
0xb9: {  	[dreg:$0x4] =	wrdreg $0xC0  }
0xba: {  	_ =	task [dreg:s22], $0x5FFFF  }
0xbb: {  	[dreg:$0x1] =	wrdreg $0xFFFFFFFF  }
0xbc: {  	[dreg:$0x0] =	wrdreg $0x60  }
0xbd: {  	[dreg:$0x2] =	wrdreg s24  }
0xbe: {  	[dreg:$0x3] =	wrdreg $0x0  }
0xbf: {  	[dreg:$0x4] =	wrdreg $0x9  }
0xc0: {  	_ =	task.clear_ibuf [dreg:s22], $0x5FFFF;
	_ =	strace $0x90000049  }
0xc1: {  	s29 =	simm.s32 $0x9;
	_ =	strace $0x8000004B  }
0xc2: {  	_ =	swait.ge [sflag:s29], $0x1  }
0xc3: {  	[sflag:s29] =	ssyncadd.s32 $0xFFFFFFFF  }
0xc4: {  	_ =	strace $0x9000004B  }
0xc5: {  	_ =	sfence  }
0xc6: {  	s30 =	sld [smem:$0x0];
	_ =	sdelay $0x2  }
0xc7: {  	s31 =	sshll.u32 s1, $0xD;
	s1 =	sshrl.u32 s1, $0x2  }
0xc8: {  	s4 =	sand.u32 $0x4000, s31;
	s1 =	sadd.s32 s1, s30  }
0xc9: {  	s0 =	sor.u32 s4, s0;
	s1 =	sshll.u32 s1, $0x11  }
0xca: {  	s0 =	sor.u32 s1, s0  }
0xcb: {  	s0 =	sadd.s32 $0x8F2B, s0  }
0xcc: {  	[sflag:s0] =	ssyncadd.remote.s32 $0x1  }
0xcd: {  	_ =	sfence.sel $0xFFFF  }
0xce: {  	[dreg:$0x0] =	wrdreg $0xFFFFFFFF;
	(pc) =	sbr.abs _section_cstart, $3  }
0xcf: {  	[dreg:$0x1] =	wrdreg $0xFFFFFFFF  }
0xd0: {  	_ =	task.clear_ibuf [dreg:s22], $0x2FFFF;
	_ =	strace $0x9FFFFFFF  }
0xd1: {  	(tm) =	ssettm $0x7FFFFFFF  }
tec
execute0_lowered:
.L_overlay_start_1:
0x0: {  	(tag) =	ssettag $0x1  }
0x1: {  	s0 =	rddreg [dreg:$0x0]  }
0x2: {  	s2 =	rddreg [dreg:$0x1]  }
0x3: {  	s3 =	simm.s32 $0x0;
	s13 =	stileid.u32;
	s5 =	srdreg.scid  }
0x4: {  	s28 =	simm.s32 $0x2;
	s29 =	simm.s32 $0x9;
	s1 =	smul.u32 $0x2780, s13  }
0x5: {  	s30 =	simm.s32 $0x1BE00;
	s4 =	sadd.s32 $0x561800, s0;
	s10 =	smul.u32 $0x4F000, s13  }
0x6: {  	s8 =	sand.u32 $0x1, s5;
	s5 =	sadd.s32 $0x55C800, s0;
	s7 =	smul.u32 $0x2800, s13  }
0x7: {  	[smem:$0x7FF] =	sst s3;
	s6 =	sadd.s32 $0x566800, s0;
	s12 =	smul.u32 $0x28000, s13  }
0x8: {  	s31 =	simm.s32 $0x5;
	s13 =	smul.u32 $0x140000, s13;
	_ =	strace $0x8000004A  }
0x9: {  	s9 =	ssub.s32 $0x2, s8;
	p0 =	seq.s32 s8, $0x1;
	s1 =	sadd.s32 s1, s0  }
0xa: {  	s11 =	sshrl.u32 s9, $0x1;
	s16 =	sshrl.u32 s10, $0x2;
	s18 =	sor.u32 $0x80, s7  }
0xb: {  	s19 =	sshrl.u32 s7, $0x3;
	s21 =	sadd.s32 $0x2780, s7;
	s23 =	sadd.s32 $0x134000, s13  }
0xc: {  	s25 =	sadd.s32 $0x138000, s13;
	s0 =	sadd.s32 $0x7E6800, s0;
	[dreg:$0x9] =	wrdreg s23  }
0xd: {  	s26 =	sshrl.u32 s13, $0x3;
	s8 =	sadd.s32 s16, s2;
	[dreg:$0xb] =	wrdreg s25  }
0xe: {  	s10 =	simm.s32 $0x0;
	s17 =	sadd.s32 $0xD800, s1;
	[dreg:$0x3] =	wrdreg s8  }
0xf: {  	s16 =	sadd.s32 s6, s12;
	s24 =	sshrl.u32 s21, $0x3;
	[dreg:$0x4] =	wrdreg s17  }
0x10: {  	s12 =	sshll.u32 s21, $0x4;
	s21 =	sadd.s32 $0x1538000, s13;
	[dreg:$0xa] =	wrdreg s24  }
0x11: {  	s9 =	ssub.s32 s9, s11;
	s15 =	sadd.s32 s4, s19;
	[dreg:$0x14] =	wrdreg s21  }
0x12: {  	s20 =	sshrl.u32 s18, $0x3;
	s11 =	simm.s32 $0xA;
	[dreg:$0x5] =	wrdreg s15  }
0x13: {  	s14 =	sadd.s32 s4, s20;
	s8 =	sshll.u32 s18, $0x4;
	[dreg:$0x7] =	wrdreg s16  }
0x14: {  	s18 =	sadd.s32 s5, s19;
	s19 =	sadd.s32 s5, s20;
	[dreg:$0x6] =	wrdreg s14  }
0x15: {  	s17 =	sadd.s32 s6, s26;
	s20 =	sadd.s32 $0x1534000, s13;
	[dreg:$0x11] =	wrdreg s19  }
0x16: {  	s23 =	sadd.s32 $0x20, s15;
	s24 =	sadd.s32 $0x30, s15;
	[dreg:$0x13] =	wrdreg s20  }
0x17: {  	s21 =	sadd.s32 $0x1000, s16;
	s13 =	simm.s32 $0x13C00;
	[dreg:$0x16] =	wrdreg s23  }
0x18: {  	s22 =	sadd.s32 s6, s8;
	s8 =	sadd.s32 s8, s0;
	[dreg:$0x17] =	wrdreg s24  }
0x19: {  	s0 =	sadd.s32 s12, s0;
	s25 =	sadd.s32 $0x20, s18;
	[dreg:$0x10] =	wrdreg s18  }
0x1a: {  	s26 =	sadd.s32 $0x30, s18;
	s14 =	simm.s32 $0x13C80;
	[dreg:$0x8] =	wrdreg s22  }
0x1b: {  	s20 =	simm.s32 $0x13E00;
	s18 =	simm.s32 $0x8;
	[dreg:$0xc] =	wrdreg s8  }
0x1c: {  	s23 =	simm.s32 $0x17E00;
	s19 =	simm.s32 $0x13D00;
	[dreg:$0xd] =	wrdreg s0  }
0x1d: {  	s24 =	simm.s32 $0x3;
	s8 =	sadd.s32 s6, s12;
	[dreg:$0x18] =	wrdreg s25  }
.Ltmp0:
0x1e: {  	s12 =	sadd.s32 $0x35000, s1;
	[dreg:$0x19] =	wrdreg s26;
	(pc) =	sbr.rel .LBB2_1-.Ltmp0, $4  }
0x1f: {  	s0 =	sadd.s32 $0x280000, s17;
	s22 =	smax.u32 s9, $0x1;
	[dreg:$0xe] =	wrdreg s8  }
0x20: {  	s9 =	sadd.s32 $0x281000, s16;
	s17 =	simm.s32 $0x7;
	[dreg:$0xf] =	wrdreg s12  }
0x21: {  	s16 =	simm.s32 $0x80;
	s25 =	simm.s32 $0x4;
	[dreg:$0x12] =	wrdreg s0  }
0x22: {  	s1 =	simm.s32 $0x6;
	[dreg:$0x15] =	wrdreg s22;
	s22 =	simm.s32 $0x1  }
.LBB2_7:
0x23: {  	s15 =	rddreg [dreg:$0x13]  }
0x24: {  	s0 =	sadd.s32 s5, s8;
	s8 =	rddreg [dreg:$0x14]  }
0x25: {  	[tilespmem:s13], [sflag:$0x7] =	stream.linear.gather [hbm4b:s0+s3], $0x80, $0x38;
	[tilespmem:$0x1FE00] =	vst v63  }
0x26: {  	s12 =	smov.u32 s5;
	s0 =	rddreg [dreg:$0xd]  }
.LBB2_8:
0x27: {  	_ =	swait.ge [sflag:s24], $0x4000  }
0x28: {  	s15 =	sshrl.u32 s15, $0x3;
	[sflag:s24] =	ssyncset.done $0x0  }
0x29: {  	s15 =	sadd.s32 s6, s15;
	[sflag:s24] =	ssyncadd.s32 $0xFFFFC000  }
0x2a: {  	[hbm4b:s15+s3] =	stream.linear.scatter [tilespmem:s30], [sflag:$0x6], $0x4000, $0x38;
	[tilespmem:$0x1FE00] =	vst v63  }
0x2b: {  	_ =	swait.ge [sflag:s17], $0x80  }
0x2c: {  	[sflag:s17] =	ssyncset.done $0x0  }
0x2d: {  	[sflag:s17] =	ssyncadd.s32 $0xFFFFFF80  }
0x2e: {  	_ =	swait.ge [sflag:s25], $0x4000  }
0x2f: {  	[sflag:s25] =	ssyncset.done $0x0  }
0x30: {  	s26 =	rddreg [dreg:$0xa];
	[sflag:s25] =	ssyncadd.s32 $0xFFFFC000  }
0x31: {  	[tilespmem:s20], [sflag:$0x1] =	stream.indirect.gather [spmem:s2], $0x80, s13, s16, $0xb8;
	[tilespmem:$0x1FE00] =	vst v63  }
0x32: {  	s12 =	sadd.s32 s12, s26  }
0x33: {  	[tilespmem:s14], [sflag:$0x8] =	stream.linear.gather [hbm4b:s12+s3], $0x80, $0x38;
	[tilespmem:$0x1FE00] =	vst v63  }
0x34: {  	_ =	swait.ge [sflag:s22], $0x4000  }
0x35: {  	s8 =	sshrl.u32 s8, $0x3;
	[sflag:s22] =	ssyncset.done $0x0  }
0x36: {  	s8 =	sadd.s32 s6, s8;
	[sflag:s22] =	ssyncadd.s32 $0xFFFFC000  }
0x37: {  	[hbm4b:s8+s3] =	stream.linear.scatter [tilespmem:s20], [sflag:$0x4], $0x4000, $0x38;
	[tilespmem:$0x1FE00] =	vst v63  }
0x38: {  	_ =	swait.ge [sflag:s18], $0x80  }
0x39: {  	[sflag:s18] =	ssyncset.done $0x0  }
0x3a: {  	[sflag:s18] =	ssyncadd.s32 $0xFFFFFF80  }
0x3b: {  	_ =	swait.ge [sflag:s31], $0x4000  }
0x3c: {  	[sflag:s31] =	ssyncset.done $0x0  }
0x3d: {  	[sflag:s31] =	ssyncadd.s32 $0xFFFFC000  }
0x3e: {  	[tilespmem:s23], [sflag:$0x2] =	stream.indirect.gather [spmem:s2], $0x80, s14, s16, $0xb8;
	[tilespmem:$0x1FE00] =	vst v63  }
0x3f: {  	_ =	swait.ge [sflag:s28], $0x4000  }
0x40: {  	[sflag:s28] =	ssyncset.done $0x0  }
0x41: {  	[sflag:s28] =	ssyncadd.s32 $0xFFFFC000  }
0x42: {  	[hbm4b:s0+s3] =	stream.linear.scatter [tilespmem:s23], [sflag:$0x5], $0x4000, $0x38;
	[tilespmem:$0x1FE00] =	vst v63  }
0x43: {  	_ =	swait.ge [sflag:s1], $0x4000  }
0x44: {  	[sflag:s1] =	ssyncset.done $0x0  }
0x45: {  	[sflag:s1] =	ssyncadd.s32 $0xFFFFC000  }
0x46: {  	_ =	swait.ge [sflag:s25], $0x4000  }
0x47: {  	[sflag:s25] =	ssyncset.done $0x0  }
0x48: {  	[sflag:s25] =	ssyncadd.s32 $0xFFFFC000  }
0x49: {  	_ =	swait.ge [sflag:s31], $0x4000  }
0x4a: {  	s10 =	sadd.s32 $0x1, s10;
	s26 =	rddreg [dreg:$0x15]  }
0x4b: {  	p1 =	sne.s32 s10, s26  }
.Ltmp1:
0x4c: {  	_ = 	snop;
	(pc) =	sbr.rel @!p1 .LBB2_9-.Ltmp1, $3  }
0x4d: {  	_ =	sdelay $0x1  }
0x4e: {  	[sflag:s31] =	ssyncset.done $0x0  }
0x4f: {  	[sflag:s31] =	ssyncadd.s32 $0xFFFFC000  }
.LBB2_1:
.Ltmp2:
0x50: {  	(pc) =	sbr.rel @!p0 .LBB2_2-.Ltmp2, $4  }
0x51: {  	_ = 	snop  }
0x52: {  	s0 =	stileid.u32  }
0x53: {  	s26 =	rddreg [dreg:$0x3];
	s8 =	sshll.u32 s0, $0x6  }
0x54: {  	s0 =	sshrl.u32 s26, $0x3;
	s8 =	sor.u32 $0x1C0A, s8  }
0x55: {  	s12 =	rddreg [dreg:$0xf]  }
0x56: {  	[spmem:s0], [sflag:s8] =	dma.local [hbm:s12], $0x2780  }
0x57: {  	_ =	swait.ge [sflag:s11], $0x2780  }
0x58: {  	[sflag:s11] =	ssyncset.done $0x0  }
0x59: {  	[sflag:s11] =	ssyncadd.s32 $0xFFFFD880  }
0x5a: {  	[bflag:$0x0] =	sbarrier.arrive $0xFFFF  }
0x5b: {  	s8 =	rddreg [dreg:$0x10]  }
0x5c: {  	[tilespmem:s13], [sflag:$0x7] =	stream.linear.gather [hbm4b:s8+s3], $0x80, $0x38;
	[tilespmem:$0x1FE00] =	vst v63  }
0x5d: {  	s12 =	rddreg [dreg:$0x11]  }
0x5e: {  	[tilespmem:s14], [sflag:$0x8] =	stream.linear.gather [hbm4b:s12+s3], $0x80, $0x38;
	[tilespmem:$0x1FE00] =	vst v63  }
0x5f: {  	_ =	swait.ge [sflag:s17], $0x80  }
0x60: {  	[sflag:s17] =	ssyncset.done $0x0  }
0x61: {  	[sflag:s17] =	ssyncadd.s32 $0xFFFFFF80  }
0x62: {  	[tilespmem:s20], [sflag:$0x1] =	stream.indirect.gather [spmem:s2], $0x80, s13, s16, $0xb8;
	[tilespmem:$0x1FE00] =	vst v63  }
0x63: {  	_ =	swait.ge [sflag:s22], $0x4000  }
0x64: {  	[sflag:s22] =	ssyncset.done $0x0  }
0x65: {  	s15 =	rddreg [dreg:$0x12];
	[sflag:s22] =	ssyncadd.s32 $0xFFFFC000  }
0x66: {  	[hbm4b:s15+s3] =	stream.linear.scatter [tilespmem:s20], [sflag:$0x4], $0x4000, $0x38;
	[tilespmem:$0x1FE00] =	vst v63  }
0x67: {  	_ =	swait.ge [sflag:s18], $0x80  }
0x68: {  	[sflag:s18] =	ssyncset.done $0x0  }
0x69: {  	[sflag:s18] =	ssyncadd.s32 $0xFFFFFF80  }
0x6a: {  	[tilespmem:s23], [sflag:$0x2] =	stream.indirect.gather [spmem:s2], $0x80, s14, s16, $0xb8;
	[tilespmem:$0x1FE00] =	vst v63  }
0x6b: {  	s26 =	rddreg [dreg:$0x18]  }
0x6c: {  	[tilespmem:s19], [sflag:$0x9] =	stream.linear.gather [hbm4b:s26+s3], $0x80, $0x38;
	[tilespmem:$0x1FE00] =	vst v63  }
0x6d: {  	_ =	swait.ge [sflag:s28], $0x4000  }
0x6e: {  	[sflag:s28] =	ssyncset.done $0x0  }
0x6f: {  	s8 =	rddreg [dreg:$0xc];
	[sflag:s28] =	ssyncadd.s32 $0xFFFFC000  }
0x70: {  	[hbm4b:s8+s3] =	stream.linear.scatter [tilespmem:s23], [sflag:$0x5], $0x4000, $0x38;
	[tilespmem:$0x1FE00] =	vst v63  }
0x71: {  	_ =	swait.ge [sflag:s29], $0x80  }
0x72: {  	[sflag:s29] =	ssyncset.done $0x0  }
0x73: {  	[sflag:s29] =	ssyncadd.s32 $0xFFFFFF80  }
0x74: {  	[tilespmem:s30], [sflag:$0x3] =	stream.indirect.gather [spmem:s2], $0x80, s19, s16, $0xb8;
	[tilespmem:$0x1FE00] =	vst v63  }
0x75: {  	s12 =	rddreg [dreg:$0x19]  }
0x76: {  	[tilespmem:s13], [sflag:$0x7] =	stream.linear.gather [hbm4b:s12+s3], $0x80, $0x38;
	[tilespmem:$0x1FE00] =	vst v63  }
0x77: {  	_ =	swait.ge [sflag:s24], $0x4000  }
0x78: {  	[sflag:s24] =	ssyncset.done $0x0  }
0x79: {  	[sflag:s24] =	ssyncadd.s32 $0xFFFFC000  }
0x7a: {  	[hbm4b:s9+s3] =	stream.linear.scatter [tilespmem:s30], [sflag:$0x6], $0x4000, $0x38;
	[tilespmem:$0x1FE00] =	vst v63  }
0x7b: {  	_ =	swait.ge [sflag:s17], $0x80  }
0x7c: {  	s15 =	simm.s32 $0x200;
	[sflag:s17] =	ssyncset.done $0x0  }
0x7d: {  	s26 =	sand.u32 $0x7C00, s15;
	[sflag:s17] =	ssyncadd.s32 $0xFFFFFF80  }
0x7e: {  	s0 =	sand.u32 $0x380, s15;
	s8 =	sadd.s32 s7, s26;
	_ =	swait.ge [sflag:s25], $0x4000  }
0x7f: {  	s0 =	sor.u32 s0, s8;
	[sflag:s25] =	ssyncset.done $0x0  }
0x80: {  	s0 =	sshrl.u32 s0, $0x3;
	[sflag:s25] =	ssyncadd.s32 $0xFFFFC000  }
0x81: {  	[tilespmem:s20], [sflag:$0x1] =	stream.indirect.gather [spmem:s2], $0x80, s13, s16, $0xb8;
	[tilespmem:$0x1FE00] =	vst v63  }
0x82: {  	s0 =	sadd.s32 s5, s0  }
0x83: {  	[tilespmem:s14], [sflag:$0x8] =	stream.linear.gather [hbm4b:s0+s3], $0x80, $0x38;
	[tilespmem:$0x1FE00] =	vst v63  }
0x84: {  	_ =	swait.ge [sflag:s22], $0x4000  }
0x85: {  	[sflag:s22] =	ssyncset.done $0x0  }
0x86: {  	s12 =	sadd.s32 $0x800, s9;
	[sflag:s22] =	ssyncadd.s32 $0xFFFFC000  }
0x87: {  	[hbm4b:s12+s3] =	stream.linear.scatter [tilespmem:s20], [sflag:$0x4], $0x4000, $0x38;
	[tilespmem:$0x1FE00] =	vst v63  }
0x88: {  	_ =	swait.ge [sflag:s18], $0x80  }
0x89: {  	s15 =	simm.s32 $0x280;
	[sflag:s18] =	ssyncset.done $0x0  }
0x8a: {  	s26 =	sand.u32 $0x7C00, s15;
	[sflag:s18] =	ssyncadd.s32 $0xFFFFFF80  }
0x8b: {  	s8 =	sadd.s32 s7, s26;
	s0 =	sand.u32 $0x380, s15;
	_ =	swait.ge [sflag:s31], $0x4000  }
0x8c: {  	s0 =	sor.u32 s0, s8;
	[sflag:s31] =	ssyncset.done $0x0  }
0x8d: {  	s0 =	sshrl.u32 s0, $0x3;
	[sflag:s31] =	ssyncadd.s32 $0xFFFFC000  }
0x8e: {  	[tilespmem:s23], [sflag:$0x2] =	stream.indirect.gather [spmem:s2], $0x80, s14, s16, $0xb8;
	[tilespmem:$0x1FE00] =	vst v63  }
0x8f: {  	s0 =	sadd.s32 s5, s0  }
0x90: {  	[tilespmem:s19], [sflag:$0x9] =	stream.linear.gather [hbm4b:s0+s3], $0x80, $0x38;
	[tilespmem:$0x1FE00] =	vst v63  }
0x91: {  	_ =	swait.ge [sflag:s28], $0x4000  }
0x92: {  	[sflag:s28] =	ssyncset.done $0x0  }
0x93: {  	s12 =	sadd.s32 $0x1000, s9;
	[sflag:s28] =	ssyncadd.s32 $0xFFFFC000  }
0x94: {  	[hbm4b:s12+s3] =	stream.linear.scatter [tilespmem:s23], [sflag:$0x5], $0x4000, $0x38;
	[tilespmem:$0x1FE00] =	vst v63  }
0x95: {  	s15 =	simm.s32 $0x300;
	_ =	swait.ge [sflag:s29], $0x80  }
0x96: {  	s26 =	sand.u32 $0x7C00, s15;
	[sflag:s29] =	ssyncset.done $0x0  }
0x97: {  	s8 =	sadd.s32 s7, s26;
	s0 =	sand.u32 $0x380, s15;
	[sflag:s29] =	ssyncadd.s32 $0xFFFFFF80  }
0x98: {  	s0 =	sor.u32 s0, s8;
	_ =	swait.ge [sflag:s1], $0x4000  }
0x99: {  	s8 =	sshrl.u32 s0, $0x3;
	[sflag:s1] =	ssyncset.done $0x0  }
0x9a: {  	s0 =	smov.u32 s9;
	s12 =	simm.s32 $0x480;
	[sflag:s1] =	ssyncadd.s32 $0xFFFFC000  }
0x9b: {  	[tilespmem:s30], [sflag:$0x3] =	stream.indirect.gather [spmem:s2], $0x80, s19, s16, $0xb8;
	[tilespmem:$0x1FE00] =	vst v63  }
.LBB2_6:
0x9c: {  	p1 =	sne.s32 s12, $0x2700;
	s8 =	sadd.s32 s5, s8;
	s0 =	sadd.s32 $0x1800, s0  }
0x9d: {  	[tilespmem:s13], [sflag:$0x7] =	stream.linear.gather [hbm4b:s8+s3], $0x80, $0x38;
	[tilespmem:$0x1FE00] =	vst v63  }
0x9e: {  	s8 =	smov.u32 s12;
	s12 =	sadd.s32 $0x180, s12;
	_ =	swait.ge [sflag:s24], $0x4000  }
0x9f: {  	[sflag:s24] =	ssyncset.done $0x0  }
0xa0: {  	[sflag:s24] =	ssyncadd.s32 $0xFFFFC000  }
0xa1: {  	[hbm4b:s0+s3] =	stream.linear.scatter [tilespmem:s30], [sflag:$0x6], $0x4000, $0x38;
	[tilespmem:$0x1FE00] =	vst v63  }
0xa2: {  	_ =	swait.ge [sflag:s17], $0x80  }
0xa3: {  	s15 =	sadd.s32 $0xFFFFFF00, s8;
	[sflag:s17] =	ssyncset.done $0x0  }
0xa4: {  	s26 =	sand.u32 $0x7C00, s15;
	s15 =	sand.u32 $0x380, s15;
	[sflag:s17] =	ssyncadd.s32 $0xFFFFFF80  }
0xa5: {  	s26 =	sadd.s32 s7, s26;
	_ =	swait.ge [sflag:s25], $0x4000  }
0xa6: {  	s15 =	sor.u32 s15, s26;
	[sflag:s25] =	ssyncset.done $0x0  }
0xa7: {  	s15 =	sshrl.u32 s15, $0x3;
	[sflag:s25] =	ssyncadd.s32 $0xFFFFC000  }
0xa8: {  	[tilespmem:s20], [sflag:$0x1] =	stream.indirect.gather [spmem:s2], $0x80, s13, s16, $0xb8;
	[tilespmem:$0x1FE00] =	vst v63  }
0xa9: {  	s15 =	sadd.s32 s5, s15  }
0xaa: {  	[tilespmem:s14], [sflag:$0x8] =	stream.linear.gather [hbm4b:s15+s3], $0x80, $0x38;
	[tilespmem:$0x1FE00] =	vst v63  }
0xab: {  	_ =	swait.ge [sflag:s22], $0x4000  }
0xac: {  	s15 =	sadd.s32 $0x800, s0;
	[sflag:s22] =	ssyncset.done $0x0  }
0xad: {  	[sflag:s22] =	ssyncadd.s32 $0xFFFFC000  }
0xae: {  	[hbm4b:s15+s3] =	stream.linear.scatter [tilespmem:s20], [sflag:$0x4], $0x4000, $0x38;
	[tilespmem:$0x1FE00] =	vst v63  }
0xaf: {  	_ =	swait.ge [sflag:s18], $0x80  }
0xb0: {  	s15 =	sadd.s32 $0xFFFFFF80, s8;
	[sflag:s18] =	ssyncset.done $0x0  }
0xb1: {  	s26 =	sand.u32 $0x7C00, s15;
	s15 =	sand.u32 $0x380, s15;
	[sflag:s18] =	ssyncadd.s32 $0xFFFFFF80  }
0xb2: {  	s26 =	sadd.s32 s7, s26;
	_ =	swait.ge [sflag:s31], $0x4000  }
0xb3: {  	s15 =	sor.u32 s15, s26;
	[sflag:s31] =	ssyncset.done $0x0  }
0xb4: {  	s15 =	sshrl.u32 s15, $0x3;
	[sflag:s31] =	ssyncadd.s32 $0xFFFFC000  }
0xb5: {  	[tilespmem:s23], [sflag:$0x2] =	stream.indirect.gather [spmem:s2], $0x80, s14, s16, $0xb8;
	[tilespmem:$0x1FE00] =	vst v63  }
0xb6: {  	s15 =	sadd.s32 s5, s15  }
0xb7: {  	[tilespmem:s19], [sflag:$0x9] =	stream.linear.gather [hbm4b:s15+s3], $0x80, $0x38;
	[tilespmem:$0x1FE00] =	vst v63  }
0xb8: {  	_ =	swait.ge [sflag:s28], $0x4000  }
0xb9: {  	s15 =	sadd.s32 $0x1000, s0;
	[sflag:s28] =	ssyncset.done $0x0  }
0xba: {  	[sflag:s28] =	ssyncadd.s32 $0xFFFFC000  }
0xbb: {  	[hbm4b:s15+s3] =	stream.linear.scatter [tilespmem:s23], [sflag:$0x5], $0x4000, $0x38;
	[tilespmem:$0x1FE00] =	vst v63  }
0xbc: {  	_ =	swait.ge [sflag:s29], $0x80  }
0xbd: {  	[sflag:s29] =	ssyncset.done $0x0  }
.Ltmp3:
0xbe: {  	s15 =	sand.u32 $0x7C00, s8;
	[sflag:s29] =	ssyncadd.s32 $0xFFFFFF80;
	(pc) =	sbr.rel @p1 .LBB2_6-.Ltmp3, $4  }
0xbf: {  	s8 =	sand.u32 $0x380, s8;
	s15 =	sadd.s32 s7, s15;
	_ =	swait.ge [sflag:s1], $0x4000  }
0xc0: {  	s8 =	sor.u32 s8, s15;
	[sflag:s1] =	ssyncset.done $0x0  }
0xc1: {  	s8 =	sshrl.u32 s8, $0x3;
	[sflag:s1] =	ssyncadd.s32 $0xFFFFC000  }
0xc2: {  	[tilespmem:s30], [sflag:$0x3] =	stream.indirect.gather [spmem:s2], $0x80, s19, s16, $0xb8;
	[tilespmem:$0x1FE00] =	vst v63  }
.Ltmp4:
0xc3: {  	_ = 	snop;
	(pc) =	sbr.rel .LBB2_7-.Ltmp4, $1  }
0xc4: {  	_ =	sdelay $0x3  }
.LBB2_2:
0xc5: {  	s12 =	rddreg [dreg:$0x4]  }
0xc6: {  	[spmem:s0], [sflag:s8] =	dma.local [hbm:s12], $0x2780  }
0xc7: {  	_ =	swait.ge [sflag:s11], $0x2780  }
0xc8: {  	[sflag:s11] =	ssyncset.done $0x0  }
0xc9: {  	[sflag:s11] =	ssyncadd.s32 $0xFFFFD880  }
0xca: {  	[bflag:$0x0] =	sbarrier.arrive $0xFFFF  }
0xcb: {  	s8 =	rddreg [dreg:$0x5]  }
0xcc: {  	[tilespmem:s13], [sflag:$0x7] =	stream.linear.gather [hbm4b:s8+s3], $0x80, $0x38;
	[tilespmem:$0x1FE00] =	vst v63  }
0xcd: {  	s12 =	rddreg [dreg:$0x6]  }
0xce: {  	[tilespmem:s14], [sflag:$0x8] =	stream.linear.gather [hbm4b:s12+s3], $0x80, $0x38;
	[tilespmem:$0x1FE00] =	vst v63  }
0xcf: {  	_ =	swait.ge [sflag:s17], $0x80  }
0xd0: {  	[sflag:s17] =	ssyncset.done $0x0  }
0xd1: {  	[sflag:s17] =	ssyncadd.s32 $0xFFFFFF80  }
0xd2: {  	[tilespmem:s20], [sflag:$0x1] =	stream.indirect.gather [spmem:s2], $0x80, s13, s16, $0xb8;
	[tilespmem:$0x1FE00] =	vst v63  }
0xd3: {  	_ =	swait.ge [sflag:s22], $0x4000  }
0xd4: {  	[sflag:s22] =	ssyncset.done $0x0  }
0xd5: {  	s15 =	rddreg [dreg:$0x7];
	[sflag:s22] =	ssyncadd.s32 $0xFFFFC000  }
0xd6: {  	[hbm4b:s15+s3] =	stream.linear.scatter [tilespmem:s20], [sflag:$0x4], $0x4000, $0x38;
	[tilespmem:$0x1FE00] =	vst v63  }
0xd7: {  	_ =	swait.ge [sflag:s18], $0x80  }
0xd8: {  	[sflag:s18] =	ssyncset.done $0x0  }
0xd9: {  	[sflag:s18] =	ssyncadd.s32 $0xFFFFFF80  }
0xda: {  	[tilespmem:s23], [sflag:$0x2] =	stream.indirect.gather [spmem:s2], $0x80, s14, s16, $0xb8;
	[tilespmem:$0x1FE00] =	vst v63  }
0xdb: {  	s26 =	rddreg [dreg:$0x16]  }
0xdc: {  	[tilespmem:s19], [sflag:$0x9] =	stream.linear.gather [hbm4b:s26+s3], $0x80, $0x38;
	[tilespmem:$0x1FE00] =	vst v63  }
0xdd: {  	_ =	swait.ge [sflag:s28], $0x4000  }
0xde: {  	[sflag:s28] =	ssyncset.done $0x0  }
0xdf: {  	s8 =	rddreg [dreg:$0x8];
	[sflag:s28] =	ssyncadd.s32 $0xFFFFC000  }
0xe0: {  	[hbm4b:s8+s3] =	stream.linear.scatter [tilespmem:s23], [sflag:$0x5], $0x4000, $0x38;
	[tilespmem:$0x1FE00] =	vst v63  }
0xe1: {  	_ =	swait.ge [sflag:s29], $0x80  }
0xe2: {  	[sflag:s29] =	ssyncset.done $0x0  }
0xe3: {  	[sflag:s29] =	ssyncadd.s32 $0xFFFFFF80  }
0xe4: {  	[tilespmem:s30], [sflag:$0x3] =	stream.indirect.gather [spmem:s2], $0x80, s19, s16, $0xb8;
	[tilespmem:$0x1FE00] =	vst v63  }
0xe5: {  	s12 =	rddreg [dreg:$0x17]  }
0xe6: {  	[tilespmem:s13], [sflag:$0x7] =	stream.linear.gather [hbm4b:s12+s3], $0x80, $0x38;
	[tilespmem:$0x1FE00] =	vst v63  }
0xe7: {  	_ =	swait.ge [sflag:s24], $0x4000  }
0xe8: {  	[sflag:s24] =	ssyncset.done $0x0  }
0xe9: {  	[sflag:s24] =	ssyncadd.s32 $0xFFFFC000  }
0xea: {  	[hbm4b:s21+s3] =	stream.linear.scatter [tilespmem:s30], [sflag:$0x6], $0x4000, $0x38;
	[tilespmem:$0x1FE00] =	vst v63  }
0xeb: {  	_ =	swait.ge [sflag:s17], $0x80  }
0xec: {  	s15 =	simm.s32 $0x200;
	[sflag:s17] =	ssyncset.done $0x0  }
0xed: {  	s26 =	sand.u32 $0x7C00, s15;
	[sflag:s17] =	ssyncadd.s32 $0xFFFFFF80  }
0xee: {  	s0 =	sand.u32 $0x380, s15;
	s8 =	sadd.s32 s7, s26;
	_ =	swait.ge [sflag:s25], $0x4000  }
0xef: {  	s0 =	sor.u32 s0, s8;
	[sflag:s25] =	ssyncset.done $0x0  }
0xf0: {  	s0 =	sshrl.u32 s0, $0x3;
	[sflag:s25] =	ssyncadd.s32 $0xFFFFC000  }
0xf1: {  	[tilespmem:s20], [sflag:$0x1] =	stream.indirect.gather [spmem:s2], $0x80, s13, s16, $0xb8;
	[tilespmem:$0x1FE00] =	vst v63  }
0xf2: {  	s0 =	sadd.s32 s4, s0  }
0xf3: {  	[tilespmem:s14], [sflag:$0x8] =	stream.linear.gather [hbm4b:s0+s3], $0x80, $0x38;
	[tilespmem:$0x1FE00] =	vst v63  }
0xf4: {  	_ =	swait.ge [sflag:s22], $0x4000  }
0xf5: {  	[sflag:s22] =	ssyncset.done $0x0  }
0xf6: {  	s12 =	sadd.s32 $0x800, s21;
	[sflag:s22] =	ssyncadd.s32 $0xFFFFC000  }
0xf7: {  	[hbm4b:s12+s3] =	stream.linear.scatter [tilespmem:s20], [sflag:$0x4], $0x4000, $0x38;
	[tilespmem:$0x1FE00] =	vst v63  }
0xf8: {  	_ =	swait.ge [sflag:s18], $0x80  }
0xf9: {  	s15 =	simm.s32 $0x280;
	[sflag:s18] =	ssyncset.done $0x0  }
0xfa: {  	s26 =	sand.u32 $0x7C00, s15;
	[sflag:s18] =	ssyncadd.s32 $0xFFFFFF80  }
0xfb: {  	s8 =	sadd.s32 s7, s26;
	s0 =	sand.u32 $0x380, s15;
	_ =	swait.ge [sflag:s31], $0x4000  }
0xfc: {  	s0 =	sor.u32 s0, s8;
	[sflag:s31] =	ssyncset.done $0x0  }
0xfd: {  	s0 =	sshrl.u32 s0, $0x3;
	[sflag:s31] =	ssyncadd.s32 $0xFFFFC000  }
0xfe: {  	[tilespmem:s23], [sflag:$0x2] =	stream.indirect.gather [spmem:s2], $0x80, s14, s16, $0xb8;
	[tilespmem:$0x1FE00] =	vst v63  }
0xff: {  	s0 =	sadd.s32 s4, s0  }
0x100: {  	[tilespmem:s19], [sflag:$0x9] =	stream.linear.gather [hbm4b:s0+s3], $0x80, $0x38;
	[tilespmem:$0x1FE00] =	vst v63  }
0x101: {  	_ =	swait.ge [sflag:s28], $0x4000  }
0x102: {  	[sflag:s28] =	ssyncset.done $0x0  }
0x103: {  	s12 =	sadd.s32 $0x1000, s21;
	[sflag:s28] =	ssyncadd.s32 $0xFFFFC000  }
0x104: {  	[hbm4b:s12+s3] =	stream.linear.scatter [tilespmem:s23], [sflag:$0x5], $0x4000, $0x38;
	[tilespmem:$0x1FE00] =	vst v63  }
0x105: {  	s15 =	simm.s32 $0x300;
	_ =	swait.ge [sflag:s29], $0x80  }
0x106: {  	s26 =	sand.u32 $0x7C00, s15;
	[sflag:s29] =	ssyncset.done $0x0  }
0x107: {  	s8 =	sadd.s32 s7, s26;
	s0 =	sand.u32 $0x380, s15;
	[sflag:s29] =	ssyncadd.s32 $0xFFFFFF80  }
0x108: {  	s0 =	sor.u32 s0, s8;
	_ =	swait.ge [sflag:s1], $0x4000  }
0x109: {  	s8 =	sshrl.u32 s0, $0x3;
	[sflag:s1] =	ssyncset.done $0x0  }
0x10a: {  	s0 =	smov.u32 s21;
	s12 =	simm.s32 $0x480;
	[sflag:s1] =	ssyncadd.s32 $0xFFFFC000  }
0x10b: {  	[tilespmem:s30], [sflag:$0x3] =	stream.indirect.gather [spmem:s2], $0x80, s19, s16, $0xb8;
	[tilespmem:$0x1FE00] =	vst v63  }
.LBB2_3:
0x10c: {  	p1 =	seq.s32 s12, $0x2700;
	s8 =	sadd.s32 s4, s8;
	s0 =	sadd.s32 $0x1800, s0  }
0x10d: {  	[tilespmem:s13], [sflag:$0x7] =	stream.linear.gather [hbm4b:s8+s3], $0x80, $0x38;
	[tilespmem:$0x1FE00] =	vst v63  }
0x10e: {  	s8 =	smov.u32 s12;
	s12 =	sadd.s32 $0x180, s12;
	_ =	swait.ge [sflag:s24], $0x4000  }
0x10f: {  	[sflag:s24] =	ssyncset.done $0x0  }
0x110: {  	[sflag:s24] =	ssyncadd.s32 $0xFFFFC000  }
0x111: {  	[hbm4b:s0+s3] =	stream.linear.scatter [tilespmem:s30], [sflag:$0x6], $0x4000, $0x38;
	[tilespmem:$0x1FE00] =	vst v63  }
0x112: {  	_ =	swait.ge [sflag:s17], $0x80  }
0x113: {  	s15 =	sadd.s32 $0xFFFFFF00, s8;
	[sflag:s17] =	ssyncset.done $0x0  }
0x114: {  	s26 =	sand.u32 $0x7C00, s15;
	s15 =	sand.u32 $0x380, s15;
	[sflag:s17] =	ssyncadd.s32 $0xFFFFFF80  }
0x115: {  	s26 =	sadd.s32 s7, s26;
	_ =	swait.ge [sflag:s25], $0x4000  }
0x116: {  	s15 =	sor.u32 s15, s26;
	[sflag:s25] =	ssyncset.done $0x0  }
0x117: {  	s15 =	sshrl.u32 s15, $0x3;
	[sflag:s25] =	ssyncadd.s32 $0xFFFFC000  }
0x118: {  	[tilespmem:s20], [sflag:$0x1] =	stream.indirect.gather [spmem:s2], $0x80, s13, s16, $0xb8;
	[tilespmem:$0x1FE00] =	vst v63  }
0x119: {  	s15 =	sadd.s32 s4, s15  }
0x11a: {  	[tilespmem:s14], [sflag:$0x8] =	stream.linear.gather [hbm4b:s15+s3], $0x80, $0x38;
	[tilespmem:$0x1FE00] =	vst v63  }
0x11b: {  	_ =	swait.ge [sflag:s22], $0x4000  }
0x11c: {  	s15 =	sadd.s32 $0x800, s0;
	[sflag:s22] =	ssyncset.done $0x0  }
0x11d: {  	[sflag:s22] =	ssyncadd.s32 $0xFFFFC000  }
0x11e: {  	[hbm4b:s15+s3] =	stream.linear.scatter [tilespmem:s20], [sflag:$0x4], $0x4000, $0x38;
	[tilespmem:$0x1FE00] =	vst v63  }
0x11f: {  	_ =	swait.ge [sflag:s18], $0x80  }
0x120: {  	s15 =	sadd.s32 $0xFFFFFF80, s8;
	[sflag:s18] =	ssyncset.done $0x0  }
0x121: {  	s26 =	sand.u32 $0x7C00, s15;
	s15 =	sand.u32 $0x380, s15;
	[sflag:s18] =	ssyncadd.s32 $0xFFFFFF80  }
0x122: {  	s26 =	sadd.s32 s7, s26;
	_ =	swait.ge [sflag:s31], $0x4000  }
0x123: {  	s15 =	sor.u32 s15, s26;
	[sflag:s31] =	ssyncset.done $0x0  }
0x124: {  	s15 =	sshrl.u32 s15, $0x3;
	[sflag:s31] =	ssyncadd.s32 $0xFFFFC000  }
0x125: {  	[tilespmem:s23], [sflag:$0x2] =	stream.indirect.gather [spmem:s2], $0x80, s14, s16, $0xb8;
	[tilespmem:$0x1FE00] =	vst v63  }
0x126: {  	s15 =	sadd.s32 s4, s15  }
0x127: {  	[tilespmem:s19], [sflag:$0x9] =	stream.linear.gather [hbm4b:s15+s3], $0x80, $0x38;
	[tilespmem:$0x1FE00] =	vst v63  }
0x128: {  	_ =	swait.ge [sflag:s28], $0x4000  }
0x129: {  	s15 =	sadd.s32 $0x1000, s0;
	[sflag:s28] =	ssyncset.done $0x0  }
0x12a: {  	[sflag:s28] =	ssyncadd.s32 $0xFFFFC000  }
0x12b: {  	[hbm4b:s15+s3] =	stream.linear.scatter [tilespmem:s23], [sflag:$0x5], $0x4000, $0x38;
	[tilespmem:$0x1FE00] =	vst v63  }
0x12c: {  	_ =	swait.ge [sflag:s29], $0x80  }
0x12d: {  	[sflag:s29] =	ssyncset.done $0x0  }
.Ltmp5:
0x12e: {  	s15 =	sand.u32 $0x7C00, s8;
	[sflag:s29] =	ssyncadd.s32 $0xFFFFFF80;
	(pc) =	sbr.rel @!p1 .LBB2_3-.Ltmp5, $4  }
0x12f: {  	s8 =	sand.u32 $0x380, s8;
	s15 =	sadd.s32 s7, s15;
	_ =	swait.ge [sflag:s1], $0x4000  }
0x130: {  	s8 =	sor.u32 s8, s15;
	[sflag:s1] =	ssyncset.done $0x0  }
0x131: {  	s8 =	sshrl.u32 s8, $0x3;
	[sflag:s1] =	ssyncadd.s32 $0xFFFFC000  }
0x132: {  	[tilespmem:s30], [sflag:$0x3] =	stream.indirect.gather [spmem:s2], $0x80, s19, s16, $0xb8;
	[tilespmem:$0x1FE00] =	vst v63  }
.Ltmp6:
0x133: {  	(pc) =	sbr.rel .LBB2_8-.Ltmp6, $4  }
0x134: {  	s15 =	rddreg [dreg:$0x9]  }
0x135: {  	s0 =	sadd.s32 s4, s8;
	s8 =	rddreg [dreg:$0xb]  }
0x136: {  	[tilespmem:s13], [sflag:$0x7] =	stream.linear.gather [hbm4b:s0+s3], $0x80, $0x38;
	[tilespmem:$0x1FE00] =	vst v63  }
0x137: {  	s12 =	smov.u32 s4;
	s0 =	rddreg [dreg:$0xe]  }
.LBB2_9:
0x138: {  	_ =	sfence.sel $0x180000  }
0x139: {  	[bflag:$0x0] =	sbarrier.arrive $0xFFFF  }
0x13a: {  	_ =	strace $0x9000004A  }
0x13b: {  	s0 =	stileid.u32;
	[bflag:$0x2] =	sbarrier.arrive $0xFFFF  }
0x13c: {  	p0 =	sne.s32 s0, $0x0;
	s0 =	rddreg [dreg:$0x2]  }
0x13d: {  	s0 =	sadd.s32 @!p0 $0x100000, s0  }
0x13e: {  	[sflag:s0] =	ssyncadd.tile.s32 @!p0 $0x1;
	_ =	shalt  }
.Lfunc_end2:
_tile_overlayer_lowered:
.L_overlay_start_2:
0x13f: {  	(tag) =	ssettag $0x2  }
0x140: {  	s0 =	rddreg [dreg:$0x0];
	s2 =	stileid.u32  }
0x141: {  	s1 =	rddreg [dreg:$0x1];
	p0 =	sne.s32 s2, $0x0  }
0x142: {  	s3 =	rddreg [dreg:$0x2];
	[bflag:$0x3] =	sbarrier.arrive $0xFFFF;
	s2 =	simm.s32 @!p0 $0x1C0A  }
0x143: {  	[timem:s3], [sflag:s2] =	dma.local @!p0 [hbm:s0], s1  }
0x144: {  	s0 =	simm.s32 @!p0 $0xA  }
0x145: {  	_ =	swait.ge @!p0 [sflag:s0], s1  }
0x146: {  	s1 =	ssub.s32 @!p0 $0x0, s1;
	[sflag:s0] =	ssyncset.done @!p0 $0x0  }
0x147: {  	[sflag:s0] =	ssyncadd.s32 @!p0 s1  }
0x148: {  	[bflag:$0x3] =	sbarrier.arrive $0xFFFF  }
0x149: {  	_ =	shalt  }

// kernel: kernel.13.cloned.1.call-start
scs
__scs_entry_jumppad:
0x0: {  	(pc) =	sbr.rel $0x88, $3  }
0x1: {  	(tag) =	ssettag $0x0;
	lr =	simm.s32 $0x1  }
0x2: {  	[smem:$0x3F96] =	sst lr;
	_ =	strace $0xD0000000  }
0x3: {  	_ = 	snop  }
0x4: {  	_ = 	snop  }
0x5: {  	_ = 	snop  }
0x6: {  	_ = 	snop  }
0x7: {  	_ = 	snop  }
__scs_overlays_trampoline_lowered:
0x8: {  	[smem:$0x3FA5] =	sst s0  }
0x9: {  	[smem:$0x3FA6] =	sst s1  }
0xa: {  	[smem:$0x3FA7] =	sst s2  }
0xb: {  	[smem:$0x3FA8] =	sst s3  }
0xc: {  	[smem:$0x3FA9] =	sst s4  }
0xd: {  	[smem:$0x3FAA] =	sst s5  }
0xe: {  	[smem:$0x3FAB] =	sst s6  }
0xf: {  	[smem:$0x3FAC] =	sst s7  }
0x10: {  	[smem:$0x3FAD] =	sst s8  }
0x11: {  	[smem:$0x3FAE] =	sst s9;
	s0 =	simm.s32 @!p0 $0x0  }
0x12: {  	s1 =	sld [smem:$0x3F94];
	s0 =	simm.s32 @p0 $0x1  }
0x13: {  	[smem:$0x3FAF] =	sst s0;
	s0 =	simm.s32 @!p1 $0x0  }
0x14: {  	s2 =	sld [smem:$0x3F93];
	s0 =	simm.s32 @p1 $0x1  }
0x15: {  	[smem:$0x3FB0] =	sst s0;
	s0 =	simm.s32 @!p2 $0x0  }
0x16: {  	s3 =	sld [smem:$0x3FDB];
	s0 =	simm.s32 @p2 $0x1  }
0x17: {  	s4 =	simm.s32 $0x1BF5;
	[smem:$0x3FB2] =	sst s0  }
0x18: {  	s0 =	sld [smem:$0x3F95];
	_ =	swait.ge [sflag:s4], $0x0  }
0x19: {  	s7 =	sld [smem:$0x3F96]  }
0x1a: {  	s8 =	sadd.s32 $0xFFFFE003, lr  }
0x1b: {  	s9 =	sadd.s32 $0xFFFFFEF7, lr;
	s5 =	simm.s32 $0xFFFFFFFF;
	p2 =	slt.u32 s8, $0xFFFFF086  }
0x1c: {  	p1 =	slt.u32 s9, $0xF7A;
	s5 =	simm.s32 @!p2 $0x0  }
0x1d: {  	s5 =	simm.s32 @p1 $0x1;
	p0 =	seq.s32 s7, s2  }
0x1e: {  	s7 =	smul.u32 @!p0 $0xF7A, s2;
	p2 =	seq.s32 @!p0 s5, $0x0  }
0x1f: {  	s9 =	smul.u32 $0xF7A, s1;
	s8 =	simm.s32 @!p0 $0x1BF5;
	p2 =	por !p2, p0  }
0x20: {  	[sflag:s8] =	ssyncset.s32 @!p0 $0xFFFFF086;
	s6 =	sadd.s32 @!p0 s3, s7;
	s7 =	simm.s32 @!p0 $0x108  }
0x21: {  	s3 =	sadd.s32 s3, s9;
	s6 =	sadd.s32 @!p0 $0x88, s6;
	s7 =	simm.s32 @p2 $0x1082  }
0x22: {  	[simem:s7], [sflag:s8] =	dma.local @!p0 [hbm:s6], $0xF7A  }
0x23: {  	s9 =	sor.u32 $0xD0000000, s2;
	s6 =	simm.s32 $0x108;
	_ =	swait.ge @!p0 [sflag:s8], $0x0  }
0x24: {  	s3 =	sadd.s32 $0x88, s3;
	s6 =	simm.s32 @!p1 $0x1082;
	[sflag:s4] =	ssyncset.s32 $0xFFFFF086  }
0x25: {  	[simem:s6], [sflag:s4] =	dma.local [hbm:s3], $0xF7A  }
0x26: {  	[smem:$0x3F96] =	sst s1;
	(tag) =	ssettag s2;
	_ =	strace s9  }
0x27: {  	s1 =	sld [smem:$0x3FA6]  }
0x28: {  	s2 =	sld [smem:$0x3FA7]  }
0x29: {  	s4 =	sld [smem:$0x3FA9]  }
0x2a: {  	p0 =	seq.s32 s5, $0x0;
	s5 =	sld [smem:$0x3FAA]  }
0x2b: {  	s6 =	sld [smem:$0x3FAB]  }
0x2c: {  	s7 =	sld [smem:$0x3FAC]  }
0x2d: {  	s3 =	simm.s32 $0x108;
	s8 =	sld [smem:$0x3FAD]  }
0x2e: {  	s3 =	simm.s32 @!p0 $0x1082;
	s9 =	sld [smem:$0x3FAE]  }
0x2f: {  	lr =	sadd.s32 s0, s3;
	s0 =	sld [smem:$0x3FA5]  }
0x30: {  	s3 =	sld [smem:$0x3FA8]  }
0x31: {  	[smem:$0x3FB1] =	sst s10  }
0x32: {  	s10 =	sld [smem:$0x3FAF];
	_ =	sdelay $0x3  }
0x33: {  	p0 =	seq.s32 s10, $0x1;
	s10 =	sld [smem:$0x3FB1];
	_ =	sdelay $0x3  }
0x34: {  	[smem:$0x3FB1] =	sst s10  }
0x35: {  	s10 =	sld [smem:$0x3FB0];
	_ =	sdelay $0x3  }
0x36: {  	p1 =	seq.s32 s10, $0x1;
	s10 =	sld [smem:$0x3FB1];
	_ =	sdelay $0x3  }
0x37: {  	[smem:$0x3FB1] =	sst s10  }
0x38: {  	s10 =	sld [smem:$0x3FB2]  }
0x39: {  	_ = 	snop;
	(pc) =	sbr.ind lr, $3  }
0x3a: {  	_ = 	snop  }
0x3b: {  	_ = 	snop  }
0x3c: {  	p2 =	seq.s32 s10, $0x1;
	s10 =	sld [smem:$0x3FB1]  }
0x3d: {  	_ =	shalt  }
0x3e: {  	_ =	shalt  }
0x3f: {  	_ =	shalt  }
0x40: {  	_ =	shalt  }
0x41: {  	_ =	shalt  }
0x42: {  	_ =	shalt  }
0x43: {  	_ =	shalt  }
0x44: {  	_ =	shalt  }
0x45: {  	_ =	shalt  }
0x46: {  	_ =	shalt  }
0x47: {  	_ =	shalt  }
0x48: {  	_ =	shalt  }
0x49: {  	_ =	shalt  }
0x4a: {  	_ =	shalt  }
0x4b: {  	_ =	shalt  }
0x4c: {  	_ =	shalt  }
0x4d: {  	_ =	shalt  }
0x4e: {  	_ =	shalt  }
0x4f: {  	_ =	shalt  }
0x50: {  	_ =	shalt  }
0x51: {  	_ =	shalt  }
0x52: {  	_ =	shalt  }
0x53: {  	_ =	shalt  }
0x54: {  	_ =	shalt  }
0x55: {  	_ =	shalt  }
0x56: {  	_ =	shalt  }
0x57: {  	_ =	shalt  }
0x58: {  	_ =	shalt  }
0x59: {  	_ =	shalt  }
0x5a: {  	_ =	shalt  }
0x5b: {  	_ =	shalt  }
0x5c: {  	_ =	shalt  }
0x5d: {  	_ =	shalt  }
0x5e: {  	_ =	shalt  }
0x5f: {  	_ =	shalt  }
0x60: {  	_ =	shalt  }
0x61: {  	_ =	shalt  }
0x62: {  	_ =	shalt  }
0x63: {  	_ =	shalt  }
0x64: {  	_ =	shalt  }
0x65: {  	_ =	shalt  }
0x66: {  	_ =	shalt  }
0x67: {  	_ =	shalt  }
0x68: {  	_ =	shalt  }
0x69: {  	_ =	shalt  }
0x6a: {  	_ =	shalt  }
0x6b: {  	_ =	shalt  }
0x6c: {  	_ =	shalt  }
0x6d: {  	_ =	shalt  }
0x6e: {  	_ =	shalt  }
0x6f: {  	_ =	shalt  }
0x70: {  	_ =	shalt  }
0x71: {  	_ =	shalt  }
0x72: {  	_ =	shalt  }
0x73: {  	_ =	shalt  }
0x74: {  	_ =	shalt  }
0x75: {  	_ =	shalt  }
0x76: {  	_ =	shalt  }
0x77: {  	_ =	shalt  }
0x78: {  	_ =	shalt  }
0x79: {  	_ =	shalt  }
0x7a: {  	_ =	shalt  }
0x7b: {  	_ =	shalt  }
0x7c: {  	_ =	shalt  }
0x7d: {  	_ =	shalt  }
0x7e: {  	_ =	shalt  }
0x7f: {  	_ =	shalt  }
0x80: {  	_ =	shalt  }
0x81: {  	_ =	shalt  }
0x82: {  	_ =	shalt  }
0x83: {  	_ =	shalt  }
0x84: {  	_ =	shalt  }
0x85: {  	_ =	shalt  }
0x86: {  	_ =	shalt  }
0x87: {  	_ =	shalt  }
.Lfunc_end0:
.L_simem_size_0:
called_computation.1_lowered:
.L_overlay_start_0:
0x88: {  	s2 =	sld [smem:$0x3FD9]  }
0x89: {  	s3 =	sld [smem:$0x3FFE];
	_ =	sdelay $0x1  }
0x8a: {  	s1 =	srdreg.scid  }
0x8b: {  	s0 =	sand.u32 $0x1, s1  }
0x8c: {  	s17 =	sshll.u32 s0, $0xA;
	s2 =	sadd.s32 s3, s2  }
0x8d: {  	s2 =	sadd.s32 s2, s17  }
0x8e: {  	[smem:$0x3FBD] =	sst s2  }
0x8f: {  	_ = 	snop  }
0x90: {  	(tm) =	ssettm $0x1  }
0x91: {  	s18 =	sld [smem:$0x3FFB];
	_ =	sdelay $0x3  }
0x92: {  	_ =	strace s18  }
0x93: {  	s2 =	sld [smem:$0x3FFC];
	_ =	sdelay $0x3  }
0x94: {  	_ =	strace s2  }
0x95: {  	s2 =	sld [smem:$0x3FFD];
	_ =	sdelay $0x3  }
0x96: {  	_ =	strace s2  }
0x97: {  	_ =	strace $0x8FFFFFFF  }
0x98: {  	s19 =	sld [smem:$0x3FDB];
	_ =	sdelay $0x1  }
0x99: {  	s20 =	simm.s32 $_scs_section_size  }
0x9a: {  	s4 =	simm.s32 $_size__tile_overlayer_lowered;
	s5 =	simm.s32 $_tile_overlayer_lowered  }
0x9b: {  	s6 =	simm.s32 $0x1BFF;
	s21 =	sshll.u32 s5, $0x1;
	s3 =	sadd.s32 s20, s19  }
0x9c: {  	s22 =	simm.s32 $0x0;
	s4 =	sshll.u32 s4, $0x1;
	s5 =	sadd.s32 s21, s3  }
0x9d: {  	[timem:s22], [sflag:s6] =	dma.local [hbm:s5], s4  }
0x9e: {  	_ =	swait.ge [sflag:s6], s4  }
0x9f: {  	s4 =	ssub.s32 $0x0, s4;
	[sflag:s6] =	ssyncset.done $0x0  }
0xa0: {  	[sflag:s6] =	ssyncadd.s32 s4;
	_ =	sdelay $0x1  }
0xa1: {  	s23 =	simm.s32 $0x1B8B  }
0xa2: {  	_ =	swait.ge [sflag:s23], $0x1  }
0xa3: {  	[sflag:s23] =	ssyncset.done $0x0  }
0xa4: {  	[sflag:s23] =	ssyncadd.s32 $0xFFFFFFFF  }
0xa5: {  	s4 =	sld [smem:$0x0]  }
0xa6: {  	s5 =	sand.u32 $0xFFFFFFFE, s1  }
0xa7: {  	p0 =	sne.s32 s1, s5  }
0xa8: {  	s5 =	sshll.u32 @p0 s5, $0xE  }
0xa9: {  	s5 =	sadd.s32 @p0 $0x11B8D, s5;
	s6 =	sshll.u32 @p0 s4, $0x11  }
0xaa: {  	s5 =	sor.u32 @p0 s6, s5  }
0xab: {  	[sflag:s5] =	ssyncadd.remote.s32 @p0 $0x1;
	_ =	sdelay $0x1  }
0xac: {  	s5 =	simm.s32 @p0 $0x1B8D  }
0xad: {  	_ =	swait.eq @p0 [sflag:s5], $0x1  }
0xae: {  	[sflag:s5] =	ssyncadd.s32 @p0 $0xFFFFFFFF  }
0xaf: {  	s6 =	sshll.u32 @!p0 s1, $0xE  }
0xb0: {  	s6 =	sor.u32 @!p0 $0x4000, s6;
	s5 =	simm.s32 @!p0 $0x1B8D  }
0xb1: {  	s4 =	sshll.u32 @!p0 s4, $0x11;
	s6 =	sadd.s32 @!p0 $0x11B8D, s6;
	_ =	swait.eq @!p0 [sflag:s5], $0x1  }
0xb2: {  	s4 =	sor.u32 @!p0 s4, s6;
	[sflag:s5] =	ssyncadd.s32 @!p0 $0xFFFFFFFF  }
0xb3: {  	s25 =	simm.s32 $0x1B8E;
	s24 =	sld [smem:$0x3FFE];
	[sflag:s4] =	ssyncadd.remote.s32 @!p0 $0x1  }
0xb4: {  	s26 =	simm.s32 $execute0_lowered;
	[smem:$0x3FD2] =	sst s25  }
0xb5: {  	s5 =	sshll.u32 s26, $0x1;
	_ =	strace $0x8000004F;
	[dreg:$0x1] =	wrdreg $0xFFFFFFFF  }
0xb6: {  	s28 =	simm.s32 $_size_execute0_lowered;
	s3 =	sadd.s32 s3, s5;
	[dreg:$0x0] =	wrdreg $0x0  }
0xb7: {  	s5 =	sshll.u32 s28, $0x1;
	[dreg:$0x2] =	wrdreg s3  }
0xb8: {  	[dreg:$0x3] =	wrdreg s5  }
0xb9: {  	[dreg:$0x4] =	wrdreg $0xC0  }
0xba: {  	_ =	task [dreg:s22], $0x5FFFF  }
0xbb: {  	[dreg:$0x1] =	wrdreg $0xFFFFFFFF  }
0xbc: {  	[dreg:$0x0] =	wrdreg $0x60  }
0xbd: {  	[dreg:$0x2] =	wrdreg s24  }
0xbe: {  	[dreg:$0x3] =	wrdreg $0x94000  }
0xbf: {  	[dreg:$0x4] =	wrdreg $0x9  }
0xc0: {  	_ =	task.clear_ibuf [dreg:s22], $0x5FFFF;
	_ =	strace $0x9000004F  }
0xc1: {  	s29 =	simm.s32 $0x9;
	_ =	strace $0x80000051  }
0xc2: {  	_ =	swait.ge [sflag:s29], $0x1  }
0xc3: {  	[sflag:s29] =	ssyncadd.s32 $0xFFFFFFFF  }
0xc4: {  	_ =	strace $0x90000051  }
0xc5: {  	_ =	sfence  }
0xc6: {  	s30 =	sld [smem:$0x0];
	_ =	sdelay $0x2  }
0xc7: {  	s31 =	sshll.u32 s1, $0xD;
	s1 =	sshrl.u32 s1, $0x2  }
0xc8: {  	s4 =	sand.u32 $0x4000, s31;
	s1 =	sadd.s32 s1, s30  }
0xc9: {  	s0 =	sor.u32 s4, s0;
	s1 =	sshll.u32 s1, $0x11  }
0xca: {  	s0 =	sor.u32 s1, s0  }
0xcb: {  	s0 =	sadd.s32 $0x8F2B, s0  }
0xcc: {  	[sflag:s0] =	ssyncadd.remote.s32 $0x1  }
0xcd: {  	_ =	sfence.sel $0xFFFF  }
0xce: {  	[dreg:$0x0] =	wrdreg $0xFFFFFFFF;
	(pc) =	sbr.abs _section_cstart, $3  }
0xcf: {  	[dreg:$0x1] =	wrdreg $0xFFFFFFFF  }
0xd0: {  	_ =	task.clear_ibuf [dreg:s22], $0x2FFFF;
	_ =	strace $0x9FFFFFFF  }
0xd1: {  	(tm) =	ssettm $0x7FFFFFFF  }
tec
execute0_lowered:
.L_overlay_start_1:
0x0: {  	(tag) =	ssettag $0x1  }
0x1: {  	s1 =	srdreg.scid  }
0x2: {  	s0 =	stileid.u32;
	s4 =	rddreg [dreg:$0x0]  }
0x3: {  	s2 =	rddreg [dreg:$0x1];
	s3 =	simm.s32 $0x0;
	s17 =	simm.s32 $0x1  }
0x4: {  	s18 =	simm.s32 $0x5400;
	s19 =	simm.s32 $0x80;
	s20 =	simm.s32 $0x2  }
0x5: {  	s21 =	simm.s32 $0x3;
	s22 =	simm.s32 $0x4;
	s8 =	smul.u32 $0x14000, s0  }
0x6: {  	s23 =	simm.s32 $0x1380;
	s9 =	sand.u32 $0x1, s1;
	s25 =	smul.u32 $0x50000, s0  }
0x7: {  	s24 =	sshll.u32 s0, $0x1;
	s1 =	rddreg [dreg:$0x2];
	s15 =	smul.u32 $0x28000, s0  }
0x8: {  	[smem:$0x7FF] =	sst s3;
	s11 =	sadd.s32 $0xD36800, s4;
	s7 =	smul.u32 $0x140000, s9  }
0x9: {  	s5 =	sor.u32 s9, s24;
	_ =	strace $0x80000050;
	s16 =	smul.u32 $0x14000, s9  }
0xa: {  	s28 =	ssub.s32 $0x2, s9;
	s24 =	simm.s32 $0x0;
	s6 =	smul.u32 $0x1400, s5  }
0xb: {  	s29 =	sshrl.u32 s28, $0x1;
	s30 =	sshrl.u32 s25, $0x2;
	s14 =	smul.u32 $0x14000, s5  }
0xc: {  	s31 =	sadd.s32 s15, s11;
	s15 =	simm.s32 $0x1400;
	s7 =	sadd.s32 s8, s7  }
0xd: {  	s13 =	ssub.s32 s28, s29;
	s6 =	sshrl.u32 s6, $0x3;
	s26 =	sshrl.u32 s7, $0x3  }
0xe: {  	s10 =	sadd.s32 s6, s4;
	s12 =	sadd.s32 s26, s4;
	s4 =	sadd.s32 s30, s2  }
0xf: {  	s13 =	smax.u32 s13, $0x1;
	s5 =	sadd.s32 $0x4000, s4;
	s6 =	sadd.s32 $0x8000, s4  }
0x10: {  	s7 =	sadd.s32 $0xC000, s4;
	s8 =	sadd.s32 $0x10000, s4;
	s9 =	sadd.s32 $0x561800, s10  }
0x11: {  	s10 =	sadd.s32 s11, s14;
	s12 =	sadd.s32 $0x566800, s12;
	s14 =	sadd.s32 s16, s31  }
0x12: {  	v0 =	vimm.f32 $0.0e+00;
	s16 =	simm.s32 $0x5;
	s11 =	sadd.s32 $0x800, s10;
	s14 =	sadd.s32 $0x1800, s14  }
.LBB2_1:
0x13: {  	s25 =	simm.s32 $0x0;
	s26 =	simm.s32 $0x200  }
.LBB2_2:
0x14: {  	p0 =	sne.s32 s26, $0xFE00;
	[tilespmem:s25+$0x1470] =	vst v0  }
0x15: {  	[tilespmem:s25+$0x1400] =	vst v0  }
0x16: {  	[tilespmem:s25+$0x1410] =	vst v0  }
.Ltmp0:
0x17: {  	[tilespmem:s25+$0x1420] =	vst v0;
	(pc) =	sbr.rel @p0 .LBB2_2-.Ltmp0, $4  }
0x18: {  	[tilespmem:s25+$0x1430] =	vst v0  }
0x19: {  	[tilespmem:s25+$0x1440] =	vst v0  }
0x1a: {  	[tilespmem:s25+$0x1450] =	vst v0  }
0x1b: {  	[tilespmem:s25+$0x1460] =	vst v0;
	s25 =	sshra.s32 s26, $0x2;
	s26 =	sadd.s32 $0x200, s26  }
0x1c: {  	[tilespmem:s25+$0x1470] =	vst v0  }
0x1d: {  	[tilespmem:s25+$0x1400] =	vst v0  }
0x1e: {  	[tilespmem:s25+$0x1410] =	vst v0  }
0x1f: {  	[tilespmem:s25+$0x1420] =	vst v0  }
0x20: {  	[tilespmem:s25+$0x1430] =	vst v0  }
0x21: {  	[tilespmem:s25+$0x1440] =	vst v0  }
0x22: {  	[tilespmem:s25+$0x1450] =	vst v0  }
0x23: {  	[tilespmem:s25+$0x1460] =	vst v0  }
0x24: {  	[spmem:s4] =	stream.linear.scatter [tilespmem:s15], [sflag:$0x5], $0x4000, $0x38;
	[tilespmem:$0x1D400] =	vst v63  }
0x25: {  	_ =	swait.ge [sflag:s16], $0x4000  }
0x26: {  	[sflag:s16] =	ssyncset.done $0x0  }
0x27: {  	[sflag:s16] =	ssyncadd.s32 $0xFFFFC000  }
0x28: {  	[spmem:s5] =	stream.linear.scatter [tilespmem:s15], [sflag:$0x5], $0x4000, $0x38;
	[tilespmem:$0x1D400] =	vst v63  }
0x29: {  	_ =	swait.ge [sflag:s16], $0x4000  }
0x2a: {  	[sflag:s16] =	ssyncset.done $0x0  }
0x2b: {  	[sflag:s16] =	ssyncadd.s32 $0xFFFFC000  }
0x2c: {  	[spmem:s6] =	stream.linear.scatter [tilespmem:s15], [sflag:$0x5], $0x4000, $0x38;
	[tilespmem:$0x1D400] =	vst v63  }
0x2d: {  	_ =	swait.ge [sflag:s16], $0x4000  }
0x2e: {  	[sflag:s16] =	ssyncset.done $0x0  }
0x2f: {  	[sflag:s16] =	ssyncadd.s32 $0xFFFFC000  }
0x30: {  	[spmem:s7] =	stream.linear.scatter [tilespmem:s15], [sflag:$0x5], $0x4000, $0x38;
	[tilespmem:$0x1D400] =	vst v63  }
0x31: {  	_ =	swait.ge [sflag:s16], $0x4000  }
0x32: {  	[sflag:s16] =	ssyncset.done $0x0  }
0x33: {  	[sflag:s16] =	ssyncadd.s32 $0xFFFFC000  }
0x34: {  	[spmem:s8] =	stream.linear.scatter [tilespmem:s15], [sflag:$0x5], $0x4000, $0x38;
	[tilespmem:$0x1D400] =	vst v63  }
0x35: {  	_ =	swait.ge [sflag:s16], $0x4000  }
0x36: {  	[sflag:s16] =	ssyncset.done $0x0  }
0x37: {  	[sflag:s16] =	ssyncadd.s32 $0xFFFFC000  }
0x38: {  	s29 =	simm.s32 $0x0;
	[bflag:$0x0] =	sbarrier.arrive $0xFFFF  }
0x39: {  	[tilespmem:s29], [sflag:$0x5] =	stream.linear.gather [hbm4b:s9+s29], $0x1400, $0x38;
	[tilespmem:$0x1D400] =	vst v63  }
0x3a: {  	_ =	swait.ge [sflag:s16], $0x1400  }
0x3b: {  	[sflag:s16] =	ssyncset.done $0x0  }
0x3c: {  	[sflag:s16] =	ssyncadd.s32 $0xFFFFEC00  }
0x3d: {  	[tilespmem:s15], [sflag:$0x1] =	stream.linear.gather [hbm4b:s10+s29], $0x4000, $0x38;
	[tilespmem:$0x1D400] =	vst v63  }
0x3e: {  	_ =	swait.ge [sflag:s17], $0x4000  }
0x3f: {  	[sflag:s17] =	ssyncset.done $0x0  }
0x40: {  	[sflag:s17] =	ssyncadd.s32 $0xFFFFC000  }
0x41: {  	[tilespmem:s18], [sflag:$0x2] =	stream.linear.gather [hbm4b:s11+s29], $0x4000, $0x38;
	[tilespmem:$0x1D400] =	vst v63  }
0x42: {  	_ = 	snop  }
0x43: {  	[spmem:s2] =	stream.indirect.scatter.add.f32 [tilespmem:s15], [sflag:$0x3], $0x80, s29, s19, $0xb8;
	[tilespmem:$0x1D400] =	vst v63  }
0x44: {  	_ =	swait.ge [sflag:s20], $0x4000  }
0x45: {  	[sflag:s20] =	ssyncset.done $0x0  }
0x46: {  	[sflag:s20] =	ssyncadd.s32 $0xFFFFC000  }
0x47: {  	_ =	swait.ge [sflag:s21], $0x4000  }
0x48: {  	[sflag:s21] =	ssyncset.done $0x0  }
0x49: {  	s30 =	sadd.s32 $0xFFFFF800, s14;
	[sflag:s21] =	ssyncadd.s32 $0xFFFFC000  }
0x4a: {  	[tilespmem:s15], [sflag:$0x1] =	stream.linear.gather [hbm4b:s30+s3], $0x4000, $0x38;
	[tilespmem:$0x1D400] =	vst v63  }
0x4b: {  	s31 =	simm.s32 $0x80  }
0x4c: {  	[spmem:s2] =	stream.indirect.scatter.add.f32 [tilespmem:s18], [sflag:$0x4], $0x80, s31, s19, $0xb8;
	[tilespmem:$0x1D400] =	vst v63  }
0x4d: {  	_ =	swait.ge [sflag:s17], $0x4000  }
0x4e: {  	[sflag:s17] =	ssyncset.done $0x0  }
0x4f: {  	[sflag:s17] =	ssyncadd.s32 $0xFFFFC000  }
0x50: {  	_ =	swait.ge [sflag:s22], $0x4000  }
0x51: {  	s25 =	simm.s32 $0x400;
	[sflag:s22] =	ssyncset.done $0x0  }
0x52: {  	s28 =	simm.s32 $0x100;
	s26 =	sadd.s32 $0x1000, s14;
	[sflag:s22] =	ssyncadd.s32 $0xFFFFC000  }
0x53: {  	[tilespmem:s18], [sflag:$0x2] =	stream.linear.gather [hbm4b:s14+s3], $0x4000, $0x38;
	[tilespmem:$0x1D400] =	vst v63  }
.LBB2_4:
0x54: {  	[spmem:s2] =	stream.indirect.scatter.add.f32 [tilespmem:s15], [sflag:$0x3], $0x80, s28, s19, $0xb8;
	[tilespmem:$0x1D400] =	vst v63  }
0x55: {  	s28 =	smov.u32 s25  }
0x56: {  	p0 =	sne.s32 s25, $0x4800;
	s25 =	sadd.s32 $0x400, s25;
	_ =	swait.ge [sflag:s20], $0x4000  }
0x57: {  	[sflag:s20] =	ssyncset.done $0x0  }
0x58: {  	[sflag:s20] =	ssyncadd.s32 $0xFFFFC000  }
0x59: {  	_ =	swait.ge [sflag:s21], $0x4000  }
0x5a: {  	[sflag:s21] =	ssyncset.done $0x0  }
0x5b: {  	s29 =	sadd.s32 $0xFFFFF800, s26;
	s28 =	sshra.s32 s28, $0x2;
	[sflag:s21] =	ssyncadd.s32 $0xFFFFC000  }
0x5c: {  	[tilespmem:s15], [sflag:$0x1] =	stream.linear.gather [hbm4b:s29+s3], $0x4000, $0x38;
	[tilespmem:$0x1D400] =	vst v63  }
0x5d: {  	s29 =	sadd.s32 $0x80, s28  }
0x5e: {  	[spmem:s2] =	stream.indirect.scatter.add.f32 [tilespmem:s18], [sflag:$0x4], $0x80, s29, s19, $0xb8;
	[tilespmem:$0x1D400] =	vst v63  }
0x5f: {  	_ =	swait.ge [sflag:s17], $0x4000  }
0x60: {  	[sflag:s17] =	ssyncset.done $0x0  }
0x61: {  	[sflag:s17] =	ssyncadd.s32 $0xFFFFC000  }
.Ltmp1:
0x62: {  	_ =	swait.ge [sflag:s22], $0x4000;
	(pc) =	sbr.rel @p0 .LBB2_4-.Ltmp1, $4  }
0x63: {  	[sflag:s22] =	ssyncset.done $0x0  }
0x64: {  	[sflag:s22] =	ssyncadd.s32 $0xFFFFC000  }
0x65: {  	[tilespmem:s18], [sflag:$0x2] =	stream.linear.gather [hbm4b:s26+s3], $0x4000, $0x38;
	[tilespmem:$0x1D400] =	vst v63  }
0x66: {  	s28 =	sadd.s32 $0x100, s28;
	s26 =	sadd.s32 $0x1000, s26  }
0x67: {  	[spmem:s2] =	stream.indirect.scatter.add.f32 [tilespmem:s15], [sflag:$0x3], $0x80, s28, s19, $0xb8;
	[tilespmem:$0x1D400] =	vst v63  }
0x68: {  	_ =	swait.ge [sflag:s20], $0x4000  }
0x69: {  	[sflag:s20] =	ssyncset.done $0x0  }
0x6a: {  	[sflag:s20] =	ssyncadd.s32 $0xFFFFC000  }
0x6b: {  	[spmem:s2] =	stream.indirect.scatter.add.f32 [tilespmem:s18], [sflag:$0x4], $0x80, s23, s19, $0xb8;
	[tilespmem:$0x1D400] =	vst v63  }
0x6c: {  	_ =	swait.ge [sflag:s21], $0x4000  }
0x6d: {  	[sflag:s21] =	ssyncset.done $0x0  }
0x6e: {  	[sflag:s21] =	ssyncadd.s32 $0xFFFFC000  }
0x6f: {  	_ =	swait.ge [sflag:s22], $0x4000  }
0x70: {  	s25 =	sshll.u32 s0, $0x6;
	s24 =	sadd.s32 $0x1, s24;
	[sflag:s22] =	ssyncset.done $0x0  }
0x71: {  	s26 =	sshrl.u32 s4, $0x3;
	p0 =	sne.s32 s24, s13;
	[sflag:s22] =	ssyncadd.s32 $0xFFFFC000  }
.Ltmp2:
0x72: {  	s25 =	sor.u32 $0x1C05, s25;
	[bflag:$0x0] =	sbarrier.arrive $0xFFFF;
	(pc) =	sbr.rel @p0 .LBB2_1-.Ltmp2, $4  }
0x73: {  	[hbm:s12], [sflag:s25] =	dma.local [spmem:s26], $0x2800  }
0x74: {  	_ =	swait.ge [sflag:s16], $0x2800  }
0x75: {  	[sflag:s16] =	ssyncset.done $0x0  }
0x76: {  	[sflag:s16] =	ssyncadd.s32 $0xFFFFD800  }
0x77: {  	_ =	sfence.sel $0x180000  }
0x78: {  	[bflag:$0x0] =	sbarrier.arrive $0xFFFF  }
0x79: {  	p0 =	sne.s32 s0, $0x0;
	_ =	strace $0x90000050  }
0x7a: {  	s0 =	sadd.s32 @!p0 $0x100000, s1;
	[bflag:$0x2] =	sbarrier.arrive $0xFFFF  }
0x7b: {  	[sflag:s0] =	ssyncadd.tile.s32 @!p0 $0x1;
	_ =	shalt  }
.Lfunc_end2:
_tile_overlayer_lowered:
.L_overlay_start_2:
0x7c: {  	(tag) =	ssettag $0x2  }
0x7d: {  	s0 =	rddreg [dreg:$0x0];
	s2 =	stileid.u32  }
0x7e: {  	s1 =	rddreg [dreg:$0x1];
	p0 =	sne.s32 s2, $0x0  }
0x7f: {  	s3 =	rddreg [dreg:$0x2];
	[bflag:$0x3] =	sbarrier.arrive $0xFFFF;
	s2 =	simm.s32 @!p0 $0x1C05  }
0x80: {  	[timem:s3], [sflag:s2] =	dma.local @!p0 [hbm:s0], s1  }
0x81: {  	s0 =	simm.s32 @!p0 $0x5  }
0x82: {  	_ =	swait.ge @!p0 [sflag:s0], s1  }
0x83: {  	s1 =	ssub.s32 @!p0 $0x0, s1;
	[sflag:s0] =	ssyncset.done @!p0 $0x0  }
0x84: {  	[sflag:s0] =	ssyncadd.s32 @!p0 s1  }
0x85: {  	[bflag:$0x3] =	sbarrier.arrive $0xFFFF  }
0x86: {  	_ =	shalt  }

// kernel: kernel.16.cloned.1.call-start
scs
__scs_entry_jumppad:
0x0: {  	(pc) =	sbr.rel $0x88, $3  }
0x1: {  	(tag) =	ssettag $0x0;
	lr =	simm.s32 $0x1  }
0x2: {  	[smem:$0x3F96] =	sst lr;
	_ =	strace $0xD0000000  }
0x3: {  	_ = 	snop  }
0x4: {  	_ = 	snop  }
0x5: {  	_ = 	snop  }
0x6: {  	_ = 	snop  }
0x7: {  	_ = 	snop  }
__scs_overlays_trampoline_lowered:
0x8: {  	[smem:$0x3FA5] =	sst s0  }
0x9: {  	[smem:$0x3FA6] =	sst s1  }
0xa: {  	[smem:$0x3FA7] =	sst s2  }
0xb: {  	[smem:$0x3FA8] =	sst s3  }
0xc: {  	[smem:$0x3FA9] =	sst s4  }
0xd: {  	[smem:$0x3FAA] =	sst s5  }
0xe: {  	[smem:$0x3FAB] =	sst s6  }
0xf: {  	[smem:$0x3FAC] =	sst s7  }
0x10: {  	[smem:$0x3FAD] =	sst s8  }
0x11: {  	[smem:$0x3FAE] =	sst s9;
	s0 =	simm.s32 @!p0 $0x0  }
0x12: {  	s1 =	sld [smem:$0x3F94];
	s0 =	simm.s32 @p0 $0x1  }
0x13: {  	[smem:$0x3FAF] =	sst s0;
	s0 =	simm.s32 @!p1 $0x0  }
0x14: {  	s2 =	sld [smem:$0x3F93];
	s0 =	simm.s32 @p1 $0x1  }
0x15: {  	[smem:$0x3FB0] =	sst s0;
	s0 =	simm.s32 @!p2 $0x0  }
0x16: {  	s3 =	sld [smem:$0x3FDB];
	s0 =	simm.s32 @p2 $0x1  }
0x17: {  	s4 =	simm.s32 $0x1BF5;
	[smem:$0x3FB2] =	sst s0  }
0x18: {  	s0 =	sld [smem:$0x3F95];
	_ =	swait.ge [sflag:s4], $0x0  }
0x19: {  	s7 =	sld [smem:$0x3F96]  }
0x1a: {  	s8 =	sadd.s32 $0xFFFFE003, lr  }
0x1b: {  	s9 =	sadd.s32 $0xFFFFFEF7, lr;
	s5 =	simm.s32 $0xFFFFFFFF;
	p2 =	slt.u32 s8, $0xFFFFF086  }
0x1c: {  	p1 =	slt.u32 s9, $0xF7A;
	s5 =	simm.s32 @!p2 $0x0  }
0x1d: {  	s5 =	simm.s32 @p1 $0x1;
	p0 =	seq.s32 s7, s2  }
0x1e: {  	s7 =	smul.u32 @!p0 $0xF7A, s2;
	p2 =	seq.s32 @!p0 s5, $0x0  }
0x1f: {  	s9 =	smul.u32 $0xF7A, s1;
	s8 =	simm.s32 @!p0 $0x1BF5;
	p2 =	por !p2, p0  }
0x20: {  	[sflag:s8] =	ssyncset.s32 @!p0 $0xFFFFF086;
	s6 =	sadd.s32 @!p0 s3, s7;
	s7 =	simm.s32 @!p0 $0x108  }
0x21: {  	s3 =	sadd.s32 s3, s9;
	s6 =	sadd.s32 @!p0 $0x88, s6;
	s7 =	simm.s32 @p2 $0x1082  }
0x22: {  	[simem:s7], [sflag:s8] =	dma.local @!p0 [hbm:s6], $0xF7A  }
0x23: {  	s9 =	sor.u32 $0xD0000000, s2;
	s6 =	simm.s32 $0x108;
	_ =	swait.ge @!p0 [sflag:s8], $0x0  }
0x24: {  	s3 =	sadd.s32 $0x88, s3;
	s6 =	simm.s32 @!p1 $0x1082;
	[sflag:s4] =	ssyncset.s32 $0xFFFFF086  }
0x25: {  	[simem:s6], [sflag:s4] =	dma.local [hbm:s3], $0xF7A  }
0x26: {  	[smem:$0x3F96] =	sst s1;
	(tag) =	ssettag s2;
	_ =	strace s9  }
0x27: {  	s1 =	sld [smem:$0x3FA6]  }
0x28: {  	s2 =	sld [smem:$0x3FA7]  }
0x29: {  	s4 =	sld [smem:$0x3FA9]  }
0x2a: {  	p0 =	seq.s32 s5, $0x0;
	s5 =	sld [smem:$0x3FAA]  }
0x2b: {  	s6 =	sld [smem:$0x3FAB]  }
0x2c: {  	s7 =	sld [smem:$0x3FAC]  }
0x2d: {  	s3 =	simm.s32 $0x108;
	s8 =	sld [smem:$0x3FAD]  }
0x2e: {  	s3 =	simm.s32 @!p0 $0x1082;
	s9 =	sld [smem:$0x3FAE]  }
0x2f: {  	lr =	sadd.s32 s0, s3;
	s0 =	sld [smem:$0x3FA5]  }
0x30: {  	s3 =	sld [smem:$0x3FA8]  }
0x31: {  	[smem:$0x3FB1] =	sst s10  }
0x32: {  	s10 =	sld [smem:$0x3FAF];
	_ =	sdelay $0x3  }
0x33: {  	p0 =	seq.s32 s10, $0x1;
	s10 =	sld [smem:$0x3FB1];
	_ =	sdelay $0x3  }
0x34: {  	[smem:$0x3FB1] =	sst s10  }
0x35: {  	s10 =	sld [smem:$0x3FB0];
	_ =	sdelay $0x3  }
0x36: {  	p1 =	seq.s32 s10, $0x1;
	s10 =	sld [smem:$0x3FB1];
	_ =	sdelay $0x3  }
0x37: {  	[smem:$0x3FB1] =	sst s10  }
0x38: {  	s10 =	sld [smem:$0x3FB2]  }
0x39: {  	_ = 	snop;
	(pc) =	sbr.ind lr, $3  }
0x3a: {  	_ = 	snop  }
0x3b: {  	_ = 	snop  }
0x3c: {  	p2 =	seq.s32 s10, $0x1;
	s10 =	sld [smem:$0x3FB1]  }
0x3d: {  	_ =	shalt  }
0x3e: {  	_ =	shalt  }
0x3f: {  	_ =	shalt  }
0x40: {  	_ =	shalt  }
0x41: {  	_ =	shalt  }
0x42: {  	_ =	shalt  }
0x43: {  	_ =	shalt  }
0x44: {  	_ =	shalt  }
0x45: {  	_ =	shalt  }
0x46: {  	_ =	shalt  }
0x47: {  	_ =	shalt  }
0x48: {  	_ =	shalt  }
0x49: {  	_ =	shalt  }
0x4a: {  	_ =	shalt  }
0x4b: {  	_ =	shalt  }
0x4c: {  	_ =	shalt  }
0x4d: {  	_ =	shalt  }
0x4e: {  	_ =	shalt  }
0x4f: {  	_ =	shalt  }
0x50: {  	_ =	shalt  }
0x51: {  	_ =	shalt  }
0x52: {  	_ =	shalt  }
0x53: {  	_ =	shalt  }
0x54: {  	_ =	shalt  }
0x55: {  	_ =	shalt  }
0x56: {  	_ =	shalt  }
0x57: {  	_ =	shalt  }
0x58: {  	_ =	shalt  }
0x59: {  	_ =	shalt  }
0x5a: {  	_ =	shalt  }
0x5b: {  	_ =	shalt  }
0x5c: {  	_ =	shalt  }
0x5d: {  	_ =	shalt  }
0x5e: {  	_ =	shalt  }
0x5f: {  	_ =	shalt  }
0x60: {  	_ =	shalt  }
0x61: {  	_ =	shalt  }
0x62: {  	_ =	shalt  }
0x63: {  	_ =	shalt  }
0x64: {  	_ =	shalt  }
0x65: {  	_ =	shalt  }
0x66: {  	_ =	shalt  }
0x67: {  	_ =	shalt  }
0x68: {  	_ =	shalt  }
0x69: {  	_ =	shalt  }
0x6a: {  	_ =	shalt  }
0x6b: {  	_ =	shalt  }
0x6c: {  	_ =	shalt  }
0x6d: {  	_ =	shalt  }
0x6e: {  	_ =	shalt  }
0x6f: {  	_ =	shalt  }
0x70: {  	_ =	shalt  }
0x71: {  	_ =	shalt  }
0x72: {  	_ =	shalt  }
0x73: {  	_ =	shalt  }
0x74: {  	_ =	shalt  }
0x75: {  	_ =	shalt  }
0x76: {  	_ =	shalt  }
0x77: {  	_ =	shalt  }
0x78: {  	_ =	shalt  }
0x79: {  	_ =	shalt  }
0x7a: {  	_ =	shalt  }
0x7b: {  	_ =	shalt  }
0x7c: {  	_ =	shalt  }
0x7d: {  	_ =	shalt  }
0x7e: {  	_ =	shalt  }
0x7f: {  	_ =	shalt  }
0x80: {  	_ =	shalt  }
0x81: {  	_ =	shalt  }
0x82: {  	_ =	shalt  }
0x83: {  	_ =	shalt  }
0x84: {  	_ =	shalt  }
0x85: {  	_ =	shalt  }
0x86: {  	_ =	shalt  }
0x87: {  	_ =	shalt  }
.Lfunc_end0:
.L_simem_size_0:
called_computation.2_lowered:
.L_overlay_start_0:
0x88: {  	s2 =	sld [smem:$0x3FD9]  }
0x89: {  	s3 =	sld [smem:$0x3FFE];
	_ =	sdelay $0x1  }
0x8a: {  	s1 =	srdreg.scid  }
0x8b: {  	s0 =	sand.u32 $0x1, s1  }
0x8c: {  	s16 =	sshll.u32 s0, $0xA;
	s2 =	sadd.s32 s3, s2  }
0x8d: {  	s2 =	sadd.s32 s2, s16  }
0x8e: {  	[smem:$0x3FBD] =	sst s2  }
0x8f: {  	_ = 	snop  }
0x90: {  	(tm) =	ssettm $0x1  }
0x91: {  	s17 =	sld [smem:$0x3FFB];
	_ =	sdelay $0x3  }
0x92: {  	_ =	strace s17  }
0x93: {  	s2 =	sld [smem:$0x3FFC];
	_ =	sdelay $0x3  }
0x94: {  	_ =	strace s2  }
0x95: {  	s2 =	sld [smem:$0x3FFD];
	_ =	sdelay $0x3  }
0x96: {  	_ =	strace s2  }
0x97: {  	_ =	strace $0x8FFFFFFF  }
0x98: {  	s18 =	sld [smem:$0x3FDB];
	_ =	sdelay $0x1  }
0x99: {  	s19 =	simm.s32 $_scs_section_size  }
0x9a: {  	s4 =	simm.s32 $_size__tile_overlayer_lowered;
	s5 =	simm.s32 $_tile_overlayer_lowered  }
0x9b: {  	s22 =	simm.s32 $0x1BFF;
	s21 =	sshll.u32 s5, $0x1;
	s2 =	sadd.s32 s19, s18  }
0x9c: {  	s6 =	simm.s32 $0x0;
	s20 =	sshll.u32 s4, $0x1;
	s4 =	sadd.s32 s21, s2  }
0x9d: {  	[timem:s6], [sflag:s22] =	dma.local [hbm:s4], s20  }
0x9e: {  	_ =	swait.ge [sflag:s22], s20  }
0x9f: {  	s3 =	ssub.s32 $0x0, s20;
	[sflag:s22] =	ssyncset.done $0x0  }
0xa0: {  	[sflag:s22] =	ssyncadd.s32 s3;
	_ =	sdelay $0x1  }
0xa1: {  	s23 =	simm.s32 $0x1B8B  }
0xa2: {  	_ =	swait.ge [sflag:s23], $0x1  }
0xa3: {  	[sflag:s23] =	ssyncset.done $0x0  }
0xa4: {  	s25 =	simm.s32 $0x1B8E;
	s24 =	sld [smem:$0x3FFE];
	[sflag:s23] =	ssyncadd.s32 $0xFFFFFFFF  }
0xa5: {  	s26 =	simm.s32 $execute0_lowered;
	[smem:$0x3FD2] =	sst s25  }
0xa6: {  	s4 =	sshll.u32 s26, $0x1;
	_ =	strace $0x80000046;
	[dreg:$0x1] =	wrdreg $0xFFFFFFFF  }
0xa7: {  	s28 =	simm.s32 $_size_execute0_lowered;
	s2 =	sadd.s32 s2, s4;
	[dreg:$0x0] =	wrdreg $0x0  }
0xa8: {  	s4 =	sshll.u32 s28, $0x1;
	[dreg:$0x2] =	wrdreg s2  }
0xa9: {  	[dreg:$0x3] =	wrdreg s4  }
0xaa: {  	[dreg:$0x4] =	wrdreg $0xC0  }
0xab: {  	_ =	task [dreg:s6], $0x5FFFF  }
0xac: {  	[dreg:$0x1] =	wrdreg $0xFFFFFFFF  }
0xad: {  	[dreg:$0x0] =	wrdreg $0x60  }
0xae: {  	[dreg:$0x2] =	wrdreg s24  }
0xaf: {  	[dreg:$0x3] =	wrdreg $0x0  }
0xb0: {  	[dreg:$0x4] =	wrdreg $0xA  }
0xb1: {  	_ =	task.clear_ibuf [dreg:s6], $0x5FFFF;
	_ =	strace $0x90000046  }
0xb2: {  	s29 =	simm.s32 $0xA;
	_ =	strace $0x80000048  }
0xb3: {  	_ =	swait.ge [sflag:s29], $0x1  }
0xb4: {  	[sflag:s29] =	ssyncadd.s32 $0xFFFFFFFF  }
0xb5: {  	_ =	strace $0x90000048  }
0xb6: {  	_ =	sfence  }
0xb7: {  	s30 =	sld [smem:$0x0];
	_ =	sdelay $0x2  }
0xb8: {  	s31 =	sshll.u32 s1, $0xD;
	s1 =	sshrl.u32 s1, $0x2  }
0xb9: {  	s3 =	sand.u32 $0x4000, s31;
	s1 =	sadd.s32 s1, s30  }
0xba: {  	s0 =	sor.u32 s3, s0;
	s1 =	sshll.u32 s1, $0x11  }
0xbb: {  	s0 =	sor.u32 s1, s0  }
0xbc: {  	s0 =	sadd.s32 $0x8F2B, s0  }
0xbd: {  	[sflag:s0] =	ssyncadd.remote.s32 $0x1  }
0xbe: {  	_ =	sfence.sel $0xFFFF  }
0xbf: {  	[dreg:$0x0] =	wrdreg $0xFFFFFFFF;
	(pc) =	sbr.abs _section_cstart, $3  }
0xc0: {  	[dreg:$0x1] =	wrdreg $0xFFFFFFFF  }
0xc1: {  	_ =	task.clear_ibuf [dreg:s6], $0x2FFFF;
	_ =	strace $0x9FFFFFFF  }
0xc2: {  	(tm) =	ssettm $0x7FFFFFFF  }
0xc3: {  	_ =	shalt  }
tec
execute0_lowered:
.L_overlay_start_1:
0x0: {  	(tag) =	ssettag $0x1  }
0x1: {  	s0 =	rddreg [dreg:$0x0]  }
0x2: {  	s2 =	rddreg [dreg:$0x1]  }
0x3: {  	s3 =	simm.s32 $0x0;
	s13 =	stileid.u32;
	s5 =	srdreg.scid  }
0x4: {  	s28 =	simm.s32 $0x2;
	s29 =	simm.s32 $0x9;
	s1 =	smul.u32 $0x2780, s13  }
0x5: {  	s30 =	simm.s32 $0x1BE00;
	s31 =	simm.s32 $0x5;
	s10 =	smul.u32 $0x4F000, s13  }
0x6: {  	[smem:$0x7FF] =	sst s3;
	s4 =	sadd.s32 $0x8800, s0;
	s7 =	smul.u32 $0x2800, s13  }
0x7: {  	s8 =	sand.u32 $0x1, s5;
	s5 =	sadd.s32 $0x3800, s0;
	s12 =	smul.u32 $0x28000, s13  }
0x8: {  	s6 =	sadd.s32 $0x5C800, s0;
	s13 =	smul.u32 $0x140000, s13;
	_ =	strace $0x80000047  }
0x9: {  	s9 =	ssub.s32 $0x2, s8;
	p0 =	seq.s32 s8, $0x1;
	s1 =	sadd.s32 s1, s0  }
0xa: {  	s11 =	sshrl.u32 s9, $0x1;
	s16 =	sshrl.u32 s10, $0x2;
	s18 =	sor.u32 $0x80, s7  }
0xb: {  	s19 =	sshrl.u32 s7, $0x3;
	s21 =	sadd.s32 $0x2780, s7;
	s23 =	sadd.s32 $0x134000, s13  }
0xc: {  	s25 =	sadd.s32 $0x138000, s13;
	s0 =	sadd.s32 $0x2DC800, s0;
	[dreg:$0x9] =	wrdreg s23  }
0xd: {  	s26 =	sshrl.u32 s13, $0x3;
	s8 =	sadd.s32 s16, s2;
	[dreg:$0xb] =	wrdreg s25  }
0xe: {  	s10 =	simm.s32 $0x0;
	s17 =	sadd.s32 $0xD800, s1;
	[dreg:$0x3] =	wrdreg s8  }
0xf: {  	s16 =	sadd.s32 s6, s12;
	s24 =	sshrl.u32 s21, $0x3;
	[dreg:$0x4] =	wrdreg s17  }
0x10: {  	s12 =	sshll.u32 s21, $0x4;
	s21 =	sadd.s32 $0x1538000, s13;
	[dreg:$0xa] =	wrdreg s24  }
0x11: {  	s9 =	ssub.s32 s9, s11;
	s15 =	sadd.s32 s4, s19;
	[dreg:$0x14] =	wrdreg s21  }
0x12: {  	s20 =	sshrl.u32 s18, $0x3;
	s11 =	simm.s32 $0xA;
	[dreg:$0x5] =	wrdreg s15  }
0x13: {  	s14 =	sadd.s32 s4, s20;
	s8 =	sshll.u32 s18, $0x4;
	[dreg:$0x7] =	wrdreg s16  }
0x14: {  	s18 =	sadd.s32 s5, s19;
	s19 =	sadd.s32 s5, s20;
	[dreg:$0x6] =	wrdreg s14  }
0x15: {  	s17 =	sadd.s32 s6, s26;
	s20 =	sadd.s32 $0x1534000, s13;
	[dreg:$0x11] =	wrdreg s19  }
0x16: {  	s23 =	sadd.s32 $0x20, s15;
	s24 =	sadd.s32 $0x30, s15;
	[dreg:$0x13] =	wrdreg s20  }
0x17: {  	s21 =	sadd.s32 $0x1000, s16;
	s13 =	simm.s32 $0x13C00;
	[dreg:$0x16] =	wrdreg s23  }
0x18: {  	s22 =	sadd.s32 s6, s8;
	s8 =	sadd.s32 s8, s0;
	[dreg:$0x17] =	wrdreg s24  }
0x19: {  	s0 =	sadd.s32 s12, s0;
	s25 =	sadd.s32 $0x20, s18;
	[dreg:$0x10] =	wrdreg s18  }
0x1a: {  	s26 =	sadd.s32 $0x30, s18;
	s14 =	simm.s32 $0x13C80;
	[dreg:$0x8] =	wrdreg s22  }
0x1b: {  	s20 =	simm.s32 $0x13E00;
	s18 =	simm.s32 $0x8;
	[dreg:$0xc] =	wrdreg s8  }
0x1c: {  	s23 =	simm.s32 $0x17E00;
	s19 =	simm.s32 $0x13D00;
	[dreg:$0xd] =	wrdreg s0  }
0x1d: {  	s24 =	simm.s32 $0x3;
	s8 =	sadd.s32 s6, s12;
	[dreg:$0x18] =	wrdreg s25  }
.Ltmp0:
0x1e: {  	s12 =	sadd.s32 $0x35000, s1;
	[dreg:$0x19] =	wrdreg s26;
	(pc) =	sbr.rel .LBB2_1-.Ltmp0, $4  }
0x1f: {  	s0 =	sadd.s32 $0x280000, s17;
	s22 =	smax.u32 s9, $0x1;
	[dreg:$0xe] =	wrdreg s8  }
0x20: {  	s9 =	sadd.s32 $0x281000, s16;
	s17 =	simm.s32 $0x7;
	[dreg:$0xf] =	wrdreg s12  }
0x21: {  	s16 =	simm.s32 $0x80;
	s25 =	simm.s32 $0x4;
	[dreg:$0x12] =	wrdreg s0  }
0x22: {  	s1 =	simm.s32 $0x6;
	[dreg:$0x15] =	wrdreg s22;
	s22 =	simm.s32 $0x1  }
.LBB2_7:
0x23: {  	s15 =	rddreg [dreg:$0x13]  }
0x24: {  	s0 =	sadd.s32 s5, s8;
	s8 =	rddreg [dreg:$0x14]  }
0x25: {  	[tilespmem:s13], [sflag:$0x7] =	stream.linear.gather [hbm4b:s0+s3], $0x80, $0x38;
	[tilespmem:$0x1FE00] =	vst v63  }
0x26: {  	s12 =	smov.u32 s5;
	s0 =	rddreg [dreg:$0xd]  }
.LBB2_8:
0x27: {  	_ =	swait.ge [sflag:s24], $0x4000  }
0x28: {  	s15 =	sshrl.u32 s15, $0x3;
	[sflag:s24] =	ssyncset.done $0x0  }
0x29: {  	s15 =	sadd.s32 s6, s15;
	[sflag:s24] =	ssyncadd.s32 $0xFFFFC000  }
0x2a: {  	[hbm4b:s15+s3] =	stream.linear.scatter [tilespmem:s30], [sflag:$0x6], $0x4000, $0x38;
	[tilespmem:$0x1FE00] =	vst v63  }
0x2b: {  	_ =	swait.ge [sflag:s17], $0x80  }
0x2c: {  	[sflag:s17] =	ssyncset.done $0x0  }
0x2d: {  	[sflag:s17] =	ssyncadd.s32 $0xFFFFFF80  }
0x2e: {  	_ =	swait.ge [sflag:s25], $0x4000  }
0x2f: {  	[sflag:s25] =	ssyncset.done $0x0  }
0x30: {  	s26 =	rddreg [dreg:$0xa];
	[sflag:s25] =	ssyncadd.s32 $0xFFFFC000  }
0x31: {  	[tilespmem:s20], [sflag:$0x1] =	stream.indirect.gather [spmem:s2], $0x80, s13, s16, $0xb8;
	[tilespmem:$0x1FE00] =	vst v63  }
0x32: {  	s12 =	sadd.s32 s12, s26  }
0x33: {  	[tilespmem:s14], [sflag:$0x8] =	stream.linear.gather [hbm4b:s12+s3], $0x80, $0x38;
	[tilespmem:$0x1FE00] =	vst v63  }
0x34: {  	_ =	swait.ge [sflag:s22], $0x4000  }
0x35: {  	s8 =	sshrl.u32 s8, $0x3;
	[sflag:s22] =	ssyncset.done $0x0  }
0x36: {  	s8 =	sadd.s32 s6, s8;
	[sflag:s22] =	ssyncadd.s32 $0xFFFFC000  }
0x37: {  	[hbm4b:s8+s3] =	stream.linear.scatter [tilespmem:s20], [sflag:$0x4], $0x4000, $0x38;
	[tilespmem:$0x1FE00] =	vst v63  }
0x38: {  	_ =	swait.ge [sflag:s18], $0x80  }
0x39: {  	[sflag:s18] =	ssyncset.done $0x0  }
0x3a: {  	[sflag:s18] =	ssyncadd.s32 $0xFFFFFF80  }
0x3b: {  	_ =	swait.ge [sflag:s31], $0x4000  }
0x3c: {  	[sflag:s31] =	ssyncset.done $0x0  }
0x3d: {  	[sflag:s31] =	ssyncadd.s32 $0xFFFFC000  }
0x3e: {  	[tilespmem:s23], [sflag:$0x2] =	stream.indirect.gather [spmem:s2], $0x80, s14, s16, $0xb8;
	[tilespmem:$0x1FE00] =	vst v63  }
0x3f: {  	_ =	swait.ge [sflag:s28], $0x4000  }
0x40: {  	[sflag:s28] =	ssyncset.done $0x0  }
0x41: {  	[sflag:s28] =	ssyncadd.s32 $0xFFFFC000  }
0x42: {  	[hbm4b:s0+s3] =	stream.linear.scatter [tilespmem:s23], [sflag:$0x5], $0x4000, $0x38;
	[tilespmem:$0x1FE00] =	vst v63  }
0x43: {  	_ =	swait.ge [sflag:s1], $0x4000  }
0x44: {  	[sflag:s1] =	ssyncset.done $0x0  }
0x45: {  	[sflag:s1] =	ssyncadd.s32 $0xFFFFC000  }
0x46: {  	_ =	swait.ge [sflag:s25], $0x4000  }
0x47: {  	[sflag:s25] =	ssyncset.done $0x0  }
0x48: {  	[sflag:s25] =	ssyncadd.s32 $0xFFFFC000  }
0x49: {  	_ =	swait.ge [sflag:s31], $0x4000  }
0x4a: {  	s10 =	sadd.s32 $0x1, s10;
	s26 =	rddreg [dreg:$0x15]  }
0x4b: {  	p1 =	sne.s32 s10, s26  }
.Ltmp1:
0x4c: {  	_ = 	snop;
	(pc) =	sbr.rel @!p1 .LBB2_9-.Ltmp1, $3  }
0x4d: {  	_ =	sdelay $0x1  }
0x4e: {  	[sflag:s31] =	ssyncset.done $0x0  }
0x4f: {  	[sflag:s31] =	ssyncadd.s32 $0xFFFFC000  }
.LBB2_1:
.Ltmp2:
0x50: {  	(pc) =	sbr.rel @!p0 .LBB2_2-.Ltmp2, $4  }
0x51: {  	_ = 	snop  }
0x52: {  	s0 =	stileid.u32  }
0x53: {  	s26 =	rddreg [dreg:$0x3];
	s8 =	sshll.u32 s0, $0x6  }
0x54: {  	s0 =	sshrl.u32 s26, $0x3;
	s8 =	sor.u32 $0x1C0A, s8  }
0x55: {  	s12 =	rddreg [dreg:$0xf]  }
0x56: {  	[spmem:s0], [sflag:s8] =	dma.local [hbm:s12], $0x2780  }
0x57: {  	_ =	swait.ge [sflag:s11], $0x2780  }
0x58: {  	[sflag:s11] =	ssyncset.done $0x0  }
0x59: {  	[sflag:s11] =	ssyncadd.s32 $0xFFFFD880  }
0x5a: {  	[bflag:$0x0] =	sbarrier.arrive $0xFFFF  }
0x5b: {  	s8 =	rddreg [dreg:$0x10]  }
0x5c: {  	[tilespmem:s13], [sflag:$0x7] =	stream.linear.gather [hbm4b:s8+s3], $0x80, $0x38;
	[tilespmem:$0x1FE00] =	vst v63  }
0x5d: {  	s12 =	rddreg [dreg:$0x11]  }
0x5e: {  	[tilespmem:s14], [sflag:$0x8] =	stream.linear.gather [hbm4b:s12+s3], $0x80, $0x38;
	[tilespmem:$0x1FE00] =	vst v63  }
0x5f: {  	_ =	swait.ge [sflag:s17], $0x80  }
0x60: {  	[sflag:s17] =	ssyncset.done $0x0  }
0x61: {  	[sflag:s17] =	ssyncadd.s32 $0xFFFFFF80  }
0x62: {  	[tilespmem:s20], [sflag:$0x1] =	stream.indirect.gather [spmem:s2], $0x80, s13, s16, $0xb8;
	[tilespmem:$0x1FE00] =	vst v63  }
0x63: {  	_ =	swait.ge [sflag:s22], $0x4000  }
0x64: {  	[sflag:s22] =	ssyncset.done $0x0  }
0x65: {  	s15 =	rddreg [dreg:$0x12];
	[sflag:s22] =	ssyncadd.s32 $0xFFFFC000  }
0x66: {  	[hbm4b:s15+s3] =	stream.linear.scatter [tilespmem:s20], [sflag:$0x4], $0x4000, $0x38;
	[tilespmem:$0x1FE00] =	vst v63  }
0x67: {  	_ =	swait.ge [sflag:s18], $0x80  }
0x68: {  	[sflag:s18] =	ssyncset.done $0x0  }
0x69: {  	[sflag:s18] =	ssyncadd.s32 $0xFFFFFF80  }
0x6a: {  	[tilespmem:s23], [sflag:$0x2] =	stream.indirect.gather [spmem:s2], $0x80, s14, s16, $0xb8;
	[tilespmem:$0x1FE00] =	vst v63  }
0x6b: {  	s26 =	rddreg [dreg:$0x18]  }
0x6c: {  	[tilespmem:s19], [sflag:$0x9] =	stream.linear.gather [hbm4b:s26+s3], $0x80, $0x38;
	[tilespmem:$0x1FE00] =	vst v63  }
0x6d: {  	_ =	swait.ge [sflag:s28], $0x4000  }
0x6e: {  	[sflag:s28] =	ssyncset.done $0x0  }
0x6f: {  	s8 =	rddreg [dreg:$0xc];
	[sflag:s28] =	ssyncadd.s32 $0xFFFFC000  }
0x70: {  	[hbm4b:s8+s3] =	stream.linear.scatter [tilespmem:s23], [sflag:$0x5], $0x4000, $0x38;
	[tilespmem:$0x1FE00] =	vst v63  }
0x71: {  	_ =	swait.ge [sflag:s29], $0x80  }
0x72: {  	[sflag:s29] =	ssyncset.done $0x0  }
0x73: {  	[sflag:s29] =	ssyncadd.s32 $0xFFFFFF80  }
0x74: {  	[tilespmem:s30], [sflag:$0x3] =	stream.indirect.gather [spmem:s2], $0x80, s19, s16, $0xb8;
	[tilespmem:$0x1FE00] =	vst v63  }
0x75: {  	s12 =	rddreg [dreg:$0x19]  }
0x76: {  	[tilespmem:s13], [sflag:$0x7] =	stream.linear.gather [hbm4b:s12+s3], $0x80, $0x38;
	[tilespmem:$0x1FE00] =	vst v63  }
0x77: {  	_ =	swait.ge [sflag:s24], $0x4000  }
0x78: {  	[sflag:s24] =	ssyncset.done $0x0  }
0x79: {  	[sflag:s24] =	ssyncadd.s32 $0xFFFFC000  }
0x7a: {  	[hbm4b:s9+s3] =	stream.linear.scatter [tilespmem:s30], [sflag:$0x6], $0x4000, $0x38;
	[tilespmem:$0x1FE00] =	vst v63  }
0x7b: {  	_ =	swait.ge [sflag:s17], $0x80  }
0x7c: {  	s15 =	simm.s32 $0x200;
	[sflag:s17] =	ssyncset.done $0x0  }
0x7d: {  	s26 =	sand.u32 $0x7C00, s15;
	[sflag:s17] =	ssyncadd.s32 $0xFFFFFF80  }
0x7e: {  	s0 =	sand.u32 $0x380, s15;
	s8 =	sadd.s32 s7, s26;
	_ =	swait.ge [sflag:s25], $0x4000  }
0x7f: {  	s0 =	sor.u32 s0, s8;
	[sflag:s25] =	ssyncset.done $0x0  }
0x80: {  	s0 =	sshrl.u32 s0, $0x3;
	[sflag:s25] =	ssyncadd.s32 $0xFFFFC000  }
0x81: {  	[tilespmem:s20], [sflag:$0x1] =	stream.indirect.gather [spmem:s2], $0x80, s13, s16, $0xb8;
	[tilespmem:$0x1FE00] =	vst v63  }
0x82: {  	s0 =	sadd.s32 s5, s0  }
0x83: {  	[tilespmem:s14], [sflag:$0x8] =	stream.linear.gather [hbm4b:s0+s3], $0x80, $0x38;
	[tilespmem:$0x1FE00] =	vst v63  }
0x84: {  	_ =	swait.ge [sflag:s22], $0x4000  }
0x85: {  	[sflag:s22] =	ssyncset.done $0x0  }
0x86: {  	s12 =	sadd.s32 $0x800, s9;
	[sflag:s22] =	ssyncadd.s32 $0xFFFFC000  }
0x87: {  	[hbm4b:s12+s3] =	stream.linear.scatter [tilespmem:s20], [sflag:$0x4], $0x4000, $0x38;
	[tilespmem:$0x1FE00] =	vst v63  }
0x88: {  	_ =	swait.ge [sflag:s18], $0x80  }
0x89: {  	s15 =	simm.s32 $0x280;
	[sflag:s18] =	ssyncset.done $0x0  }
0x8a: {  	s26 =	sand.u32 $0x7C00, s15;
	[sflag:s18] =	ssyncadd.s32 $0xFFFFFF80  }
0x8b: {  	s8 =	sadd.s32 s7, s26;
	s0 =	sand.u32 $0x380, s15;
	_ =	swait.ge [sflag:s31], $0x4000  }
0x8c: {  	s0 =	sor.u32 s0, s8;
	[sflag:s31] =	ssyncset.done $0x0  }
0x8d: {  	s0 =	sshrl.u32 s0, $0x3;
	[sflag:s31] =	ssyncadd.s32 $0xFFFFC000  }
0x8e: {  	[tilespmem:s23], [sflag:$0x2] =	stream.indirect.gather [spmem:s2], $0x80, s14, s16, $0xb8;
	[tilespmem:$0x1FE00] =	vst v63  }
0x8f: {  	s0 =	sadd.s32 s5, s0  }
0x90: {  	[tilespmem:s19], [sflag:$0x9] =	stream.linear.gather [hbm4b:s0+s3], $0x80, $0x38;
	[tilespmem:$0x1FE00] =	vst v63  }
0x91: {  	_ =	swait.ge [sflag:s28], $0x4000  }
0x92: {  	[sflag:s28] =	ssyncset.done $0x0  }
0x93: {  	s12 =	sadd.s32 $0x1000, s9;
	[sflag:s28] =	ssyncadd.s32 $0xFFFFC000  }
0x94: {  	[hbm4b:s12+s3] =	stream.linear.scatter [tilespmem:s23], [sflag:$0x5], $0x4000, $0x38;
	[tilespmem:$0x1FE00] =	vst v63  }
0x95: {  	s15 =	simm.s32 $0x300;
	_ =	swait.ge [sflag:s29], $0x80  }
0x96: {  	s26 =	sand.u32 $0x7C00, s15;
	[sflag:s29] =	ssyncset.done $0x0  }
0x97: {  	s8 =	sadd.s32 s7, s26;
	s0 =	sand.u32 $0x380, s15;
	[sflag:s29] =	ssyncadd.s32 $0xFFFFFF80  }
0x98: {  	s0 =	sor.u32 s0, s8;
	_ =	swait.ge [sflag:s1], $0x4000  }
0x99: {  	s8 =	sshrl.u32 s0, $0x3;
	[sflag:s1] =	ssyncset.done $0x0  }
0x9a: {  	s0 =	smov.u32 s9;
	s12 =	simm.s32 $0x480;
	[sflag:s1] =	ssyncadd.s32 $0xFFFFC000  }
0x9b: {  	[tilespmem:s30], [sflag:$0x3] =	stream.indirect.gather [spmem:s2], $0x80, s19, s16, $0xb8;
	[tilespmem:$0x1FE00] =	vst v63  }
.LBB2_6:
0x9c: {  	p1 =	sne.s32 s12, $0x2700;
	s8 =	sadd.s32 s5, s8;
	s0 =	sadd.s32 $0x1800, s0  }
0x9d: {  	[tilespmem:s13], [sflag:$0x7] =	stream.linear.gather [hbm4b:s8+s3], $0x80, $0x38;
	[tilespmem:$0x1FE00] =	vst v63  }
0x9e: {  	s8 =	smov.u32 s12;
	s12 =	sadd.s32 $0x180, s12;
	_ =	swait.ge [sflag:s24], $0x4000  }
0x9f: {  	[sflag:s24] =	ssyncset.done $0x0  }
0xa0: {  	[sflag:s24] =	ssyncadd.s32 $0xFFFFC000  }
0xa1: {  	[hbm4b:s0+s3] =	stream.linear.scatter [tilespmem:s30], [sflag:$0x6], $0x4000, $0x38;
	[tilespmem:$0x1FE00] =	vst v63  }
0xa2: {  	_ =	swait.ge [sflag:s17], $0x80  }
0xa3: {  	s15 =	sadd.s32 $0xFFFFFF00, s8;
	[sflag:s17] =	ssyncset.done $0x0  }
0xa4: {  	s26 =	sand.u32 $0x7C00, s15;
	s15 =	sand.u32 $0x380, s15;
	[sflag:s17] =	ssyncadd.s32 $0xFFFFFF80  }
0xa5: {  	s26 =	sadd.s32 s7, s26;
	_ =	swait.ge [sflag:s25], $0x4000  }
0xa6: {  	s15 =	sor.u32 s15, s26;
	[sflag:s25] =	ssyncset.done $0x0  }
0xa7: {  	s15 =	sshrl.u32 s15, $0x3;
	[sflag:s25] =	ssyncadd.s32 $0xFFFFC000  }
0xa8: {  	[tilespmem:s20], [sflag:$0x1] =	stream.indirect.gather [spmem:s2], $0x80, s13, s16, $0xb8;
	[tilespmem:$0x1FE00] =	vst v63  }
0xa9: {  	s15 =	sadd.s32 s5, s15  }
0xaa: {  	[tilespmem:s14], [sflag:$0x8] =	stream.linear.gather [hbm4b:s15+s3], $0x80, $0x38;
	[tilespmem:$0x1FE00] =	vst v63  }
0xab: {  	_ =	swait.ge [sflag:s22], $0x4000  }
0xac: {  	s15 =	sadd.s32 $0x800, s0;
	[sflag:s22] =	ssyncset.done $0x0  }
0xad: {  	[sflag:s22] =	ssyncadd.s32 $0xFFFFC000  }
0xae: {  	[hbm4b:s15+s3] =	stream.linear.scatter [tilespmem:s20], [sflag:$0x4], $0x4000, $0x38;
	[tilespmem:$0x1FE00] =	vst v63  }
0xaf: {  	_ =	swait.ge [sflag:s18], $0x80  }
0xb0: {  	s15 =	sadd.s32 $0xFFFFFF80, s8;
	[sflag:s18] =	ssyncset.done $0x0  }
0xb1: {  	s26 =	sand.u32 $0x7C00, s15;
	s15 =	sand.u32 $0x380, s15;
	[sflag:s18] =	ssyncadd.s32 $0xFFFFFF80  }
0xb2: {  	s26 =	sadd.s32 s7, s26;
	_ =	swait.ge [sflag:s31], $0x4000  }
0xb3: {  	s15 =	sor.u32 s15, s26;
	[sflag:s31] =	ssyncset.done $0x0  }
0xb4: {  	s15 =	sshrl.u32 s15, $0x3;
	[sflag:s31] =	ssyncadd.s32 $0xFFFFC000  }
0xb5: {  	[tilespmem:s23], [sflag:$0x2] =	stream.indirect.gather [spmem:s2], $0x80, s14, s16, $0xb8;
	[tilespmem:$0x1FE00] =	vst v63  }
0xb6: {  	s15 =	sadd.s32 s5, s15  }
0xb7: {  	[tilespmem:s19], [sflag:$0x9] =	stream.linear.gather [hbm4b:s15+s3], $0x80, $0x38;
	[tilespmem:$0x1FE00] =	vst v63  }
0xb8: {  	_ =	swait.ge [sflag:s28], $0x4000  }
0xb9: {  	s15 =	sadd.s32 $0x1000, s0;
	[sflag:s28] =	ssyncset.done $0x0  }
0xba: {  	[sflag:s28] =	ssyncadd.s32 $0xFFFFC000  }
0xbb: {  	[hbm4b:s15+s3] =	stream.linear.scatter [tilespmem:s23], [sflag:$0x5], $0x4000, $0x38;
	[tilespmem:$0x1FE00] =	vst v63  }
0xbc: {  	_ =	swait.ge [sflag:s29], $0x80  }
0xbd: {  	[sflag:s29] =	ssyncset.done $0x0  }
.Ltmp3:
0xbe: {  	s15 =	sand.u32 $0x7C00, s8;
	[sflag:s29] =	ssyncadd.s32 $0xFFFFFF80;
	(pc) =	sbr.rel @p1 .LBB2_6-.Ltmp3, $4  }
0xbf: {  	s8 =	sand.u32 $0x380, s8;
	s15 =	sadd.s32 s7, s15;
	_ =	swait.ge [sflag:s1], $0x4000  }
0xc0: {  	s8 =	sor.u32 s8, s15;
	[sflag:s1] =	ssyncset.done $0x0  }
0xc1: {  	s8 =	sshrl.u32 s8, $0x3;
	[sflag:s1] =	ssyncadd.s32 $0xFFFFC000  }
0xc2: {  	[tilespmem:s30], [sflag:$0x3] =	stream.indirect.gather [spmem:s2], $0x80, s19, s16, $0xb8;
	[tilespmem:$0x1FE00] =	vst v63  }
.Ltmp4:
0xc3: {  	_ = 	snop;
	(pc) =	sbr.rel .LBB2_7-.Ltmp4, $1  }
0xc4: {  	_ =	sdelay $0x3  }
.LBB2_2:
0xc5: {  	s12 =	rddreg [dreg:$0x4]  }
0xc6: {  	[spmem:s0], [sflag:s8] =	dma.local [hbm:s12], $0x2780  }
0xc7: {  	_ =	swait.ge [sflag:s11], $0x2780  }
0xc8: {  	[sflag:s11] =	ssyncset.done $0x0  }
0xc9: {  	[sflag:s11] =	ssyncadd.s32 $0xFFFFD880  }
0xca: {  	[bflag:$0x0] =	sbarrier.arrive $0xFFFF  }
0xcb: {  	s8 =	rddreg [dreg:$0x5]  }
0xcc: {  	[tilespmem:s13], [sflag:$0x7] =	stream.linear.gather [hbm4b:s8+s3], $0x80, $0x38;
	[tilespmem:$0x1FE00] =	vst v63  }
0xcd: {  	s12 =	rddreg [dreg:$0x6]  }
0xce: {  	[tilespmem:s14], [sflag:$0x8] =	stream.linear.gather [hbm4b:s12+s3], $0x80, $0x38;
	[tilespmem:$0x1FE00] =	vst v63  }
0xcf: {  	_ =	swait.ge [sflag:s17], $0x80  }
0xd0: {  	[sflag:s17] =	ssyncset.done $0x0  }
0xd1: {  	[sflag:s17] =	ssyncadd.s32 $0xFFFFFF80  }
0xd2: {  	[tilespmem:s20], [sflag:$0x1] =	stream.indirect.gather [spmem:s2], $0x80, s13, s16, $0xb8;
	[tilespmem:$0x1FE00] =	vst v63  }
0xd3: {  	_ =	swait.ge [sflag:s22], $0x4000  }
0xd4: {  	[sflag:s22] =	ssyncset.done $0x0  }
0xd5: {  	s15 =	rddreg [dreg:$0x7];
	[sflag:s22] =	ssyncadd.s32 $0xFFFFC000  }
0xd6: {  	[hbm4b:s15+s3] =	stream.linear.scatter [tilespmem:s20], [sflag:$0x4], $0x4000, $0x38;
	[tilespmem:$0x1FE00] =	vst v63  }
0xd7: {  	_ =	swait.ge [sflag:s18], $0x80  }
0xd8: {  	[sflag:s18] =	ssyncset.done $0x0  }
0xd9: {  	[sflag:s18] =	ssyncadd.s32 $0xFFFFFF80  }
0xda: {  	[tilespmem:s23], [sflag:$0x2] =	stream.indirect.gather [spmem:s2], $0x80, s14, s16, $0xb8;
	[tilespmem:$0x1FE00] =	vst v63  }
0xdb: {  	s26 =	rddreg [dreg:$0x16]  }
0xdc: {  	[tilespmem:s19], [sflag:$0x9] =	stream.linear.gather [hbm4b:s26+s3], $0x80, $0x38;
	[tilespmem:$0x1FE00] =	vst v63  }
0xdd: {  	_ =	swait.ge [sflag:s28], $0x4000  }
0xde: {  	[sflag:s28] =	ssyncset.done $0x0  }
0xdf: {  	s8 =	rddreg [dreg:$0x8];
	[sflag:s28] =	ssyncadd.s32 $0xFFFFC000  }
0xe0: {  	[hbm4b:s8+s3] =	stream.linear.scatter [tilespmem:s23], [sflag:$0x5], $0x4000, $0x38;
	[tilespmem:$0x1FE00] =	vst v63  }
0xe1: {  	_ =	swait.ge [sflag:s29], $0x80  }
0xe2: {  	[sflag:s29] =	ssyncset.done $0x0  }
0xe3: {  	[sflag:s29] =	ssyncadd.s32 $0xFFFFFF80  }
0xe4: {  	[tilespmem:s30], [sflag:$0x3] =	stream.indirect.gather [spmem:s2], $0x80, s19, s16, $0xb8;
	[tilespmem:$0x1FE00] =	vst v63  }
0xe5: {  	s12 =	rddreg [dreg:$0x17]  }
0xe6: {  	[tilespmem:s13], [sflag:$0x7] =	stream.linear.gather [hbm4b:s12+s3], $0x80, $0x38;
	[tilespmem:$0x1FE00] =	vst v63  }
0xe7: {  	_ =	swait.ge [sflag:s24], $0x4000  }
0xe8: {  	[sflag:s24] =	ssyncset.done $0x0  }
0xe9: {  	[sflag:s24] =	ssyncadd.s32 $0xFFFFC000  }
0xea: {  	[hbm4b:s21+s3] =	stream.linear.scatter [tilespmem:s30], [sflag:$0x6], $0x4000, $0x38;
	[tilespmem:$0x1FE00] =	vst v63  }
0xeb: {  	_ =	swait.ge [sflag:s17], $0x80  }
0xec: {  	s15 =	simm.s32 $0x200;
	[sflag:s17] =	ssyncset.done $0x0  }
0xed: {  	s26 =	sand.u32 $0x7C00, s15;
	[sflag:s17] =	ssyncadd.s32 $0xFFFFFF80  }
0xee: {  	s0 =	sand.u32 $0x380, s15;
	s8 =	sadd.s32 s7, s26;
	_ =	swait.ge [sflag:s25], $0x4000  }
0xef: {  	s0 =	sor.u32 s0, s8;
	[sflag:s25] =	ssyncset.done $0x0  }
0xf0: {  	s0 =	sshrl.u32 s0, $0x3;
	[sflag:s25] =	ssyncadd.s32 $0xFFFFC000  }
0xf1: {  	[tilespmem:s20], [sflag:$0x1] =	stream.indirect.gather [spmem:s2], $0x80, s13, s16, $0xb8;
	[tilespmem:$0x1FE00] =	vst v63  }
0xf2: {  	s0 =	sadd.s32 s4, s0  }
0xf3: {  	[tilespmem:s14], [sflag:$0x8] =	stream.linear.gather [hbm4b:s0+s3], $0x80, $0x38;
	[tilespmem:$0x1FE00] =	vst v63  }
0xf4: {  	_ =	swait.ge [sflag:s22], $0x4000  }
0xf5: {  	[sflag:s22] =	ssyncset.done $0x0  }
0xf6: {  	s12 =	sadd.s32 $0x800, s21;
	[sflag:s22] =	ssyncadd.s32 $0xFFFFC000  }
0xf7: {  	[hbm4b:s12+s3] =	stream.linear.scatter [tilespmem:s20], [sflag:$0x4], $0x4000, $0x38;
	[tilespmem:$0x1FE00] =	vst v63  }
0xf8: {  	_ =	swait.ge [sflag:s18], $0x80  }
0xf9: {  	s15 =	simm.s32 $0x280;
	[sflag:s18] =	ssyncset.done $0x0  }
0xfa: {  	s26 =	sand.u32 $0x7C00, s15;
	[sflag:s18] =	ssyncadd.s32 $0xFFFFFF80  }
0xfb: {  	s8 =	sadd.s32 s7, s26;
	s0 =	sand.u32 $0x380, s15;
	_ =	swait.ge [sflag:s31], $0x4000  }
0xfc: {  	s0 =	sor.u32 s0, s8;
	[sflag:s31] =	ssyncset.done $0x0  }
0xfd: {  	s0 =	sshrl.u32 s0, $0x3;
	[sflag:s31] =	ssyncadd.s32 $0xFFFFC000  }
0xfe: {  	[tilespmem:s23], [sflag:$0x2] =	stream.indirect.gather [spmem:s2], $0x80, s14, s16, $0xb8;
	[tilespmem:$0x1FE00] =	vst v63  }
0xff: {  	s0 =	sadd.s32 s4, s0  }
0x100: {  	[tilespmem:s19], [sflag:$0x9] =	stream.linear.gather [hbm4b:s0+s3], $0x80, $0x38;
	[tilespmem:$0x1FE00] =	vst v63  }
0x101: {  	_ =	swait.ge [sflag:s28], $0x4000  }
0x102: {  	[sflag:s28] =	ssyncset.done $0x0  }
0x103: {  	s12 =	sadd.s32 $0x1000, s21;
	[sflag:s28] =	ssyncadd.s32 $0xFFFFC000  }
0x104: {  	[hbm4b:s12+s3] =	stream.linear.scatter [tilespmem:s23], [sflag:$0x5], $0x4000, $0x38;
	[tilespmem:$0x1FE00] =	vst v63  }
0x105: {  	s15 =	simm.s32 $0x300;
	_ =	swait.ge [sflag:s29], $0x80  }
0x106: {  	s26 =	sand.u32 $0x7C00, s15;
	[sflag:s29] =	ssyncset.done $0x0  }
0x107: {  	s8 =	sadd.s32 s7, s26;
	s0 =	sand.u32 $0x380, s15;
	[sflag:s29] =	ssyncadd.s32 $0xFFFFFF80  }
0x108: {  	s0 =	sor.u32 s0, s8;
	_ =	swait.ge [sflag:s1], $0x4000  }
0x109: {  	s8 =	sshrl.u32 s0, $0x3;
	[sflag:s1] =	ssyncset.done $0x0  }
0x10a: {  	s0 =	smov.u32 s21;
	s12 =	simm.s32 $0x480;
	[sflag:s1] =	ssyncadd.s32 $0xFFFFC000  }
0x10b: {  	[tilespmem:s30], [sflag:$0x3] =	stream.indirect.gather [spmem:s2], $0x80, s19, s16, $0xb8;
	[tilespmem:$0x1FE00] =	vst v63  }
.LBB2_3:
0x10c: {  	p1 =	seq.s32 s12, $0x2700;
	s8 =	sadd.s32 s4, s8;
	s0 =	sadd.s32 $0x1800, s0  }
0x10d: {  	[tilespmem:s13], [sflag:$0x7] =	stream.linear.gather [hbm4b:s8+s3], $0x80, $0x38;
	[tilespmem:$0x1FE00] =	vst v63  }
0x10e: {  	s8 =	smov.u32 s12;
	s12 =	sadd.s32 $0x180, s12;
	_ =	swait.ge [sflag:s24], $0x4000  }
0x10f: {  	[sflag:s24] =	ssyncset.done $0x0  }
0x110: {  	[sflag:s24] =	ssyncadd.s32 $0xFFFFC000  }
0x111: {  	[hbm4b:s0+s3] =	stream.linear.scatter [tilespmem:s30], [sflag:$0x6], $0x4000, $0x38;
	[tilespmem:$0x1FE00] =	vst v63  }
0x112: {  	_ =	swait.ge [sflag:s17], $0x80  }
0x113: {  	s15 =	sadd.s32 $0xFFFFFF00, s8;
	[sflag:s17] =	ssyncset.done $0x0  }
0x114: {  	s26 =	sand.u32 $0x7C00, s15;
	s15 =	sand.u32 $0x380, s15;
	[sflag:s17] =	ssyncadd.s32 $0xFFFFFF80  }
0x115: {  	s26 =	sadd.s32 s7, s26;
	_ =	swait.ge [sflag:s25], $0x4000  }
0x116: {  	s15 =	sor.u32 s15, s26;
	[sflag:s25] =	ssyncset.done $0x0  }
0x117: {  	s15 =	sshrl.u32 s15, $0x3;
	[sflag:s25] =	ssyncadd.s32 $0xFFFFC000  }
0x118: {  	[tilespmem:s20], [sflag:$0x1] =	stream.indirect.gather [spmem:s2], $0x80, s13, s16, $0xb8;
	[tilespmem:$0x1FE00] =	vst v63  }
0x119: {  	s15 =	sadd.s32 s4, s15  }
0x11a: {  	[tilespmem:s14], [sflag:$0x8] =	stream.linear.gather [hbm4b:s15+s3], $0x80, $0x38;
	[tilespmem:$0x1FE00] =	vst v63  }
0x11b: {  	_ =	swait.ge [sflag:s22], $0x4000  }
0x11c: {  	s15 =	sadd.s32 $0x800, s0;
	[sflag:s22] =	ssyncset.done $0x0  }
0x11d: {  	[sflag:s22] =	ssyncadd.s32 $0xFFFFC000  }
0x11e: {  	[hbm4b:s15+s3] =	stream.linear.scatter [tilespmem:s20], [sflag:$0x4], $0x4000, $0x38;
	[tilespmem:$0x1FE00] =	vst v63  }
0x11f: {  	_ =	swait.ge [sflag:s18], $0x80  }
0x120: {  	s15 =	sadd.s32 $0xFFFFFF80, s8;
	[sflag:s18] =	ssyncset.done $0x0  }
0x121: {  	s26 =	sand.u32 $0x7C00, s15;
	s15 =	sand.u32 $0x380, s15;
	[sflag:s18] =	ssyncadd.s32 $0xFFFFFF80  }
0x122: {  	s26 =	sadd.s32 s7, s26;
	_ =	swait.ge [sflag:s31], $0x4000  }
0x123: {  	s15 =	sor.u32 s15, s26;
	[sflag:s31] =	ssyncset.done $0x0  }
0x124: {  	s15 =	sshrl.u32 s15, $0x3;
	[sflag:s31] =	ssyncadd.s32 $0xFFFFC000  }
0x125: {  	[tilespmem:s23], [sflag:$0x2] =	stream.indirect.gather [spmem:s2], $0x80, s14, s16, $0xb8;
	[tilespmem:$0x1FE00] =	vst v63  }
0x126: {  	s15 =	sadd.s32 s4, s15  }
0x127: {  	[tilespmem:s19], [sflag:$0x9] =	stream.linear.gather [hbm4b:s15+s3], $0x80, $0x38;
	[tilespmem:$0x1FE00] =	vst v63  }
0x128: {  	_ =	swait.ge [sflag:s28], $0x4000  }
0x129: {  	s15 =	sadd.s32 $0x1000, s0;
	[sflag:s28] =	ssyncset.done $0x0  }
0x12a: {  	[sflag:s28] =	ssyncadd.s32 $0xFFFFC000  }
0x12b: {  	[hbm4b:s15+s3] =	stream.linear.scatter [tilespmem:s23], [sflag:$0x5], $0x4000, $0x38;
	[tilespmem:$0x1FE00] =	vst v63  }
0x12c: {  	_ =	swait.ge [sflag:s29], $0x80  }
0x12d: {  	[sflag:s29] =	ssyncset.done $0x0  }
.Ltmp5:
0x12e: {  	s15 =	sand.u32 $0x7C00, s8;
	[sflag:s29] =	ssyncadd.s32 $0xFFFFFF80;
	(pc) =	sbr.rel @!p1 .LBB2_3-.Ltmp5, $4  }
0x12f: {  	s8 =	sand.u32 $0x380, s8;
	s15 =	sadd.s32 s7, s15;
	_ =	swait.ge [sflag:s1], $0x4000  }
0x130: {  	s8 =	sor.u32 s8, s15;
	[sflag:s1] =	ssyncset.done $0x0  }
0x131: {  	s8 =	sshrl.u32 s8, $0x3;
	[sflag:s1] =	ssyncadd.s32 $0xFFFFC000  }
0x132: {  	[tilespmem:s30], [sflag:$0x3] =	stream.indirect.gather [spmem:s2], $0x80, s19, s16, $0xb8;
	[tilespmem:$0x1FE00] =	vst v63  }
.Ltmp6:
0x133: {  	(pc) =	sbr.rel .LBB2_8-.Ltmp6, $4  }
0x134: {  	s15 =	rddreg [dreg:$0x9]  }
0x135: {  	s0 =	sadd.s32 s4, s8;
	s8 =	rddreg [dreg:$0xb]  }
0x136: {  	[tilespmem:s13], [sflag:$0x7] =	stream.linear.gather [hbm4b:s0+s3], $0x80, $0x38;
	[tilespmem:$0x1FE00] =	vst v63  }
0x137: {  	s12 =	smov.u32 s4;
	s0 =	rddreg [dreg:$0xe]  }
.LBB2_9:
0x138: {  	_ =	sfence.sel $0x180000  }
0x139: {  	[bflag:$0x0] =	sbarrier.arrive $0xFFFF  }
0x13a: {  	_ =	strace $0x90000047  }
0x13b: {  	s0 =	stileid.u32;
	[bflag:$0x2] =	sbarrier.arrive $0xFFFF  }
0x13c: {  	p0 =	sne.s32 s0, $0x0;
	s0 =	rddreg [dreg:$0x2]  }
0x13d: {  	s0 =	sadd.s32 @!p0 $0x100000, s0  }
0x13e: {  	[sflag:s0] =	ssyncadd.tile.s32 @!p0 $0x1;
	_ =	shalt  }
.Lfunc_end2:
_tile_overlayer_lowered:
.L_overlay_start_2:
0x13f: {  	(tag) =	ssettag $0x2  }
0x140: {  	s0 =	rddreg [dreg:$0x0];
	s2 =	stileid.u32  }
0x141: {  	s1 =	rddreg [dreg:$0x1];
	p0 =	sne.s32 s2, $0x0  }
0x142: {  	s3 =	rddreg [dreg:$0x2];
	[bflag:$0x3] =	sbarrier.arrive $0xFFFF;
	s2 =	simm.s32 @!p0 $0x1C0A  }
0x143: {  	[timem:s3], [sflag:s2] =	dma.local @!p0 [hbm:s0], s1  }
0x144: {  	s0 =	simm.s32 @!p0 $0xA  }
0x145: {  	_ =	swait.ge @!p0 [sflag:s0], s1  }
0x146: {  	s1 =	ssub.s32 @!p0 $0x0, s1;
	[sflag:s0] =	ssyncset.done @!p0 $0x0  }
0x147: {  	[sflag:s0] =	ssyncadd.s32 @!p0 s1  }
0x148: {  	[bflag:$0x3] =	sbarrier.arrive $0xFFFF  }
0x149: {  	_ =	shalt  }

// kernel: kernel.19.cloned.1.call-start
scs
__scs_entry_jumppad:
0x0: {  	(pc) =	sbr.rel $0x88, $3  }
0x1: {  	(tag) =	ssettag $0x0;
	lr =	simm.s32 $0x1  }
0x2: {  	[smem:$0x3F96] =	sst lr;
	_ =	strace $0xD0000000  }
0x3: {  	_ = 	snop  }
0x4: {  	_ = 	snop  }
0x5: {  	_ = 	snop  }
0x6: {  	_ = 	snop  }
0x7: {  	_ = 	snop  }
__scs_overlays_trampoline_lowered:
0x8: {  	[smem:$0x3FA5] =	sst s0  }
0x9: {  	[smem:$0x3FA6] =	sst s1  }
0xa: {  	[smem:$0x3FA7] =	sst s2  }
0xb: {  	[smem:$0x3FA8] =	sst s3  }
0xc: {  	[smem:$0x3FA9] =	sst s4  }
0xd: {  	[smem:$0x3FAA] =	sst s5  }
0xe: {  	[smem:$0x3FAB] =	sst s6  }
0xf: {  	[smem:$0x3FAC] =	sst s7  }
0x10: {  	[smem:$0x3FAD] =	sst s8  }
0x11: {  	[smem:$0x3FAE] =	sst s9;
	s0 =	simm.s32 @!p0 $0x0  }
0x12: {  	s1 =	sld [smem:$0x3F94];
	s0 =	simm.s32 @p0 $0x1  }
0x13: {  	[smem:$0x3FAF] =	sst s0;
	s0 =	simm.s32 @!p1 $0x0  }
0x14: {  	s2 =	sld [smem:$0x3F93];
	s0 =	simm.s32 @p1 $0x1  }
0x15: {  	[smem:$0x3FB0] =	sst s0;
	s0 =	simm.s32 @!p2 $0x0  }
0x16: {  	s3 =	sld [smem:$0x3FDB];
	s0 =	simm.s32 @p2 $0x1  }
0x17: {  	s4 =	simm.s32 $0x1BF5;
	[smem:$0x3FB2] =	sst s0  }
0x18: {  	s0 =	sld [smem:$0x3F95];
	_ =	swait.ge [sflag:s4], $0x0  }
0x19: {  	s7 =	sld [smem:$0x3F96]  }
0x1a: {  	s8 =	sadd.s32 $0xFFFFE003, lr  }
0x1b: {  	s9 =	sadd.s32 $0xFFFFFEF7, lr;
	s5 =	simm.s32 $0xFFFFFFFF;
	p2 =	slt.u32 s8, $0xFFFFF086  }
0x1c: {  	p1 =	slt.u32 s9, $0xF7A;
	s5 =	simm.s32 @!p2 $0x0  }
0x1d: {  	s5 =	simm.s32 @p1 $0x1;
	p0 =	seq.s32 s7, s2  }
0x1e: {  	s7 =	smul.u32 @!p0 $0xF7A, s2;
	p2 =	seq.s32 @!p0 s5, $0x0  }
0x1f: {  	s9 =	smul.u32 $0xF7A, s1;
	s8 =	simm.s32 @!p0 $0x1BF5;
	p2 =	por !p2, p0  }
0x20: {  	[sflag:s8] =	ssyncset.s32 @!p0 $0xFFFFF086;
	s6 =	sadd.s32 @!p0 s3, s7;
	s7 =	simm.s32 @!p0 $0x108  }
0x21: {  	s3 =	sadd.s32 s3, s9;
	s6 =	sadd.s32 @!p0 $0x88, s6;
	s7 =	simm.s32 @p2 $0x1082  }
0x22: {  	[simem:s7], [sflag:s8] =	dma.local @!p0 [hbm:s6], $0xF7A  }
0x23: {  	s9 =	sor.u32 $0xD0000000, s2;
	s6 =	simm.s32 $0x108;
	_ =	swait.ge @!p0 [sflag:s8], $0x0  }
0x24: {  	s3 =	sadd.s32 $0x88, s3;
	s6 =	simm.s32 @!p1 $0x1082;
	[sflag:s4] =	ssyncset.s32 $0xFFFFF086  }
0x25: {  	[simem:s6], [sflag:s4] =	dma.local [hbm:s3], $0xF7A  }
0x26: {  	[smem:$0x3F96] =	sst s1;
	(tag) =	ssettag s2;
	_ =	strace s9  }
0x27: {  	s1 =	sld [smem:$0x3FA6]  }
0x28: {  	s2 =	sld [smem:$0x3FA7]  }
0x29: {  	s4 =	sld [smem:$0x3FA9]  }
0x2a: {  	p0 =	seq.s32 s5, $0x0;
	s5 =	sld [smem:$0x3FAA]  }
0x2b: {  	s6 =	sld [smem:$0x3FAB]  }
0x2c: {  	s7 =	sld [smem:$0x3FAC]  }
0x2d: {  	s3 =	simm.s32 $0x108;
	s8 =	sld [smem:$0x3FAD]  }
0x2e: {  	s3 =	simm.s32 @!p0 $0x1082;
	s9 =	sld [smem:$0x3FAE]  }
0x2f: {  	lr =	sadd.s32 s0, s3;
	s0 =	sld [smem:$0x3FA5]  }
0x30: {  	s3 =	sld [smem:$0x3FA8]  }
0x31: {  	[smem:$0x3FB1] =	sst s10  }
0x32: {  	s10 =	sld [smem:$0x3FAF];
	_ =	sdelay $0x3  }
0x33: {  	p0 =	seq.s32 s10, $0x1;
	s10 =	sld [smem:$0x3FB1];
	_ =	sdelay $0x3  }
0x34: {  	[smem:$0x3FB1] =	sst s10  }
0x35: {  	s10 =	sld [smem:$0x3FB0];
	_ =	sdelay $0x3  }
0x36: {  	p1 =	seq.s32 s10, $0x1;
	s10 =	sld [smem:$0x3FB1];
	_ =	sdelay $0x3  }
0x37: {  	[smem:$0x3FB1] =	sst s10  }
0x38: {  	s10 =	sld [smem:$0x3FB2]  }
0x39: {  	_ = 	snop;
	(pc) =	sbr.ind lr, $3  }
0x3a: {  	_ = 	snop  }
0x3b: {  	_ = 	snop  }
0x3c: {  	p2 =	seq.s32 s10, $0x1;
	s10 =	sld [smem:$0x3FB1]  }
0x3d: {  	_ =	shalt  }
0x3e: {  	_ =	shalt  }
0x3f: {  	_ =	shalt  }
0x40: {  	_ =	shalt  }
0x41: {  	_ =	shalt  }
0x42: {  	_ =	shalt  }
0x43: {  	_ =	shalt  }
0x44: {  	_ =	shalt  }
0x45: {  	_ =	shalt  }
0x46: {  	_ =	shalt  }
0x47: {  	_ =	shalt  }
0x48: {  	_ =	shalt  }
0x49: {  	_ =	shalt  }
0x4a: {  	_ =	shalt  }
0x4b: {  	_ =	shalt  }
0x4c: {  	_ =	shalt  }
0x4d: {  	_ =	shalt  }
0x4e: {  	_ =	shalt  }
0x4f: {  	_ =	shalt  }
0x50: {  	_ =	shalt  }
0x51: {  	_ =	shalt  }
0x52: {  	_ =	shalt  }
0x53: {  	_ =	shalt  }
0x54: {  	_ =	shalt  }
0x55: {  	_ =	shalt  }
0x56: {  	_ =	shalt  }
0x57: {  	_ =	shalt  }
0x58: {  	_ =	shalt  }
0x59: {  	_ =	shalt  }
0x5a: {  	_ =	shalt  }
0x5b: {  	_ =	shalt  }
0x5c: {  	_ =	shalt  }
0x5d: {  	_ =	shalt  }
0x5e: {  	_ =	shalt  }
0x5f: {  	_ =	shalt  }
0x60: {  	_ =	shalt  }
0x61: {  	_ =	shalt  }
0x62: {  	_ =	shalt  }
0x63: {  	_ =	shalt  }
0x64: {  	_ =	shalt  }
0x65: {  	_ =	shalt  }
0x66: {  	_ =	shalt  }
0x67: {  	_ =	shalt  }
0x68: {  	_ =	shalt  }
0x69: {  	_ =	shalt  }
0x6a: {  	_ =	shalt  }
0x6b: {  	_ =	shalt  }
0x6c: {  	_ =	shalt  }
0x6d: {  	_ =	shalt  }
0x6e: {  	_ =	shalt  }
0x6f: {  	_ =	shalt  }
0x70: {  	_ =	shalt  }
0x71: {  	_ =	shalt  }
0x72: {  	_ =	shalt  }
0x73: {  	_ =	shalt  }
0x74: {  	_ =	shalt  }
0x75: {  	_ =	shalt  }
0x76: {  	_ =	shalt  }
0x77: {  	_ =	shalt  }
0x78: {  	_ =	shalt  }
0x79: {  	_ =	shalt  }
0x7a: {  	_ =	shalt  }
0x7b: {  	_ =	shalt  }
0x7c: {  	_ =	shalt  }
0x7d: {  	_ =	shalt  }
0x7e: {  	_ =	shalt  }
0x7f: {  	_ =	shalt  }
0x80: {  	_ =	shalt  }
0x81: {  	_ =	shalt  }
0x82: {  	_ =	shalt  }
0x83: {  	_ =	shalt  }
0x84: {  	_ =	shalt  }
0x85: {  	_ =	shalt  }
0x86: {  	_ =	shalt  }
0x87: {  	_ =	shalt  }
.Lfunc_end0:
.L_simem_size_0:
called_computation.3_lowered:
.L_overlay_start_0:
0x88: {  	s2 =	sld [smem:$0x3FD9]  }
0x89: {  	s3 =	sld [smem:$0x3FFE];
	_ =	sdelay $0x1  }
0x8a: {  	s1 =	srdreg.scid  }
0x8b: {  	s0 =	sand.u32 $0x1, s1  }
0x8c: {  	s17 =	sshll.u32 s0, $0xA;
	s2 =	sadd.s32 s3, s2  }
0x8d: {  	s2 =	sadd.s32 s2, s17  }
0x8e: {  	[smem:$0x3FBD] =	sst s2  }
0x8f: {  	_ = 	snop  }
0x90: {  	s18 =	sld [smem:$0x3FD0];
	(tm) =	ssettm $0x1  }
0x91: {  	s19 =	sld [smem:$0x3FFB];
	_ =	sdelay $0x3  }
0x92: {  	_ =	strace s19  }
0x93: {  	s2 =	sld [smem:$0x3FFC];
	_ =	sdelay $0x3  }
0x94: {  	_ =	strace s2  }
0x95: {  	s2 =	sld [smem:$0x3FFD];
	_ =	sdelay $0x3  }
0x96: {  	_ =	strace s2  }
0x97: {  	_ =	strace $0x8FFFFFFF  }
0x98: {  	s20 =	sld [smem:$0x3FDB];
	_ =	sdelay $0x1  }
0x99: {  	s4 =	simm.s32 $_scs_section_size  }
0x9a: {  	s5 =	simm.s32 $_size__tile_overlayer_lowered;
	s6 =	simm.s32 $_tile_overlayer_lowered  }
0x9b: {  	s7 =	simm.s32 $0x1BFF;
	s21 =	sshll.u32 s6, $0x1;
	s4 =	sadd.s32 s4, s20  }
0x9c: {  	s22 =	simm.s32 $0x0;
	s5 =	sshll.u32 s5, $0x1;
	s6 =	sadd.s32 s21, s4  }
0x9d: {  	[timem:s22], [sflag:s7] =	dma.local [hbm:s6], s5  }
0x9e: {  	_ =	swait.ge [sflag:s7], s5  }
0x9f: {  	s5 =	ssub.s32 $0x0, s5;
	[sflag:s7] =	ssyncset.done $0x0  }
0xa0: {  	[sflag:s7] =	ssyncadd.s32 s5;
	_ =	sdelay $0x1  }
0xa1: {  	s23 =	simm.s32 $0x1B8B  }
0xa2: {  	_ =	swait.ge [sflag:s23], $0x1  }
0xa3: {  	[sflag:s23] =	ssyncset.done $0x0  }
0xa4: {  	[sflag:s23] =	ssyncadd.s32 $0xFFFFFFFF  }
0xa5: {  	s5 =	sld [smem:$0x0]  }
0xa6: {  	s6 =	sand.u32 $0xFFFFFFFE, s1  }
0xa7: {  	p0 =	sne.s32 s1, s6  }
0xa8: {  	s6 =	sshll.u32 @p0 s6, $0xE  }
0xa9: {  	s6 =	sadd.s32 @p0 $0x11B8D, s6;
	s7 =	sshll.u32 @p0 s5, $0x11  }
0xaa: {  	s6 =	sor.u32 @p0 s7, s6  }
0xab: {  	[sflag:s6] =	ssyncadd.remote.s32 @p0 $0x1;
	_ =	sdelay $0x1  }
0xac: {  	s6 =	simm.s32 @p0 $0x1B8D  }
0xad: {  	_ =	swait.eq @p0 [sflag:s6], $0x1  }
0xae: {  	[sflag:s6] =	ssyncadd.s32 @p0 $0xFFFFFFFF  }
0xaf: {  	s7 =	sshll.u32 @!p0 s1, $0xE  }
0xb0: {  	s7 =	sor.u32 @!p0 $0x4000, s7;
	s6 =	simm.s32 @!p0 $0x1B8D  }
0xb1: {  	s5 =	sshll.u32 @!p0 s5, $0x11;
	s7 =	sadd.s32 @!p0 $0x11B8D, s7;
	_ =	swait.eq @!p0 [sflag:s6], $0x1  }
0xb2: {  	s5 =	sor.u32 @!p0 s5, s7;
	[sflag:s6] =	ssyncadd.s32 @!p0 $0xFFFFFFFF  }
0xb3: {  	s25 =	simm.s32 $0x1B8E;
	s24 =	sld [smem:$0x3FFE];
	[sflag:s5] =	ssyncadd.remote.s32 @!p0 $0x1  }
0xb4: {  	s26 =	simm.s32 $execute0_lowered;
	[smem:$0x3FD2] =	sst s25  }
0xb5: {  	s6 =	sshll.u32 s26, $0x1;
	_ =	strace $0x8000004C;
	[dreg:$0x1] =	wrdreg $0xFFFFFFFF  }
0xb6: {  	s28 =	simm.s32 $_size_execute0_lowered;
	s4 =	sadd.s32 s4, s6;
	[dreg:$0x0] =	wrdreg $0x0  }
0xb7: {  	s6 =	sshll.u32 s28, $0x1;
	[dreg:$0x2] =	wrdreg s4  }
0xb8: {  	[dreg:$0x3] =	wrdreg s6  }
0xb9: {  	[dreg:$0x4] =	wrdreg $0xC0  }
0xba: {  	_ =	task [dreg:s22], $0x5FFFF  }
0xbb: {  	[dreg:$0x1] =	wrdreg $0xFFFFFFFF  }
0xbc: {  	[dreg:$0x0] =	wrdreg $0x60  }
0xbd: {  	[dreg:$0x2] =	wrdreg s24  }
0xbe: {  	[dreg:$0x3] =	wrdreg s18  }
0xbf: {  	[dreg:$0x4] =	wrdreg $0x94000  }
0xc0: {  	[dreg:$0x5] =	wrdreg $0xA  }
0xc1: {  	_ =	task.clear_ibuf [dreg:s22], $0x6FFFF;
	_ =	strace $0x9000004C  }
0xc2: {  	s29 =	simm.s32 $0xA;
	_ =	strace $0x8000004E  }
0xc3: {  	_ =	swait.ge [sflag:s29], $0x1  }
0xc4: {  	[sflag:s29] =	ssyncadd.s32 $0xFFFFFFFF  }
0xc5: {  	_ =	strace $0x9000004E  }
0xc6: {  	_ =	sfence  }
0xc7: {  	s30 =	sld [smem:$0x0];
	_ =	sdelay $0x2  }
0xc8: {  	s31 =	sshll.u32 s1, $0xD;
	s1 =	sshrl.u32 s1, $0x2  }
0xc9: {  	s4 =	sand.u32 $0x4000, s31;
	s1 =	sadd.s32 s1, s30  }
0xca: {  	s0 =	sor.u32 s4, s0;
	s1 =	sshll.u32 s1, $0x11  }
0xcb: {  	s0 =	sor.u32 s1, s0  }
0xcc: {  	s0 =	sadd.s32 $0x8F2B, s0  }
0xcd: {  	[sflag:s0] =	ssyncadd.remote.s32 $0x1  }
0xce: {  	_ =	sfence.sel $0xFFFF  }
0xcf: {  	[dreg:$0x0] =	wrdreg $0xFFFFFFFF;
	(pc) =	sbr.abs _section_cstart, $3  }
0xd0: {  	[dreg:$0x1] =	wrdreg $0xFFFFFFFF  }
0xd1: {  	_ =	task.clear_ibuf [dreg:s22], $0x2FFFF;
	_ =	strace $0x9FFFFFFF  }
0xd2: {  	(tm) =	ssettm $0x7FFFFFFF  }
0xd3: {  	_ =	shalt  }
tec
execute0_lowered:
.L_overlay_start_1:
0x0: {  	(tag) =	ssettag $0x1  }
0x1: {  	s4 =	rddreg [dreg:$0x0]  }
0x2: {  	s9 =	rddreg [dreg:$0x1]  }
0x3: {  	s2 =	rddreg [dreg:$0x2]  }
0x4: {  	s0 =	srdreg.scid;
	s1 =	rddreg [dreg:$0x3];
	s3 =	simm.s32 $0x0  }
0x5: {  	s18 =	simm.s32 $0x5400;
	s19 =	simm.s32 $0x80;
	s10 =	sand.u32 $0x1, s0  }
0x6: {  	s20 =	simm.s32 $0x2;
	s0 =	stileid.u32;
	s5 =	smul.u32 $0x140000, s10  }
0x7: {  	s21 =	simm.s32 $0x3;
	s22 =	simm.s32 $0x4;
	s6 =	smul.u32 $0x14000, s0  }
0x8: {  	[smem:$0x7FF] =	sst s3;
	s11 =	sadd.s32 $0xA66800, s4;
	s24 =	smul.u32 $0x50000, s0  }
0x9: {  	s23 =	simm.s32 $0x1380;
	_ =	strace $0x8000004D;
	s16 =	smul.u32 $0x28000, s0  }
0xa: {  	s25 =	sshll.u32 s0, $0x1;
	s26 =	ssub.s32 $0x2, s10;
	s17 =	smul.u32 $0x14000, s10  }
0xb: {  	s7 =	sor.u32 s10, s25;
	s29 =	sshrl.u32 s26, $0x1;
	s5 =	sadd.s32 s6, s5  }
0xc: {  	s28 =	sshrl.u32 s24, $0x2;
	s13 =	smul.u32 $0x1400, s7;
	s14 =	ssub.s32 s26, s29  }
0xd: {  	s15 =	smul.u32 $0x14000, s7;
	s30 =	sadd.s32 s16, s11;
	s16 =	simm.s32 $0x5  }
0xe: {  	s24 =	simm.s32 $0x0;
	s5 =	sshrl.u32 s5, $0x3;
	s31 =	sadd.s32 s17, s30  }
0xf: {  	s17 =	simm.s32 $0x1;
	s12 =	sadd.s32 s5, s4;
	s4 =	sadd.s32 s28, s2  }
0x10: {  	s13 =	sshrl.u32 s13, $0x3;
	s10 =	sadd.s32 s11, s15;
	s15 =	simm.s32 $0x1400  }
0x11: {  	s5 =	sadd.s32 $0x4000, s4;
	s6 =	sadd.s32 $0x8000, s4;
	s7 =	sadd.s32 $0xC000, s4  }
0x12: {  	s8 =	sadd.s32 $0x10000, s4;
	s9 =	sadd.s32 s9, s13;
	s11 =	sadd.s32 $0x800, s10  }
0x13: {  	v0 =	vimm.f32 $0.0e+00;
	s12 =	sadd.s32 $0xCE6800, s12;
	s13 =	smax.u32 s14, $0x1;
	s14 =	sadd.s32 $0x1800, s31  }
.LBB2_1:
0x14: {  	s25 =	simm.s32 $0x0;
	s26 =	simm.s32 $0x200  }
.LBB2_2:
0x15: {  	p0 =	sne.s32 s26, $0xFE00;
	[tilespmem:s25+$0x1470] =	vst v0  }
0x16: {  	[tilespmem:s25+$0x1400] =	vst v0  }
0x17: {  	[tilespmem:s25+$0x1410] =	vst v0  }
.Ltmp0:
0x18: {  	[tilespmem:s25+$0x1420] =	vst v0;
	(pc) =	sbr.rel @p0 .LBB2_2-.Ltmp0, $4  }
0x19: {  	[tilespmem:s25+$0x1430] =	vst v0  }
0x1a: {  	[tilespmem:s25+$0x1440] =	vst v0  }
0x1b: {  	[tilespmem:s25+$0x1450] =	vst v0  }
0x1c: {  	[tilespmem:s25+$0x1460] =	vst v0;
	s25 =	sshra.s32 s26, $0x2;
	s26 =	sadd.s32 $0x200, s26  }
0x1d: {  	[tilespmem:s25+$0x1470] =	vst v0  }
0x1e: {  	[tilespmem:s25+$0x1400] =	vst v0  }
0x1f: {  	[tilespmem:s25+$0x1410] =	vst v0  }
0x20: {  	[tilespmem:s25+$0x1420] =	vst v0  }
0x21: {  	[tilespmem:s25+$0x1430] =	vst v0  }
0x22: {  	[tilespmem:s25+$0x1440] =	vst v0  }
0x23: {  	[tilespmem:s25+$0x1450] =	vst v0  }
0x24: {  	[tilespmem:s25+$0x1460] =	vst v0  }
0x25: {  	[spmem:s4] =	stream.linear.scatter [tilespmem:s15], [sflag:$0x5], $0x4000, $0x38;
	[tilespmem:$0x1D400] =	vst v63  }
0x26: {  	_ =	swait.ge [sflag:s16], $0x4000  }
0x27: {  	[sflag:s16] =	ssyncset.done $0x0  }
0x28: {  	[sflag:s16] =	ssyncadd.s32 $0xFFFFC000  }
0x29: {  	[spmem:s5] =	stream.linear.scatter [tilespmem:s15], [sflag:$0x5], $0x4000, $0x38;
	[tilespmem:$0x1D400] =	vst v63  }
0x2a: {  	_ =	swait.ge [sflag:s16], $0x4000  }
0x2b: {  	[sflag:s16] =	ssyncset.done $0x0  }
0x2c: {  	[sflag:s16] =	ssyncadd.s32 $0xFFFFC000  }
0x2d: {  	[spmem:s6] =	stream.linear.scatter [tilespmem:s15], [sflag:$0x5], $0x4000, $0x38;
	[tilespmem:$0x1D400] =	vst v63  }
0x2e: {  	_ =	swait.ge [sflag:s16], $0x4000  }
0x2f: {  	[sflag:s16] =	ssyncset.done $0x0  }
0x30: {  	[sflag:s16] =	ssyncadd.s32 $0xFFFFC000  }
0x31: {  	[spmem:s7] =	stream.linear.scatter [tilespmem:s15], [sflag:$0x5], $0x4000, $0x38;
	[tilespmem:$0x1D400] =	vst v63  }
0x32: {  	_ =	swait.ge [sflag:s16], $0x4000  }
0x33: {  	[sflag:s16] =	ssyncset.done $0x0  }
0x34: {  	[sflag:s16] =	ssyncadd.s32 $0xFFFFC000  }
0x35: {  	[spmem:s8] =	stream.linear.scatter [tilespmem:s15], [sflag:$0x5], $0x4000, $0x38;
	[tilespmem:$0x1D400] =	vst v63  }
0x36: {  	_ =	swait.ge [sflag:s16], $0x4000  }
0x37: {  	[sflag:s16] =	ssyncset.done $0x0  }
0x38: {  	[sflag:s16] =	ssyncadd.s32 $0xFFFFC000  }
0x39: {  	s29 =	simm.s32 $0x0;
	[bflag:$0x0] =	sbarrier.arrive $0xFFFF  }
0x3a: {  	[tilespmem:s29], [sflag:$0x5] =	stream.linear.gather [hbm4b:s9+s29], $0x1400, $0x38;
	[tilespmem:$0x1D400] =	vst v63  }
0x3b: {  	_ =	swait.ge [sflag:s16], $0x1400  }
0x3c: {  	[sflag:s16] =	ssyncset.done $0x0  }
0x3d: {  	[sflag:s16] =	ssyncadd.s32 $0xFFFFEC00  }
0x3e: {  	[tilespmem:s15], [sflag:$0x1] =	stream.linear.gather [hbm4b:s10+s29], $0x4000, $0x38;
	[tilespmem:$0x1D400] =	vst v63  }
0x3f: {  	_ =	swait.ge [sflag:s17], $0x4000  }
0x40: {  	[sflag:s17] =	ssyncset.done $0x0  }
0x41: {  	[sflag:s17] =	ssyncadd.s32 $0xFFFFC000  }
0x42: {  	[tilespmem:s18], [sflag:$0x2] =	stream.linear.gather [hbm4b:s11+s29], $0x4000, $0x38;
	[tilespmem:$0x1D400] =	vst v63  }
0x43: {  	_ = 	snop  }
0x44: {  	[spmem:s2] =	stream.indirect.scatter.add.f32 [tilespmem:s15], [sflag:$0x3], $0x80, s29, s19, $0xb8;
	[tilespmem:$0x1D400] =	vst v63  }
0x45: {  	_ =	swait.ge [sflag:s20], $0x4000  }
0x46: {  	[sflag:s20] =	ssyncset.done $0x0  }
0x47: {  	[sflag:s20] =	ssyncadd.s32 $0xFFFFC000  }
0x48: {  	_ =	swait.ge [sflag:s21], $0x4000  }
0x49: {  	[sflag:s21] =	ssyncset.done $0x0  }
0x4a: {  	s30 =	sadd.s32 $0xFFFFF800, s14;
	[sflag:s21] =	ssyncadd.s32 $0xFFFFC000  }
0x4b: {  	[tilespmem:s15], [sflag:$0x1] =	stream.linear.gather [hbm4b:s30+s3], $0x4000, $0x38;
	[tilespmem:$0x1D400] =	vst v63  }
0x4c: {  	s31 =	simm.s32 $0x80  }
0x4d: {  	[spmem:s2] =	stream.indirect.scatter.add.f32 [tilespmem:s18], [sflag:$0x4], $0x80, s31, s19, $0xb8;
	[tilespmem:$0x1D400] =	vst v63  }
0x4e: {  	_ =	swait.ge [sflag:s17], $0x4000  }
0x4f: {  	[sflag:s17] =	ssyncset.done $0x0  }
0x50: {  	[sflag:s17] =	ssyncadd.s32 $0xFFFFC000  }
0x51: {  	_ =	swait.ge [sflag:s22], $0x4000  }
0x52: {  	s25 =	simm.s32 $0x400;
	[sflag:s22] =	ssyncset.done $0x0  }
0x53: {  	s28 =	simm.s32 $0x100;
	s26 =	sadd.s32 $0x1000, s14;
	[sflag:s22] =	ssyncadd.s32 $0xFFFFC000  }
0x54: {  	[tilespmem:s18], [sflag:$0x2] =	stream.linear.gather [hbm4b:s14+s3], $0x4000, $0x38;
	[tilespmem:$0x1D400] =	vst v63  }
.LBB2_4:
0x55: {  	[spmem:s2] =	stream.indirect.scatter.add.f32 [tilespmem:s15], [sflag:$0x3], $0x80, s28, s19, $0xb8;
	[tilespmem:$0x1D400] =	vst v63  }
0x56: {  	s28 =	smov.u32 s25  }
0x57: {  	p0 =	sne.s32 s25, $0x4800;
	s25 =	sadd.s32 $0x400, s25;
	_ =	swait.ge [sflag:s20], $0x4000  }
0x58: {  	[sflag:s20] =	ssyncset.done $0x0  }
0x59: {  	[sflag:s20] =	ssyncadd.s32 $0xFFFFC000  }
0x5a: {  	_ =	swait.ge [sflag:s21], $0x4000  }
0x5b: {  	[sflag:s21] =	ssyncset.done $0x0  }
0x5c: {  	s29 =	sadd.s32 $0xFFFFF800, s26;
	s28 =	sshra.s32 s28, $0x2;
	[sflag:s21] =	ssyncadd.s32 $0xFFFFC000  }
0x5d: {  	[tilespmem:s15], [sflag:$0x1] =	stream.linear.gather [hbm4b:s29+s3], $0x4000, $0x38;
	[tilespmem:$0x1D400] =	vst v63  }
0x5e: {  	s29 =	sadd.s32 $0x80, s28  }
0x5f: {  	[spmem:s2] =	stream.indirect.scatter.add.f32 [tilespmem:s18], [sflag:$0x4], $0x80, s29, s19, $0xb8;
	[tilespmem:$0x1D400] =	vst v63  }
0x60: {  	_ =	swait.ge [sflag:s17], $0x4000  }
0x61: {  	[sflag:s17] =	ssyncset.done $0x0  }
0x62: {  	[sflag:s17] =	ssyncadd.s32 $0xFFFFC000  }
.Ltmp1:
0x63: {  	_ =	swait.ge [sflag:s22], $0x4000;
	(pc) =	sbr.rel @p0 .LBB2_4-.Ltmp1, $4  }
0x64: {  	[sflag:s22] =	ssyncset.done $0x0  }
0x65: {  	[sflag:s22] =	ssyncadd.s32 $0xFFFFC000  }
0x66: {  	[tilespmem:s18], [sflag:$0x2] =	stream.linear.gather [hbm4b:s26+s3], $0x4000, $0x38;
	[tilespmem:$0x1D400] =	vst v63  }
0x67: {  	s28 =	sadd.s32 $0x100, s28;
	s26 =	sadd.s32 $0x1000, s26  }
0x68: {  	[spmem:s2] =	stream.indirect.scatter.add.f32 [tilespmem:s15], [sflag:$0x3], $0x80, s28, s19, $0xb8;
	[tilespmem:$0x1D400] =	vst v63  }
0x69: {  	_ =	swait.ge [sflag:s20], $0x4000  }
0x6a: {  	[sflag:s20] =	ssyncset.done $0x0  }
0x6b: {  	[sflag:s20] =	ssyncadd.s32 $0xFFFFC000  }
0x6c: {  	[spmem:s2] =	stream.indirect.scatter.add.f32 [tilespmem:s18], [sflag:$0x4], $0x80, s23, s19, $0xb8;
	[tilespmem:$0x1D400] =	vst v63  }
0x6d: {  	_ =	swait.ge [sflag:s21], $0x4000  }
0x6e: {  	[sflag:s21] =	ssyncset.done $0x0  }
0x6f: {  	[sflag:s21] =	ssyncadd.s32 $0xFFFFC000  }
0x70: {  	_ =	swait.ge [sflag:s22], $0x4000  }
0x71: {  	s25 =	sshll.u32 s0, $0x6;
	s24 =	sadd.s32 $0x1, s24;
	[sflag:s22] =	ssyncset.done $0x0  }
0x72: {  	s26 =	sshrl.u32 s4, $0x3;
	p0 =	sne.s32 s24, s13;
	[sflag:s22] =	ssyncadd.s32 $0xFFFFC000  }
.Ltmp2:
0x73: {  	s25 =	sor.u32 $0x1C05, s25;
	[bflag:$0x0] =	sbarrier.arrive $0xFFFF;
	(pc) =	sbr.rel @p0 .LBB2_1-.Ltmp2, $4  }
0x74: {  	[hbm:s12], [sflag:s25] =	dma.local [spmem:s26], $0x2800  }
0x75: {  	_ =	swait.ge [sflag:s16], $0x2800  }
0x76: {  	[sflag:s16] =	ssyncset.done $0x0  }
0x77: {  	[sflag:s16] =	ssyncadd.s32 $0xFFFFD800  }
0x78: {  	_ =	sfence.sel $0x180000  }
0x79: {  	[bflag:$0x0] =	sbarrier.arrive $0xFFFF  }
0x7a: {  	p0 =	sne.s32 s0, $0x0;
	_ =	strace $0x9000004D  }
0x7b: {  	s0 =	sadd.s32 @!p0 $0x100000, s1;
	[bflag:$0x2] =	sbarrier.arrive $0xFFFF  }
0x7c: {  	[sflag:s0] =	ssyncadd.tile.s32 @!p0 $0x1;
	_ =	shalt  }
.Lfunc_end2:
_tile_overlayer_lowered:
.L_overlay_start_2:
0x7d: {  	(tag) =	ssettag $0x2  }
0x7e: {  	s0 =	rddreg [dreg:$0x0];
	s2 =	stileid.u32  }
0x7f: {  	s1 =	rddreg [dreg:$0x1];
	p0 =	sne.s32 s2, $0x0  }
0x80: {  	s3 =	rddreg [dreg:$0x2];
	[bflag:$0x3] =	sbarrier.arrive $0xFFFF;
	s2 =	simm.s32 @!p0 $0x1C05  }
0x81: {  	[timem:s3], [sflag:s2] =	dma.local @!p0 [hbm:s0], s1  }
0x82: {  	s0 =	simm.s32 @!p0 $0x5  }
0x83: {  	_ =	swait.ge @!p0 [sflag:s0], s1  }
0x84: {  	s1 =	ssub.s32 @!p0 $0x0, s1;
	[sflag:s0] =	ssyncset.done @!p0 $0x0  }
0x85: {  	[sflag:s0] =	ssyncadd.s32 @!p0 s1  }
0x86: {  	[bflag:$0x3] =	sbarrier.arrive $0xFFFF  }
0x87: {  	_ =	shalt  }

</sc_bundles>
